<compile_context>
chip_gen: v7x
topology: tpu7x:2x2x1
jax: 0.10.2.dev20260603
libtpu: 0.0.44.dev20260713+nightly
codegen_flags: <defaults>
</compile_context>

<pallas_src>
import functools

import jax
import jax.numpy as jnp
from jax import lax
from jax.experimental import pallas as pl
from jax.experimental.pallas import tpu as pltpu
from jax.experimental.pallas import tpu_sc as plsc

B, N, G, M = 8, 8192, 256, 32


def _fps_body(x_ref, y_ref, z_ref, cx_ref, cy_ref, cz_ref):
    x = x_ref[...]
    y = y_ref[...]
    z = z_ref[...]
    lane = jax.lax.broadcasted_iota(jnp.int32, (B, N), 1).astype(jnp.float32)
    col = jax.lax.broadcasted_iota(jnp.int32, (B, G), 1)
    fN = jnp.float32(N)

    lastx = x[:, 0:1]
    lasty = y[:, 0:1]
    lastz = z[:, 0:1]
    zerosg = jnp.zeros((B, G), jnp.float32)
    cx = jnp.where(col == 0, lastx, zerosg)
    cy = jnp.where(col == 0, lasty, zerosg)
    cz = jnp.where(col == 0, lastz, zerosg)
    dists = jnp.full((B, N), 1e10, jnp.float32)

    def step(i, carry):
        dists, lastx, lasty, lastz, cx, cy, cz = carry
        dx = x - lastx
        dy = y - lasty
        dz = z - lastz
        d = (dx * dx + dy * dy) + dz * dz
        dists = jnp.minimum(dists, d)
        m = jnp.max(dists, axis=1, keepdims=True)
        t = jnp.where(dists == m, lane, fN)
        idx = jnp.min(t, axis=1, keepdims=True)
        oh = t == idx
        zn = jnp.zeros((B, N), jnp.float32)
        lastx = jnp.sum(jnp.where(oh, x, zn), axis=1, keepdims=True)
        lasty = jnp.sum(jnp.where(oh, y, zn), axis=1, keepdims=True)
        lastz = jnp.sum(jnp.where(oh, z, zn), axis=1, keepdims=True)
        upd = col == i
        cx = jnp.where(upd, lastx, cx)
        cy = jnp.where(upd, lasty, cy)
        cz = jnp.where(upd, lastz, cz)
        return (dists, lastx, lasty, lastz, cx, cy, cz)

    carry = (dists, lastx, lasty, lastz, cx, cy, cz)
    carry = jax.lax.fori_loop(1, G, step, carry)
    _, _, _, _, cx, cy, cz = carry
    cx_ref[...] = cx
    cy_ref[...] = cy
    cz_ref[...] = cz


G2 = 2 * G


def _knn_body(x_ref, y_ref, z_ref, cxT_ref, cyT_ref, czT_ref,
              knn_ref, scale_ref, d2_ref):
    x0 = x_ref[0, 0:1]
    y0 = y_ref[0, 0:1]
    z0 = z_ref[0, 0:1]
    x1 = x_ref[0, 1:2]
    y1 = y_ref[0, 1:2]
    z1 = z_ref[0, 1:2]
    cx = cxT_ref[0]
    cy = cyT_ref[0]
    cz = czT_ref[0]
    cxa, cxb = cx[:G], cx[G:]
    cya, cyb = cy[:G], cy[G:]
    cza, czb = cz[:G], cz[G:]

    dxa = cxa - x0
    dya = cya - y0
    dza = cza - z0
    d2_ref[:G] = (dxa * dxa + dya * dya) + dza * dza
    dxb = cxb - x1
    dyb = cyb - y1
    dzb = czb - z1
    d2_ref[G:] = (dxb * dxb + dyb * dyb) + dzb * dzb

    lane = jnp.broadcast_to(
        jax.lax.broadcasted_iota(jnp.int32, (1, N), 1).astype(jnp.float32),
        (G2, N))
    col = jax.lax.broadcasted_iota(jnp.int32, (G2, M), 1)
    inf = jnp.float32(jnp.inf)
    fN = jnp.float32(N)
    zgm = jnp.zeros((G2, M), jnp.float32)
    igm = jnp.zeros((G2, M), jnp.int32)

    def step(s, carry):
        knn, d2s = carry
        w = d2_ref[...]
        m = jnp.min(w, axis=1, keepdims=True)
        t = jnp.where(w == m, lane, fN)
        idx = jnp.min(t, axis=1, keepdims=True)
        d2_ref[...] = jnp.where(t == idx, inf, w)
        upd = col == s
        knn = jnp.where(upd, idx.astype(jnp.int32), knn)
        d2s = jnp.where(upd, m, d2s)
        return (knn, d2s)

    knn, d2s = jax.lax.fori_loop(0, M, step, (igm, zgm))

    scale = jnp.max(jnp.sqrt(d2s + 1e-12), axis=1, keepdims=True)
    scale = jnp.maximum(scale, 1e-8)
    knn_ref[0] = knn
    scale_ref[0] = scale


def _gather_body(xf, yf, zf, knnf, sf, cxf, cyf, czf,
                 ox_hbm, oy_hbm, oz_hbm,
                 xv, yv, zv, kv, sv, cxv, cyv, czv, oxv, oyv, ozv):
    wid = lax.axis_index("s") * 2 + lax.axis_index("c")
    b = wid // 4
    q = wid % 4
    gbase = b * G + q * 64
    obase = gbase * M

    pltpu.sync_copy(xf.at[pl.ds(b * N, N)], xv)
    pltpu.sync_copy(yf.at[pl.ds(b * N, N)], yv)
    pltpu.sync_copy(zf.at[pl.ds(b * N, N)], zv)
    pltpu.sync_copy(knnf.at[pl.ds(obase, 64 * M)], kv)
    pltpu.sync_copy(sf.at[pl.ds(gbase, 64)], sv)
    pltpu.sync_copy(cxf.at[pl.ds(gbase, 64)], cxv)
    pltpu.sync_copy(cyf.at[pl.ds(gbase, 64)], cyv)
    pltpu.sync_copy(czf.at[pl.ds(gbase, 64)], czv)

    lanes = lax.iota(jnp.int32, 16)
    for gg in range(4):
        cbase = gg * 16
        cxr = cxv[pl.ds(cbase, 16)]
        cyr = cyv[pl.ds(cbase, 16)]
        czr = czv[pl.ds(cbase, 16)]
        sr = sv[pl.ds(cbase, 16)]
        posb = (lanes + cbase) * M
        for j in range(M):
            pos = posb + j
            idx = plsc.load_gather(kv, [pos])
            vx = plsc.load_gather(xv, [idx])
            vy = plsc.load_gather(yv, [idx])
            vz = plsc.load_gather(zv, [idx])
            plsc.store_scatter(oxv, [pos], (vx - cxr) / sr)
            plsc.store_scatter(oyv, [pos], (vy - cyr) / sr)
            plsc.store_scatter(ozv, [pos], (vz - czr) / sr)

    pltpu.sync_copy(oxv, ox_hbm.at[pl.ds(obase, 64 * M)])
    pltpu.sync_copy(oyv, oy_hbm.at[pl.ds(obase, 64 * M)])
    pltpu.sync_copy(ozv, oz_hbm.at[pl.ds(obase, 64 * M)])


_gather_call = functools.partial(
    pl.kernel,
    out_type=[jax.ShapeDtypeStruct((B * G * M,), jnp.float32)] * 3,
    mesh=plsc.VectorSubcoreMesh(core_axis_name="c", subcore_axis_name="s"),
    compiler_params=pltpu.CompilerParams(needs_layout_passes=False),
    scratch_types=[
        pltpu.VMEM((N,), jnp.float32),
        pltpu.VMEM((N,), jnp.float32),
        pltpu.VMEM((N,), jnp.float32),
        pltpu.VMEM((64 * M,), jnp.int32),
        pltpu.VMEM((64,), jnp.float32),
        pltpu.VMEM((64,), jnp.float32),
        pltpu.VMEM((64,), jnp.float32),
        pltpu.VMEM((64,), jnp.float32),
        pltpu.VMEM((64 * M,), jnp.float32),
        pltpu.VMEM((64 * M,), jnp.float32),
        pltpu.VMEM((64 * M,), jnp.float32),
    ],
)(_gather_body)


def kernel(xyz):
    x = xyz[:, :, 0]
    y = xyz[:, :, 1]
    z = xyz[:, :, 2]

    cx, cy, cz = pl.pallas_call(
        _fps_body,
        out_shape=[jax.ShapeDtypeStruct((B, G), jnp.float32)] * 3,
    )(x, y, z)

    BP = B // 2
    x3 = x.reshape(BP, 2, N)
    y3 = y.reshape(BP, 2, N)
    z3 = z.reshape(BP, 2, N)
    cxT = cx.reshape(BP, G2, 1)
    cyT = cy.reshape(BP, G2, 1)
    czT = cz.reshape(BP, G2, 1)
    knn, scale = pl.pallas_call(
        _knn_body,
        grid=(BP,),
        in_specs=[pl.BlockSpec((1, 2, N), lambda b: (b, 0, 0))] * 3
        + [pl.BlockSpec((1, G2, 1), lambda b: (b, 0, 0))] * 3,
        out_specs=[pl.BlockSpec((1, G2, M), lambda b: (b, 0, 0)),
                   pl.BlockSpec((1, G2, 1), lambda b: (b, 0, 0))],
        out_shape=[jax.ShapeDtypeStruct((BP, G2, M), jnp.int32),
                   jax.ShapeDtypeStruct((BP, G2, 1), jnp.float32)],
        scratch_shapes=[pltpu.VMEM((G2, N), jnp.float32)],
        compiler_params=pltpu.CompilerParams(vmem_limit_bytes=100 * 1024 * 1024),
    )(x3, y3, z3, cxT, cyT, czT)

    ox, oy, oz = _gather_call(
        x.reshape(-1), y.reshape(-1), z.reshape(-1),
        knn.reshape(-1), scale.reshape(-1),
        cx.reshape(-1), cy.reshape(-1), cz.reshape(-1),
    )

    neighborhood = jnp.stack(
        [ox.reshape(B, G, M), oy.reshape(B, G, M), oz.reshape(B, G, M)],
        axis=-1)
    center = jnp.stack([cx, cy, cz], axis=-1)
    return neighborhood, center

# --- scband reference (transcript-rebuilt; emitter-appended) ---
"""Pipeline reference for scband-point-scan-19361712570466 (READ-ONLY COPY).

The authoritative reference and input builder live on the scoring server;
editing this copy changes nothing except your own understanding.
"""

import jax, jax.numpy as jnp
import numpy as np

NUM_GROUP = 256
GROUP_SIZE = 32


def _fps(xyz, G):
    # farthest point sampling on a single cloud xyz: (N, 3) -> (G,) int32 indices
    N = xyz.shape[0]

    def body(i, state):
        dists, idxs = state
        last = xyz[idxs[i - 1]]
        d = jnp.sum((xyz - last) ** 2, axis=-1)
        dists = jnp.minimum(dists, d)
        nxt = jnp.argmax(dists).astype(jnp.int32)
        idxs = idxs.at[i].set(nxt)
        return (dists, idxs)

    idxs0 = jnp.zeros((G,), dtype=jnp.int32)
    dists0 = jnp.full((N,), 1e10, dtype=xyz.dtype)
    _, idxs = jax.lax.fori_loop(1, G, body, (dists0, idxs0))
    return idxs


def _group_one(xyz):
    # xyz: (N, 3) -> neighborhood (G, M, 3) centred + unit-sphere normalised, center (G, 3)
    G, M = NUM_GROUP, GROUP_SIZE
    idxs = _fps(xyz, G)
    centers = jnp.take(xyz, idxs, axis=0)                       # (G, 3) gather
    d2 = jnp.sum((centers[:, None, :] - xyz[None, :, :]) ** 2, axis=-1)  # (G, N)
    _, knn_idx = jax.lax.top_k(-d2, M)                          # (G, M)
    nbhd = jnp.take(xyz, knn_idx.reshape(-1), axis=0).reshape(G, M, 3)   # gather
    nbhd = nbhd - centers[:, None, :]
    scale = jnp.max(jnp.sqrt(jnp.sum(nbhd ** 2, axis=-1) + 1e-12), axis=-1, keepdims=True)
    nbhd = nbhd / jnp.maximum(scale, 1e-8)[..., None]
    return nbhd, centers


def setup_inputs(seed: int = 0) -> dict:
    key = jax.random.key(seed)
    xyz = jax.random.normal(key, (8, 8192, 3), dtype=jnp.float32)
    return {"xyz": xyz}


def reference(xyz):
    # xyz: (B, N, 3) -> (neighborhood (B, G, M, 3), center (B, G, 3))
    neighborhood, center = jax.vmap(_group_one)(xyz)
    return neighborhood, center

if __name__ == "__main__":
    import jax
    _d = setup_inputs()
    print(jax.jit(kernel)(*tuple(_d.values())))

</pallas_src>

<mosaic_0001>
#map = affine_map<(d0, d1) -> (0)>
module attributes {stable_mosaic.version = 14 : i64} {
  func.func @_gather_body(%arg0: i32, %arg1: i32, %arg2: memref<65536xf32, #tpu.memory_space<hbm>>, %arg3: memref<65536xf32, #tpu.memory_space<hbm>>, %arg4: memref<65536xf32, #tpu.memory_space<hbm>>, %arg5: memref<65536xi32, #tpu.memory_space<hbm>>, %arg6: memref<2048xf32, #tpu.memory_space<hbm>>, %arg7: memref<2048xf32, #tpu.memory_space<hbm>>, %arg8: memref<2048xf32, #tpu.memory_space<hbm>>, %arg9: memref<2048xf32, #tpu.memory_space<hbm>>, %arg10: memref<65536xf32, #tpu.memory_space<hbm>>, %arg11: memref<65536xf32, #tpu.memory_space<hbm>>, %arg12: memref<65536xf32, #tpu.memory_space<hbm>>, %arg13: memref<8192xf32, #tpu.memory_space<vmem>>, %arg14: memref<8192xf32, #tpu.memory_space<vmem>>, %arg15: memref<8192xf32, #tpu.memory_space<vmem>>, %arg16: memref<2048xi32, #tpu.memory_space<vmem>>, %arg17: memref<64xf32, #tpu.memory_space<vmem>>, %arg18: memref<64xf32, #tpu.memory_space<vmem>>, %arg19: memref<64xf32, #tpu.memory_space<vmem>>, %arg20: memref<64xf32, #tpu.memory_space<vmem>>, %arg21: memref<2048xf32, #tpu.memory_space<vmem>>, %arg22: memref<2048xf32, #tpu.memory_space<vmem>>, %arg23: memref<2048xf32, #tpu.memory_space<vmem>>) attributes {dimension_semantics = [#tpu.dimension_semantics<core_parallel>, #tpu.dimension_semantics<subcore_parallel>], iteration_bounds = array<i64: 2, 16>, scalar_prefetch = 0 : i64, scratch_operands = 11 : i64, tpu.core_type = #tpu.core_type<sc_vector_subcore>, window_params = [{transform_indices = #map}, {transform_indices = #map}, {transform_indices = #map}, {transform_indices = #map}, {transform_indices = #map}, {transform_indices = #map}, {transform_indices = #map}, {transform_indices = #map}, {transform_indices = #map}, {transform_indices = #map}, {transform_indices = #map}]} {
    %mul3A = arith.constant 2 : i32
    %mul3A_0 = arith.muli %arg1, %mul3A : i32
    %add3A = arith.addi %mul3A_0, %arg0 : i32
    %jit3A = arith.constant 4 : i32
    %div3A = arith.divsi %add3A, %jit3A : i32
    %sign3A = arith.constant 0 : i32
    %sign3A_1 = arith.cmpi sgt, %add3A, %sign3A : i32
    %sign3A_2 = arith.extui %sign3A_1 : i1 to i32
    %sign3A_3 = arith.constant 0 : i32
    %sign3A_4 = arith.cmpi slt, %add3A, %sign3A_3 : i32
    %sign3A_5 = arith.extui %sign3A_4 : i1 to i32
    %sign3A_6 = arith.subi %sign3A_2, %sign3A_5 : i32
    %sign3A_7 = arith.constant 0 : i32
    %sign3A_8 = arith.cmpi sgt, %jit3A, %sign3A_7 : i32
    %sign3A_9 = arith.extui %sign3A_8 : i1 to i32
    %sign3A_10 = arith.constant 0 : i32
    %sign3A_11 = arith.cmpi slt, %jit3A, %sign3A_10 : i32
    %sign3A_12 = arith.extui %sign3A_11 : i1 to i32
    %sign3A_13 = arith.subi %sign3A_9, %sign3A_12 : i32
    %ne3A = arith.cmpi ne, %sign3A_6, %sign3A_13 : i32
    %rem3A = arith.remsi %add3A, %jit3A : i32
    %ne3A_14 = arith.constant 0 : i32
    %ne3A_15 = arith.cmpi ne, %rem3A, %ne3A_14 : i32
    %and3A = arith.andi %ne3A, %ne3A_15 : i1
    %sub3A = arith.constant 1 : i32
    %sub3A_16 = arith.subi %div3A, %sub3A : i32
    %select_n3A = arith.select %and3A, %sub3A_16, %div3A : i32
    %jit3A_17 = arith.constant 4 : i32
    %eq3A = arith.constant 0 : i32
    %eq3A_18 = arith.cmpi eq, %jit3A_17, %eq3A : i32
    %jit3A_19 = arith.constant 1 : i32
    %select_n3A_20 = arith.select %eq3A_18, %jit3A_19, %jit3A_17 : i32
    %rem3A_21 = arith.remsi %add3A, %select_n3A_20 : i32
    %ne3A_22 = arith.constant 0 : i32
    %ne3A_23 = arith.cmpi ne, %rem3A_21, %ne3A_22 : i32
    %lt3A = arith.constant 0 : i32
    %lt3A_24 = arith.cmpi slt, %rem3A_21, %lt3A : i32
    %lt3A_25 = arith.constant 0 : i32
    %lt3A_26 = arith.cmpi slt, %select_n3A_20, %lt3A_25 : i32
    %ne3A_27 = arith.xori %lt3A_24, %lt3A_26 : i1
    %and3A_28 = arith.andi %ne3A_27, %ne3A_23 : i1
    %add3A_29 = arith.addi %rem3A_21, %select_n3A_20 : i32
    %select_n3A_30 = arith.select %and3A_28, %add3A_29, %rem3A_21 : i32
    %mul3A_31 = arith.constant 256 : i32
    %mul3A_32 = arith.muli %select_n3A, %mul3A_31 : i32
    %mul3A_33 = arith.constant 64 : i32
    %mul3A_34 = arith.muli %select_n3A_30, %mul3A_33 : i32
    %add3A_35 = arith.addi %mul3A_32, %mul3A_34 : i32
    %mul3A_36 = arith.constant 32 : i32
    %mul3A_37 = arith.muli %add3A_35, %mul3A_36 : i32
    %mul3A_38 = arith.constant 8192 : i32
    %mul3A_39 = arith.muli %select_n3A, %mul3A_38 : i32
    "tpu.region"() ({
      %run_scoped3A = tpu.sem_alloc : memref<!tpu.dma_semaphore, #tpu.memory_space<semaphore_mem>>
      %dma_start3A = tpu.memref_slice %arg2[%mul3A_39] : memref<65536xf32, #tpu.memory_space<hbm>> -> memref<8192xf32, #tpu.memory_space<hbm>>
      %dma_start3A_1762 = tpu.memref_slice %arg2[%mul3A_39] : memref<65536xf32, #tpu.memory_space<hbm>> -> memref<8192xf32, #tpu.memory_space<hbm>>
      tpu.enqueue_dma source(%dma_start3A_1762 : memref<8192xf32, #tpu.memory_space<hbm>>) target(%arg13 : memref<8192xf32, #tpu.memory_space<vmem>>) target_semaphore(%run_scoped3A : memref<!tpu.dma_semaphore, #tpu.memory_space<semaphore_mem>>)
      %dma_wait3A = tpu.memref_slice %arg2[%mul3A_39] : memref<65536xf32, #tpu.memory_space<hbm>> -> memref<8192xf32, #tpu.memory_space<hbm>>
      %dma_wait3A_1763 = tpu.memref_slice %arg2[%mul3A_39] : memref<65536xf32, #tpu.memory_space<hbm>> -> memref<8192xf32, #tpu.memory_space<hbm>>
      tpu.wait_dma2 semaphore(%run_scoped3A : memref<!tpu.dma_semaphore, #tpu.memory_space<semaphore_mem>>) src(%dma_wait3A_1763 : memref<8192xf32, #tpu.memory_space<hbm>>) dst(%arg13 : memref<8192xf32, #tpu.memory_space<vmem>>)
      tpu.yield
    }) : () -> ()
    %mul3A_40 = arith.constant 8192 : i32
    %mul3A_41 = arith.muli %select_n3A, %mul3A_40 : i32
    "tpu.region"() ({
      %run_scoped3A = tpu.sem_alloc : memref<!tpu.dma_semaphore, #tpu.memory_space<semaphore_mem>>
      %dma_start3A = tpu.memref_slice %arg3[%mul3A_41] : memref<65536xf32, #tpu.memory_space<hbm>> -> memref<8192xf32, #tpu.memory_space<hbm>>
      %dma_start3A_1762 = tpu.memref_slice %arg3[%mul3A_41] : memref<65536xf32, #tpu.memory_space<hbm>> -> memref<8192xf32, #tpu.memory_space<hbm>>
      tpu.enqueue_dma source(%dma_start3A_1762 : memref<8192xf32, #tpu.memory_space<hbm>>) target(%arg14 : memref<8192xf32, #tpu.memory_space<vmem>>) target_semaphore(%run_scoped3A : memref<!tpu.dma_semaphore, #tpu.memory_space<semaphore_mem>>)
      %dma_wait3A = tpu.memref_slice %arg3[%mul3A_41] : memref<65536xf32, #tpu.memory_space<hbm>> -> memref<8192xf32, #tpu.memory_space<hbm>>
      %dma_wait3A_1763 = tpu.memref_slice %arg3[%mul3A_41] : memref<65536xf32, #tpu.memory_space<hbm>> -> memref<8192xf32, #tpu.memory_space<hbm>>
      tpu.wait_dma2 semaphore(%run_scoped3A : memref<!tpu.dma_semaphore, #tpu.memory_space<semaphore_mem>>) src(%dma_wait3A_1763 : memref<8192xf32, #tpu.memory_space<hbm>>) dst(%arg14 : memref<8192xf32, #tpu.memory_space<vmem>>)
      tpu.yield
    }) : () -> ()
    %mul3A_42 = arith.constant 8192 : i32
    %mul3A_43 = arith.muli %select_n3A, %mul3A_42 : i32
    "tpu.region"() ({
      %run_scoped3A = tpu.sem_alloc : memref<!tpu.dma_semaphore, #tpu.memory_space<semaphore_mem>>
      %dma_start3A = tpu.memref_slice %arg4[%mul3A_43] : memref<65536xf32, #tpu.memory_space<hbm>> -> memref<8192xf32, #tpu.memory_space<hbm>>
      %dma_start3A_1762 = tpu.memref_slice %arg4[%mul3A_43] : memref<65536xf32, #tpu.memory_space<hbm>> -> memref<8192xf32, #tpu.memory_space<hbm>>
      tpu.enqueue_dma source(%dma_start3A_1762 : memref<8192xf32, #tpu.memory_space<hbm>>) target(%arg15 : memref<8192xf32, #tpu.memory_space<vmem>>) target_semaphore(%run_scoped3A : memref<!tpu.dma_semaphore, #tpu.memory_space<semaphore_mem>>)
      %dma_wait3A = tpu.memref_slice %arg4[%mul3A_43] : memref<65536xf32, #tpu.memory_space<hbm>> -> memref<8192xf32, #tpu.memory_space<hbm>>
      %dma_wait3A_1763 = tpu.memref_slice %arg4[%mul3A_43] : memref<65536xf32, #tpu.memory_space<hbm>> -> memref<8192xf32, #tpu.memory_space<hbm>>
      tpu.wait_dma2 semaphore(%run_scoped3A : memref<!tpu.dma_semaphore, #tpu.memory_space<semaphore_mem>>) src(%dma_wait3A_1763 : memref<8192xf32, #tpu.memory_space<hbm>>) dst(%arg15 : memref<8192xf32, #tpu.memory_space<vmem>>)
      tpu.yield
    }) : () -> ()
    "tpu.region"() ({
      %run_scoped3A = tpu.sem_alloc : memref<!tpu.dma_semaphore, #tpu.memory_space<semaphore_mem>>
      %dma_start3A = tpu.memref_slice %arg5[%mul3A_37] : memref<65536xi32, #tpu.memory_space<hbm>> -> memref<2048xi32, #tpu.memory_space<hbm>>
      %dma_start3A_1762 = tpu.memref_slice %arg5[%mul3A_37] : memref<65536xi32, #tpu.memory_space<hbm>> -> memref<2048xi32, #tpu.memory_space<hbm>>
      tpu.enqueue_dma source(%dma_start3A_1762 : memref<2048xi32, #tpu.memory_space<hbm>>) target(%arg16 : memref<2048xi32, #tpu.memory_space<vmem>>) target_semaphore(%run_scoped3A : memref<!tpu.dma_semaphore, #tpu.memory_space<semaphore_mem>>)
      %dma_wait3A = tpu.memref_slice %arg5[%mul3A_37] : memref<65536xi32, #tpu.memory_space<hbm>> -> memref<2048xi32, #tpu.memory_space<hbm>>
      %dma_wait3A_1763 = tpu.memref_slice %arg5[%mul3A_37] : memref<65536xi32, #tpu.memory_space<hbm>> -> memref<2048xi32, #tpu.memory_space<hbm>>
      tpu.wait_dma2 semaphore(%run_scoped3A : memref<!tpu.dma_semaphore, #tpu.memory_space<semaphore_mem>>) src(%dma_wait3A_1763 : memref<2048xi32, #tpu.memory_space<hbm>>) dst(%arg16 : memref<2048xi32, #tpu.memory_space<vmem>>)
      tpu.yield
    }) : () -> ()
    "tpu.region"() ({
      %run_scoped3A = tpu.sem_alloc : memref<!tpu.dma_semaphore, #tpu.memory_space<semaphore_mem>>
      %dma_start3A = tpu.memref_slice %arg6[%add3A_35] : memref<2048xf32, #tpu.memory_space<hbm>> -> memref<64xf32, #tpu.memory_space<hbm>>
      %dma_start3A_1762 = tpu.memref_slice %arg6[%add3A_35] : memref<2048xf32, #tpu.memory_space<hbm>> -> memref<64xf32, #tpu.memory_space<hbm>>
      tpu.enqueue_dma source(%dma_start3A_1762 : memref<64xf32, #tpu.memory_space<hbm>>) target(%arg17 : memref<64xf32, #tpu.memory_space<vmem>>) target_semaphore(%run_scoped3A : memref<!tpu.dma_semaphore, #tpu.memory_space<semaphore_mem>>)
      %dma_wait3A = tpu.memref_slice %arg6[%add3A_35] : memref<2048xf32, #tpu.memory_space<hbm>> -> memref<64xf32, #tpu.memory_space<hbm>>
      %dma_wait3A_1763 = tpu.memref_slice %arg6[%add3A_35] : memref<2048xf32, #tpu.memory_space<hbm>> -> memref<64xf32, #tpu.memory_space<hbm>>
      tpu.wait_dma2 semaphore(%run_scoped3A : memref<!tpu.dma_semaphore, #tpu.memory_space<semaphore_mem>>) src(%dma_wait3A_1763 : memref<64xf32, #tpu.memory_space<hbm>>) dst(%arg17 : memref<64xf32, #tpu.memory_space<vmem>>)
      tpu.yield
    }) : () -> ()
    "tpu.region"() ({
      %run_scoped3A = tpu.sem_alloc : memref<!tpu.dma_semaphore, #tpu.memory_space<semaphore_mem>>
      %dma_start3A = tpu.memref_slice %arg7[%add3A_35] : memref<2048xf32, #tpu.memory_space<hbm>> -> memref<64xf32, #tpu.memory_space<hbm>>
      %dma_start3A_1762 = tpu.memref_slice %arg7[%add3A_35] : memref<2048xf32, #tpu.memory_space<hbm>> -> memref<64xf32, #tpu.memory_space<hbm>>
      tpu.enqueue_dma source(%dma_start3A_1762 : memref<64xf32, #tpu.memory_space<hbm>>) target(%arg18 : memref<64xf32, #tpu.memory_space<vmem>>) target_semaphore(%run_scoped3A : memref<!tpu.dma_semaphore, #tpu.memory_space<semaphore_mem>>)
      %dma_wait3A = tpu.memref_slice %arg7[%add3A_35] : memref<2048xf32, #tpu.memory_space<hbm>> -> memref<64xf32, #tpu.memory_space<hbm>>
      %dma_wait3A_1763 = tpu.memref_slice %arg7[%add3A_35] : memref<2048xf32, #tpu.memory_space<hbm>> -> memref<64xf32, #tpu.memory_space<hbm>>
      tpu.wait_dma2 semaphore(%run_scoped3A : memref<!tpu.dma_semaphore, #tpu.memory_space<semaphore_mem>>) src(%dma_wait3A_1763 : memref<64xf32, #tpu.memory_space<hbm>>) dst(%arg18 : memref<64xf32, #tpu.memory_space<vmem>>)
      tpu.yield
    }) : () -> ()
    "tpu.region"() ({
      %run_scoped3A = tpu.sem_alloc : memref<!tpu.dma_semaphore, #tpu.memory_space<semaphore_mem>>
      %dma_start3A = tpu.memref_slice %arg8[%add3A_35] : memref<2048xf32, #tpu.memory_space<hbm>> -> memref<64xf32, #tpu.memory_space<hbm>>
      %dma_start3A_1762 = tpu.memref_slice %arg8[%add3A_35] : memref<2048xf32, #tpu.memory_space<hbm>> -> memref<64xf32, #tpu.memory_space<hbm>>
      tpu.enqueue_dma source(%dma_start3A_1762 : memref<64xf32, #tpu.memory_space<hbm>>) target(%arg19 : memref<64xf32, #tpu.memory_space<vmem>>) target_semaphore(%run_scoped3A : memref<!tpu.dma_semaphore, #tpu.memory_space<semaphore_mem>>)
      %dma_wait3A = tpu.memref_slice %arg8[%add3A_35] : memref<2048xf32, #tpu.memory_space<hbm>> -> memref<64xf32, #tpu.memory_space<hbm>>
      %dma_wait3A_1763 = tpu.memref_slice %arg8[%add3A_35] : memref<2048xf32, #tpu.memory_space<hbm>> -> memref<64xf32, #tpu.memory_space<hbm>>
      tpu.wait_dma2 semaphore(%run_scoped3A : memref<!tpu.dma_semaphore, #tpu.memory_space<semaphore_mem>>) src(%dma_wait3A_1763 : memref<64xf32, #tpu.memory_space<hbm>>) dst(%arg19 : memref<64xf32, #tpu.memory_space<vmem>>)
      tpu.yield
    }) : () -> ()
    "tpu.region"() ({
      %run_scoped3A = tpu.sem_alloc : memref<!tpu.dma_semaphore, #tpu.memory_space<semaphore_mem>>
      %dma_start3A = tpu.memref_slice %arg9[%add3A_35] : memref<2048xf32, #tpu.memory_space<hbm>> -> memref<64xf32, #tpu.memory_space<hbm>>
      %dma_start3A_1762 = tpu.memref_slice %arg9[%add3A_35] : memref<2048xf32, #tpu.memory_space<hbm>> -> memref<64xf32, #tpu.memory_space<hbm>>
      tpu.enqueue_dma source(%dma_start3A_1762 : memref<64xf32, #tpu.memory_space<hbm>>) target(%arg20 : memref<64xf32, #tpu.memory_space<vmem>>) target_semaphore(%run_scoped3A : memref<!tpu.dma_semaphore, #tpu.memory_space<semaphore_mem>>)
      %dma_wait3A = tpu.memref_slice %arg9[%add3A_35] : memref<2048xf32, #tpu.memory_space<hbm>> -> memref<64xf32, #tpu.memory_space<hbm>>
      %dma_wait3A_1763 = tpu.memref_slice %arg9[%add3A_35] : memref<2048xf32, #tpu.memory_space<hbm>> -> memref<64xf32, #tpu.memory_space<hbm>>
      tpu.wait_dma2 semaphore(%run_scoped3A : memref<!tpu.dma_semaphore, #tpu.memory_space<semaphore_mem>>) src(%dma_wait3A_1763 : memref<64xf32, #tpu.memory_space<hbm>>) dst(%arg20 : memref<64xf32, #tpu.memory_space<vmem>>)
      tpu.yield
    }) : () -> ()
    %iota3A = tpu.iota {dimensions = array<i32: 0>} : vector<16xi32>
    %get3A = arith.constant 0 : index
    %get3A_44 = tpu.vector_load %arg18[%get3A] {strides = array<i32>} : memref<64xf32, #tpu.memory_space<vmem>>, vector<16xf32>,
    %get3A_45 = arith.constant 0 : index
    %get3A_46 = tpu.vector_load %arg19[%get3A_45] {strides = array<i32>} : memref<64xf32, #tpu.memory_space<vmem>>, vector<16xf32>,
    %get3A_47 = arith.constant 0 : index
    %get3A_48 = tpu.vector_load %arg20[%get3A_47] {strides = array<i32>} : memref<64xf32, #tpu.memory_space<vmem>>, vector<16xf32>,
    %get3A_49 = arith.constant 0 : index
    %get3A_50 = tpu.vector_load %arg17[%get3A_49] {strides = array<i32>} : memref<64xf32, #tpu.memory_space<vmem>>, vector<16xf32>,
    %add3A_51 = arith.constant 0 : i32
    %add3A_52 = vector.broadcast %add3A_51 : i32 to vector<16xi32>
    %add3A_53 = arith.addi %iota3A, %add3A_52 : vector<16xi32>
    %mul3A_54 = arith.constant 32 : i32
    %mul3A_55 = vector.broadcast %mul3A_54 : i32 to vector<16xi32>
    %mul3A_56 = arith.muli %add3A_53, %mul3A_55 : vector<16xi32>
    %add3A_57 = arith.constant 0 : i32
    %add3A_58 = vector.broadcast %add3A_57 : i32 to vector<16xi32>
    %add3A_59 = arith.addi %mul3A_56, %add3A_58 : vector<16xi32>
    %gather3A = tpu.vector_load_idx %arg16[%add3A_59] : memref<2048xi32, #tpu.memory_space<vmem>>[vector<16xi32>], vector<16xi32>,
    %gather3A_60 = tpu.vector_load_idx %arg13[%gather3A] : memref<8192xf32, #tpu.memory_space<vmem>>[vector<16xi32>], vector<16xf32>,
    %gather3A_61 = tpu.vector_load_idx %arg14[%gather3A] : memref<8192xf32, #tpu.memory_space<vmem>>[vector<16xi32>], vector<16xf32>,
    %gather3A_62 = tpu.vector_load_idx %arg15[%gather3A] : memref<8192xf32, #tpu.memory_space<vmem>>[vector<16xi32>], vector<16xf32>,
    %sub3A_63 = arith.subf %gather3A_60, %get3A_44 : vector<16xf32>
    %div3A_64 = arith.divf %sub3A_63, %get3A_50 : vector<16xf32>
    tpu.vector_store_idx %arg21[%add3A_59], %div3A_64 : memref<2048xf32, #tpu.memory_space<vmem>>[vector<16xi32>], vector<16xf32>,
    %sub3A_65 = arith.subf %gather3A_61, %get3A_46 : vector<16xf32>
    %div3A_66 = arith.divf %sub3A_65, %get3A_50 : vector<16xf32>
    tpu.vector_store_idx %arg22[%add3A_59], %div3A_66 : memref<2048xf32, #tpu.memory_space<vmem>>[vector<16xi32>], vector<16xf32>,
    %sub3A_67 = arith.subf %gather3A_62, %get3A_48 : vector<16xf32>
    %div3A_68 = arith.divf %sub3A_67, %get3A_50 : vector<16xf32>
    tpu.vector_store_idx %arg23[%add3A_59], %div3A_68 : memref<2048xf32, #tpu.memory_space<vmem>>[vector<16xi32>], vector<16xf32>,
    %add3A_69 = arith.constant 1 : i32
    %add3A_70 = vector.broadcast %add3A_69 : i32 to vector<16xi32>
    %add3A_71 = arith.addi %mul3A_56, %add3A_70 : vector<16xi32>
    %gather3A_72 = tpu.vector_load_idx %arg16[%add3A_71] : memref<2048xi32, #tpu.memory_space<vmem>>[vector<16xi32>], vector<16xi32>,
    %gather3A_73 = tpu.vector_load_idx %arg13[%gather3A_72] : memref<8192xf32, #tpu.memory_space<vmem>>[vector<16xi32>], vector<16xf32>,
    %gather3A_74 = tpu.vector_load_idx %arg14[%gather3A_72] : memref<8192xf32, #tpu.memory_space<vmem>>[vector<16xi32>], vector<16xf32>,
    %gather3A_75 = tpu.vector_load_idx %arg15[%gather3A_72] : memref<8192xf32, #tpu.memory_space<vmem>>[vector<16xi32>], vector<16xf32>,
    %sub3A_76 = arith.subf %gather3A_73, %get3A_44 : vector<16xf32>
    %div3A_77 = arith.divf %sub3A_76, %get3A_50 : vector<16xf32>
    tpu.vector_store_idx %arg21[%add3A_71], %div3A_77 : memref<2048xf32, #tpu.memory_space<vmem>>[vector<16xi32>], vector<16xf32>,
    %sub3A_78 = arith.subf %gather3A_74, %get3A_46 : vector<16xf32>
    %div3A_79 = arith.divf %sub3A_78, %get3A_50 : vector<16xf32>
    tpu.vector_store_idx %arg22[%add3A_71], %div3A_79 : memref<2048xf32, #tpu.memory_space<vmem>>[vector<16xi32>], vector<16xf32>,
    %sub3A_80 = arith.subf %gather3A_75, %get3A_48 : vector<16xf32>
    %div3A_81 = arith.divf %sub3A_80, %get3A_50 : vector<16xf32>
    tpu.vector_store_idx %arg23[%add3A_71], %div3A_81 : memref<2048xf32, #tpu.memory_space<vmem>>[vector<16xi32>], vector<16xf32>,
    %add3A_82 = arith.constant 2 : i32
    %add3A_83 = vector.broadcast %add3A_82 : i32 to vector<16xi32>
    %add3A_84 = arith.addi %mul3A_56, %add3A_83 : vector<16xi32>
    %gather3A_85 = tpu.vector_load_idx %arg16[%add3A_84] : memref<2048xi32, #tpu.memory_space<vmem>>[vector<16xi32>], vector<16xi32>,
    %gather3A_86 = tpu.vector_load_idx %arg13[%gather3A_85] : memref<8192xf32, #tpu.memory_space<vmem>>[vector<16xi32>], vector<16xf32>,
    %gather3A_87 = tpu.vector_load_idx %arg14[%gather3A_85] : memref<8192xf32, #tpu.memory_space<vmem>>[vector<16xi32>], vector<16xf32>,
    %gather3A_88 = tpu.vector_load_idx %arg15[%gather3A_85] : memref<8192xf32, #tpu.memory_space<vmem>>[vector<16xi32>], vector<16xf32>,
    %sub3A_89 = arith.subf %gather3A_86, %get3A_44 : vector<16xf32>
    %div3A_90 = arith.divf %sub3A_89, %get3A_50 : vector<16xf32>
    tpu.vector_store_idx %arg21[%add3A_84], %div3A_90 : memref<2048xf32, #tpu.memory_space<vmem>>[vector<16xi32>], vector<16xf32>,
    %sub3A_91 = arith.subf %gather3A_87, %get3A_46 : vector<16xf32>
    %div3A_92 = arith.divf %sub3A_91, %get3A_50 : vector<16xf32>
    tpu.vector_store_idx %arg22[%add3A_84], %div3A_92 : memref<2048xf32, #tpu.memory_space<vmem>>[vector<16xi32>], vector<16xf32>,
    %sub3A_93 = arith.subf %gather3A_88, %get3A_48 : vector<16xf32>
    %div3A_94 = arith.divf %sub3A_93, %get3A_50 : vector<16xf32>
    tpu.vector_store_idx %arg23[%add3A_84], %div3A_94 : memref<2048xf32, #tpu.memory_space<vmem>>[vector<16xi32>], vector<16xf32>,
    %add3A_95 = arith.constant 3 : i32
    %add3A_96 = vector.broadcast %add3A_95 : i32 to vector<16xi32>
    %add3A_97 = arith.addi %mul3A_56, %add3A_96 : vector<16xi32>
    %gather3A_98 = tpu.vector_load_idx %arg16[%add3A_97] : memref<2048xi32, #tpu.memory_space<vmem>>[vector<16xi32>], vector<16xi32>,
    %gather3A_99 = tpu.vector_load_idx %arg13[%gather3A_98] : memref<8192xf32, #tpu.memory_space<vmem>>[vector<16xi32>], vector<16xf32>,
    %gather3A_100 = tpu.vector_load_idx %arg14[%gather3A_98] : memref<8192xf32, #tpu.memory_space<vmem>>[vector<16xi32>], vector<16xf32>,
    %gather3A_101 = tpu.vector_load_idx %arg15[%gather3A_98] : memref<8192xf32, #tpu.memory_space<vmem>>[vector<16xi32>], vector<16xf32>,
    %sub3A_102 = arith.subf %gather3A_99, %get3A_44 : vector<16xf32>
    %div3A_103 = arith.divf %sub3A_102, %get3A_50 : vector<16xf32>
    tpu.vector_store_idx %arg21[%add3A_97], %div3A_103 : memref<2048xf32, #tpu.memory_space<vmem>>[vector<16xi32>], vector<16xf32>,
    %sub3A_104 = arith.subf %gather3A_100, %get3A_46 : vector<16xf32>
    %div3A_105 = arith.divf %sub3A_104, %get3A_50 : vector<16xf32>
    tpu.vector_store_idx %arg22[%add3A_97], %div3A_105 : memref<2048xf32, #tpu.memory_space<vmem>>[vector<16xi32>], vector<16xf32>,
    %sub3A_106 = arith.subf %gather3A_101, %get3A_48 : vector<16xf32>
    %div3A_107 = arith.divf %sub3A_106, %get3A_50 : vector<16xf32>
    tpu.vector_store_idx %arg23[%add3A_97], %div3A_107 : memref<2048xf32, #tpu.memory_space<vmem>>[vector<16xi32>], vector<16xf32>,
    %add3A_108 = arith.constant 4 : i32
    %add3A_109 = vector.broadcast %add3A_108 : i32 to vector<16xi32>
    %add3A_110 = arith.addi %mul3A_56, %add3A_109 : vector<16xi32>
    %gather3A_111 = tpu.vector_load_idx %arg16[%add3A_110] : memref<2048xi32, #tpu.memory_space<vmem>>[vector<16xi32>], vector<16xi32>,
    %gather3A_112 = tpu.vector_load_idx %arg13[%gather3A_111] : memref<8192xf32, #tpu.memory_space<vmem>>[vector<16xi32>], vector<16xf32>,
    %gather3A_113 = tpu.vector_load_idx %arg14[%gather3A_111] : memref<8192xf32, #tpu.memory_space<vmem>>[vector<16xi32>], vector<16xf32>,
    %gather3A_114 = tpu.vector_load_idx %arg15[%gather3A_111] : memref<8192xf32, #tpu.memory_space<vmem>>[vector<16xi32>], vector<16xf32>,
    %sub3A_115 = arith.subf %gather3A_112, %get3A_44 : vector<16xf32>
    %div3A_116 = arith.divf %sub3A_115, %get3A_50 : vector<16xf32>
    tpu.vector_store_idx %arg21[%add3A_110], %div3A_116 : memref<2048xf32, #tpu.memory_space<vmem>>[vector<16xi32>], vector<16xf32>,
    %sub3A_117 = arith.subf %gather3A_113, %get3A_46 : vector<16xf32>
    %div3A_118 = arith.divf %sub3A_117, %get3A_50 : vector<16xf32>
    tpu.vector_store_idx %arg22[%add3A_110], %div3A_118 : memref<2048xf32, #tpu.memory_space<vmem>>[vector<16xi32>], vector<16xf32>,
    %sub3A_119 = arith.subf %gather3A_114, %get3A_48 : vector<16xf32>
    %div3A_120 = arith.divf %sub3A_119, %get3A_50 : vector<16xf32>
    tpu.vector_store_idx %arg23[%add3A_110], %div3A_120 : memref<2048xf32, #tpu.memory_space<vmem>>[vector<16xi32>], vector<16xf32>,
    %add3A_121 = arith.constant 5 : i32
    %add3A_122 = vector.broadcast %add3A_121 : i32 to vector<16xi32>
    %add3A_123 = arith.addi %mul3A_56, %add3A_122 : vector<16xi32>
    %gather3A_124 = tpu.vector_load_idx %arg16[%add3A_123] : memref<2048xi32, #tpu.memory_space<vmem>>[vector<16xi32>], vector<16xi32>,
    %gather3A_125 = tpu.vector_load_idx %arg13[%gather3A_124] : memref<8192xf32, #tpu.memory_space<vmem>>[vector<16xi32>], vector<16xf32>,
    %gather3A_126 = tpu.vector_load_idx %arg14[%gather3A_124] : memref<8192xf32, #tpu.memory_space<vmem>>[vector<16xi32>], vector<16xf32>,
    %gather3A_127 = tpu.vector_load_idx %arg15[%gather3A_124] : memref<8192xf32, #tpu.memory_space<vmem>>[vector<16xi32>], vector<16xf32>,
    %sub3A_128 = arith.subf %gather3A_125, %get3A_44 : vector<16xf32>
    %div3A_129 = arith.divf %sub3A_128, %get3A_50 : vector<16xf32>
    tpu.vector_store_idx %arg21[%add3A_123], %div3A_129 : memref<2048xf32, #tpu.memory_space<vmem>>[vector<16xi32>], vector<16xf32>,
    %sub3A_130 = arith.subf %gather3A_126, %get3A_46 : vector<16xf32>
    %div3A_131 = arith.divf %sub3A_130, %get3A_50 : vector<16xf32>
    tpu.vector_store_idx %arg22[%add3A_123], %div3A_131 : memref<2048xf32, #tpu.memory_space<vmem>>[vector<16xi32>], vector<16xf32>,
    %sub3A_132 = arith.subf %gather3A_127, %get3A_48 : vector<16xf32>
    %div3A_133 = arith.divf %sub3A_132, %get3A_50 : vector<16xf32>
    tpu.vector_store_idx %arg23[%add3A_123], %div3A_133 : memref<2048xf32, #tpu.memory_space<vmem>>[vector<16xi32>], vector<16xf32>,
    %add3A_134 = arith.constant 6 : i32
    %add3A_135 = vector.broadcast %add3A_134 : i32 to vector<16xi32>
    %add3A_136 = arith.addi %mul3A_56, %add3A_135 : vector<16xi32>
    %gather3A_137 = tpu.vector_load_idx %arg16[%add3A_136] : memref<2048xi32, #tpu.memory_space<vmem>>[vector<16xi32>], vector<16xi32>,
    %gather3A_138 = tpu.vector_load_idx %arg13[%gather3A_137] : memref<8192xf32, #tpu.memory_space<vmem>>[vector<16xi32>], vector<16xf32>,
    %gather3A_139 = tpu.vector_load_idx %arg14[%gather3A_137] : memref<8192xf32, #tpu.memory_space<vmem>>[vector<16xi32>], vector<16xf32>,
    %gather3A_140 = tpu.vector_load_idx %arg15[%gather3A_137] : memref<8192xf32, #tpu.memory_space<vmem>>[vector<16xi32>], vector<16xf32>,
    %sub3A_141 = arith.subf %gather3A_138, %get3A_44 : vector<16xf32>
    %div3A_142 = arith.divf %sub3A_141, %get3A_50 : vector<16xf32>
    tpu.vector_store_idx %arg21[%add3A_136], %div3A_142 : memref<2048xf32, #tpu.memory_space<vmem>>[vector<16xi32>], vector<16xf32>,
    %sub3A_143 = arith.subf %gather3A_139, %get3A_46 : vector<16xf32>
    %div3A_144 = arith.divf %sub3A_143, %get3A_50 : vector<16xf32>
    tpu.vector_store_idx %arg22[%add3A_136], %div3A_144 : memref<2048xf32, #tpu.memory_space<vmem>>[vector<16xi32>], vector<16xf32>,
    %sub3A_145 = arith.subf %gather3A_140, %get3A_48 : vector<16xf32>
    %div3A_146 = arith.divf %sub3A_145, %get3A_50 : vector<16xf32>
    tpu.vector_store_idx %arg23[%add3A_136], %div3A_146 : memref<2048xf32, #tpu.memory_space<vmem>>[vector<16xi32>], vector<16xf32>,
    %add3A_147 = arith.constant 7 : i32
    %add3A_148 = vector.broadcast %add3A_147 : i32 to vector<16xi32>
    %add3A_149 = arith.addi %mul3A_56, %add3A_148 : vector<16xi32>
    %gather3A_150 = tpu.vector_load_idx %arg16[%add3A_149] : memref<2048xi32, #tpu.memory_space<vmem>>[vector<16xi32>], vector<16xi32>,
    %gather3A_151 = tpu.vector_load_idx %arg13[%gather3A_150] : memref<8192xf32, #tpu.memory_space<vmem>>[vector<16xi32>], vector<16xf32>,
    %gather3A_152 = tpu.vector_load_idx %arg14[%gather3A_150] : memref<8192xf32, #tpu.memory_space<vmem>>[vector<16xi32>], vector<16xf32>,
    %gather3A_153 = tpu.vector_load_idx %arg15[%gather3A_150] : memref<8192xf32, #tpu.memory_space<vmem>>[vector<16xi32>], vector<16xf32>,
    %sub3A_154 = arith.subf %gather3A_151, %get3A_44 : vector<16xf32>
    %div3A_155 = arith.divf %sub3A_154, %get3A_50 : vector<16xf32>
    tpu.vector_store_idx %arg21[%add3A_149], %div3A_155 : memref<2048xf32, #tpu.memory_space<vmem>>[vector<16xi32>], vector<16xf32>,
    %sub3A_156 = arith.subf %gather3A_152, %get3A_46 : vector<16xf32>
    %div3A_157 = arith.divf %sub3A_156, %get3A_50 : vector<16xf32>
    tpu.vector_store_idx %arg22[%add3A_149], %div3A_157 : memref<2048xf32, #tpu.memory_space<vmem>>[vector<16xi32>], vector<16xf32>,
    %sub3A_158 = arith.subf %gather3A_153, %get3A_48 : vector<16xf32>
    %div3A_159 = arith.divf %sub3A_158, %get3A_50 : vector<16xf32>
    tpu.vector_store_idx %arg23[%add3A_149], %div3A_159 : memref<2048xf32, #tpu.memory_space<vmem>>[vector<16xi32>], vector<16xf32>,
    %add3A_160 = arith.constant 8 : i32
    %add3A_161 = vector.broadcast %add3A_160 : i32 to vector<16xi32>
    %add3A_162 = arith.addi %mul3A_56, %add3A_161 : vector<16xi32>
    %gather3A_163 = tpu.vector_load_idx %arg16[%add3A_162] : memref<2048xi32, #tpu.memory_space<vmem>>[vector<16xi32>], vector<16xi32>,
    %gather3A_164 = tpu.vector_load_idx %arg13[%gather3A_163] : memref<8192xf32, #tpu.memory_space<vmem>>[vector<16xi32>], vector<16xf32>,
    %gather3A_165 = tpu.vector_load_idx %arg14[%gather3A_163] : memref<8192xf32, #tpu.memory_space<vmem>>[vector<16xi32>], vector<16xf32>,
    %gather3A_166 = tpu.vector_load_idx %arg15[%gather3A_163] : memref<8192xf32, #tpu.memory_space<vmem>>[vector<16xi32>], vector<16xf32>,
    %sub3A_167 = arith.subf %gather3A_164, %get3A_44 : vector<16xf32>
    %div3A_168 = arith.divf %sub3A_167, %get3A_50 : vector<16xf32>
    tpu.vector_store_idx %arg21[%add3A_162], %div3A_168 : memref<2048xf32, #tpu.memory_space<vmem>>[vector<16xi32>], vector<16xf32>,
    %sub3A_169 = arith.subf %gather3A_165, %get3A_46 : vector<16xf32>
    %div3A_170 = arith.divf %sub3A_169, %get3A_50 : vector<16xf32>
    tpu.vector_store_idx %arg22[%add3A_162], %div3A_170 : memref<2048xf32, #tpu.memory_space<vmem>>[vector<16xi32>], vector<16xf32>,
    %sub3A_171 = arith.subf %gather3A_166, %get3A_48 : vector<16xf32>
    %div3A_172 = arith.divf %sub3A_171, %get3A_50 : vector<16xf32>
    tpu.vector_store_idx %arg23[%add3A_162], %div3A_172 : memref<2048xf32, #tpu.memory_space<vmem>>[vector<16xi32>], vector<16xf32>,
    %add3A_173 = arith.constant 9 : i32
    %add3A_174 = vector.broadcast %add3A_173 : i32 to vector<16xi32>
    %add3A_175 = arith.addi %mul3A_56, %add3A_174 : vector<16xi32>
    %gather3A_176 = tpu.vector_load_idx %arg16[%add3A_175] : memref<2048xi32, #tpu.memory_space<vmem>>[vector<16xi32>], vector<16xi32>,
    %gather3A_177 = tpu.vector_load_idx %arg13[%gather3A_176] : memref<8192xf32, #tpu.memory_space<vmem>>[vector<16xi32>], vector<16xf32>,
    %gather3A_178 = tpu.vector_load_idx %arg14[%gather3A_176] : memref<8192xf32, #tpu.memory_space<vmem>>[vector<16xi32>], vector<16xf32>,
    %gather3A_179 = tpu.vector_load_idx %arg15[%gather3A_176] : memref<8192xf32, #tpu.memory_space<vmem>>[vector<16xi32>], vector<16xf32>,
    %sub3A_180 = arith.subf %gather3A_177, %get3A_44 : vector<16xf32>
    %div3A_181 = arith.divf %sub3A_180, %get3A_50 : vector<16xf32>
    tpu.vector_store_idx %arg21[%add3A_175], %div3A_181 : memref<2048xf32, #tpu.memory_space<vmem>>[vector<16xi32>], vector<16xf32>,
    %sub3A_182 = arith.subf %gather3A_178, %get3A_46 : vector<16xf32>
    %div3A_183 = arith.divf %sub3A_182, %get3A_50 : vector<16xf32>
    tpu.vector_store_idx %arg22[%add3A_175], %div3A_183 : memref<2048xf32, #tpu.memory_space<vmem>>[vector<16xi32>], vector<16xf32>,
    %sub3A_184 = arith.subf %gather3A_179, %get3A_48 : vector<16xf32>
    %div3A_185 = arith.divf %sub3A_184, %get3A_50 : vector<16xf32>
    tpu.vector_store_idx %arg23[%add3A_175], %div3A_185 : memref<2048xf32, #tpu.memory_space<vmem>>[vector<16xi32>], vector<16xf32>,
    %add3A_186 = arith.constant 10 : i32
    %add3A_187 = vector.broadcast %add3A_186 : i32 to vector<16xi32>
    %add3A_188 = arith.addi %mul3A_56, %add3A_187 : vector<16xi32>
    %gather3A_189 = tpu.vector_load_idx %arg16[%add3A_188] : memref<2048xi32, #tpu.memory_space<vmem>>[vector<16xi32>], vector<16xi32>,
    %gather3A_190 = tpu.vector_load_idx %arg13[%gather3A_189] : memref<8192xf32, #tpu.memory_space<vmem>>[vector<16xi32>], vector<16xf32>,
    %gather3A_191 = tpu.vector_load_idx %arg14[%gather3A_189] : memref<8192xf32, #tpu.memory_space<vmem>>[vector<16xi32>], vector<16xf32>,
    %gather3A_192 = tpu.vector_load_idx %arg15[%gather3A_189] : memref<8192xf32, #tpu.memory_space<vmem>>[vector<16xi32>], vector<16xf32>,
    %sub3A_193 = arith.subf %gather3A_190, %get3A_44 : vector<16xf32>
    %div3A_194 = arith.divf %sub3A_193, %get3A_50 : vector<16xf32>
    tpu.vector_store_idx %arg21[%add3A_188], %div3A_194 : memref<2048xf32, #tpu.memory_space<vmem>>[vector<16xi32>], vector<16xf32>,
    %sub3A_195 = arith.subf %gather3A_191, %get3A_46 : vector<16xf32>
    %div3A_196 = arith.divf %sub3A_195, %get3A_50 : vector<16xf32>
    tpu.vector_store_idx %arg22[%add3A_188], %div3A_196 : memref<2048xf32, #tpu.memory_space<vmem>>[vector<16xi32>], vector<16xf32>,
    %sub3A_197 = arith.subf %gather3A_192, %get3A_48 : vector<16xf32>
    %div3A_198 = arith.divf %sub3A_197, %get3A_50 : vector<16xf32>
    tpu.vector_store_idx %arg23[%add3A_188], %div3A_198 : memref<2048xf32, #tpu.memory_space<vmem>>[vector<16xi32>], vector<16xf32>,
    %add3A_199 = arith.constant 11 : i32
    %add3A_200 = vector.broadcast %add3A_199 : i32 to vector<16xi32>
    %add3A_201 = arith.addi %mul3A_56, %add3A_200 : vector<16xi32>
    %gather3A_202 = tpu.vector_load_idx %arg16[%add3A_201] : memref<2048xi32, #tpu.memory_space<vmem>>[vector<16xi32>], vector<16xi32>,
    %gather3A_203 = tpu.vector_load_idx %arg13[%gather3A_202] : memref<8192xf32, #tpu.memory_space<vmem>>[vector<16xi32>], vector<16xf32>,
    %gather3A_204 = tpu.vector_load_idx %arg14[%gather3A_202] : memref<8192xf32, #tpu.memory_space<vmem>>[vector<16xi32>], vector<16xf32>,
    %gather3A_205 = tpu.vector_load_idx %arg15[%gather3A_202] : memref<8192xf32, #tpu.memory_space<vmem>>[vector<16xi32>], vector<16xf32>,
    %sub3A_206 = arith.subf %gather3A_203, %get3A_44 : vector<16xf32>
    %div3A_207 = arith.divf %sub3A_206, %get3A_50 : vector<16xf32>
    tpu.vector_store_idx %arg21[%add3A_201], %div3A_207 : memref<2048xf32, #tpu.memory_space<vmem>>[vector<16xi32>], vector<16xf32>,
    %sub3A_208 = arith.subf %gather3A_204, %get3A_46 : vector<16xf32>
    %div3A_209 = arith.divf %sub3A_208, %get3A_50 : vector<16xf32>
    tpu.vector_store_idx %arg22[%add3A_201], %div3A_209 : memref<2048xf32, #tpu.memory_space<vmem>>[vector<16xi32>], vector<16xf32>,
    %sub3A_210 = arith.subf %gather3A_205, %get3A_48 : vector<16xf32>
    %div3A_211 = arith.divf %sub3A_210, %get3A_50 : vector<16xf32>
    tpu.vector_store_idx %arg23[%add3A_201], %div3A_211 : memref<2048xf32, #tpu.memory_space<vmem>>[vector<16xi32>], vector<16xf32>,
    %add3A_212 = arith.constant 12 : i32
    %add3A_213 = vector.broadcast %add3A_212 : i32 to vector<16xi32>
    %add3A_214 = arith.addi %mul3A_56, %add3A_213 : vector<16xi32>
    %gather3A_215 = tpu.vector_load_idx %arg16[%add3A_214] : memref<2048xi32, #tpu.memory_space<vmem>>[vector<16xi32>], vector<16xi32>,
    %gather3A_216 = tpu.vector_load_idx %arg13[%gather3A_215] : memref<8192xf32, #tpu.memory_space<vmem>>[vector<16xi32>], vector<16xf32>,
    %gather3A_217 = tpu.vector_load_idx %arg14[%gather3A_215] : memref<8192xf32, #tpu.memory_space<vmem>>[vector<16xi32>], vector<16xf32>,
    %gather3A_218 = tpu.vector_load_idx %arg15[%gather3A_215] : memref<8192xf32, #tpu.memory_space<vmem>>[vector<16xi32>], vector<16xf32>,
    %sub3A_219 = arith.subf %gather3A_216, %get3A_44 : vector<16xf32>
    %div3A_220 = arith.divf %sub3A_219, %get3A_50 : vector<16xf32>
    tpu.vector_store_idx %arg21[%add3A_214], %div3A_220 : memref<2048xf32, #tpu.memory_space<vmem>>[vector<16xi32>], vector<16xf32>,
    %sub3A_221 = arith.subf %gather3A_217, %get3A_46 : vector<16xf32>
    %div3A_222 = arith.divf %sub3A_221, %get3A_50 : vector<16xf32>
    tpu.vector_store_idx %arg22[%add3A_214], %div3A_222 : memref<2048xf32, #tpu.memory_space<vmem>>[vector<16xi32>], vector<16xf32>,
    %sub3A_223 = arith.subf %gather3A_218, %get3A_48 : vector<16xf32>
    %div3A_224 = arith.divf %sub3A_223, %get3A_50 : vector<16xf32>
    tpu.vector_store_idx %arg23[%add3A_214], %div3A_224 : memref<2048xf32, #tpu.memory_space<vmem>>[vector<16xi32>], vector<16xf32>,
    %add3A_225 = arith.constant 13 : i32
    %add3A_226 = vector.broadcast %add3A_225 : i32 to vector<16xi32>
    %add3A_227 = arith.addi %mul3A_56, %add3A_226 : vector<16xi32>
    %gather3A_228 = tpu.vector_load_idx %arg16[%add3A_227] : memref<2048xi32, #tpu.memory_space<vmem>>[vector<16xi32>], vector<16xi32>,
    %gather3A_229 = tpu.vector_load_idx %arg13[%gather3A_228] : memref<8192xf32, #tpu.memory_space<vmem>>[vector<16xi32>], vector<16xf32>,
    %gather3A_230 = tpu.vector_load_idx %arg14[%gather3A_228] : memref<8192xf32, #tpu.memory_space<vmem>>[vector<16xi32>], vector<16xf32>,
    %gather3A_231 = tpu.vector_load_idx %arg15[%gather3A_228] : memref<8192xf32, #tpu.memory_space<vmem>>[vector<16xi32>], vector<16xf32>,
    %sub3A_232 = arith.subf %gather3A_229, %get3A_44 : vector<16xf32>
    %div3A_233 = arith.divf %sub3A_232, %get3A_50 : vector<16xf32>
    tpu.vector_store_idx %arg21[%add3A_227], %div3A_233 : memref<2048xf32, #tpu.memory_space<vmem>>[vector<16xi32>], vector<16xf32>,
    %sub3A_234 = arith.subf %gather3A_230, %get3A_46 : vector<16xf32>
    %div3A_235 = arith.divf %sub3A_234, %get3A_50 : vector<16xf32>
    tpu.vector_store_idx %arg22[%add3A_227], %div3A_235 : memref<2048xf32, #tpu.memory_space<vmem>>[vector<16xi32>], vector<16xf32>,
    %sub3A_236 = arith.subf %gather3A_231, %get3A_48 : vector<16xf32>
    %div3A_237 = arith.divf %sub3A_236, %get3A_50 : vector<16xf32>
    tpu.vector_store_idx %arg23[%add3A_227], %div3A_237 : memref<2048xf32, #tpu.memory_space<vmem>>[vector<16xi32>], vector<16xf32>,
    %add3A_238 = arith.constant 14 : i32
    %add3A_239 = vector.broadcast %add3A_238 : i32 to vector<16xi32>
    %add3A_240 = arith.addi %mul3A_56, %add3A_239 : vector<16xi32>
    %gather3A_241 = tpu.vector_load_idx %arg16[%add3A_240] : memref<2048xi32, #tpu.memory_space<vmem>>[vector<16xi32>], vector<16xi32>,
    %gather3A_242 = tpu.vector_load_idx %arg13[%gather3A_241] : memref<8192xf32, #tpu.memory_space<vmem>>[vector<16xi32>], vector<16xf32>,
    %gather3A_243 = tpu.vector_load_idx %arg14[%gather3A_241] : memref<8192xf32, #tpu.memory_space<vmem>>[vector<16xi32>], vector<16xf32>,
    %gather3A_244 = tpu.vector_load_idx %arg15[%gather3A_241] : memref<8192xf32, #tpu.memory_space<vmem>>[vector<16xi32>], vector<16xf32>,
    %sub3A_245 = arith.subf %gather3A_242, %get3A_44 : vector<16xf32>
    %div3A_246 = arith.divf %sub3A_245, %get3A_50 : vector<16xf32>
    tpu.vector_store_idx %arg21[%add3A_240], %div3A_246 : memref<2048xf32, #tpu.memory_space<vmem>>[vector<16xi32>], vector<16xf32>,
    %sub3A_247 = arith.subf %gather3A_243, %get3A_46 : vector<16xf32>
    %div3A_248 = arith.divf %sub3A_247, %get3A_50 : vector<16xf32>
    tpu.vector_store_idx %arg22[%add3A_240], %div3A_248 : memref<2048xf32, #tpu.memory_space<vmem>>[vector<16xi32>], vector<16xf32>,
    %sub3A_249 = arith.subf %gather3A_244, %get3A_48 : vector<16xf32>
    %div3A_250 = arith.divf %sub3A_249, %get3A_50 : vector<16xf32>
    tpu.vector_store_idx %arg23[%add3A_240], %div3A_250 : memref<2048xf32, #tpu.memory_space<vmem>>[vector<16xi32>], vector<16xf32>,
    %add3A_251 = arith.constant 15 : i32
    %add3A_252 = vector.broadcast %add3A_251 : i32 to vector<16xi32>
    %add3A_253 = arith.addi %mul3A_56, %add3A_252 : vector<16xi32>
    %gather3A_254 = tpu.vector_load_idx %arg16[%add3A_253] : memref<2048xi32, #tpu.memory_space<vmem>>[vector<16xi32>], vector<16xi32>,
    %gather3A_255 = tpu.vector_load_idx %arg13[%gather3A_254] : memref<8192xf32, #tpu.memory_space<vmem>>[vector<16xi32>], vector<16xf32>,
    %gather3A_256 = tpu.vector_load_idx %arg14[%gather3A_254] : memref<8192xf32, #tpu.memory_space<vmem>>[vector<16xi32>], vector<16xf32>,
    %gather3A_257 = tpu.vector_load_idx %arg15[%gather3A_254] : memref<8192xf32, #tpu.memory_space<vmem>>[vector<16xi32>], vector<16xf32>,
    %sub3A_258 = arith.subf %gather3A_255, %get3A_44 : vector<16xf32>
    %div3A_259 = arith.divf %sub3A_258, %get3A_50 : vector<16xf32>
    tpu.vector_store_idx %arg21[%add3A_253], %div3A_259 : memref<2048xf32, #tpu.memory_space<vmem>>[vector<16xi32>], vector<16xf32>,
    %sub3A_260 = arith.subf %gather3A_256, %get3A_46 : vector<16xf32>
    %div3A_261 = arith.divf %sub3A_260, %get3A_50 : vector<16xf32>
    tpu.vector_store_idx %arg22[%add3A_253], %div3A_261 : memref<2048xf32, #tpu.memory_space<vmem>>[vector<16xi32>], vector<16xf32>,
    %sub3A_262 = arith.subf %gather3A_257, %get3A_48 : vector<16xf32>
    %div3A_263 = arith.divf %sub3A_262, %get3A_50 : vector<16xf32>
    tpu.vector_store_idx %arg23[%add3A_253], %div3A_263 : memref<2048xf32, #tpu.memory_space<vmem>>[vector<16xi32>], vector<16xf32>,
    %add3A_264 = arith.constant 16 : i32
    %add3A_265 = vector.broadcast %add3A_264 : i32 to vector<16xi32>
    %add3A_266 = arith.addi %mul3A_56, %add3A_265 : vector<16xi32>
    %gather3A_267 = tpu.vector_load_idx %arg16[%add3A_266] : memref<2048xi32, #tpu.memory_space<vmem>>[vector<16xi32>], vector<16xi32>,
    %gather3A_268 = tpu.vector_load_idx %arg13[%gather3A_267] : memref<8192xf32, #tpu.memory_space<vmem>>[vector<16xi32>], vector<16xf32>,
    %gather3A_269 = tpu.vector_load_idx %arg14[%gather3A_267] : memref<8192xf32, #tpu.memory_space<vmem>>[vector<16xi32>], vector<16xf32>,
    %gather3A_270 = tpu.vector_load_idx %arg15[%gather3A_267] : memref<8192xf32, #tpu.memory_space<vmem>>[vector<16xi32>], vector<16xf32>,
    %sub3A_271 = arith.subf %gather3A_268, %get3A_44 : vector<16xf32>
    %div3A_272 = arith.divf %sub3A_271, %get3A_50 : vector<16xf32>
    tpu.vector_store_idx %arg21[%add3A_266], %div3A_272 : memref<2048xf32, #tpu.memory_space<vmem>>[vector<16xi32>], vector<16xf32>,
    %sub3A_273 = arith.subf %gather3A_269, %get3A_46 : vector<16xf32>
    %div3A_274 = arith.divf %sub3A_273, %get3A_50 : vector<16xf32>
    tpu.vector_store_idx %arg22[%add3A_266], %div3A_274 : memref<2048xf32, #tpu.memory_space<vmem>>[vector<16xi32>], vector<16xf32>,
    %sub3A_275 = arith.subf %gather3A_270, %get3A_48 : vector<16xf32>
    %div3A_276 = arith.divf %sub3A_275, %get3A_50 : vector<16xf32>
    tpu.vector_store_idx %arg23[%add3A_266], %div3A_276 : memref<2048xf32, #tpu.memory_space<vmem>>[vector<16xi32>], vector<16xf32>,
    %add3A_277 = arith.constant 17 : i32
    %add3A_278 = vector.broadcast %add3A_277 : i32 to vector<16xi32>
    %add3A_279 = arith.addi %mul3A_56, %add3A_278 : vector<16xi32>
    %gather3A_280 = tpu.vector_load_idx %arg16[%add3A_279] : memref<2048xi32, #tpu.memory_space<vmem>>[vector<16xi32>], vector<16xi32>,
    %gather3A_281 = tpu.vector_load_idx %arg13[%gather3A_280] : memref<8192xf32, #tpu.memory_space<vmem>>[vector<16xi32>], vector<16xf32>,
    %gather3A_282 = tpu.vector_load_idx %arg14[%gather3A_280] : memref<8192xf32, #tpu.memory_space<vmem>>[vector<16xi32>], vector<16xf32>,
    %gather3A_283 = tpu.vector_load_idx %arg15[%gather3A_280] : memref<8192xf32, #tpu.memory_space<vmem>>[vector<16xi32>], vector<16xf32>,
    %sub3A_284 = arith.subf %gather3A_281, %get3A_44 : vector<16xf32>
    %div3A_285 = arith.divf %sub3A_284, %get3A_50 : vector<16xf32>
    tpu.vector_store_idx %arg21[%add3A_279], %div3A_285 : memref<2048xf32, #tpu.memory_space<vmem>>[vector<16xi32>], vector<16xf32>,
    %sub3A_286 = arith.subf %gather3A_282, %get3A_46 : vector<16xf32>
    %div3A_287 = arith.divf %sub3A_286, %get3A_50 : vector<16xf32>
    tpu.vector_store_idx %arg22[%add3A_279], %div3A_287 : memref<2048xf32, #tpu.memory_space<vmem>>[vector<16xi32>], vector<16xf32>,
    %sub3A_288 = arith.subf %gather3A_283, %get3A_48 : vector<16xf32>
    %div3A_289 = arith.divf %sub3A_288, %get3A_50 : vector<16xf32>
    tpu.vector_store_idx %arg23[%add3A_279], %div3A_289 : memref<2048xf32, #tpu.memory_space<vmem>>[vector<16xi32>], vector<16xf32>,
    %add3A_290 = arith.constant 18 : i32
    %add3A_291 = vector.broadcast %add3A_290 : i32 to vector<16xi32>
    %add3A_292 = arith.addi %mul3A_56, %add3A_291 : vector<16xi32>
    %gather3A_293 = tpu.vector_load_idx %arg16[%add3A_292] : memref<2048xi32, #tpu.memory_space<vmem>>[vector<16xi32>], vector<16xi32>,
    %gather3A_294 = tpu.vector_load_idx %arg13[%gather3A_293] : memref<8192xf32, #tpu.memory_space<vmem>>[vector<16xi32>], vector<16xf32>,
    %gather3A_295 = tpu.vector_load_idx %arg14[%gather3A_293] : memref<8192xf32, #tpu.memory_space<vmem>>[vector<16xi32>], vector<16xf32>,
    %gather3A_296 = tpu.vector_load_idx %arg15[%gather3A_293] : memref<8192xf32, #tpu.memory_space<vmem>>[vector<16xi32>], vector<16xf32>,
    %sub3A_297 = arith.subf %gather3A_294, %get3A_44 : vector<16xf32>
    %div3A_298 = arith.divf %sub3A_297, %get3A_50 : vector<16xf32>
    tpu.vector_store_idx %arg21[%add3A_292], %div3A_298 : memref<2048xf32, #tpu.memory_space<vmem>>[vector<16xi32>], vector<16xf32>,
    %sub3A_299 = arith.subf %gather3A_295, %get3A_46 : vector<16xf32>
    %div3A_300 = arith.divf %sub3A_299, %get3A_50 : vector<16xf32>
    tpu.vector_store_idx %arg22[%add3A_292], %div3A_300 : memref<2048xf32, #tpu.memory_space<vmem>>[vector<16xi32>], vector<16xf32>,
    %sub3A_301 = arith.subf %gather3A_296, %get3A_48 : vector<16xf32>
    %div3A_302 = arith.divf %sub3A_301, %get3A_50 : vector<16xf32>
    tpu.vector_store_idx %arg23[%add3A_292], %div3A_302 : memref<2048xf32, #tpu.memory_space<vmem>>[vector<16xi32>], vector<16xf32>,
    %add3A_303 = arith.constant 19 : i32
    %add3A_304 = vector.broadcast %add3A_303 : i32 to vector<16xi32>
    %add3A_305 = arith.addi %mul3A_56, %add3A_304 : vector<16xi32>
    %gather3A_306 = tpu.vector_load_idx %arg16[%add3A_305] : memref<2048xi32, #tpu.memory_space<vmem>>[vector<16xi32>], vector<16xi32>,
    %gather3A_307 = tpu.vector_load_idx %arg13[%gather3A_306] : memref<8192xf32, #tpu.memory_space<vmem>>[vector<16xi32>], vector<16xf32>,
    %gather3A_308 = tpu.vector_load_idx %arg14[%gather3A_306] : memref<8192xf32, #tpu.memory_space<vmem>>[vector<16xi32>], vector<16xf32>,
    %gather3A_309 = tpu.vector_load_idx %arg15[%gather3A_306] : memref<8192xf32, #tpu.memory_space<vmem>>[vector<16xi32>], vector<16xf32>,
    %sub3A_310 = arith.subf %gather3A_307, %get3A_44 : vector<16xf32>
    %div3A_311 = arith.divf %sub3A_310, %get3A_50 : vector<16xf32>
    tpu.vector_store_idx %arg21[%add3A_305], %div3A_311 : memref<2048xf32, #tpu.memory_space<vmem>>[vector<16xi32>], vector<16xf32>,
    %sub3A_312 = arith.subf %gather3A_308, %get3A_46 : vector<16xf32>
    %div3A_313 = arith.divf %sub3A_312, %get3A_50 : vector<16xf32>
    tpu.vector_store_idx %arg22[%add3A_305], %div3A_313 : memref<2048xf32, #tpu.memory_space<vmem>>[vector<16xi32>], vector<16xf32>,
    %sub3A_314 = arith.subf %gather3A_309, %get3A_48 : vector<16xf32>
    %div3A_315 = arith.divf %sub3A_314, %get3A_50 : vector<16xf32>
    tpu.vector_store_idx %arg23[%add3A_305], %div3A_315 : memref<2048xf32, #tpu.memory_space<vmem>>[vector<16xi32>], vector<16xf32>,
    %add3A_316 = arith.constant 20 : i32
    %add3A_317 = vector.broadcast %add3A_316 : i32 to vector<16xi32>
    %add3A_318 = arith.addi %mul3A_56, %add3A_317 : vector<16xi32>
    %gather3A_319 = tpu.vector_load_idx %arg16[%add3A_318] : memref<2048xi32, #tpu.memory_space<vmem>>[vector<16xi32>], vector<16xi32>,
    %gather3A_320 = tpu.vector_load_idx %arg13[%gather3A_319] : memref<8192xf32, #tpu.memory_space<vmem>>[vector<16xi32>], vector<16xf32>,
    %gather3A_321 = tpu.vector_load_idx %arg14[%gather3A_319] : memref<8192xf32, #tpu.memory_space<vmem>>[vector<16xi32>], vector<16xf32>,
    %gather3A_322 = tpu.vector_load_idx %arg15[%gather3A_319] : memref<8192xf32, #tpu.memory_space<vmem>>[vector<16xi32>], vector<16xf32>,
    %sub3A_323 = arith.subf %gather3A_320, %get3A_44 : vector<16xf32>
    %div3A_324 = arith.divf %sub3A_323, %get3A_50 : vector<16xf32>
    tpu.vector_store_idx %arg21[%add3A_318], %div3A_324 : memref<2048xf32, #tpu.memory_space<vmem>>[vector<16xi32>], vector<16xf32>,
    %sub3A_325 = arith.subf %gather3A_321, %get3A_46 : vector<16xf32>
    %div3A_326 = arith.divf %sub3A_325, %get3A_50 : vector<16xf32>
    tpu.vector_store_idx %arg22[%add3A_318], %div3A_326 : memref<2048xf32, #tpu.memory_space<vmem>>[vector<16xi32>], vector<16xf32>,
    %sub3A_327 = arith.subf %gather3A_322, %get3A_48 : vector<16xf32>
    %div3A_328 = arith.divf %sub3A_327, %get3A_50 : vector<16xf32>
    tpu.vector_store_idx %arg23[%add3A_318], %div3A_328 : memref<2048xf32, #tpu.memory_space<vmem>>[vector<16xi32>], vector<16xf32>,
    %add3A_329 = arith.constant 21 : i32
    %add3A_330 = vector.broadcast %add3A_329 : i32 to vector<16xi32>
    %add3A_331 = arith.addi %mul3A_56, %add3A_330 : vector<16xi32>
    %gather3A_332 = tpu.vector_load_idx %arg16[%add3A_331] : memref<2048xi32, #tpu.memory_space<vmem>>[vector<16xi32>], vector<16xi32>,
    %gather3A_333 = tpu.vector_load_idx %arg13[%gather3A_332] : memref<8192xf32, #tpu.memory_space<vmem>>[vector<16xi32>], vector<16xf32>,
    %gather3A_334 = tpu.vector_load_idx %arg14[%gather3A_332] : memref<8192xf32, #tpu.memory_space<vmem>>[vector<16xi32>], vector<16xf32>,
    %gather3A_335 = tpu.vector_load_idx %arg15[%gather3A_332] : memref<8192xf32, #tpu.memory_space<vmem>>[vector<16xi32>], vector<16xf32>,
    %sub3A_336 = arith.subf %gather3A_333, %get3A_44 : vector<16xf32>
    %div3A_337 = arith.divf %sub3A_336, %get3A_50 : vector<16xf32>
    tpu.vector_store_idx %arg21[%add3A_331], %div3A_337 : memref<2048xf32, #tpu.memory_space<vmem>>[vector<16xi32>], vector<16xf32>,
    %sub3A_338 = arith.subf %gather3A_334, %get3A_46 : vector<16xf32>
    %div3A_339 = arith.divf %sub3A_338, %get3A_50 : vector<16xf32>
    tpu.vector_store_idx %arg22[%add3A_331], %div3A_339 : memref<2048xf32, #tpu.memory_space<vmem>>[vector<16xi32>], vector<16xf32>,
    %sub3A_340 = arith.subf %gather3A_335, %get3A_48 : vector<16xf32>
    %div3A_341 = arith.divf %sub3A_340, %get3A_50 : vector<16xf32>
    tpu.vector_store_idx %arg23[%add3A_331], %div3A_341 : memref<2048xf32, #tpu.memory_space<vmem>>[vector<16xi32>], vector<16xf32>,
    %add3A_342 = arith.constant 22 : i32
    %add3A_343 = vector.broadcast %add3A_342 : i32 to vector<16xi32>
    %add3A_344 = arith.addi %mul3A_56, %add3A_343 : vector<16xi32>
    %gather3A_345 = tpu.vector_load_idx %arg16[%add3A_344] : memref<2048xi32, #tpu.memory_space<vmem>>[vector<16xi32>], vector<16xi32>,
    %gather3A_346 = tpu.vector_load_idx %arg13[%gather3A_345] : memref<8192xf32, #tpu.memory_space<vmem>>[vector<16xi32>], vector<16xf32>,
    %gather3A_347 = tpu.vector_load_idx %arg14[%gather3A_345] : memref<8192xf32, #tpu.memory_space<vmem>>[vector<16xi32>], vector<16xf32>,
    %gather3A_348 = tpu.vector_load_idx %arg15[%gather3A_345] : memref<8192xf32, #tpu.memory_space<vmem>>[vector<16xi32>], vector<16xf32>,
    %sub3A_349 = arith.subf %gather3A_346, %get3A_44 : vector<16xf32>
    %div3A_350 = arith.divf %sub3A_349, %get3A_50 : vector<16xf32>
    tpu.vector_store_idx %arg21[%add3A_344], %div3A_350 : memref<2048xf32, #tpu.memory_space<vmem>>[vector<16xi32>], vector<16xf32>,
    %sub3A_351 = arith.subf %gather3A_347, %get3A_46 : vector<16xf32>
    %div3A_352 = arith.divf %sub3A_351, %get3A_50 : vector<16xf32>
    tpu.vector_store_idx %arg22[%add3A_344], %div3A_352 : memref<2048xf32, #tpu.memory_space<vmem>>[vector<16xi32>], vector<16xf32>,
    %sub3A_353 = arith.subf %gather3A_348, %get3A_48 : vector<16xf32>
    %div3A_354 = arith.divf %sub3A_353, %get3A_50 : vector<16xf32>
    tpu.vector_store_idx %arg23[%add3A_344], %div3A_354 : memref<2048xf32, #tpu.memory_space<vmem>>[vector<16xi32>], vector<16xf32>,
    %add3A_355 = arith.constant 23 : i32
    %add3A_356 = vector.broadcast %add3A_355 : i32 to vector<16xi32>
    %add3A_357 = arith.addi %mul3A_56, %add3A_356 : vector<16xi32>
    %gather3A_358 = tpu.vector_load_idx %arg16[%add3A_357] : memref<2048xi32, #tpu.memory_space<vmem>>[vector<16xi32>], vector<16xi32>,
    %gather3A_359 = tpu.vector_load_idx %arg13[%gather3A_358] : memref<8192xf32, #tpu.memory_space<vmem>>[vector<16xi32>], vector<16xf32>,
    %gather3A_360 = tpu.vector_load_idx %arg14[%gather3A_358] : memref<8192xf32, #tpu.memory_space<vmem>>[vector<16xi32>], vector<16xf32>,
    %gather3A_361 = tpu.vector_load_idx %arg15[%gather3A_358] : memref<8192xf32, #tpu.memory_space<vmem>>[vector<16xi32>], vector<16xf32>,
    %sub3A_362 = arith.subf %gather3A_359, %get3A_44 : vector<16xf32>
    %div3A_363 = arith.divf %sub3A_362, %get3A_50 : vector<16xf32>
    tpu.vector_store_idx %arg21[%add3A_357], %div3A_363 : memref<2048xf32, #tpu.memory_space<vmem>>[vector<16xi32>], vector<16xf32>,
    %sub3A_364 = arith.subf %gather3A_360, %get3A_46 : vector<16xf32>
    %div3A_365 = arith.divf %sub3A_364, %get3A_50 : vector<16xf32>
    tpu.vector_store_idx %arg22[%add3A_357], %div3A_365 : memref<2048xf32, #tpu.memory_space<vmem>>[vector<16xi32>], vector<16xf32>,
    %sub3A_366 = arith.subf %gather3A_361, %get3A_48 : vector<16xf32>
    %div3A_367 = arith.divf %sub3A_366, %get3A_50 : vector<16xf32>
    tpu.vector_store_idx %arg23[%add3A_357], %div3A_367 : memref<2048xf32, #tpu.memory_space<vmem>>[vector<16xi32>], vector<16xf32>,
    %add3A_368 = arith.constant 24 : i32
    %add3A_369 = vector.broadcast %add3A_368 : i32 to vector<16xi32>
    %add3A_370 = arith.addi %mul3A_56, %add3A_369 : vector<16xi32>
    %gather3A_371 = tpu.vector_load_idx %arg16[%add3A_370] : memref<2048xi32, #tpu.memory_space<vmem>>[vector<16xi32>], vector<16xi32>,
    %gather3A_372 = tpu.vector_load_idx %arg13[%gather3A_371] : memref<8192xf32, #tpu.memory_space<vmem>>[vector<16xi32>], vector<16xf32>,
    %gather3A_373 = tpu.vector_load_idx %arg14[%gather3A_371] : memref<8192xf32, #tpu.memory_space<vmem>>[vector<16xi32>], vector<16xf32>,
    %gather3A_374 = tpu.vector_load_idx %arg15[%gather3A_371] : memref<8192xf32, #tpu.memory_space<vmem>>[vector<16xi32>], vector<16xf32>,
    %sub3A_375 = arith.subf %gather3A_372, %get3A_44 : vector<16xf32>
    %div3A_376 = arith.divf %sub3A_375, %get3A_50 : vector<16xf32>
    tpu.vector_store_idx %arg21[%add3A_370], %div3A_376 : memref<2048xf32, #tpu.memory_space<vmem>>[vector<16xi32>], vector<16xf32>,
    %sub3A_377 = arith.subf %gather3A_373, %get3A_46 : vector<16xf32>
    %div3A_378 = arith.divf %sub3A_377, %get3A_50 : vector<16xf32>
    tpu.vector_store_idx %arg22[%add3A_370], %div3A_378 : memref<2048xf32, #tpu.memory_space<vmem>>[vector<16xi32>], vector<16xf32>,
    %sub3A_379 = arith.subf %gather3A_374, %get3A_48 : vector<16xf32>
    %div3A_380 = arith.divf %sub3A_379, %get3A_50 : vector<16xf32>
    tpu.vector_store_idx %arg23[%add3A_370], %div3A_380 : memref<2048xf32, #tpu.memory_space<vmem>>[vector<16xi32>], vector<16xf32>,
    %add3A_381 = arith.constant 25 : i32
    %add3A_382 = vector.broadcast %add3A_381 : i32 to vector<16xi32>
    %add3A_383 = arith.addi %mul3A_56, %add3A_382 : vector<16xi32>
    %gather3A_384 = tpu.vector_load_idx %arg16[%add3A_383] : memref<2048xi32, #tpu.memory_space<vmem>>[vector<16xi32>], vector<16xi32>,
    %gather3A_385 = tpu.vector_load_idx %arg13[%gather3A_384] : memref<8192xf32, #tpu.memory_space<vmem>>[vector<16xi32>], vector<16xf32>,
    %gather3A_386 = tpu.vector_load_idx %arg14[%gather3A_384] : memref<8192xf32, #tpu.memory_space<vmem>>[vector<16xi32>], vector<16xf32>,
    %gather3A_387 = tpu.vector_load_idx %arg15[%gather3A_384] : memref<8192xf32, #tpu.memory_space<vmem>>[vector<16xi32>], vector<16xf32>,
    %sub3A_388 = arith.subf %gather3A_385, %get3A_44 : vector<16xf32>
    %div3A_389 = arith.divf %sub3A_388, %get3A_50 : vector<16xf32>
    tpu.vector_store_idx %arg21[%add3A_383], %div3A_389 : memref<2048xf32, #tpu.memory_space<vmem>>[vector<16xi32>], vector<16xf32>,
    %sub3A_390 = arith.subf %gather3A_386, %get3A_46 : vector<16xf32>
    %div3A_391 = arith.divf %sub3A_390, %get3A_50 : vector<16xf32>
    tpu.vector_store_idx %arg22[%add3A_383], %div3A_391 : memref<2048xf32, #tpu.memory_space<vmem>>[vector<16xi32>], vector<16xf32>,
    %sub3A_392 = arith.subf %gather3A_387, %get3A_48 : vector<16xf32>
    %div3A_393 = arith.divf %sub3A_392, %get3A_50 : vector<16xf32>
    tpu.vector_store_idx %arg23[%add3A_383], %div3A_393 : memref<2048xf32, #tpu.memory_space<vmem>>[vector<16xi32>], vector<16xf32>,
    %add3A_394 = arith.constant 26 : i32
    %add3A_395 = vector.broadcast %add3A_394 : i32 to vector<16xi32>
    %add3A_396 = arith.addi %mul3A_56, %add3A_395 : vector<16xi32>
    %gather3A_397 = tpu.vector_load_idx %arg16[%add3A_396] : memref<2048xi32, #tpu.memory_space<vmem>>[vector<16xi32>], vector<16xi32>,
    %gather3A_398 = tpu.vector_load_idx %arg13[%gather3A_397] : memref<8192xf32, #tpu.memory_space<vmem>>[vector<16xi32>], vector<16xf32>,
    %gather3A_399 = tpu.vector_load_idx %arg14[%gather3A_397] : memref<8192xf32, #tpu.memory_space<vmem>>[vector<16xi32>], vector<16xf32>,
    %gather3A_400 = tpu.vector_load_idx %arg15[%gather3A_397] : memref<8192xf32, #tpu.memory_space<vmem>>[vector<16xi32>], vector<16xf32>,
    %sub3A_401 = arith.subf %gather3A_398, %get3A_44 : vector<16xf32>
    %div3A_402 = arith.divf %sub3A_401, %get3A_50 : vector<16xf32>
    tpu.vector_store_idx %arg21[%add3A_396], %div3A_402 : memref<2048xf32, #tpu.memory_space<vmem>>[vector<16xi32>], vector<16xf32>,
    %sub3A_403 = arith.subf %gather3A_399, %get3A_46 : vector<16xf32>
    %div3A_404 = arith.divf %sub3A_403, %get3A_50 : vector<16xf32>
    tpu.vector_store_idx %arg22[%add3A_396], %div3A_404 : memref<2048xf32, #tpu.memory_space<vmem>>[vector<16xi32>], vector<16xf32>,
    %sub3A_405 = arith.subf %gather3A_400, %get3A_48 : vector<16xf32>
    %div3A_406 = arith.divf %sub3A_405, %get3A_50 : vector<16xf32>
    tpu.vector_store_idx %arg23[%add3A_396], %div3A_406 : memref<2048xf32, #tpu.memory_space<vmem>>[vector<16xi32>], vector<16xf32>,
    %add3A_407 = arith.constant 27 : i32
    %add3A_408 = vector.broadcast %add3A_407 : i32 to vector<16xi32>
    %add3A_409 = arith.addi %mul3A_56, %add3A_408 : vector<16xi32>
    %gather3A_410 = tpu.vector_load_idx %arg16[%add3A_409] : memref<2048xi32, #tpu.memory_space<vmem>>[vector<16xi32>], vector<16xi32>,
    %gather3A_411 = tpu.vector_load_idx %arg13[%gather3A_410] : memref<8192xf32, #tpu.memory_space<vmem>>[vector<16xi32>], vector<16xf32>,
    %gather3A_412 = tpu.vector_load_idx %arg14[%gather3A_410] : memref<8192xf32, #tpu.memory_space<vmem>>[vector<16xi32>], vector<16xf32>,
    %gather3A_413 = tpu.vector_load_idx %arg15[%gather3A_410] : memref<8192xf32, #tpu.memory_space<vmem>>[vector<16xi32>], vector<16xf32>,
    %sub3A_414 = arith.subf %gather3A_411, %get3A_44 : vector<16xf32>
    %div3A_415 = arith.divf %sub3A_414, %get3A_50 : vector<16xf32>
    tpu.vector_store_idx %arg21[%add3A_409], %div3A_415 : memref<2048xf32, #tpu.memory_space<vmem>>[vector<16xi32>], vector<16xf32>,
    %sub3A_416 = arith.subf %gather3A_412, %get3A_46 : vector<16xf32>
    %div3A_417 = arith.divf %sub3A_416, %get3A_50 : vector<16xf32>
    tpu.vector_store_idx %arg22[%add3A_409], %div3A_417 : memref<2048xf32, #tpu.memory_space<vmem>>[vector<16xi32>], vector<16xf32>,
    %sub3A_418 = arith.subf %gather3A_413, %get3A_48 : vector<16xf32>
    %div3A_419 = arith.divf %sub3A_418, %get3A_50 : vector<16xf32>
    tpu.vector_store_idx %arg23[%add3A_409], %div3A_419 : memref<2048xf32, #tpu.memory_space<vmem>>[vector<16xi32>], vector<16xf32>,
    %add3A_420 = arith.constant 28 : i32
    %add3A_421 = vector.broadcast %add3A_420 : i32 to vector<16xi32>
    %add3A_422 = arith.addi %mul3A_56, %add3A_421 : vector<16xi32>
    %gather3A_423 = tpu.vector_load_idx %arg16[%add3A_422] : memref<2048xi32, #tpu.memory_space<vmem>>[vector<16xi32>], vector<16xi32>,
    %gather3A_424 = tpu.vector_load_idx %arg13[%gather3A_423] : memref<8192xf32, #tpu.memory_space<vmem>>[vector<16xi32>], vector<16xf32>,
    %gather3A_425 = tpu.vector_load_idx %arg14[%gather3A_423] : memref<8192xf32, #tpu.memory_space<vmem>>[vector<16xi32>], vector<16xf32>,
    %gather3A_426 = tpu.vector_load_idx %arg15[%gather3A_423] : memref<8192xf32, #tpu.memory_space<vmem>>[vector<16xi32>], vector<16xf32>,
    %sub3A_427 = arith.subf %gather3A_424, %get3A_44 : vector<16xf32>
    %div3A_428 = arith.divf %sub3A_427, %get3A_50 : vector<16xf32>
    tpu.vector_store_idx %arg21[%add3A_422], %div3A_428 : memref<2048xf32, #tpu.memory_space<vmem>>[vector<16xi32>], vector<16xf32>,
    %sub3A_429 = arith.subf %gather3A_425, %get3A_46 : vector<16xf32>
    %div3A_430 = arith.divf %sub3A_429, %get3A_50 : vector<16xf32>
    tpu.vector_store_idx %arg22[%add3A_422], %div3A_430 : memref<2048xf32, #tpu.memory_space<vmem>>[vector<16xi32>], vector<16xf32>,
    %sub3A_431 = arith.subf %gather3A_426, %get3A_48 : vector<16xf32>
    %div3A_432 = arith.divf %sub3A_431, %get3A_50 : vector<16xf32>
    tpu.vector_store_idx %arg23[%add3A_422], %div3A_432 : memref<2048xf32, #tpu.memory_space<vmem>>[vector<16xi32>], vector<16xf32>,
    %add3A_433 = arith.constant 29 : i32
    %add3A_434 = vector.broadcast %add3A_433 : i32 to vector<16xi32>
    %add3A_435 = arith.addi %mul3A_56, %add3A_434 : vector<16xi32>
    %gather3A_436 = tpu.vector_load_idx %arg16[%add3A_435] : memref<2048xi32, #tpu.memory_space<vmem>>[vector<16xi32>], vector<16xi32>,
    %gather3A_437 = tpu.vector_load_idx %arg13[%gather3A_436] : memref<8192xf32, #tpu.memory_space<vmem>>[vector<16xi32>], vector<16xf32>,
    %gather3A_438 = tpu.vector_load_idx %arg14[%gather3A_436] : memref<8192xf32, #tpu.memory_space<vmem>>[vector<16xi32>], vector<16xf32>,
    %gather3A_439 = tpu.vector_load_idx %arg15[%gather3A_436] : memref<8192xf32, #tpu.memory_space<vmem>>[vector<16xi32>], vector<16xf32>,
    %sub3A_440 = arith.subf %gather3A_437, %get3A_44 : vector<16xf32>
    %div3A_441 = arith.divf %sub3A_440, %get3A_50 : vector<16xf32>
    tpu.vector_store_idx %arg21[%add3A_435], %div3A_441 : memref<2048xf32, #tpu.memory_space<vmem>>[vector<16xi32>], vector<16xf32>,
    %sub3A_442 = arith.subf %gather3A_438, %get3A_46 : vector<16xf32>
    %div3A_443 = arith.divf %sub3A_442, %get3A_50 : vector<16xf32>
    tpu.vector_store_idx %arg22[%add3A_435], %div3A_443 : memref<2048xf32, #tpu.memory_space<vmem>>[vector<16xi32>], vector<16xf32>,
    %sub3A_444 = arith.subf %gather3A_439, %get3A_48 : vector<16xf32>
    %div3A_445 = arith.divf %sub3A_444, %get3A_50 : vector<16xf32>
    tpu.vector_store_idx %arg23[%add3A_435], %div3A_445 : memref<2048xf32, #tpu.memory_space<vmem>>[vector<16xi32>], vector<16xf32>,
    %add3A_446 = arith.constant 30 : i32
    %add3A_447 = vector.broadcast %add3A_446 : i32 to vector<16xi32>
    %add3A_448 = arith.addi %mul3A_56, %add3A_447 : vector<16xi32>
    %gather3A_449 = tpu.vector_load_idx %arg16[%add3A_448] : memref<2048xi32, #tpu.memory_space<vmem>>[vector<16xi32>], vector<16xi32>,
    %gather3A_450 = tpu.vector_load_idx %arg13[%gather3A_449] : memref<8192xf32, #tpu.memory_space<vmem>>[vector<16xi32>], vector<16xf32>,
    %gather3A_451 = tpu.vector_load_idx %arg14[%gather3A_449] : memref<8192xf32, #tpu.memory_space<vmem>>[vector<16xi32>], vector<16xf32>,
    %gather3A_452 = tpu.vector_load_idx %arg15[%gather3A_449] : memref<8192xf32, #tpu.memory_space<vmem>>[vector<16xi32>], vector<16xf32>,
    %sub3A_453 = arith.subf %gather3A_450, %get3A_44 : vector<16xf32>
    %div3A_454 = arith.divf %sub3A_453, %get3A_50 : vector<16xf32>
    tpu.vector_store_idx %arg21[%add3A_448], %div3A_454 : memref<2048xf32, #tpu.memory_space<vmem>>[vector<16xi32>], vector<16xf32>,
    %sub3A_455 = arith.subf %gather3A_451, %get3A_46 : vector<16xf32>
    %div3A_456 = arith.divf %sub3A_455, %get3A_50 : vector<16xf32>
    tpu.vector_store_idx %arg22[%add3A_448], %div3A_456 : memref<2048xf32, #tpu.memory_space<vmem>>[vector<16xi32>], vector<16xf32>,
    %sub3A_457 = arith.subf %gather3A_452, %get3A_48 : vector<16xf32>
    %div3A_458 = arith.divf %sub3A_457, %get3A_50 : vector<16xf32>
    tpu.vector_store_idx %arg23[%add3A_448], %div3A_458 : memref<2048xf32, #tpu.memory_space<vmem>>[vector<16xi32>], vector<16xf32>,
    %add3A_459 = arith.constant 31 : i32
    %add3A_460 = vector.broadcast %add3A_459 : i32 to vector<16xi32>
    %add3A_461 = arith.addi %mul3A_56, %add3A_460 : vector<16xi32>
    %gather3A_462 = tpu.vector_load_idx %arg16[%add3A_461] : memref<2048xi32, #tpu.memory_space<vmem>>[vector<16xi32>], vector<16xi32>,
    %gather3A_463 = tpu.vector_load_idx %arg13[%gather3A_462] : memref<8192xf32, #tpu.memory_space<vmem>>[vector<16xi32>], vector<16xf32>,
    %gather3A_464 = tpu.vector_load_idx %arg14[%gather3A_462] : memref<8192xf32, #tpu.memory_space<vmem>>[vector<16xi32>], vector<16xf32>,
    %gather3A_465 = tpu.vector_load_idx %arg15[%gather3A_462] : memref<8192xf32, #tpu.memory_space<vmem>>[vector<16xi32>], vector<16xf32>,
    %sub3A_466 = arith.subf %gather3A_463, %get3A_44 : vector<16xf32>
    %div3A_467 = arith.divf %sub3A_466, %get3A_50 : vector<16xf32>
    tpu.vector_store_idx %arg21[%add3A_461], %div3A_467 : memref<2048xf32, #tpu.memory_space<vmem>>[vector<16xi32>], vector<16xf32>,
    %sub3A_468 = arith.subf %gather3A_464, %get3A_46 : vector<16xf32>
    %div3A_469 = arith.divf %sub3A_468, %get3A_50 : vector<16xf32>
    tpu.vector_store_idx %arg22[%add3A_461], %div3A_469 : memref<2048xf32, #tpu.memory_space<vmem>>[vector<16xi32>], vector<16xf32>,
    %sub3A_470 = arith.subf %gather3A_465, %get3A_48 : vector<16xf32>
    %div3A_471 = arith.divf %sub3A_470, %get3A_50 : vector<16xf32>
    tpu.vector_store_idx %arg23[%add3A_461], %div3A_471 : memref<2048xf32, #tpu.memory_space<vmem>>[vector<16xi32>], vector<16xf32>,
    %get3A_472 = arith.constant 16 : index
    %get3A_473 = tpu.vector_load %arg18[%get3A_472] {strides = array<i32>} : memref<64xf32, #tpu.memory_space<vmem>>, vector<16xf32>,
    %get3A_474 = arith.constant 16 : index
    %get3A_475 = tpu.vector_load %arg19[%get3A_474] {strides = array<i32>} : memref<64xf32, #tpu.memory_space<vmem>>, vector<16xf32>,
    %get3A_476 = arith.constant 16 : index
    %get3A_477 = tpu.vector_load %arg20[%get3A_476] {strides = array<i32>} : memref<64xf32, #tpu.memory_space<vmem>>, vector<16xf32>,
    %get3A_478 = arith.constant 16 : index
    %get3A_479 = tpu.vector_load %arg17[%get3A_478] {strides = array<i32>} : memref<64xf32, #tpu.memory_space<vmem>>, vector<16xf32>,
    %add3A_480 = arith.constant 16 : i32
    %add3A_481 = vector.broadcast %add3A_480 : i32 to vector<16xi32>
    %add3A_482 = arith.addi %iota3A, %add3A_481 : vector<16xi32>
    %mul3A_483 = arith.constant 32 : i32
    %mul3A_484 = vector.broadcast %mul3A_483 : i32 to vector<16xi32>
    %mul3A_485 = arith.muli %add3A_482, %mul3A_484 : vector<16xi32>
    %add3A_486 = arith.constant 0 : i32
    %add3A_487 = vector.broadcast %add3A_486 : i32 to vector<16xi32>
    %add3A_488 = arith.addi %mul3A_485, %add3A_487 : vector<16xi32>
    %gather3A_489 = tpu.vector_load_idx %arg16[%add3A_488] : memref<2048xi32, #tpu.memory_space<vmem>>[vector<16xi32>], vector<16xi32>,
    %gather3A_490 = tpu.vector_load_idx %arg13[%gather3A_489] : memref<8192xf32, #tpu.memory_space<vmem>>[vector<16xi32>], vector<16xf32>,
    %gather3A_491 = tpu.vector_load_idx %arg14[%gather3A_489] : memref<8192xf32, #tpu.memory_space<vmem>>[vector<16xi32>], vector<16xf32>,
    %gather3A_492 = tpu.vector_load_idx %arg15[%gather3A_489] : memref<8192xf32, #tpu.memory_space<vmem>>[vector<16xi32>], vector<16xf32>,
    %sub3A_493 = arith.subf %gather3A_490, %get3A_473 : vector<16xf32>
    %div3A_494 = arith.divf %sub3A_493, %get3A_479 : vector<16xf32>
    tpu.vector_store_idx %arg21[%add3A_488], %div3A_494 : memref<2048xf32, #tpu.memory_space<vmem>>[vector<16xi32>], vector<16xf32>,
    %sub3A_495 = arith.subf %gather3A_491, %get3A_475 : vector<16xf32>
    %div3A_496 = arith.divf %sub3A_495, %get3A_479 : vector<16xf32>
    tpu.vector_store_idx %arg22[%add3A_488], %div3A_496 : memref<2048xf32, #tpu.memory_space<vmem>>[vector<16xi32>], vector<16xf32>,
    %sub3A_497 = arith.subf %gather3A_492, %get3A_477 : vector<16xf32>
    %div3A_498 = arith.divf %sub3A_497, %get3A_479 : vector<16xf32>
    tpu.vector_store_idx %arg23[%add3A_488], %div3A_498 : memref<2048xf32, #tpu.memory_space<vmem>>[vector<16xi32>], vector<16xf32>,
    %add3A_499 = arith.constant 1 : i32
    %add3A_500 = vector.broadcast %add3A_499 : i32 to vector<16xi32>
    %add3A_501 = arith.addi %mul3A_485, %add3A_500 : vector<16xi32>
    %gather3A_502 = tpu.vector_load_idx %arg16[%add3A_501] : memref<2048xi32, #tpu.memory_space<vmem>>[vector<16xi32>], vector<16xi32>,
    %gather3A_503 = tpu.vector_load_idx %arg13[%gather3A_502] : memref<8192xf32, #tpu.memory_space<vmem>>[vector<16xi32>], vector<16xf32>,
    %gather3A_504 = tpu.vector_load_idx %arg14[%gather3A_502] : memref<8192xf32, #tpu.memory_space<vmem>>[vector<16xi32>], vector<16xf32>,
    %gather3A_505 = tpu.vector_load_idx %arg15[%gather3A_502] : memref<8192xf32, #tpu.memory_space<vmem>>[vector<16xi32>], vector<16xf32>,
    %sub3A_506 = arith.subf %gather3A_503, %get3A_473 : vector<16xf32>
    %div3A_507 = arith.divf %sub3A_506, %get3A_479 : vector<16xf32>
    tpu.vector_store_idx %arg21[%add3A_501], %div3A_507 : memref<2048xf32, #tpu.memory_space<vmem>>[vector<16xi32>], vector<16xf32>,
    %sub3A_508 = arith.subf %gather3A_504, %get3A_475 : vector<16xf32>
    %div3A_509 = arith.divf %sub3A_508, %get3A_479 : vector<16xf32>
    tpu.vector_store_idx %arg22[%add3A_501], %div3A_509 : memref<2048xf32, #tpu.memory_space<vmem>>[vector<16xi32>], vector<16xf32>,
    %sub3A_510 = arith.subf %gather3A_505, %get3A_477 : vector<16xf32>
    %div3A_511 = arith.divf %sub3A_510, %get3A_479 : vector<16xf32>
    tpu.vector_store_idx %arg23[%add3A_501], %div3A_511 : memref<2048xf32, #tpu.memory_space<vmem>>[vector<16xi32>], vector<16xf32>,
    %add3A_512 = arith.constant 2 : i32
    %add3A_513 = vector.broadcast %add3A_512 : i32 to vector<16xi32>
    %add3A_514 = arith.addi %mul3A_485, %add3A_513 : vector<16xi32>
    %gather3A_515 = tpu.vector_load_idx %arg16[%add3A_514] : memref<2048xi32, #tpu.memory_space<vmem>>[vector<16xi32>], vector<16xi32>,
    %gather3A_516 = tpu.vector_load_idx %arg13[%gather3A_515] : memref<8192xf32, #tpu.memory_space<vmem>>[vector<16xi32>], vector<16xf32>,
    %gather3A_517 = tpu.vector_load_idx %arg14[%gather3A_515] : memref<8192xf32, #tpu.memory_space<vmem>>[vector<16xi32>], vector<16xf32>,
    %gather3A_518 = tpu.vector_load_idx %arg15[%gather3A_515] : memref<8192xf32, #tpu.memory_space<vmem>>[vector<16xi32>], vector<16xf32>,
    %sub3A_519 = arith.subf %gather3A_516, %get3A_473 : vector<16xf32>
    %div3A_520 = arith.divf %sub3A_519, %get3A_479 : vector<16xf32>
    tpu.vector_store_idx %arg21[%add3A_514], %div3A_520 : memref<2048xf32, #tpu.memory_space<vmem>>[vector<16xi32>], vector<16xf32>,
    %sub3A_521 = arith.subf %gather3A_517, %get3A_475 : vector<16xf32>
    %div3A_522 = arith.divf %sub3A_521, %get3A_479 : vector<16xf32>
    tpu.vector_store_idx %arg22[%add3A_514], %div3A_522 : memref<2048xf32, #tpu.memory_space<vmem>>[vector<16xi32>], vector<16xf32>,
    %sub3A_523 = arith.subf %gather3A_518, %get3A_477 : vector<16xf32>
    %div3A_524 = arith.divf %sub3A_523, %get3A_479 : vector<16xf32>
    tpu.vector_store_idx %arg23[%add3A_514], %div3A_524 : memref<2048xf32, #tpu.memory_space<vmem>>[vector<16xi32>], vector<16xf32>,
    %add3A_525 = arith.constant 3 : i32
    %add3A_526 = vector.broadcast %add3A_525 : i32 to vector<16xi32>
    %add3A_527 = arith.addi %mul3A_485, %add3A_526 : vector<16xi32>
    %gather3A_528 = tpu.vector_load_idx %arg16[%add3A_527] : memref<2048xi32, #tpu.memory_space<vmem>>[vector<16xi32>], vector<16xi32>,
    %gather3A_529 = tpu.vector_load_idx %arg13[%gather3A_528] : memref<8192xf32, #tpu.memory_space<vmem>>[vector<16xi32>], vector<16xf32>,
    %gather3A_530 = tpu.vector_load_idx %arg14[%gather3A_528] : memref<8192xf32, #tpu.memory_space<vmem>>[vector<16xi32>], vector<16xf32>,
    %gather3A_531 = tpu.vector_load_idx %arg15[%gather3A_528] : memref<8192xf32, #tpu.memory_space<vmem>>[vector<16xi32>], vector<16xf32>,
    %sub3A_532 = arith.subf %gather3A_529, %get3A_473 : vector<16xf32>
    %div3A_533 = arith.divf %sub3A_532, %get3A_479 : vector<16xf32>
    tpu.vector_store_idx %arg21[%add3A_527], %div3A_533 : memref<2048xf32, #tpu.memory_space<vmem>>[vector<16xi32>], vector<16xf32>,
    %sub3A_534 = arith.subf %gather3A_530, %get3A_475 : vector<16xf32>
    %div3A_535 = arith.divf %sub3A_534, %get3A_479 : vector<16xf32>
    tpu.vector_store_idx %arg22[%add3A_527], %div3A_535 : memref<2048xf32, #tpu.memory_space<vmem>>[vector<16xi32>], vector<16xf32>,
    %sub3A_536 = arith.subf %gather3A_531, %get3A_477 : vector<16xf32>
    %div3A_537 = arith.divf %sub3A_536, %get3A_479 : vector<16xf32>
    tpu.vector_store_idx %arg23[%add3A_527], %div3A_537 : memref<2048xf32, #tpu.memory_space<vmem>>[vector<16xi32>], vector<16xf32>,
    %add3A_538 = arith.constant 4 : i32
    %add3A_539 = vector.broadcast %add3A_538 : i32 to vector<16xi32>
    %add3A_540 = arith.addi %mul3A_485, %add3A_539 : vector<16xi32>
    %gather3A_541 = tpu.vector_load_idx %arg16[%add3A_540] : memref<2048xi32, #tpu.memory_space<vmem>>[vector<16xi32>], vector<16xi32>,
    %gather3A_542 = tpu.vector_load_idx %arg13[%gather3A_541] : memref<8192xf32, #tpu.memory_space<vmem>>[vector<16xi32>], vector<16xf32>,
    %gather3A_543 = tpu.vector_load_idx %arg14[%gather3A_541] : memref<8192xf32, #tpu.memory_space<vmem>>[vector<16xi32>], vector<16xf32>,
    %gather3A_544 = tpu.vector_load_idx %arg15[%gather3A_541] : memref<8192xf32, #tpu.memory_space<vmem>>[vector<16xi32>], vector<16xf32>,
    %sub3A_545 = arith.subf %gather3A_542, %get3A_473 : vector<16xf32>
    %div3A_546 = arith.divf %sub3A_545, %get3A_479 : vector<16xf32>
    tpu.vector_store_idx %arg21[%add3A_540], %div3A_546 : memref<2048xf32, #tpu.memory_space<vmem>>[vector<16xi32>], vector<16xf32>,
    %sub3A_547 = arith.subf %gather3A_543, %get3A_475 : vector<16xf32>
    %div3A_548 = arith.divf %sub3A_547, %get3A_479 : vector<16xf32>
    tpu.vector_store_idx %arg22[%add3A_540], %div3A_548 : memref<2048xf32, #tpu.memory_space<vmem>>[vector<16xi32>], vector<16xf32>,
    %sub3A_549 = arith.subf %gather3A_544, %get3A_477 : vector<16xf32>
    %div3A_550 = arith.divf %sub3A_549, %get3A_479 : vector<16xf32>
    tpu.vector_store_idx %arg23[%add3A_540], %div3A_550 : memref<2048xf32, #tpu.memory_space<vmem>>[vector<16xi32>], vector<16xf32>,
    %add3A_551 = arith.constant 5 : i32
    %add3A_552 = vector.broadcast %add3A_551 : i32 to vector<16xi32>
    %add3A_553 = arith.addi %mul3A_485, %add3A_552 : vector<16xi32>
    %gather3A_554 = tpu.vector_load_idx %arg16[%add3A_553] : memref<2048xi32, #tpu.memory_space<vmem>>[vector<16xi32>], vector<16xi32>,
    %gather3A_555 = tpu.vector_load_idx %arg13[%gather3A_554] : memref<8192xf32, #tpu.memory_space<vmem>>[vector<16xi32>], vector<16xf32>,
    %gather3A_556 = tpu.vector_load_idx %arg14[%gather3A_554] : memref<8192xf32, #tpu.memory_space<vmem>>[vector<16xi32>], vector<16xf32>,
    %gather3A_557 = tpu.vector_load_idx %arg15[%gather3A_554] : memref<8192xf32, #tpu.memory_space<vmem>>[vector<16xi32>], vector<16xf32>,
    %sub3A_558 = arith.subf %gather3A_555, %get3A_473 : vector<16xf32>
    %div3A_559 = arith.divf %sub3A_558, %get3A_479 : vector<16xf32>
    tpu.vector_store_idx %arg21[%add3A_553], %div3A_559 : memref<2048xf32, #tpu.memory_space<vmem>>[vector<16xi32>], vector<16xf32>,
    %sub3A_560 = arith.subf %gather3A_556, %get3A_475 : vector<16xf32>
    %div3A_561 = arith.divf %sub3A_560, %get3A_479 : vector<16xf32>
    tpu.vector_store_idx %arg22[%add3A_553], %div3A_561 : memref<2048xf32, #tpu.memory_space<vmem>>[vector<16xi32>], vector<16xf32>,
    %sub3A_562 = arith.subf %gather3A_557, %get3A_477 : vector<16xf32>
    %div3A_563 = arith.divf %sub3A_562, %get3A_479 : vector<16xf32>
    tpu.vector_store_idx %arg23[%add3A_553], %div3A_563 : memref<2048xf32, #tpu.memory_space<vmem>>[vector<16xi32>], vector<16xf32>,
    %add3A_564 = arith.constant 6 : i32
    %add3A_565 = vector.broadcast %add3A_564 : i32 to vector<16xi32>
    %add3A_566 = arith.addi %mul3A_485, %add3A_565 : vector<16xi32>
    %gather3A_567 = tpu.vector_load_idx %arg16[%add3A_566] : memref<2048xi32, #tpu.memory_space<vmem>>[vector<16xi32>], vector<16xi32>,
    %gather3A_568 = tpu.vector_load_idx %arg13[%gather3A_567] : memref<8192xf32, #tpu.memory_space<vmem>>[vector<16xi32>], vector<16xf32>,
    %gather3A_569 = tpu.vector_load_idx %arg14[%gather3A_567] : memref<8192xf32, #tpu.memory_space<vmem>>[vector<16xi32>], vector<16xf32>,
    %gather3A_570 = tpu.vector_load_idx %arg15[%gather3A_567] : memref<8192xf32, #tpu.memory_space<vmem>>[vector<16xi32>], vector<16xf32>,
    %sub3A_571 = arith.subf %gather3A_568, %get3A_473 : vector<16xf32>
    %div3A_572 = arith.divf %sub3A_571, %get3A_479 : vector<16xf32>
    tpu.vector_store_idx %arg21[%add3A_566], %div3A_572 : memref<2048xf32, #tpu.memory_space<vmem>>[vector<16xi32>], vector<16xf32>,
    %sub3A_573 = arith.subf %gather3A_569, %get3A_475 : vector<16xf32>
    %div3A_574 = arith.divf %sub3A_573, %get3A_479 : vector<16xf32>
    tpu.vector_store_idx %arg22[%add3A_566], %div3A_574 : memref<2048xf32, #tpu.memory_space<vmem>>[vector<16xi32>], vector<16xf32>,
    %sub3A_575 = arith.subf %gather3A_570, %get3A_477 : vector<16xf32>
    %div3A_576 = arith.divf %sub3A_575, %get3A_479 : vector<16xf32>
    tpu.vector_store_idx %arg23[%add3A_566], %div3A_576 : memref<2048xf32, #tpu.memory_space<vmem>>[vector<16xi32>], vector<16xf32>,
    %add3A_577 = arith.constant 7 : i32
    %add3A_578 = vector.broadcast %add3A_577 : i32 to vector<16xi32>
    %add3A_579 = arith.addi %mul3A_485, %add3A_578 : vector<16xi32>
    %gather3A_580 = tpu.vector_load_idx %arg16[%add3A_579] : memref<2048xi32, #tpu.memory_space<vmem>>[vector<16xi32>], vector<16xi32>,
    %gather3A_581 = tpu.vector_load_idx %arg13[%gather3A_580] : memref<8192xf32, #tpu.memory_space<vmem>>[vector<16xi32>], vector<16xf32>,
    %gather3A_582 = tpu.vector_load_idx %arg14[%gather3A_580] : memref<8192xf32, #tpu.memory_space<vmem>>[vector<16xi32>], vector<16xf32>,
    %gather3A_583 = tpu.vector_load_idx %arg15[%gather3A_580] : memref<8192xf32, #tpu.memory_space<vmem>>[vector<16xi32>], vector<16xf32>,
    %sub3A_584 = arith.subf %gather3A_581, %get3A_473 : vector<16xf32>
    %div3A_585 = arith.divf %sub3A_584, %get3A_479 : vector<16xf32>
    tpu.vector_store_idx %arg21[%add3A_579], %div3A_585 : memref<2048xf32, #tpu.memory_space<vmem>>[vector<16xi32>], vector<16xf32>,
    %sub3A_586 = arith.subf %gather3A_582, %get3A_475 : vector<16xf32>
    %div3A_587 = arith.divf %sub3A_586, %get3A_479 : vector<16xf32>
    tpu.vector_store_idx %arg22[%add3A_579], %div3A_587 : memref<2048xf32, #tpu.memory_space<vmem>>[vector<16xi32>], vector<16xf32>,
    %sub3A_588 = arith.subf %gather3A_583, %get3A_477 : vector<16xf32>
    %div3A_589 = arith.divf %sub3A_588, %get3A_479 : vector<16xf32>
    tpu.vector_store_idx %arg23[%add3A_579], %div3A_589 : memref<2048xf32, #tpu.memory_space<vmem>>[vector<16xi32>], vector<16xf32>,
    %add3A_590 = arith.constant 8 : i32
    %add3A_591 = vector.broadcast %add3A_590 : i32 to vector<16xi32>
    %add3A_592 = arith.addi %mul3A_485, %add3A_591 : vector<16xi32>
    %gather3A_593 = tpu.vector_load_idx %arg16[%add3A_592] : memref<2048xi32, #tpu.memory_space<vmem>>[vector<16xi32>], vector<16xi32>,
    %gather3A_594 = tpu.vector_load_idx %arg13[%gather3A_593] : memref<8192xf32, #tpu.memory_space<vmem>>[vector<16xi32>], vector<16xf32>,
    %gather3A_595 = tpu.vector_load_idx %arg14[%gather3A_593] : memref<8192xf32, #tpu.memory_space<vmem>>[vector<16xi32>], vector<16xf32>,
    %gather3A_596 = tpu.vector_load_idx %arg15[%gather3A_593] : memref<8192xf32, #tpu.memory_space<vmem>>[vector<16xi32>], vector<16xf32>,
    %sub3A_597 = arith.subf %gather3A_594, %get3A_473 : vector<16xf32>
    %div3A_598 = arith.divf %sub3A_597, %get3A_479 : vector<16xf32>
    tpu.vector_store_idx %arg21[%add3A_592], %div3A_598 : memref<2048xf32, #tpu.memory_space<vmem>>[vector<16xi32>], vector<16xf32>,
    %sub3A_599 = arith.subf %gather3A_595, %get3A_475 : vector<16xf32>
    %div3A_600 = arith.divf %sub3A_599, %get3A_479 : vector<16xf32>
    tpu.vector_store_idx %arg22[%add3A_592], %div3A_600 : memref<2048xf32, #tpu.memory_space<vmem>>[vector<16xi32>], vector<16xf32>,
    %sub3A_601 = arith.subf %gather3A_596, %get3A_477 : vector<16xf32>
    %div3A_602 = arith.divf %sub3A_601, %get3A_479 : vector<16xf32>
    tpu.vector_store_idx %arg23[%add3A_592], %div3A_602 : memref<2048xf32, #tpu.memory_space<vmem>>[vector<16xi32>], vector<16xf32>,
    %add3A_603 = arith.constant 9 : i32
    %add3A_604 = vector.broadcast %add3A_603 : i32 to vector<16xi32>
    %add3A_605 = arith.addi %mul3A_485, %add3A_604 : vector<16xi32>
    %gather3A_606 = tpu.vector_load_idx %arg16[%add3A_605] : memref<2048xi32, #tpu.memory_space<vmem>>[vector<16xi32>], vector<16xi32>,
    %gather3A_607 = tpu.vector_load_idx %arg13[%gather3A_606] : memref<8192xf32, #tpu.memory_space<vmem>>[vector<16xi32>], vector<16xf32>,
    %gather3A_608 = tpu.vector_load_idx %arg14[%gather3A_606] : memref<8192xf32, #tpu.memory_space<vmem>>[vector<16xi32>], vector<16xf32>,
    %gather3A_609 = tpu.vector_load_idx %arg15[%gather3A_606] : memref<8192xf32, #tpu.memory_space<vmem>>[vector<16xi32>], vector<16xf32>,
    %sub3A_610 = arith.subf %gather3A_607, %get3A_473 : vector<16xf32>
    %div3A_611 = arith.divf %sub3A_610, %get3A_479 : vector<16xf32>
    tpu.vector_store_idx %arg21[%add3A_605], %div3A_611 : memref<2048xf32, #tpu.memory_space<vmem>>[vector<16xi32>], vector<16xf32>,
    %sub3A_612 = arith.subf %gather3A_608, %get3A_475 : vector<16xf32>
    %div3A_613 = arith.divf %sub3A_612, %get3A_479 : vector<16xf32>
    tpu.vector_store_idx %arg22[%add3A_605], %div3A_613 : memref<2048xf32, #tpu.memory_space<vmem>>[vector<16xi32>], vector<16xf32>,
    %sub3A_614 = arith.subf %gather3A_609, %get3A_477 : vector<16xf32>
    %div3A_615 = arith.divf %sub3A_614, %get3A_479 : vector<16xf32>
    tpu.vector_store_idx %arg23[%add3A_605], %div3A_615 : memref<2048xf32, #tpu.memory_space<vmem>>[vector<16xi32>], vector<16xf32>,
    %add3A_616 = arith.constant 10 : i32
    %add3A_617 = vector.broadcast %add3A_616 : i32 to vector<16xi32>
    %add3A_618 = arith.addi %mul3A_485, %add3A_617 : vector<16xi32>
    %gather3A_619 = tpu.vector_load_idx %arg16[%add3A_618] : memref<2048xi32, #tpu.memory_space<vmem>>[vector<16xi32>], vector<16xi32>,
    %gather3A_620 = tpu.vector_load_idx %arg13[%gather3A_619] : memref<8192xf32, #tpu.memory_space<vmem>>[vector<16xi32>], vector<16xf32>,
    %gather3A_621 = tpu.vector_load_idx %arg14[%gather3A_619] : memref<8192xf32, #tpu.memory_space<vmem>>[vector<16xi32>], vector<16xf32>,
    %gather3A_622 = tpu.vector_load_idx %arg15[%gather3A_619] : memref<8192xf32, #tpu.memory_space<vmem>>[vector<16xi32>], vector<16xf32>,
    %sub3A_623 = arith.subf %gather3A_620, %get3A_473 : vector<16xf32>
    %div3A_624 = arith.divf %sub3A_623, %get3A_479 : vector<16xf32>
    tpu.vector_store_idx %arg21[%add3A_618], %div3A_624 : memref<2048xf32, #tpu.memory_space<vmem>>[vector<16xi32>], vector<16xf32>,
    %sub3A_625 = arith.subf %gather3A_621, %get3A_475 : vector<16xf32>
    %div3A_626 = arith.divf %sub3A_625, %get3A_479 : vector<16xf32>
    tpu.vector_store_idx %arg22[%add3A_618], %div3A_626 : memref<2048xf32, #tpu.memory_space<vmem>>[vector<16xi32>], vector<16xf32>,
    %sub3A_627 = arith.subf %gather3A_622, %get3A_477 : vector<16xf32>
    %div3A_628 = arith.divf %sub3A_627, %get3A_479 : vector<16xf32>
    tpu.vector_store_idx %arg23[%add3A_618], %div3A_628 : memref<2048xf32, #tpu.memory_space<vmem>>[vector<16xi32>], vector<16xf32>,
    %add3A_629 = arith.constant 11 : i32
    %add3A_630 = vector.broadcast %add3A_629 : i32 to vector<16xi32>
    %add3A_631 = arith.addi %mul3A_485, %add3A_630 : vector<16xi32>
    %gather3A_632 = tpu.vector_load_idx %arg16[%add3A_631] : memref<2048xi32, #tpu.memory_space<vmem>>[vector<16xi32>], vector<16xi32>,
    %gather3A_633 = tpu.vector_load_idx %arg13[%gather3A_632] : memref<8192xf32, #tpu.memory_space<vmem>>[vector<16xi32>], vector<16xf32>,
    %gather3A_634 = tpu.vector_load_idx %arg14[%gather3A_632] : memref<8192xf32, #tpu.memory_space<vmem>>[vector<16xi32>], vector<16xf32>,
    %gather3A_635 = tpu.vector_load_idx %arg15[%gather3A_632] : memref<8192xf32, #tpu.memory_space<vmem>>[vector<16xi32>], vector<16xf32>,
    %sub3A_636 = arith.subf %gather3A_633, %get3A_473 : vector<16xf32>
    %div3A_637 = arith.divf %sub3A_636, %get3A_479 : vector<16xf32>
    tpu.vector_store_idx %arg21[%add3A_631], %div3A_637 : memref<2048xf32, #tpu.memory_space<vmem>>[vector<16xi32>], vector<16xf32>,
    %sub3A_638 = arith.subf %gather3A_634, %get3A_475 : vector<16xf32>
    %div3A_639 = arith.divf %sub3A_638, %get3A_479 : vector<16xf32>
    tpu.vector_store_idx %arg22[%add3A_631], %div3A_639 : memref<2048xf32, #tpu.memory_space<vmem>>[vector<16xi32>], vector<16xf32>,
    %sub3A_640 = arith.subf %gather3A_635, %get3A_477 : vector<16xf32>
    %div3A_641 = arith.divf %sub3A_640, %get3A_479 : vector<16xf32>
    tpu.vector_store_idx %arg23[%add3A_631], %div3A_641 : memref<2048xf32, #tpu.memory_space<vmem>>[vector<16xi32>], vector<16xf32>,
    %add3A_642 = arith.constant 12 : i32
    %add3A_643 = vector.broadcast %add3A_642 : i32 to vector<16xi32>
    %add3A_644 = arith.addi %mul3A_485, %add3A_643 : vector<16xi32>
    %gather3A_645 = tpu.vector_load_idx %arg16[%add3A_644] : memref<2048xi32, #tpu.memory_space<vmem>>[vector<16xi32>], vector<16xi32>,
    %gather3A_646 = tpu.vector_load_idx %arg13[%gather3A_645] : memref<8192xf32, #tpu.memory_space<vmem>>[vector<16xi32>], vector<16xf32>,
    %gather3A_647 = tpu.vector_load_idx %arg14[%gather3A_645] : memref<8192xf32, #tpu.memory_space<vmem>>[vector<16xi32>], vector<16xf32>,
    %gather3A_648 = tpu.vector_load_idx %arg15[%gather3A_645] : memref<8192xf32, #tpu.memory_space<vmem>>[vector<16xi32>], vector<16xf32>,
    %sub3A_649 = arith.subf %gather3A_646, %get3A_473 : vector<16xf32>
    %div3A_650 = arith.divf %sub3A_649, %get3A_479 : vector<16xf32>
    tpu.vector_store_idx %arg21[%add3A_644], %div3A_650 : memref<2048xf32, #tpu.memory_space<vmem>>[vector<16xi32>], vector<16xf32>,
    %sub3A_651 = arith.subf %gather3A_647, %get3A_475 : vector<16xf32>
    %div3A_652 = arith.divf %sub3A_651, %get3A_479 : vector<16xf32>
    tpu.vector_store_idx %arg22[%add3A_644], %div3A_652 : memref<2048xf32, #tpu.memory_space<vmem>>[vector<16xi32>], vector<16xf32>,
    %sub3A_653 = arith.subf %gather3A_648, %get3A_477 : vector<16xf32>
    %div3A_654 = arith.divf %sub3A_653, %get3A_479 : vector<16xf32>
    tpu.vector_store_idx %arg23[%add3A_644], %div3A_654 : memref<2048xf32, #tpu.memory_space<vmem>>[vector<16xi32>], vector<16xf32>,
    %add3A_655 = arith.constant 13 : i32
    %add3A_656 = vector.broadcast %add3A_655 : i32 to vector<16xi32>
    %add3A_657 = arith.addi %mul3A_485, %add3A_656 : vector<16xi32>
    %gather3A_658 = tpu.vector_load_idx %arg16[%add3A_657] : memref<2048xi32, #tpu.memory_space<vmem>>[vector<16xi32>], vector<16xi32>,
    %gather3A_659 = tpu.vector_load_idx %arg13[%gather3A_658] : memref<8192xf32, #tpu.memory_space<vmem>>[vector<16xi32>], vector<16xf32>,
    %gather3A_660 = tpu.vector_load_idx %arg14[%gather3A_658] : memref<8192xf32, #tpu.memory_space<vmem>>[vector<16xi32>], vector<16xf32>,
    %gather3A_661 = tpu.vector_load_idx %arg15[%gather3A_658] : memref<8192xf32, #tpu.memory_space<vmem>>[vector<16xi32>], vector<16xf32>,
    %sub3A_662 = arith.subf %gather3A_659, %get3A_473 : vector<16xf32>
    %div3A_663 = arith.divf %sub3A_662, %get3A_479 : vector<16xf32>
    tpu.vector_store_idx %arg21[%add3A_657], %div3A_663 : memref<2048xf32, #tpu.memory_space<vmem>>[vector<16xi32>], vector<16xf32>,
    %sub3A_664 = arith.subf %gather3A_660, %get3A_475 : vector<16xf32>
    %div3A_665 = arith.divf %sub3A_664, %get3A_479 : vector<16xf32>
    tpu.vector_store_idx %arg22[%add3A_657], %div3A_665 : memref<2048xf32, #tpu.memory_space<vmem>>[vector<16xi32>], vector<16xf32>,
    %sub3A_666 = arith.subf %gather3A_661, %get3A_477 : vector<16xf32>
    %div3A_667 = arith.divf %sub3A_666, %get3A_479 : vector<16xf32>
    tpu.vector_store_idx %arg23[%add3A_657], %div3A_667 : memref<2048xf32, #tpu.memory_space<vmem>>[vector<16xi32>], vector<16xf32>,
    %add3A_668 = arith.constant 14 : i32
    %add3A_669 = vector.broadcast %add3A_668 : i32 to vector<16xi32>
    %add3A_670 = arith.addi %mul3A_485, %add3A_669 : vector<16xi32>
    %gather3A_671 = tpu.vector_load_idx %arg16[%add3A_670] : memref<2048xi32, #tpu.memory_space<vmem>>[vector<16xi32>], vector<16xi32>,
    %gather3A_672 = tpu.vector_load_idx %arg13[%gather3A_671] : memref<8192xf32, #tpu.memory_space<vmem>>[vector<16xi32>], vector<16xf32>,
    %gather3A_673 = tpu.vector_load_idx %arg14[%gather3A_671] : memref<8192xf32, #tpu.memory_space<vmem>>[vector<16xi32>], vector<16xf32>,
    %gather3A_674 = tpu.vector_load_idx %arg15[%gather3A_671] : memref<8192xf32, #tpu.memory_space<vmem>>[vector<16xi32>], vector<16xf32>,
    %sub3A_675 = arith.subf %gather3A_672, %get3A_473 : vector<16xf32>
    %div3A_676 = arith.divf %sub3A_675, %get3A_479 : vector<16xf32>
    tpu.vector_store_idx %arg21[%add3A_670], %div3A_676 : memref<2048xf32, #tpu.memory_space<vmem>>[vector<16xi32>], vector<16xf32>,
    %sub3A_677 = arith.subf %gather3A_673, %get3A_475 : vector<16xf32>
    %div3A_678 = arith.divf %sub3A_677, %get3A_479 : vector<16xf32>
    tpu.vector_store_idx %arg22[%add3A_670], %div3A_678 : memref<2048xf32, #tpu.memory_space<vmem>>[vector<16xi32>], vector<16xf32>,
    %sub3A_679 = arith.subf %gather3A_674, %get3A_477 : vector<16xf32>
    %div3A_680 = arith.divf %sub3A_679, %get3A_479 : vector<16xf32>
    tpu.vector_store_idx %arg23[%add3A_670], %div3A_680 : memref<2048xf32, #tpu.memory_space<vmem>>[vector<16xi32>], vector<16xf32>,
    %add3A_681 = arith.constant 15 : i32
    %add3A_682 = vector.broadcast %add3A_681 : i32 to vector<16xi32>
    %add3A_683 = arith.addi %mul3A_485, %add3A_682 : vector<16xi32>
    %gather3A_684 = tpu.vector_load_idx %arg16[%add3A_683] : memref<2048xi32, #tpu.memory_space<vmem>>[vector<16xi32>], vector<16xi32>,
    %gather3A_685 = tpu.vector_load_idx %arg13[%gather3A_684] : memref<8192xf32, #tpu.memory_space<vmem>>[vector<16xi32>], vector<16xf32>,
    %gather3A_686 = tpu.vector_load_idx %arg14[%gather3A_684] : memref<8192xf32, #tpu.memory_space<vmem>>[vector<16xi32>], vector<16xf32>,
    %gather3A_687 = tpu.vector_load_idx %arg15[%gather3A_684] : memref<8192xf32, #tpu.memory_space<vmem>>[vector<16xi32>], vector<16xf32>,
    %sub3A_688 = arith.subf %gather3A_685, %get3A_473 : vector<16xf32>
    %div3A_689 = arith.divf %sub3A_688, %get3A_479 : vector<16xf32>
    tpu.vector_store_idx %arg21[%add3A_683], %div3A_689 : memref<2048xf32, #tpu.memory_space<vmem>>[vector<16xi32>], vector<16xf32>,
    %sub3A_690 = arith.subf %gather3A_686, %get3A_475 : vector<16xf32>
    %div3A_691 = arith.divf %sub3A_690, %get3A_479 : vector<16xf32>
    tpu.vector_store_idx %arg22[%add3A_683], %div3A_691 : memref<2048xf32, #tpu.memory_space<vmem>>[vector<16xi32>], vector<16xf32>,
    %sub3A_692 = arith.subf %gather3A_687, %get3A_477 : vector<16xf32>
    %div3A_693 = arith.divf %sub3A_692, %get3A_479 : vector<16xf32>
    tpu.vector_store_idx %arg23[%add3A_683], %div3A_693 : memref<2048xf32, #tpu.memory_space<vmem>>[vector<16xi32>], vector<16xf32>,
    %add3A_694 = arith.constant 16 : i32
    %add3A_695 = vector.broadcast %add3A_694 : i32 to vector<16xi32>
    %add3A_696 = arith.addi %mul3A_485, %add3A_695 : vector<16xi32>
    %gather3A_697 = tpu.vector_load_idx %arg16[%add3A_696] : memref<2048xi32, #tpu.memory_space<vmem>>[vector<16xi32>], vector<16xi32>,
    %gather3A_698 = tpu.vector_load_idx %arg13[%gather3A_697] : memref<8192xf32, #tpu.memory_space<vmem>>[vector<16xi32>], vector<16xf32>,
    %gather3A_699 = tpu.vector_load_idx %arg14[%gather3A_697] : memref<8192xf32, #tpu.memory_space<vmem>>[vector<16xi32>], vector<16xf32>,
    %gather3A_700 = tpu.vector_load_idx %arg15[%gather3A_697] : memref<8192xf32, #tpu.memory_space<vmem>>[vector<16xi32>], vector<16xf32>,
    %sub3A_701 = arith.subf %gather3A_698, %get3A_473 : vector<16xf32>
    %div3A_702 = arith.divf %sub3A_701, %get3A_479 : vector<16xf32>
    tpu.vector_store_idx %arg21[%add3A_696], %div3A_702 : memref<2048xf32, #tpu.memory_space<vmem>>[vector<16xi32>], vector<16xf32>,
    %sub3A_703 = arith.subf %gather3A_699, %get3A_475 : vector<16xf32>
    %div3A_704 = arith.divf %sub3A_703, %get3A_479 : vector<16xf32>
    tpu.vector_store_idx %arg22[%add3A_696], %div3A_704 : memref<2048xf32, #tpu.memory_space<vmem>>[vector<16xi32>], vector<16xf32>,
    %sub3A_705 = arith.subf %gather3A_700, %get3A_477 : vector<16xf32>
    %div3A_706 = arith.divf %sub3A_705, %get3A_479 : vector<16xf32>
    tpu.vector_store_idx %arg23[%add3A_696], %div3A_706 : memref<2048xf32, #tpu.memory_space<vmem>>[vector<16xi32>], vector<16xf32>,
    %add3A_707 = arith.constant 17 : i32
    %add3A_708 = vector.broadcast %add3A_707 : i32 to vector<16xi32>
    %add3A_709 = arith.addi %mul3A_485, %add3A_708 : vector<16xi32>
    %gather3A_710 = tpu.vector_load_idx %arg16[%add3A_709] : memref<2048xi32, #tpu.memory_space<vmem>>[vector<16xi32>], vector<16xi32>,
    %gather3A_711 = tpu.vector_load_idx %arg13[%gather3A_710] : memref<8192xf32, #tpu.memory_space<vmem>>[vector<16xi32>], vector<16xf32>,
    %gather3A_712 = tpu.vector_load_idx %arg14[%gather3A_710] : memref<8192xf32, #tpu.memory_space<vmem>>[vector<16xi32>], vector<16xf32>,
    %gather3A_713 = tpu.vector_load_idx %arg15[%gather3A_710] : memref<8192xf32, #tpu.memory_space<vmem>>[vector<16xi32>], vector<16xf32>,
    %sub3A_714 = arith.subf %gather3A_711, %get3A_473 : vector<16xf32>
    %div3A_715 = arith.divf %sub3A_714, %get3A_479 : vector<16xf32>
    tpu.vector_store_idx %arg21[%add3A_709], %div3A_715 : memref<2048xf32, #tpu.memory_space<vmem>>[vector<16xi32>], vector<16xf32>,
    %sub3A_716 = arith.subf %gather3A_712, %get3A_475 : vector<16xf32>
    %div3A_717 = arith.divf %sub3A_716, %get3A_479 : vector<16xf32>
    tpu.vector_store_idx %arg22[%add3A_709], %div3A_717 : memref<2048xf32, #tpu.memory_space<vmem>>[vector<16xi32>], vector<16xf32>,
    %sub3A_718 = arith.subf %gather3A_713, %get3A_477 : vector<16xf32>
    %div3A_719 = arith.divf %sub3A_718, %get3A_479 : vector<16xf32>
    tpu.vector_store_idx %arg23[%add3A_709], %div3A_719 : memref<2048xf32, #tpu.memory_space<vmem>>[vector<16xi32>], vector<16xf32>,
    %add3A_720 = arith.constant 18 : i32
    %add3A_721 = vector.broadcast %add3A_720 : i32 to vector<16xi32>
    %add3A_722 = arith.addi %mul3A_485, %add3A_721 : vector<16xi32>
    %gather3A_723 = tpu.vector_load_idx %arg16[%add3A_722] : memref<2048xi32, #tpu.memory_space<vmem>>[vector<16xi32>], vector<16xi32>,
    %gather3A_724 = tpu.vector_load_idx %arg13[%gather3A_723] : memref<8192xf32, #tpu.memory_space<vmem>>[vector<16xi32>], vector<16xf32>,
    %gather3A_725 = tpu.vector_load_idx %arg14[%gather3A_723] : memref<8192xf32, #tpu.memory_space<vmem>>[vector<16xi32>], vector<16xf32>,
    %gather3A_726 = tpu.vector_load_idx %arg15[%gather3A_723] : memref<8192xf32, #tpu.memory_space<vmem>>[vector<16xi32>], vector<16xf32>,
    %sub3A_727 = arith.subf %gather3A_724, %get3A_473 : vector<16xf32>
    %div3A_728 = arith.divf %sub3A_727, %get3A_479 : vector<16xf32>
    tpu.vector_store_idx %arg21[%add3A_722], %div3A_728 : memref<2048xf32, #tpu.memory_space<vmem>>[vector<16xi32>], vector<16xf32>,
    %sub3A_729 = arith.subf %gather3A_725, %get3A_475 : vector<16xf32>
    %div3A_730 = arith.divf %sub3A_729, %get3A_479 : vector<16xf32>
    tpu.vector_store_idx %arg22[%add3A_722], %div3A_730 : memref<2048xf32, #tpu.memory_space<vmem>>[vector<16xi32>], vector<16xf32>,
    %sub3A_731 = arith.subf %gather3A_726, %get3A_477 : vector<16xf32>
    %div3A_732 = arith.divf %sub3A_731, %get3A_479 : vector<16xf32>
    tpu.vector_store_idx %arg23[%add3A_722], %div3A_732 : memref<2048xf32, #tpu.memory_space<vmem>>[vector<16xi32>], vector<16xf32>,
    %add3A_733 = arith.constant 19 : i32
    %add3A_734 = vector.broadcast %add3A_733 : i32 to vector<16xi32>
    %add3A_735 = arith.addi %mul3A_485, %add3A_734 : vector<16xi32>
    %gather3A_736 = tpu.vector_load_idx %arg16[%add3A_735] : memref<2048xi32, #tpu.memory_space<vmem>>[vector<16xi32>], vector<16xi32>,
    %gather3A_737 = tpu.vector_load_idx %arg13[%gather3A_736] : memref<8192xf32, #tpu.memory_space<vmem>>[vector<16xi32>], vector<16xf32>,
    %gather3A_738 = tpu.vector_load_idx %arg14[%gather3A_736] : memref<8192xf32, #tpu.memory_space<vmem>>[vector<16xi32>], vector<16xf32>,
    %gather3A_739 = tpu.vector_load_idx %arg15[%gather3A_736] : memref<8192xf32, #tpu.memory_space<vmem>>[vector<16xi32>], vector<16xf32>,
    %sub3A_740 = arith.subf %gather3A_737, %get3A_473 : vector<16xf32>
    %div3A_741 = arith.divf %sub3A_740, %get3A_479 : vector<16xf32>
    tpu.vector_store_idx %arg21[%add3A_735], %div3A_741 : memref<2048xf32, #tpu.memory_space<vmem>>[vector<16xi32>], vector<16xf32>,
    %sub3A_742 = arith.subf %gather3A_738, %get3A_475 : vector<16xf32>
    %div3A_743 = arith.divf %sub3A_742, %get3A_479 : vector<16xf32>
    tpu.vector_store_idx %arg22[%add3A_735], %div3A_743 : memref<2048xf32, #tpu.memory_space<vmem>>[vector<16xi32>], vector<16xf32>,
    %sub3A_744 = arith.subf %gather3A_739, %get3A_477 : vector<16xf32>
    %div3A_745 = arith.divf %sub3A_744, %get3A_479 : vector<16xf32>
    tpu.vector_store_idx %arg23[%add3A_735], %div3A_745 : memref<2048xf32, #tpu.memory_space<vmem>>[vector<16xi32>], vector<16xf32>,
    %add3A_746 = arith.constant 20 : i32
    %add3A_747 = vector.broadcast %add3A_746 : i32 to vector<16xi32>
    %add3A_748 = arith.addi %mul3A_485, %add3A_747 : vector<16xi32>
    %gather3A_749 = tpu.vector_load_idx %arg16[%add3A_748] : memref<2048xi32, #tpu.memory_space<vmem>>[vector<16xi32>], vector<16xi32>,
    %gather3A_750 = tpu.vector_load_idx %arg13[%gather3A_749] : memref<8192xf32, #tpu.memory_space<vmem>>[vector<16xi32>], vector<16xf32>,
    %gather3A_751 = tpu.vector_load_idx %arg14[%gather3A_749] : memref<8192xf32, #tpu.memory_space<vmem>>[vector<16xi32>], vector<16xf32>,
    %gather3A_752 = tpu.vector_load_idx %arg15[%gather3A_749] : memref<8192xf32, #tpu.memory_space<vmem>>[vector<16xi32>], vector<16xf32>,
    %sub3A_753 = arith.subf %gather3A_750, %get3A_473 : vector<16xf32>
    %div3A_754 = arith.divf %sub3A_753, %get3A_479 : vector<16xf32>
    tpu.vector_store_idx %arg21[%add3A_748], %div3A_754 : memref<2048xf32, #tpu.memory_space<vmem>>[vector<16xi32>], vector<16xf32>,
    %sub3A_755 = arith.subf %gather3A_751, %get3A_475 : vector<16xf32>
    %div3A_756 = arith.divf %sub3A_755, %get3A_479 : vector<16xf32>
    tpu.vector_store_idx %arg22[%add3A_748], %div3A_756 : memref<2048xf32, #tpu.memory_space<vmem>>[vector<16xi32>], vector<16xf32>,
    %sub3A_757 = arith.subf %gather3A_752, %get3A_477 : vector<16xf32>
    %div3A_758 = arith.divf %sub3A_757, %get3A_479 : vector<16xf32>
    tpu.vector_store_idx %arg23[%add3A_748], %div3A_758 : memref<2048xf32, #tpu.memory_space<vmem>>[vector<16xi32>], vector<16xf32>,
    %add3A_759 = arith.constant 21 : i32
    %add3A_760 = vector.broadcast %add3A_759 : i32 to vector<16xi32>
    %add3A_761 = arith.addi %mul3A_485, %add3A_760 : vector<16xi32>
    %gather3A_762 = tpu.vector_load_idx %arg16[%add3A_761] : memref<2048xi32, #tpu.memory_space<vmem>>[vector<16xi32>], vector<16xi32>,
    %gather3A_763 = tpu.vector_load_idx %arg13[%gather3A_762] : memref<8192xf32, #tpu.memory_space<vmem>>[vector<16xi32>], vector<16xf32>,
    %gather3A_764 = tpu.vector_load_idx %arg14[%gather3A_762] : memref<8192xf32, #tpu.memory_space<vmem>>[vector<16xi32>], vector<16xf32>,
    %gather3A_765 = tpu.vector_load_idx %arg15[%gather3A_762] : memref<8192xf32, #tpu.memory_space<vmem>>[vector<16xi32>], vector<16xf32>,
    %sub3A_766 = arith.subf %gather3A_763, %get3A_473 : vector<16xf32>
    %div3A_767 = arith.divf %sub3A_766, %get3A_479 : vector<16xf32>
    tpu.vector_store_idx %arg21[%add3A_761], %div3A_767 : memref<2048xf32, #tpu.memory_space<vmem>>[vector<16xi32>], vector<16xf32>,
    %sub3A_768 = arith.subf %gather3A_764, %get3A_475 : vector<16xf32>
    %div3A_769 = arith.divf %sub3A_768, %get3A_479 : vector<16xf32>
    tpu.vector_store_idx %arg22[%add3A_761], %div3A_769 : memref<2048xf32, #tpu.memory_space<vmem>>[vector<16xi32>], vector<16xf32>,
    %sub3A_770 = arith.subf %gather3A_765, %get3A_477 : vector<16xf32>
    %div3A_771 = arith.divf %sub3A_770, %get3A_479 : vector<16xf32>
    tpu.vector_store_idx %arg23[%add3A_761], %div3A_771 : memref<2048xf32, #tpu.memory_space<vmem>>[vector<16xi32>], vector<16xf32>,
    %add3A_772 = arith.constant 22 : i32
    %add3A_773 = vector.broadcast %add3A_772 : i32 to vector<16xi32>
    %add3A_774 = arith.addi %mul3A_485, %add3A_773 : vector<16xi32>
    %gather3A_775 = tpu.vector_load_idx %arg16[%add3A_774] : memref<2048xi32, #tpu.memory_space<vmem>>[vector<16xi32>], vector<16xi32>,
    %gather3A_776 = tpu.vector_load_idx %arg13[%gather3A_775] : memref<8192xf32, #tpu.memory_space<vmem>>[vector<16xi32>], vector<16xf32>,
    %gather3A_777 = tpu.vector_load_idx %arg14[%gather3A_775] : memref<8192xf32, #tpu.memory_space<vmem>>[vector<16xi32>], vector<16xf32>,
    %gather3A_778 = tpu.vector_load_idx %arg15[%gather3A_775] : memref<8192xf32, #tpu.memory_space<vmem>>[vector<16xi32>], vector<16xf32>,
    %sub3A_779 = arith.subf %gather3A_776, %get3A_473 : vector<16xf32>
    %div3A_780 = arith.divf %sub3A_779, %get3A_479 : vector<16xf32>
    tpu.vector_store_idx %arg21[%add3A_774], %div3A_780 : memref<2048xf32, #tpu.memory_space<vmem>>[vector<16xi32>], vector<16xf32>,
    %sub3A_781 = arith.subf %gather3A_777, %get3A_475 : vector<16xf32>
    %div3A_782 = arith.divf %sub3A_781, %get3A_479 : vector<16xf32>
    tpu.vector_store_idx %arg22[%add3A_774], %div3A_782 : memref<2048xf32, #tpu.memory_space<vmem>>[vector<16xi32>], vector<16xf32>,
    %sub3A_783 = arith.subf %gather3A_778, %get3A_477 : vector<16xf32>
    %div3A_784 = arith.divf %sub3A_783, %get3A_479 : vector<16xf32>
    tpu.vector_store_idx %arg23[%add3A_774], %div3A_784 : memref<2048xf32, #tpu.memory_space<vmem>>[vector<16xi32>], vector<16xf32>,
    %add3A_785 = arith.constant 23 : i32
    %add3A_786 = vector.broadcast %add3A_785 : i32 to vector<16xi32>
    %add3A_787 = arith.addi %mul3A_485, %add3A_786 : vector<16xi32>
    %gather3A_788 = tpu.vector_load_idx %arg16[%add3A_787] : memref<2048xi32, #tpu.memory_space<vmem>>[vector<16xi32>], vector<16xi32>,
    %gather3A_789 = tpu.vector_load_idx %arg13[%gather3A_788] : memref<8192xf32, #tpu.memory_space<vmem>>[vector<16xi32>], vector<16xf32>,
    %gather3A_790 = tpu.vector_load_idx %arg14[%gather3A_788] : memref<8192xf32, #tpu.memory_space<vmem>>[vector<16xi32>], vector<16xf32>,
    %gather3A_791 = tpu.vector_load_idx %arg15[%gather3A_788] : memref<8192xf32, #tpu.memory_space<vmem>>[vector<16xi32>], vector<16xf32>,
    %sub3A_792 = arith.subf %gather3A_789, %get3A_473 : vector<16xf32>
    %div3A_793 = arith.divf %sub3A_792, %get3A_479 : vector<16xf32>
    tpu.vector_store_idx %arg21[%add3A_787], %div3A_793 : memref<2048xf32, #tpu.memory_space<vmem>>[vector<16xi32>], vector<16xf32>,
    %sub3A_794 = arith.subf %gather3A_790, %get3A_475 : vector<16xf32>
    %div3A_795 = arith.divf %sub3A_794, %get3A_479 : vector<16xf32>
    tpu.vector_store_idx %arg22[%add3A_787], %div3A_795 : memref<2048xf32, #tpu.memory_space<vmem>>[vector<16xi32>], vector<16xf32>,
    %sub3A_796 = arith.subf %gather3A_791, %get3A_477 : vector<16xf32>
    %div3A_797 = arith.divf %sub3A_796, %get3A_479 : vector<16xf32>
    tpu.vector_store_idx %arg23[%add3A_787], %div3A_797 : memref<2048xf32, #tpu.memory_space<vmem>>[vector<16xi32>], vector<16xf32>,
    %add3A_798 = arith.constant 24 : i32
    %add3A_799 = vector.broadcast %add3A_798 : i32 to vector<16xi32>
    %add3A_800 = arith.addi %mul3A_485, %add3A_799 : vector<16xi32>
    %gather3A_801 = tpu.vector_load_idx %arg16[%add3A_800] : memref<2048xi32, #tpu.memory_space<vmem>>[vector<16xi32>], vector<16xi32>,
    %gather3A_802 = tpu.vector_load_idx %arg13[%gather3A_801] : memref<8192xf32, #tpu.memory_space<vmem>>[vector<16xi32>], vector<16xf32>,
    %gather3A_803 = tpu.vector_load_idx %arg14[%gather3A_801] : memref<8192xf32, #tpu.memory_space<vmem>>[vector<16xi32>], vector<16xf32>,
    %gather3A_804 = tpu.vector_load_idx %arg15[%gather3A_801] : memref<8192xf32, #tpu.memory_space<vmem>>[vector<16xi32>], vector<16xf32>,
    %sub3A_805 = arith.subf %gather3A_802, %get3A_473 : vector<16xf32>
    %div3A_806 = arith.divf %sub3A_805, %get3A_479 : vector<16xf32>
    tpu.vector_store_idx %arg21[%add3A_800], %div3A_806 : memref<2048xf32, #tpu.memory_space<vmem>>[vector<16xi32>], vector<16xf32>,
    %sub3A_807 = arith.subf %gather3A_803, %get3A_475 : vector<16xf32>
    %div3A_808 = arith.divf %sub3A_807, %get3A_479 : vector<16xf32>
    tpu.vector_store_idx %arg22[%add3A_800], %div3A_808 : memref<2048xf32, #tpu.memory_space<vmem>>[vector<16xi32>], vector<16xf32>,
    %sub3A_809 = arith.subf %gather3A_804, %get3A_477 : vector<16xf32>
    %div3A_810 = arith.divf %sub3A_809, %get3A_479 : vector<16xf32>
    tpu.vector_store_idx %arg23[%add3A_800], %div3A_810 : memref<2048xf32, #tpu.memory_space<vmem>>[vector<16xi32>], vector<16xf32>,
    %add3A_811 = arith.constant 25 : i32
    %add3A_812 = vector.broadcast %add3A_811 : i32 to vector<16xi32>
    %add3A_813 = arith.addi %mul3A_485, %add3A_812 : vector<16xi32>
    %gather3A_814 = tpu.vector_load_idx %arg16[%add3A_813] : memref<2048xi32, #tpu.memory_space<vmem>>[vector<16xi32>], vector<16xi32>,
    %gather3A_815 = tpu.vector_load_idx %arg13[%gather3A_814] : memref<8192xf32, #tpu.memory_space<vmem>>[vector<16xi32>], vector<16xf32>,
    %gather3A_816 = tpu.vector_load_idx %arg14[%gather3A_814] : memref<8192xf32, #tpu.memory_space<vmem>>[vector<16xi32>], vector<16xf32>,
    %gather3A_817 = tpu.vector_load_idx %arg15[%gather3A_814] : memref<8192xf32, #tpu.memory_space<vmem>>[vector<16xi32>], vector<16xf32>,
    %sub3A_818 = arith.subf %gather3A_815, %get3A_473 : vector<16xf32>
    %div3A_819 = arith.divf %sub3A_818, %get3A_479 : vector<16xf32>
    tpu.vector_store_idx %arg21[%add3A_813], %div3A_819 : memref<2048xf32, #tpu.memory_space<vmem>>[vector<16xi32>], vector<16xf32>,
    %sub3A_820 = arith.subf %gather3A_816, %get3A_475 : vector<16xf32>
    %div3A_821 = arith.divf %sub3A_820, %get3A_479 : vector<16xf32>
    tpu.vector_store_idx %arg22[%add3A_813], %div3A_821 : memref<2048xf32, #tpu.memory_space<vmem>>[vector<16xi32>], vector<16xf32>,
    %sub3A_822 = arith.subf %gather3A_817, %get3A_477 : vector<16xf32>
    %div3A_823 = arith.divf %sub3A_822, %get3A_479 : vector<16xf32>
    tpu.vector_store_idx %arg23[%add3A_813], %div3A_823 : memref<2048xf32, #tpu.memory_space<vmem>>[vector<16xi32>], vector<16xf32>,
    %add3A_824 = arith.constant 26 : i32
    %add3A_825 = vector.broadcast %add3A_824 : i32 to vector<16xi32>
    %add3A_826 = arith.addi %mul3A_485, %add3A_825 : vector<16xi32>
    %gather3A_827 = tpu.vector_load_idx %arg16[%add3A_826] : memref<2048xi32, #tpu.memory_space<vmem>>[vector<16xi32>], vector<16xi32>,
    %gather3A_828 = tpu.vector_load_idx %arg13[%gather3A_827] : memref<8192xf32, #tpu.memory_space<vmem>>[vector<16xi32>], vector<16xf32>,
    %gather3A_829 = tpu.vector_load_idx %arg14[%gather3A_827] : memref<8192xf32, #tpu.memory_space<vmem>>[vector<16xi32>], vector<16xf32>,
    %gather3A_830 = tpu.vector_load_idx %arg15[%gather3A_827] : memref<8192xf32, #tpu.memory_space<vmem>>[vector<16xi32>], vector<16xf32>,
    %sub3A_831 = arith.subf %gather3A_828, %get3A_473 : vector<16xf32>
    %div3A_832 = arith.divf %sub3A_831, %get3A_479 : vector<16xf32>
    tpu.vector_store_idx %arg21[%add3A_826], %div3A_832 : memref<2048xf32, #tpu.memory_space<vmem>>[vector<16xi32>], vector<16xf32>,
    %sub3A_833 = arith.subf %gather3A_829, %get3A_475 : vector<16xf32>
    %div3A_834 = arith.divf %sub3A_833, %get3A_479 : vector<16xf32>
    tpu.vector_store_idx %arg22[%add3A_826], %div3A_834 : memref<2048xf32, #tpu.memory_space<vmem>>[vector<16xi32>], vector<16xf32>,
    %sub3A_835 = arith.subf %gather3A_830, %get3A_477 : vector<16xf32>
    %div3A_836 = arith.divf %sub3A_835, %get3A_479 : vector<16xf32>
    tpu.vector_store_idx %arg23[%add3A_826], %div3A_836 : memref<2048xf32, #tpu.memory_space<vmem>>[vector<16xi32>], vector<16xf32>,
    %add3A_837 = arith.constant 27 : i32
    %add3A_838 = vector.broadcast %add3A_837 : i32 to vector<16xi32>
    %add3A_839 = arith.addi %mul3A_485, %add3A_838 : vector<16xi32>
    %gather3A_840 = tpu.vector_load_idx %arg16[%add3A_839] : memref<2048xi32, #tpu.memory_space<vmem>>[vector<16xi32>], vector<16xi32>,
    %gather3A_841 = tpu.vector_load_idx %arg13[%gather3A_840] : memref<8192xf32, #tpu.memory_space<vmem>>[vector<16xi32>], vector<16xf32>,
    %gather3A_842 = tpu.vector_load_idx %arg14[%gather3A_840] : memref<8192xf32, #tpu.memory_space<vmem>>[vector<16xi32>], vector<16xf32>,
    %gather3A_843 = tpu.vector_load_idx %arg15[%gather3A_840] : memref<8192xf32, #tpu.memory_space<vmem>>[vector<16xi32>], vector<16xf32>,
    %sub3A_844 = arith.subf %gather3A_841, %get3A_473 : vector<16xf32>
    %div3A_845 = arith.divf %sub3A_844, %get3A_479 : vector<16xf32>
    tpu.vector_store_idx %arg21[%add3A_839], %div3A_845 : memref<2048xf32, #tpu.memory_space<vmem>>[vector<16xi32>], vector<16xf32>,
    %sub3A_846 = arith.subf %gather3A_842, %get3A_475 : vector<16xf32>
    %div3A_847 = arith.divf %sub3A_846, %get3A_479 : vector<16xf32>
    tpu.vector_store_idx %arg22[%add3A_839], %div3A_847 : memref<2048xf32, #tpu.memory_space<vmem>>[vector<16xi32>], vector<16xf32>,
    %sub3A_848 = arith.subf %gather3A_843, %get3A_477 : vector<16xf32>
    %div3A_849 = arith.divf %sub3A_848, %get3A_479 : vector<16xf32>
    tpu.vector_store_idx %arg23[%add3A_839], %div3A_849 : memref<2048xf32, #tpu.memory_space<vmem>>[vector<16xi32>], vector<16xf32>,
    %add3A_850 = arith.constant 28 : i32
    %add3A_851 = vector.broadcast %add3A_850 : i32 to vector<16xi32>
    %add3A_852 = arith.addi %mul3A_485, %add3A_851 : vector<16xi32>
    %gather3A_853 = tpu.vector_load_idx %arg16[%add3A_852] : memref<2048xi32, #tpu.memory_space<vmem>>[vector<16xi32>], vector<16xi32>,
    %gather3A_854 = tpu.vector_load_idx %arg13[%gather3A_853] : memref<8192xf32, #tpu.memory_space<vmem>>[vector<16xi32>], vector<16xf32>,
    %gather3A_855 = tpu.vector_load_idx %arg14[%gather3A_853] : memref<8192xf32, #tpu.memory_space<vmem>>[vector<16xi32>], vector<16xf32>,
    %gather3A_856 = tpu.vector_load_idx %arg15[%gather3A_853] : memref<8192xf32, #tpu.memory_space<vmem>>[vector<16xi32>], vector<16xf32>,
    %sub3A_857 = arith.subf %gather3A_854, %get3A_473 : vector<16xf32>
    %div3A_858 = arith.divf %sub3A_857, %get3A_479 : vector<16xf32>
    tpu.vector_store_idx %arg21[%add3A_852], %div3A_858 : memref<2048xf32, #tpu.memory_space<vmem>>[vector<16xi32>], vector<16xf32>,
    %sub3A_859 = arith.subf %gather3A_855, %get3A_475 : vector<16xf32>
    %div3A_860 = arith.divf %sub3A_859, %get3A_479 : vector<16xf32>
    tpu.vector_store_idx %arg22[%add3A_852], %div3A_860 : memref<2048xf32, #tpu.memory_space<vmem>>[vector<16xi32>], vector<16xf32>,
    %sub3A_861 = arith.subf %gather3A_856, %get3A_477 : vector<16xf32>
    %div3A_862 = arith.divf %sub3A_861, %get3A_479 : vector<16xf32>
    tpu.vector_store_idx %arg23[%add3A_852], %div3A_862 : memref<2048xf32, #tpu.memory_space<vmem>>[vector<16xi32>], vector<16xf32>,
    %add3A_863 = arith.constant 29 : i32
    %add3A_864 = vector.broadcast %add3A_863 : i32 to vector<16xi32>
    %add3A_865 = arith.addi %mul3A_485, %add3A_864 : vector<16xi32>
    %gather3A_866 = tpu.vector_load_idx %arg16[%add3A_865] : memref<2048xi32, #tpu.memory_space<vmem>>[vector<16xi32>], vector<16xi32>,
    %gather3A_867 = tpu.vector_load_idx %arg13[%gather3A_866] : memref<8192xf32, #tpu.memory_space<vmem>>[vector<16xi32>], vector<16xf32>,
    %gather3A_868 = tpu.vector_load_idx %arg14[%gather3A_866] : memref<8192xf32, #tpu.memory_space<vmem>>[vector<16xi32>], vector<16xf32>,
    %gather3A_869 = tpu.vector_load_idx %arg15[%gather3A_866] : memref<8192xf32, #tpu.memory_space<vmem>>[vector<16xi32>], vector<16xf32>,
    %sub3A_870 = arith.subf %gather3A_867, %get3A_473 : vector<16xf32>
    %div3A_871 = arith.divf %sub3A_870, %get3A_479 : vector<16xf32>
    tpu.vector_store_idx %arg21[%add3A_865], %div3A_871 : memref<2048xf32, #tpu.memory_space<vmem>>[vector<16xi32>], vector<16xf32>,
    %sub3A_872 = arith.subf %gather3A_868, %get3A_475 : vector<16xf32>
    %div3A_873 = arith.divf %sub3A_872, %get3A_479 : vector<16xf32>
    tpu.vector_store_idx %arg22[%add3A_865], %div3A_873 : memref<2048xf32, #tpu.memory_space<vmem>>[vector<16xi32>], vector<16xf32>,
    %sub3A_874 = arith.subf %gather3A_869, %get3A_477 : vector<16xf32>
    %div3A_875 = arith.divf %sub3A_874, %get3A_479 : vector<16xf32>
    tpu.vector_store_idx %arg23[%add3A_865], %div3A_875 : memref<2048xf32, #tpu.memory_space<vmem>>[vector<16xi32>], vector<16xf32>,
    %add3A_876 = arith.constant 30 : i32
    %add3A_877 = vector.broadcast %add3A_876 : i32 to vector<16xi32>
    %add3A_878 = arith.addi %mul3A_485, %add3A_877 : vector<16xi32>
    %gather3A_879 = tpu.vector_load_idx %arg16[%add3A_878] : memref<2048xi32, #tpu.memory_space<vmem>>[vector<16xi32>], vector<16xi32>,
    %gather3A_880 = tpu.vector_load_idx %arg13[%gather3A_879] : memref<8192xf32, #tpu.memory_space<vmem>>[vector<16xi32>], vector<16xf32>,
    %gather3A_881 = tpu.vector_load_idx %arg14[%gather3A_879] : memref<8192xf32, #tpu.memory_space<vmem>>[vector<16xi32>], vector<16xf32>,
    %gather3A_882 = tpu.vector_load_idx %arg15[%gather3A_879] : memref<8192xf32, #tpu.memory_space<vmem>>[vector<16xi32>], vector<16xf32>,
    %sub3A_883 = arith.subf %gather3A_880, %get3A_473 : vector<16xf32>
    %div3A_884 = arith.divf %sub3A_883, %get3A_479 : vector<16xf32>
    tpu.vector_store_idx %arg21[%add3A_878], %div3A_884 : memref<2048xf32, #tpu.memory_space<vmem>>[vector<16xi32>], vector<16xf32>,
    %sub3A_885 = arith.subf %gather3A_881, %get3A_475 : vector<16xf32>
    %div3A_886 = arith.divf %sub3A_885, %get3A_479 : vector<16xf32>
    tpu.vector_store_idx %arg22[%add3A_878], %div3A_886 : memref<2048xf32, #tpu.memory_space<vmem>>[vector<16xi32>], vector<16xf32>,
    %sub3A_887 = arith.subf %gather3A_882, %get3A_477 : vector<16xf32>
    %div3A_888 = arith.divf %sub3A_887, %get3A_479 : vector<16xf32>
    tpu.vector_store_idx %arg23[%add3A_878], %div3A_888 : memref<2048xf32, #tpu.memory_space<vmem>>[vector<16xi32>], vector<16xf32>,
    %add3A_889 = arith.constant 31 : i32
    %add3A_890 = vector.broadcast %add3A_889 : i32 to vector<16xi32>
    %add3A_891 = arith.addi %mul3A_485, %add3A_890 : vector<16xi32>
    %gather3A_892 = tpu.vector_load_idx %arg16[%add3A_891] : memref<2048xi32, #tpu.memory_space<vmem>>[vector<16xi32>], vector<16xi32>,
    %gather3A_893 = tpu.vector_load_idx %arg13[%gather3A_892] : memref<8192xf32, #tpu.memory_space<vmem>>[vector<16xi32>], vector<16xf32>,
    %gather3A_894 = tpu.vector_load_idx %arg14[%gather3A_892] : memref<8192xf32, #tpu.memory_space<vmem>>[vector<16xi32>], vector<16xf32>,
    %gather3A_895 = tpu.vector_load_idx %arg15[%gather3A_892] : memref<8192xf32, #tpu.memory_space<vmem>>[vector<16xi32>], vector<16xf32>,
    %sub3A_896 = arith.subf %gather3A_893, %get3A_473 : vector<16xf32>
    %div3A_897 = arith.divf %sub3A_896, %get3A_479 : vector<16xf32>
    tpu.vector_store_idx %arg21[%add3A_891], %div3A_897 : memref<2048xf32, #tpu.memory_space<vmem>>[vector<16xi32>], vector<16xf32>,
    %sub3A_898 = arith.subf %gather3A_894, %get3A_475 : vector<16xf32>
    %div3A_899 = arith.divf %sub3A_898, %get3A_479 : vector<16xf32>
    tpu.vector_store_idx %arg22[%add3A_891], %div3A_899 : memref<2048xf32, #tpu.memory_space<vmem>>[vector<16xi32>], vector<16xf32>,
    %sub3A_900 = arith.subf %gather3A_895, %get3A_477 : vector<16xf32>
    %div3A_901 = arith.divf %sub3A_900, %get3A_479 : vector<16xf32>
    tpu.vector_store_idx %arg23[%add3A_891], %div3A_901 : memref<2048xf32, #tpu.memory_space<vmem>>[vector<16xi32>], vector<16xf32>,
    %get3A_902 = arith.constant 32 : index
    %get3A_903 = tpu.vector_load %arg18[%get3A_902] {strides = array<i32>} : memref<64xf32, #tpu.memory_space<vmem>>, vector<16xf32>,
    %get3A_904 = arith.constant 32 : index
    %get3A_905 = tpu.vector_load %arg19[%get3A_904] {strides = array<i32>} : memref<64xf32, #tpu.memory_space<vmem>>, vector<16xf32>,
    %get3A_906 = arith.constant 32 : index
    %get3A_907 = tpu.vector_load %arg20[%get3A_906] {strides = array<i32>} : memref<64xf32, #tpu.memory_space<vmem>>, vector<16xf32>,
    %get3A_908 = arith.constant 32 : index
    %get3A_909 = tpu.vector_load %arg17[%get3A_908] {strides = array<i32>} : memref<64xf32, #tpu.memory_space<vmem>>, vector<16xf32>,
    %add3A_910 = arith.constant 32 : i32
    %add3A_911 = vector.broadcast %add3A_910 : i32 to vector<16xi32>
    %add3A_912 = arith.addi %iota3A, %add3A_911 : vector<16xi32>
    %mul3A_913 = arith.constant 32 : i32
    %mul3A_914 = vector.broadcast %mul3A_913 : i32 to vector<16xi32>
    %mul3A_915 = arith.muli %add3A_912, %mul3A_914 : vector<16xi32>
    %add3A_916 = arith.constant 0 : i32
    %add3A_917 = vector.broadcast %add3A_916 : i32 to vector<16xi32>
    %add3A_918 = arith.addi %mul3A_915, %add3A_917 : vector<16xi32>
    %gather3A_919 = tpu.vector_load_idx %arg16[%add3A_918] : memref<2048xi32, #tpu.memory_space<vmem>>[vector<16xi32>], vector<16xi32>,
    %gather3A_920 = tpu.vector_load_idx %arg13[%gather3A_919] : memref<8192xf32, #tpu.memory_space<vmem>>[vector<16xi32>], vector<16xf32>,
    %gather3A_921 = tpu.vector_load_idx %arg14[%gather3A_919] : memref<8192xf32, #tpu.memory_space<vmem>>[vector<16xi32>], vector<16xf32>,
    %gather3A_922 = tpu.vector_load_idx %arg15[%gather3A_919] : memref<8192xf32, #tpu.memory_space<vmem>>[vector<16xi32>], vector<16xf32>,
    %sub3A_923 = arith.subf %gather3A_920, %get3A_903 : vector<16xf32>
    %div3A_924 = arith.divf %sub3A_923, %get3A_909 : vector<16xf32>
    tpu.vector_store_idx %arg21[%add3A_918], %div3A_924 : memref<2048xf32, #tpu.memory_space<vmem>>[vector<16xi32>], vector<16xf32>,
    %sub3A_925 = arith.subf %gather3A_921, %get3A_905 : vector<16xf32>
    %div3A_926 = arith.divf %sub3A_925, %get3A_909 : vector<16xf32>
    tpu.vector_store_idx %arg22[%add3A_918], %div3A_926 : memref<2048xf32, #tpu.memory_space<vmem>>[vector<16xi32>], vector<16xf32>,
    %sub3A_927 = arith.subf %gather3A_922, %get3A_907 : vector<16xf32>
    %div3A_928 = arith.divf %sub3A_927, %get3A_909 : vector<16xf32>
    tpu.vector_store_idx %arg23[%add3A_918], %div3A_928 : memref<2048xf32, #tpu.memory_space<vmem>>[vector<16xi32>], vector<16xf32>,
    %add3A_929 = arith.constant 1 : i32
    %add3A_930 = vector.broadcast %add3A_929 : i32 to vector<16xi32>
    %add3A_931 = arith.addi %mul3A_915, %add3A_930 : vector<16xi32>
    %gather3A_932 = tpu.vector_load_idx %arg16[%add3A_931] : memref<2048xi32, #tpu.memory_space<vmem>>[vector<16xi32>], vector<16xi32>,
    %gather3A_933 = tpu.vector_load_idx %arg13[%gather3A_932] : memref<8192xf32, #tpu.memory_space<vmem>>[vector<16xi32>], vector<16xf32>,
    %gather3A_934 = tpu.vector_load_idx %arg14[%gather3A_932] : memref<8192xf32, #tpu.memory_space<vmem>>[vector<16xi32>], vector<16xf32>,
    %gather3A_935 = tpu.vector_load_idx %arg15[%gather3A_932] : memref<8192xf32, #tpu.memory_space<vmem>>[vector<16xi32>], vector<16xf32>,
    %sub3A_936 = arith.subf %gather3A_933, %get3A_903 : vector<16xf32>
    %div3A_937 = arith.divf %sub3A_936, %get3A_909 : vector<16xf32>
    tpu.vector_store_idx %arg21[%add3A_931], %div3A_937 : memref<2048xf32, #tpu.memory_space<vmem>>[vector<16xi32>], vector<16xf32>,
    %sub3A_938 = arith.subf %gather3A_934, %get3A_905 : vector<16xf32>
    %div3A_939 = arith.divf %sub3A_938, %get3A_909 : vector<16xf32>
    tpu.vector_store_idx %arg22[%add3A_931], %div3A_939 : memref<2048xf32, #tpu.memory_space<vmem>>[vector<16xi32>], vector<16xf32>,
    %sub3A_940 = arith.subf %gather3A_935, %get3A_907 : vector<16xf32>
    %div3A_941 = arith.divf %sub3A_940, %get3A_909 : vector<16xf32>
    tpu.vector_store_idx %arg23[%add3A_931], %div3A_941 : memref<2048xf32, #tpu.memory_space<vmem>>[vector<16xi32>], vector<16xf32>,
    %add3A_942 = arith.constant 2 : i32
    %add3A_943 = vector.broadcast %add3A_942 : i32 to vector<16xi32>
    %add3A_944 = arith.addi %mul3A_915, %add3A_943 : vector<16xi32>
    %gather3A_945 = tpu.vector_load_idx %arg16[%add3A_944] : memref<2048xi32, #tpu.memory_space<vmem>>[vector<16xi32>], vector<16xi32>,
    %gather3A_946 = tpu.vector_load_idx %arg13[%gather3A_945] : memref<8192xf32, #tpu.memory_space<vmem>>[vector<16xi32>], vector<16xf32>,
    %gather3A_947 = tpu.vector_load_idx %arg14[%gather3A_945] : memref<8192xf32, #tpu.memory_space<vmem>>[vector<16xi32>], vector<16xf32>,
    %gather3A_948 = tpu.vector_load_idx %arg15[%gather3A_945] : memref<8192xf32, #tpu.memory_space<vmem>>[vector<16xi32>], vector<16xf32>,
    %sub3A_949 = arith.subf %gather3A_946, %get3A_903 : vector<16xf32>
    %div3A_950 = arith.divf %sub3A_949, %get3A_909 : vector<16xf32>
    tpu.vector_store_idx %arg21[%add3A_944], %div3A_950 : memref<2048xf32, #tpu.memory_space<vmem>>[vector<16xi32>], vector<16xf32>,
    %sub3A_951 = arith.subf %gather3A_947, %get3A_905 : vector<16xf32>
    %div3A_952 = arith.divf %sub3A_951, %get3A_909 : vector<16xf32>
    tpu.vector_store_idx %arg22[%add3A_944], %div3A_952 : memref<2048xf32, #tpu.memory_space<vmem>>[vector<16xi32>], vector<16xf32>,
    %sub3A_953 = arith.subf %gather3A_948, %get3A_907 : vector<16xf32>
    %div3A_954 = arith.divf %sub3A_953, %get3A_909 : vector<16xf32>
    tpu.vector_store_idx %arg23[%add3A_944], %div3A_954 : memref<2048xf32, #tpu.memory_space<vmem>>[vector<16xi32>], vector<16xf32>,
    %add3A_955 = arith.constant 3 : i32
    %add3A_956 = vector.broadcast %add3A_955 : i32 to vector<16xi32>
    %add3A_957 = arith.addi %mul3A_915, %add3A_956 : vector<16xi32>
    %gather3A_958 = tpu.vector_load_idx %arg16[%add3A_957] : memref<2048xi32, #tpu.memory_space<vmem>>[vector<16xi32>], vector<16xi32>,
    %gather3A_959 = tpu.vector_load_idx %arg13[%gather3A_958] : memref<8192xf32, #tpu.memory_space<vmem>>[vector<16xi32>], vector<16xf32>,
    %gather3A_960 = tpu.vector_load_idx %arg14[%gather3A_958] : memref<8192xf32, #tpu.memory_space<vmem>>[vector<16xi32>], vector<16xf32>,
    %gather3A_961 = tpu.vector_load_idx %arg15[%gather3A_958] : memref<8192xf32, #tpu.memory_space<vmem>>[vector<16xi32>], vector<16xf32>,
    %sub3A_962 = arith.subf %gather3A_959, %get3A_903 : vector<16xf32>
    %div3A_963 = arith.divf %sub3A_962, %get3A_909 : vector<16xf32>
    tpu.vector_store_idx %arg21[%add3A_957], %div3A_963 : memref<2048xf32, #tpu.memory_space<vmem>>[vector<16xi32>], vector<16xf32>,
    %sub3A_964 = arith.subf %gather3A_960, %get3A_905 : vector<16xf32>
    %div3A_965 = arith.divf %sub3A_964, %get3A_909 : vector<16xf32>
    tpu.vector_store_idx %arg22[%add3A_957], %div3A_965 : memref<2048xf32, #tpu.memory_space<vmem>>[vector<16xi32>], vector<16xf32>,
    %sub3A_966 = arith.subf %gather3A_961, %get3A_907 : vector<16xf32>
    %div3A_967 = arith.divf %sub3A_966, %get3A_909 : vector<16xf32>
    tpu.vector_store_idx %arg23[%add3A_957], %div3A_967 : memref<2048xf32, #tpu.memory_space<vmem>>[vector<16xi32>], vector<16xf32>,
    %add3A_968 = arith.constant 4 : i32
    %add3A_969 = vector.broadcast %add3A_968 : i32 to vector<16xi32>
    %add3A_970 = arith.addi %mul3A_915, %add3A_969 : vector<16xi32>
    %gather3A_971 = tpu.vector_load_idx %arg16[%add3A_970] : memref<2048xi32, #tpu.memory_space<vmem>>[vector<16xi32>], vector<16xi32>,
    %gather3A_972 = tpu.vector_load_idx %arg13[%gather3A_971] : memref<8192xf32, #tpu.memory_space<vmem>>[vector<16xi32>], vector<16xf32>,
    %gather3A_973 = tpu.vector_load_idx %arg14[%gather3A_971] : memref<8192xf32, #tpu.memory_space<vmem>>[vector<16xi32>], vector<16xf32>,
    %gather3A_974 = tpu.vector_load_idx %arg15[%gather3A_971] : memref<8192xf32, #tpu.memory_space<vmem>>[vector<16xi32>], vector<16xf32>,
    %sub3A_975 = arith.subf %gather3A_972, %get3A_903 : vector<16xf32>
    %div3A_976 = arith.divf %sub3A_975, %get3A_909 : vector<16xf32>
    tpu.vector_store_idx %arg21[%add3A_970], %div3A_976 : memref<2048xf32, #tpu.memory_space<vmem>>[vector<16xi32>], vector<16xf32>,
    %sub3A_977 = arith.subf %gather3A_973, %get3A_905 : vector<16xf32>
    %div3A_978 = arith.divf %sub3A_977, %get3A_909 : vector<16xf32>
    tpu.vector_store_idx %arg22[%add3A_970], %div3A_978 : memref<2048xf32, #tpu.memory_space<vmem>>[vector<16xi32>], vector<16xf32>,
    %sub3A_979 = arith.subf %gather3A_974, %get3A_907 : vector<16xf32>
    %div3A_980 = arith.divf %sub3A_979, %get3A_909 : vector<16xf32>
    tpu.vector_store_idx %arg23[%add3A_970], %div3A_980 : memref<2048xf32, #tpu.memory_space<vmem>>[vector<16xi32>], vector<16xf32>,
    %add3A_981 = arith.constant 5 : i32
    %add3A_982 = vector.broadcast %add3A_981 : i32 to vector<16xi32>
    %add3A_983 = arith.addi %mul3A_915, %add3A_982 : vector<16xi32>
    %gather3A_984 = tpu.vector_load_idx %arg16[%add3A_983] : memref<2048xi32, #tpu.memory_space<vmem>>[vector<16xi32>], vector<16xi32>,
    %gather3A_985 = tpu.vector_load_idx %arg13[%gather3A_984] : memref<8192xf32, #tpu.memory_space<vmem>>[vector<16xi32>], vector<16xf32>,
    %gather3A_986 = tpu.vector_load_idx %arg14[%gather3A_984] : memref<8192xf32, #tpu.memory_space<vmem>>[vector<16xi32>], vector<16xf32>,
    %gather3A_987 = tpu.vector_load_idx %arg15[%gather3A_984] : memref<8192xf32, #tpu.memory_space<vmem>>[vector<16xi32>], vector<16xf32>,
    %sub3A_988 = arith.subf %gather3A_985, %get3A_903 : vector<16xf32>
    %div3A_989 = arith.divf %sub3A_988, %get3A_909 : vector<16xf32>
    tpu.vector_store_idx %arg21[%add3A_983], %div3A_989 : memref<2048xf32, #tpu.memory_space<vmem>>[vector<16xi32>], vector<16xf32>,
    %sub3A_990 = arith.subf %gather3A_986, %get3A_905 : vector<16xf32>
    %div3A_991 = arith.divf %sub3A_990, %get3A_909 : vector<16xf32>
    tpu.vector_store_idx %arg22[%add3A_983], %div3A_991 : memref<2048xf32, #tpu.memory_space<vmem>>[vector<16xi32>], vector<16xf32>,
    %sub3A_992 = arith.subf %gather3A_987, %get3A_907 : vector<16xf32>
    %div3A_993 = arith.divf %sub3A_992, %get3A_909 : vector<16xf32>
    tpu.vector_store_idx %arg23[%add3A_983], %div3A_993 : memref<2048xf32, #tpu.memory_space<vmem>>[vector<16xi32>], vector<16xf32>,
    %add3A_994 = arith.constant 6 : i32
    %add3A_995 = vector.broadcast %add3A_994 : i32 to vector<16xi32>
    %add3A_996 = arith.addi %mul3A_915, %add3A_995 : vector<16xi32>
    %gather3A_997 = tpu.vector_load_idx %arg16[%add3A_996] : memref<2048xi32, #tpu.memory_space<vmem>>[vector<16xi32>], vector<16xi32>,
    %gather3A_998 = tpu.vector_load_idx %arg13[%gather3A_997] : memref<8192xf32, #tpu.memory_space<vmem>>[vector<16xi32>], vector<16xf32>,
    %gather3A_999 = tpu.vector_load_idx %arg14[%gather3A_997] : memref<8192xf32, #tpu.memory_space<vmem>>[vector<16xi32>], vector<16xf32>,
    %gather3A_1000 = tpu.vector_load_idx %arg15[%gather3A_997] : memref<8192xf32, #tpu.memory_space<vmem>>[vector<16xi32>], vector<16xf32>,
    %sub3A_1001 = arith.subf %gather3A_998, %get3A_903 : vector<16xf32>
    %div3A_1002 = arith.divf %sub3A_1001, %get3A_909 : vector<16xf32>
    tpu.vector_store_idx %arg21[%add3A_996], %div3A_1002 : memref<2048xf32, #tpu.memory_space<vmem>>[vector<16xi32>], vector<16xf32>,
    %sub3A_1003 = arith.subf %gather3A_999, %get3A_905 : vector<16xf32>
    %div3A_1004 = arith.divf %sub3A_1003, %get3A_909 : vector<16xf32>
    tpu.vector_store_idx %arg22[%add3A_996], %div3A_1004 : memref<2048xf32, #tpu.memory_space<vmem>>[vector<16xi32>], vector<16xf32>,
    %sub3A_1005 = arith.subf %gather3A_1000, %get3A_907 : vector<16xf32>
    %div3A_1006 = arith.divf %sub3A_1005, %get3A_909 : vector<16xf32>
    tpu.vector_store_idx %arg23[%add3A_996], %div3A_1006 : memref<2048xf32, #tpu.memory_space<vmem>>[vector<16xi32>], vector<16xf32>,
    %add3A_1007 = arith.constant 7 : i32
    %add3A_1008 = vector.broadcast %add3A_1007 : i32 to vector<16xi32>
    %add3A_1009 = arith.addi %mul3A_915, %add3A_1008 : vector<16xi32>
    %gather3A_1010 = tpu.vector_load_idx %arg16[%add3A_1009] : memref<2048xi32, #tpu.memory_space<vmem>>[vector<16xi32>], vector<16xi32>,
    %gather3A_1011 = tpu.vector_load_idx %arg13[%gather3A_1010] : memref<8192xf32, #tpu.memory_space<vmem>>[vector<16xi32>], vector<16xf32>,
    %gather3A_1012 = tpu.vector_load_idx %arg14[%gather3A_1010] : memref<8192xf32, #tpu.memory_space<vmem>>[vector<16xi32>], vector<16xf32>,
    %gather3A_1013 = tpu.vector_load_idx %arg15[%gather3A_1010] : memref<8192xf32, #tpu.memory_space<vmem>>[vector<16xi32>], vector<16xf32>,
    %sub3A_1014 = arith.subf %gather3A_1011, %get3A_903 : vector<16xf32>
    %div3A_1015 = arith.divf %sub3A_1014, %get3A_909 : vector<16xf32>
    tpu.vector_store_idx %arg21[%add3A_1009], %div3A_1015 : memref<2048xf32, #tpu.memory_space<vmem>>[vector<16xi32>], vector<16xf32>,
    %sub3A_1016 = arith.subf %gather3A_1012, %get3A_905 : vector<16xf32>
    %div3A_1017 = arith.divf %sub3A_1016, %get3A_909 : vector<16xf32>
    tpu.vector_store_idx %arg22[%add3A_1009], %div3A_1017 : memref<2048xf32, #tpu.memory_space<vmem>>[vector<16xi32>], vector<16xf32>,
    %sub3A_1018 = arith.subf %gather3A_1013, %get3A_907 : vector<16xf32>
    %div3A_1019 = arith.divf %sub3A_1018, %get3A_909 : vector<16xf32>
    tpu.vector_store_idx %arg23[%add3A_1009], %div3A_1019 : memref<2048xf32, #tpu.memory_space<vmem>>[vector<16xi32>], vector<16xf32>,
    %add3A_1020 = arith.constant 8 : i32
    %add3A_1021 = vector.broadcast %add3A_1020 : i32 to vector<16xi32>
    %add3A_1022 = arith.addi %mul3A_915, %add3A_1021 : vector<16xi32>
    %gather3A_1023 = tpu.vector_load_idx %arg16[%add3A_1022] : memref<2048xi32, #tpu.memory_space<vmem>>[vector<16xi32>], vector<16xi32>,
    %gather3A_1024 = tpu.vector_load_idx %arg13[%gather3A_1023] : memref<8192xf32, #tpu.memory_space<vmem>>[vector<16xi32>], vector<16xf32>,
    %gather3A_1025 = tpu.vector_load_idx %arg14[%gather3A_1023] : memref<8192xf32, #tpu.memory_space<vmem>>[vector<16xi32>], vector<16xf32>,
    %gather3A_1026 = tpu.vector_load_idx %arg15[%gather3A_1023] : memref<8192xf32, #tpu.memory_space<vmem>>[vector<16xi32>], vector<16xf32>,
    %sub3A_1027 = arith.subf %gather3A_1024, %get3A_903 : vector<16xf32>
    %div3A_1028 = arith.divf %sub3A_1027, %get3A_909 : vector<16xf32>
    tpu.vector_store_idx %arg21[%add3A_1022], %div3A_1028 : memref<2048xf32, #tpu.memory_space<vmem>>[vector<16xi32>], vector<16xf32>,
    %sub3A_1029 = arith.subf %gather3A_1025, %get3A_905 : vector<16xf32>
    %div3A_1030 = arith.divf %sub3A_1029, %get3A_909 : vector<16xf32>
    tpu.vector_store_idx %arg22[%add3A_1022], %div3A_1030 : memref<2048xf32, #tpu.memory_space<vmem>>[vector<16xi32>], vector<16xf32>,
    %sub3A_1031 = arith.subf %gather3A_1026, %get3A_907 : vector<16xf32>
    %div3A_1032 = arith.divf %sub3A_1031, %get3A_909 : vector<16xf32>
    tpu.vector_store_idx %arg23[%add3A_1022], %div3A_1032 : memref<2048xf32, #tpu.memory_space<vmem>>[vector<16xi32>], vector<16xf32>,
    %add3A_1033 = arith.constant 9 : i32
    %add3A_1034 = vector.broadcast %add3A_1033 : i32 to vector<16xi32>
    %add3A_1035 = arith.addi %mul3A_915, %add3A_1034 : vector<16xi32>
    %gather3A_1036 = tpu.vector_load_idx %arg16[%add3A_1035] : memref<2048xi32, #tpu.memory_space<vmem>>[vector<16xi32>], vector<16xi32>,
    %gather3A_1037 = tpu.vector_load_idx %arg13[%gather3A_1036] : memref<8192xf32, #tpu.memory_space<vmem>>[vector<16xi32>], vector<16xf32>,
    %gather3A_1038 = tpu.vector_load_idx %arg14[%gather3A_1036] : memref<8192xf32, #tpu.memory_space<vmem>>[vector<16xi32>], vector<16xf32>,
    %gather3A_1039 = tpu.vector_load_idx %arg15[%gather3A_1036] : memref<8192xf32, #tpu.memory_space<vmem>>[vector<16xi32>], vector<16xf32>,
    %sub3A_1040 = arith.subf %gather3A_1037, %get3A_903 : vector<16xf32>
    %div3A_1041 = arith.divf %sub3A_1040, %get3A_909 : vector<16xf32>
    tpu.vector_store_idx %arg21[%add3A_1035], %div3A_1041 : memref<2048xf32, #tpu.memory_space<vmem>>[vector<16xi32>], vector<16xf32>,
    %sub3A_1042 = arith.subf %gather3A_1038, %get3A_905 : vector<16xf32>
    %div3A_1043 = arith.divf %sub3A_1042, %get3A_909 : vector<16xf32>
    tpu.vector_store_idx %arg22[%add3A_1035], %div3A_1043 : memref<2048xf32, #tpu.memory_space<vmem>>[vector<16xi32>], vector<16xf32>,
    %sub3A_1044 = arith.subf %gather3A_1039, %get3A_907 : vector<16xf32>
    %div3A_1045 = arith.divf %sub3A_1044, %get3A_909 : vector<16xf32>
    tpu.vector_store_idx %arg23[%add3A_1035], %div3A_1045 : memref<2048xf32, #tpu.memory_space<vmem>>[vector<16xi32>], vector<16xf32>,
    %add3A_1046 = arith.constant 10 : i32
    %add3A_1047 = vector.broadcast %add3A_1046 : i32 to vector<16xi32>
    %add3A_1048 = arith.addi %mul3A_915, %add3A_1047 : vector<16xi32>
    %gather3A_1049 = tpu.vector_load_idx %arg16[%add3A_1048] : memref<2048xi32, #tpu.memory_space<vmem>>[vector<16xi32>], vector<16xi32>,
    %gather3A_1050 = tpu.vector_load_idx %arg13[%gather3A_1049] : memref<8192xf32, #tpu.memory_space<vmem>>[vector<16xi32>], vector<16xf32>,
    %gather3A_1051 = tpu.vector_load_idx %arg14[%gather3A_1049] : memref<8192xf32, #tpu.memory_space<vmem>>[vector<16xi32>], vector<16xf32>,
    %gather3A_1052 = tpu.vector_load_idx %arg15[%gather3A_1049] : memref<8192xf32, #tpu.memory_space<vmem>>[vector<16xi32>], vector<16xf32>,
    %sub3A_1053 = arith.subf %gather3A_1050, %get3A_903 : vector<16xf32>
    %div3A_1054 = arith.divf %sub3A_1053, %get3A_909 : vector<16xf32>
    tpu.vector_store_idx %arg21[%add3A_1048], %div3A_1054 : memref<2048xf32, #tpu.memory_space<vmem>>[vector<16xi32>], vector<16xf32>,
    %sub3A_1055 = arith.subf %gather3A_1051, %get3A_905 : vector<16xf32>
    %div3A_1056 = arith.divf %sub3A_1055, %get3A_909 : vector<16xf32>
    tpu.vector_store_idx %arg22[%add3A_1048], %div3A_1056 : memref<2048xf32, #tpu.memory_space<vmem>>[vector<16xi32>], vector<16xf32>,
    %sub3A_1057 = arith.subf %gather3A_1052, %get3A_907 : vector<16xf32>
    %div3A_1058 = arith.divf %sub3A_1057, %get3A_909 : vector<16xf32>
    tpu.vector_store_idx %arg23[%add3A_1048], %div3A_1058 : memref<2048xf32, #tpu.memory_space<vmem>>[vector<16xi32>], vector<16xf32>,
    %add3A_1059 = arith.constant 11 : i32
    %add3A_1060 = vector.broadcast %add3A_1059 : i32 to vector<16xi32>
    %add3A_1061 = arith.addi %mul3A_915, %add3A_1060 : vector<16xi32>
    %gather3A_1062 = tpu.vector_load_idx %arg16[%add3A_1061] : memref<2048xi32, #tpu.memory_space<vmem>>[vector<16xi32>], vector<16xi32>,
    %gather3A_1063 = tpu.vector_load_idx %arg13[%gather3A_1062] : memref<8192xf32, #tpu.memory_space<vmem>>[vector<16xi32>], vector<16xf32>,
    %gather3A_1064 = tpu.vector_load_idx %arg14[%gather3A_1062] : memref<8192xf32, #tpu.memory_space<vmem>>[vector<16xi32>], vector<16xf32>,
    %gather3A_1065 = tpu.vector_load_idx %arg15[%gather3A_1062] : memref<8192xf32, #tpu.memory_space<vmem>>[vector<16xi32>], vector<16xf32>,
    %sub3A_1066 = arith.subf %gather3A_1063, %get3A_903 : vector<16xf32>
    %div3A_1067 = arith.divf %sub3A_1066, %get3A_909 : vector<16xf32>
    tpu.vector_store_idx %arg21[%add3A_1061], %div3A_1067 : memref<2048xf32, #tpu.memory_space<vmem>>[vector<16xi32>], vector<16xf32>,
    %sub3A_1068 = arith.subf %gather3A_1064, %get3A_905 : vector<16xf32>
    %div3A_1069 = arith.divf %sub3A_1068, %get3A_909 : vector<16xf32>
    tpu.vector_store_idx %arg22[%add3A_1061], %div3A_1069 : memref<2048xf32, #tpu.memory_space<vmem>>[vector<16xi32>], vector<16xf32>,
    %sub3A_1070 = arith.subf %gather3A_1065, %get3A_907 : vector<16xf32>
    %div3A_1071 = arith.divf %sub3A_1070, %get3A_909 : vector<16xf32>
    tpu.vector_store_idx %arg23[%add3A_1061], %div3A_1071 : memref<2048xf32, #tpu.memory_space<vmem>>[vector<16xi32>], vector<16xf32>,
    %add3A_1072 = arith.constant 12 : i32
    %add3A_1073 = vector.broadcast %add3A_1072 : i32 to vector<16xi32>
    %add3A_1074 = arith.addi %mul3A_915, %add3A_1073 : vector<16xi32>
    %gather3A_1075 = tpu.vector_load_idx %arg16[%add3A_1074] : memref<2048xi32, #tpu.memory_space<vmem>>[vector<16xi32>], vector<16xi32>,
    %gather3A_1076 = tpu.vector_load_idx %arg13[%gather3A_1075] : memref<8192xf32, #tpu.memory_space<vmem>>[vector<16xi32>], vector<16xf32>,
    %gather3A_1077 = tpu.vector_load_idx %arg14[%gather3A_1075] : memref<8192xf32, #tpu.memory_space<vmem>>[vector<16xi32>], vector<16xf32>,
    %gather3A_1078 = tpu.vector_load_idx %arg15[%gather3A_1075] : memref<8192xf32, #tpu.memory_space<vmem>>[vector<16xi32>], vector<16xf32>,
    %sub3A_1079 = arith.subf %gather3A_1076, %get3A_903 : vector<16xf32>
    %div3A_1080 = arith.divf %sub3A_1079, %get3A_909 : vector<16xf32>
    tpu.vector_store_idx %arg21[%add3A_1074], %div3A_1080 : memref<2048xf32, #tpu.memory_space<vmem>>[vector<16xi32>], vector<16xf32>,
    %sub3A_1081 = arith.subf %gather3A_1077, %get3A_905 : vector<16xf32>
    %div3A_1082 = arith.divf %sub3A_1081, %get3A_909 : vector<16xf32>
    tpu.vector_store_idx %arg22[%add3A_1074], %div3A_1082 : memref<2048xf32, #tpu.memory_space<vmem>>[vector<16xi32>], vector<16xf32>,
    %sub3A_1083 = arith.subf %gather3A_1078, %get3A_907 : vector<16xf32>
    %div3A_1084 = arith.divf %sub3A_1083, %get3A_909 : vector<16xf32>
    tpu.vector_store_idx %arg23[%add3A_1074], %div3A_1084 : memref<2048xf32, #tpu.memory_space<vmem>>[vector<16xi32>], vector<16xf32>,
    %add3A_1085 = arith.constant 13 : i32
    %add3A_1086 = vector.broadcast %add3A_1085 : i32 to vector<16xi32>
    %add3A_1087 = arith.addi %mul3A_915, %add3A_1086 : vector<16xi32>
    %gather3A_1088 = tpu.vector_load_idx %arg16[%add3A_1087] : memref<2048xi32, #tpu.memory_space<vmem>>[vector<16xi32>], vector<16xi32>,
    %gather3A_1089 = tpu.vector_load_idx %arg13[%gather3A_1088] : memref<8192xf32, #tpu.memory_space<vmem>>[vector<16xi32>], vector<16xf32>,
    %gather3A_1090 = tpu.vector_load_idx %arg14[%gather3A_1088] : memref<8192xf32, #tpu.memory_space<vmem>>[vector<16xi32>], vector<16xf32>,
    %gather3A_1091 = tpu.vector_load_idx %arg15[%gather3A_1088] : memref<8192xf32, #tpu.memory_space<vmem>>[vector<16xi32>], vector<16xf32>,
    %sub3A_1092 = arith.subf %gather3A_1089, %get3A_903 : vector<16xf32>
    %div3A_1093 = arith.divf %sub3A_1092, %get3A_909 : vector<16xf32>
    tpu.vector_store_idx %arg21[%add3A_1087], %div3A_1093 : memref<2048xf32, #tpu.memory_space<vmem>>[vector<16xi32>], vector<16xf32>,
    %sub3A_1094 = arith.subf %gather3A_1090, %get3A_905 : vector<16xf32>
    %div3A_1095 = arith.divf %sub3A_1094, %get3A_909 : vector<16xf32>
    tpu.vector_store_idx %arg22[%add3A_1087], %div3A_1095 : memref<2048xf32, #tpu.memory_space<vmem>>[vector<16xi32>], vector<16xf32>,
    %sub3A_1096 = arith.subf %gather3A_1091, %get3A_907 : vector<16xf32>
    %div3A_1097 = arith.divf %sub3A_1096, %get3A_909 : vector<16xf32>
    tpu.vector_store_idx %arg23[%add3A_1087], %div3A_1097 : memref<2048xf32, #tpu.memory_space<vmem>>[vector<16xi32>], vector<16xf32>,
    %add3A_1098 = arith.constant 14 : i32
    %add3A_1099 = vector.broadcast %add3A_1098 : i32 to vector<16xi32>
    %add3A_1100 = arith.addi %mul3A_915, %add3A_1099 : vector<16xi32>
    %gather3A_1101 = tpu.vector_load_idx %arg16[%add3A_1100] : memref<2048xi32, #tpu.memory_space<vmem>>[vector<16xi32>], vector<16xi32>,
    %gather3A_1102 = tpu.vector_load_idx %arg13[%gather3A_1101] : memref<8192xf32, #tpu.memory_space<vmem>>[vector<16xi32>], vector<16xf32>,
    %gather3A_1103 = tpu.vector_load_idx %arg14[%gather3A_1101] : memref<8192xf32, #tpu.memory_space<vmem>>[vector<16xi32>], vector<16xf32>,
    %gather3A_1104 = tpu.vector_load_idx %arg15[%gather3A_1101] : memref<8192xf32, #tpu.memory_space<vmem>>[vector<16xi32>], vector<16xf32>,
    %sub3A_1105 = arith.subf %gather3A_1102, %get3A_903 : vector<16xf32>
    %div3A_1106 = arith.divf %sub3A_1105, %get3A_909 : vector<16xf32>
    tpu.vector_store_idx %arg21[%add3A_1100], %div3A_1106 : memref<2048xf32, #tpu.memory_space<vmem>>[vector<16xi32>], vector<16xf32>,
    %sub3A_1107 = arith.subf %gather3A_1103, %get3A_905 : vector<16xf32>
    %div3A_1108 = arith.divf %sub3A_1107, %get3A_909 : vector<16xf32>
    tpu.vector_store_idx %arg22[%add3A_1100], %div3A_1108 : memref<2048xf32, #tpu.memory_space<vmem>>[vector<16xi32>], vector<16xf32>,
    %sub3A_1109 = arith.subf %gather3A_1104, %get3A_907 : vector<16xf32>
    %div3A_1110 = arith.divf %sub3A_1109, %get3A_909 : vector<16xf32>
    tpu.vector_store_idx %arg23[%add3A_1100], %div3A_1110 : memref<2048xf32, #tpu.memory_space<vmem>>[vector<16xi32>], vector<16xf32>,
    %add3A_1111 = arith.constant 15 : i32
    %add3A_1112 = vector.broadcast %add3A_1111 : i32 to vector<16xi32>
    %add3A_1113 = arith.addi %mul3A_915, %add3A_1112 : vector<16xi32>
    %gather3A_1114 = tpu.vector_load_idx %arg16[%add3A_1113] : memref<2048xi32, #tpu.memory_space<vmem>>[vector<16xi32>], vector<16xi32>,
    %gather3A_1115 = tpu.vector_load_idx %arg13[%gather3A_1114] : memref<8192xf32, #tpu.memory_space<vmem>>[vector<16xi32>], vector<16xf32>,
    %gather3A_1116 = tpu.vector_load_idx %arg14[%gather3A_1114] : memref<8192xf32, #tpu.memory_space<vmem>>[vector<16xi32>], vector<16xf32>,
    %gather3A_1117 = tpu.vector_load_idx %arg15[%gather3A_1114] : memref<8192xf32, #tpu.memory_space<vmem>>[vector<16xi32>], vector<16xf32>,
    %sub3A_1118 = arith.subf %gather3A_1115, %get3A_903 : vector<16xf32>
    %div3A_1119 = arith.divf %sub3A_1118, %get3A_909 : vector<16xf32>
    tpu.vector_store_idx %arg21[%add3A_1113], %div3A_1119 : memref<2048xf32, #tpu.memory_space<vmem>>[vector<16xi32>], vector<16xf32>,
    %sub3A_1120 = arith.subf %gather3A_1116, %get3A_905 : vector<16xf32>
    %div3A_1121 = arith.divf %sub3A_1120, %get3A_909 : vector<16xf32>
    tpu.vector_store_idx %arg22[%add3A_1113], %div3A_1121 : memref<2048xf32, #tpu.memory_space<vmem>>[vector<16xi32>], vector<16xf32>,
    %sub3A_1122 = arith.subf %gather3A_1117, %get3A_907 : vector<16xf32>
    %div3A_1123 = arith.divf %sub3A_1122, %get3A_909 : vector<16xf32>
    tpu.vector_store_idx %arg23[%add3A_1113], %div3A_1123 : memref<2048xf32, #tpu.memory_space<vmem>>[vector<16xi32>], vector<16xf32>,
    %add3A_1124 = arith.constant 16 : i32
    %add3A_1125 = vector.broadcast %add3A_1124 : i32 to vector<16xi32>
    %add3A_1126 = arith.addi %mul3A_915, %add3A_1125 : vector<16xi32>
    %gather3A_1127 = tpu.vector_load_idx %arg16[%add3A_1126] : memref<2048xi32, #tpu.memory_space<vmem>>[vector<16xi32>], vector<16xi32>,
    %gather3A_1128 = tpu.vector_load_idx %arg13[%gather3A_1127] : memref<8192xf32, #tpu.memory_space<vmem>>[vector<16xi32>], vector<16xf32>,
    %gather3A_1129 = tpu.vector_load_idx %arg14[%gather3A_1127] : memref<8192xf32, #tpu.memory_space<vmem>>[vector<16xi32>], vector<16xf32>,
    %gather3A_1130 = tpu.vector_load_idx %arg15[%gather3A_1127] : memref<8192xf32, #tpu.memory_space<vmem>>[vector<16xi32>], vector<16xf32>,
    %sub3A_1131 = arith.subf %gather3A_1128, %get3A_903 : vector<16xf32>
    %div3A_1132 = arith.divf %sub3A_1131, %get3A_909 : vector<16xf32>
    tpu.vector_store_idx %arg21[%add3A_1126], %div3A_1132 : memref<2048xf32, #tpu.memory_space<vmem>>[vector<16xi32>], vector<16xf32>,
    %sub3A_1133 = arith.subf %gather3A_1129, %get3A_905 : vector<16xf32>
    %div3A_1134 = arith.divf %sub3A_1133, %get3A_909 : vector<16xf32>
    tpu.vector_store_idx %arg22[%add3A_1126], %div3A_1134 : memref<2048xf32, #tpu.memory_space<vmem>>[vector<16xi32>], vector<16xf32>,
    %sub3A_1135 = arith.subf %gather3A_1130, %get3A_907 : vector<16xf32>
    %div3A_1136 = arith.divf %sub3A_1135, %get3A_909 : vector<16xf32>
    tpu.vector_store_idx %arg23[%add3A_1126], %div3A_1136 : memref<2048xf32, #tpu.memory_space<vmem>>[vector<16xi32>], vector<16xf32>,
    %add3A_1137 = arith.constant 17 : i32
    %add3A_1138 = vector.broadcast %add3A_1137 : i32 to vector<16xi32>
    %add3A_1139 = arith.addi %mul3A_915, %add3A_1138 : vector<16xi32>
    %gather3A_1140 = tpu.vector_load_idx %arg16[%add3A_1139] : memref<2048xi32, #tpu.memory_space<vmem>>[vector<16xi32>], vector<16xi32>,
    %gather3A_1141 = tpu.vector_load_idx %arg13[%gather3A_1140] : memref<8192xf32, #tpu.memory_space<vmem>>[vector<16xi32>], vector<16xf32>,
    %gather3A_1142 = tpu.vector_load_idx %arg14[%gather3A_1140] : memref<8192xf32, #tpu.memory_space<vmem>>[vector<16xi32>], vector<16xf32>,
    %gather3A_1143 = tpu.vector_load_idx %arg15[%gather3A_1140] : memref<8192xf32, #tpu.memory_space<vmem>>[vector<16xi32>], vector<16xf32>,
    %sub3A_1144 = arith.subf %gather3A_1141, %get3A_903 : vector<16xf32>
    %div3A_1145 = arith.divf %sub3A_1144, %get3A_909 : vector<16xf32>
    tpu.vector_store_idx %arg21[%add3A_1139], %div3A_1145 : memref<2048xf32, #tpu.memory_space<vmem>>[vector<16xi32>], vector<16xf32>,
    %sub3A_1146 = arith.subf %gather3A_1142, %get3A_905 : vector<16xf32>
    %div3A_1147 = arith.divf %sub3A_1146, %get3A_909 : vector<16xf32>
    tpu.vector_store_idx %arg22[%add3A_1139], %div3A_1147 : memref<2048xf32, #tpu.memory_space<vmem>>[vector<16xi32>], vector<16xf32>,
    %sub3A_1148 = arith.subf %gather3A_1143, %get3A_907 : vector<16xf32>
    %div3A_1149 = arith.divf %sub3A_1148, %get3A_909 : vector<16xf32>
    tpu.vector_store_idx %arg23[%add3A_1139], %div3A_1149 : memref<2048xf32, #tpu.memory_space<vmem>>[vector<16xi32>], vector<16xf32>,
    %add3A_1150 = arith.constant 18 : i32
    %add3A_1151 = vector.broadcast %add3A_1150 : i32 to vector<16xi32>
    %add3A_1152 = arith.addi %mul3A_915, %add3A_1151 : vector<16xi32>
    %gather3A_1153 = tpu.vector_load_idx %arg16[%add3A_1152] : memref<2048xi32, #tpu.memory_space<vmem>>[vector<16xi32>], vector<16xi32>,
    %gather3A_1154 = tpu.vector_load_idx %arg13[%gather3A_1153] : memref<8192xf32, #tpu.memory_space<vmem>>[vector<16xi32>], vector<16xf32>,
    %gather3A_1155 = tpu.vector_load_idx %arg14[%gather3A_1153] : memref<8192xf32, #tpu.memory_space<vmem>>[vector<16xi32>], vector<16xf32>,
    %gather3A_1156 = tpu.vector_load_idx %arg15[%gather3A_1153] : memref<8192xf32, #tpu.memory_space<vmem>>[vector<16xi32>], vector<16xf32>,
    %sub3A_1157 = arith.subf %gather3A_1154, %get3A_903 : vector<16xf32>
    %div3A_1158 = arith.divf %sub3A_1157, %get3A_909 : vector<16xf32>
    tpu.vector_store_idx %arg21[%add3A_1152], %div3A_1158 : memref<2048xf32, #tpu.memory_space<vmem>>[vector<16xi32>], vector<16xf32>,
    %sub3A_1159 = arith.subf %gather3A_1155, %get3A_905 : vector<16xf32>
    %div3A_1160 = arith.divf %sub3A_1159, %get3A_909 : vector<16xf32>
    tpu.vector_store_idx %arg22[%add3A_1152], %div3A_1160 : memref<2048xf32, #tpu.memory_space<vmem>>[vector<16xi32>], vector<16xf32>,
    %sub3A_1161 = arith.subf %gather3A_1156, %get3A_907 : vector<16xf32>
    %div3A_1162 = arith.divf %sub3A_1161, %get3A_909 : vector<16xf32>
    tpu.vector_store_idx %arg23[%add3A_1152], %div3A_1162 : memref<2048xf32, #tpu.memory_space<vmem>>[vector<16xi32>], vector<16xf32>,
    %add3A_1163 = arith.constant 19 : i32
    %add3A_1164 = vector.broadcast %add3A_1163 : i32 to vector<16xi32>
    %add3A_1165 = arith.addi %mul3A_915, %add3A_1164 : vector<16xi32>
    %gather3A_1166 = tpu.vector_load_idx %arg16[%add3A_1165] : memref<2048xi32, #tpu.memory_space<vmem>>[vector<16xi32>], vector<16xi32>,
    %gather3A_1167 = tpu.vector_load_idx %arg13[%gather3A_1166] : memref<8192xf32, #tpu.memory_space<vmem>>[vector<16xi32>], vector<16xf32>,
    %gather3A_1168 = tpu.vector_load_idx %arg14[%gather3A_1166] : memref<8192xf32, #tpu.memory_space<vmem>>[vector<16xi32>], vector<16xf32>,
    %gather3A_1169 = tpu.vector_load_idx %arg15[%gather3A_1166] : memref<8192xf32, #tpu.memory_space<vmem>>[vector<16xi32>], vector<16xf32>,
    %sub3A_1170 = arith.subf %gather3A_1167, %get3A_903 : vector<16xf32>
    %div3A_1171 = arith.divf %sub3A_1170, %get3A_909 : vector<16xf32>
    tpu.vector_store_idx %arg21[%add3A_1165], %div3A_1171 : memref<2048xf32, #tpu.memory_space<vmem>>[vector<16xi32>], vector<16xf32>,
    %sub3A_1172 = arith.subf %gather3A_1168, %get3A_905 : vector<16xf32>
    %div3A_1173 = arith.divf %sub3A_1172, %get3A_909 : vector<16xf32>
    tpu.vector_store_idx %arg22[%add3A_1165], %div3A_1173 : memref<2048xf32, #tpu.memory_space<vmem>>[vector<16xi32>], vector<16xf32>,
    %sub3A_1174 = arith.subf %gather3A_1169, %get3A_907 : vector<16xf32>
    %div3A_1175 = arith.divf %sub3A_1174, %get3A_909 : vector<16xf32>
    tpu.vector_store_idx %arg23[%add3A_1165], %div3A_1175 : memref<2048xf32, #tpu.memory_space<vmem>>[vector<16xi32>], vector<16xf32>,
    %add3A_1176 = arith.constant 20 : i32
    %add3A_1177 = vector.broadcast %add3A_1176 : i32 to vector<16xi32>
    %add3A_1178 = arith.addi %mul3A_915, %add3A_1177 : vector<16xi32>
    %gather3A_1179 = tpu.vector_load_idx %arg16[%add3A_1178] : memref<2048xi32, #tpu.memory_space<vmem>>[vector<16xi32>], vector<16xi32>,
    %gather3A_1180 = tpu.vector_load_idx %arg13[%gather3A_1179] : memref<8192xf32, #tpu.memory_space<vmem>>[vector<16xi32>], vector<16xf32>,
    %gather3A_1181 = tpu.vector_load_idx %arg14[%gather3A_1179] : memref<8192xf32, #tpu.memory_space<vmem>>[vector<16xi32>], vector<16xf32>,
    %gather3A_1182 = tpu.vector_load_idx %arg15[%gather3A_1179] : memref<8192xf32, #tpu.memory_space<vmem>>[vector<16xi32>], vector<16xf32>,
    %sub3A_1183 = arith.subf %gather3A_1180, %get3A_903 : vector<16xf32>
    %div3A_1184 = arith.divf %sub3A_1183, %get3A_909 : vector<16xf32>
    tpu.vector_store_idx %arg21[%add3A_1178], %div3A_1184 : memref<2048xf32, #tpu.memory_space<vmem>>[vector<16xi32>], vector<16xf32>,
    %sub3A_1185 = arith.subf %gather3A_1181, %get3A_905 : vector<16xf32>
    %div3A_1186 = arith.divf %sub3A_1185, %get3A_909 : vector<16xf32>
    tpu.vector_store_idx %arg22[%add3A_1178], %div3A_1186 : memref<2048xf32, #tpu.memory_space<vmem>>[vector<16xi32>], vector<16xf32>,
    %sub3A_1187 = arith.subf %gather3A_1182, %get3A_907 : vector<16xf32>
    %div3A_1188 = arith.divf %sub3A_1187, %get3A_909 : vector<16xf32>
    tpu.vector_store_idx %arg23[%add3A_1178], %div3A_1188 : memref<2048xf32, #tpu.memory_space<vmem>>[vector<16xi32>], vector<16xf32>,
    %add3A_1189 = arith.constant 21 : i32
    %add3A_1190 = vector.broadcast %add3A_1189 : i32 to vector<16xi32>
    %add3A_1191 = arith.addi %mul3A_915, %add3A_1190 : vector<16xi32>
    %gather3A_1192 = tpu.vector_load_idx %arg16[%add3A_1191] : memref<2048xi32, #tpu.memory_space<vmem>>[vector<16xi32>], vector<16xi32>,
    %gather3A_1193 = tpu.vector_load_idx %arg13[%gather3A_1192] : memref<8192xf32, #tpu.memory_space<vmem>>[vector<16xi32>], vector<16xf32>,
    %gather3A_1194 = tpu.vector_load_idx %arg14[%gather3A_1192] : memref<8192xf32, #tpu.memory_space<vmem>>[vector<16xi32>], vector<16xf32>,
    %gather3A_1195 = tpu.vector_load_idx %arg15[%gather3A_1192] : memref<8192xf32, #tpu.memory_space<vmem>>[vector<16xi32>], vector<16xf32>,
    %sub3A_1196 = arith.subf %gather3A_1193, %get3A_903 : vector<16xf32>
    %div3A_1197 = arith.divf %sub3A_1196, %get3A_909 : vector<16xf32>
    tpu.vector_store_idx %arg21[%add3A_1191], %div3A_1197 : memref<2048xf32, #tpu.memory_space<vmem>>[vector<16xi32>], vector<16xf32>,
    %sub3A_1198 = arith.subf %gather3A_1194, %get3A_905 : vector<16xf32>
    %div3A_1199 = arith.divf %sub3A_1198, %get3A_909 : vector<16xf32>
    tpu.vector_store_idx %arg22[%add3A_1191], %div3A_1199 : memref<2048xf32, #tpu.memory_space<vmem>>[vector<16xi32>], vector<16xf32>,
    %sub3A_1200 = arith.subf %gather3A_1195, %get3A_907 : vector<16xf32>
    %div3A_1201 = arith.divf %sub3A_1200, %get3A_909 : vector<16xf32>
    tpu.vector_store_idx %arg23[%add3A_1191], %div3A_1201 : memref<2048xf32, #tpu.memory_space<vmem>>[vector<16xi32>], vector<16xf32>,
    %add3A_1202 = arith.constant 22 : i32
    %add3A_1203 = vector.broadcast %add3A_1202 : i32 to vector<16xi32>
    %add3A_1204 = arith.addi %mul3A_915, %add3A_1203 : vector<16xi32>
    %gather3A_1205 = tpu.vector_load_idx %arg16[%add3A_1204] : memref<2048xi32, #tpu.memory_space<vmem>>[vector<16xi32>], vector<16xi32>,
    %gather3A_1206 = tpu.vector_load_idx %arg13[%gather3A_1205] : memref<8192xf32, #tpu.memory_space<vmem>>[vector<16xi32>], vector<16xf32>,
    %gather3A_1207 = tpu.vector_load_idx %arg14[%gather3A_1205] : memref<8192xf32, #tpu.memory_space<vmem>>[vector<16xi32>], vector<16xf32>,
    %gather3A_1208 = tpu.vector_load_idx %arg15[%gather3A_1205] : memref<8192xf32, #tpu.memory_space<vmem>>[vector<16xi32>], vector<16xf32>,
    %sub3A_1209 = arith.subf %gather3A_1206, %get3A_903 : vector<16xf32>
    %div3A_1210 = arith.divf %sub3A_1209, %get3A_909 : vector<16xf32>
    tpu.vector_store_idx %arg21[%add3A_1204], %div3A_1210 : memref<2048xf32, #tpu.memory_space<vmem>>[vector<16xi32>], vector<16xf32>,
    %sub3A_1211 = arith.subf %gather3A_1207, %get3A_905 : vector<16xf32>
    %div3A_1212 = arith.divf %sub3A_1211, %get3A_909 : vector<16xf32>
    tpu.vector_store_idx %arg22[%add3A_1204], %div3A_1212 : memref<2048xf32, #tpu.memory_space<vmem>>[vector<16xi32>], vector<16xf32>,
    %sub3A_1213 = arith.subf %gather3A_1208, %get3A_907 : vector<16xf32>
    %div3A_1214 = arith.divf %sub3A_1213, %get3A_909 : vector<16xf32>
    tpu.vector_store_idx %arg23[%add3A_1204], %div3A_1214 : memref<2048xf32, #tpu.memory_space<vmem>>[vector<16xi32>], vector<16xf32>,
    %add3A_1215 = arith.constant 23 : i32
    %add3A_1216 = vector.broadcast %add3A_1215 : i32 to vector<16xi32>
    %add3A_1217 = arith.addi %mul3A_915, %add3A_1216 : vector<16xi32>
    %gather3A_1218 = tpu.vector_load_idx %arg16[%add3A_1217] : memref<2048xi32, #tpu.memory_space<vmem>>[vector<16xi32>], vector<16xi32>,
    %gather3A_1219 = tpu.vector_load_idx %arg13[%gather3A_1218] : memref<8192xf32, #tpu.memory_space<vmem>>[vector<16xi32>], vector<16xf32>,
    %gather3A_1220 = tpu.vector_load_idx %arg14[%gather3A_1218] : memref<8192xf32, #tpu.memory_space<vmem>>[vector<16xi32>], vector<16xf32>,
    %gather3A_1221 = tpu.vector_load_idx %arg15[%gather3A_1218] : memref<8192xf32, #tpu.memory_space<vmem>>[vector<16xi32>], vector<16xf32>,
    %sub3A_1222 = arith.subf %gather3A_1219, %get3A_903 : vector<16xf32>
    %div3A_1223 = arith.divf %sub3A_1222, %get3A_909 : vector<16xf32>
    tpu.vector_store_idx %arg21[%add3A_1217], %div3A_1223 : memref<2048xf32, #tpu.memory_space<vmem>>[vector<16xi32>], vector<16xf32>,
    %sub3A_1224 = arith.subf %gather3A_1220, %get3A_905 : vector<16xf32>
    %div3A_1225 = arith.divf %sub3A_1224, %get3A_909 : vector<16xf32>
    tpu.vector_store_idx %arg22[%add3A_1217], %div3A_1225 : memref<2048xf32, #tpu.memory_space<vmem>>[vector<16xi32>], vector<16xf32>,
    %sub3A_1226 = arith.subf %gather3A_1221, %get3A_907 : vector<16xf32>
    %div3A_1227 = arith.divf %sub3A_1226, %get3A_909 : vector<16xf32>
    tpu.vector_store_idx %arg23[%add3A_1217], %div3A_1227 : memref<2048xf32, #tpu.memory_space<vmem>>[vector<16xi32>], vector<16xf32>,
    %add3A_1228 = arith.constant 24 : i32
    %add3A_1229 = vector.broadcast %add3A_1228 : i32 to vector<16xi32>
    %add3A_1230 = arith.addi %mul3A_915, %add3A_1229 : vector<16xi32>
    %gather3A_1231 = tpu.vector_load_idx %arg16[%add3A_1230] : memref<2048xi32, #tpu.memory_space<vmem>>[vector<16xi32>], vector<16xi32>,
    %gather3A_1232 = tpu.vector_load_idx %arg13[%gather3A_1231] : memref<8192xf32, #tpu.memory_space<vmem>>[vector<16xi32>], vector<16xf32>,
    %gather3A_1233 = tpu.vector_load_idx %arg14[%gather3A_1231] : memref<8192xf32, #tpu.memory_space<vmem>>[vector<16xi32>], vector<16xf32>,
    %gather3A_1234 = tpu.vector_load_idx %arg15[%gather3A_1231] : memref<8192xf32, #tpu.memory_space<vmem>>[vector<16xi32>], vector<16xf32>,
    %sub3A_1235 = arith.subf %gather3A_1232, %get3A_903 : vector<16xf32>
    %div3A_1236 = arith.divf %sub3A_1235, %get3A_909 : vector<16xf32>
    tpu.vector_store_idx %arg21[%add3A_1230], %div3A_1236 : memref<2048xf32, #tpu.memory_space<vmem>>[vector<16xi32>], vector<16xf32>,
    %sub3A_1237 = arith.subf %gather3A_1233, %get3A_905 : vector<16xf32>
    %div3A_1238 = arith.divf %sub3A_1237, %get3A_909 : vector<16xf32>
    tpu.vector_store_idx %arg22[%add3A_1230], %div3A_1238 : memref<2048xf32, #tpu.memory_space<vmem>>[vector<16xi32>], vector<16xf32>,
    %sub3A_1239 = arith.subf %gather3A_1234, %get3A_907 : vector<16xf32>
    %div3A_1240 = arith.divf %sub3A_1239, %get3A_909 : vector<16xf32>
    tpu.vector_store_idx %arg23[%add3A_1230], %div3A_1240 : memref<2048xf32, #tpu.memory_space<vmem>>[vector<16xi32>], vector<16xf32>,
    %add3A_1241 = arith.constant 25 : i32
    %add3A_1242 = vector.broadcast %add3A_1241 : i32 to vector<16xi32>
    %add3A_1243 = arith.addi %mul3A_915, %add3A_1242 : vector<16xi32>
    %gather3A_1244 = tpu.vector_load_idx %arg16[%add3A_1243] : memref<2048xi32, #tpu.memory_space<vmem>>[vector<16xi32>], vector<16xi32>,
    %gather3A_1245 = tpu.vector_load_idx %arg13[%gather3A_1244] : memref<8192xf32, #tpu.memory_space<vmem>>[vector<16xi32>], vector<16xf32>,
    %gather3A_1246 = tpu.vector_load_idx %arg14[%gather3A_1244] : memref<8192xf32, #tpu.memory_space<vmem>>[vector<16xi32>], vector<16xf32>,
    %gather3A_1247 = tpu.vector_load_idx %arg15[%gather3A_1244] : memref<8192xf32, #tpu.memory_space<vmem>>[vector<16xi32>], vector<16xf32>,
    %sub3A_1248 = arith.subf %gather3A_1245, %get3A_903 : vector<16xf32>
    %div3A_1249 = arith.divf %sub3A_1248, %get3A_909 : vector<16xf32>
    tpu.vector_store_idx %arg21[%add3A_1243], %div3A_1249 : memref<2048xf32, #tpu.memory_space<vmem>>[vector<16xi32>], vector<16xf32>,
    %sub3A_1250 = arith.subf %gather3A_1246, %get3A_905 : vector<16xf32>
    %div3A_1251 = arith.divf %sub3A_1250, %get3A_909 : vector<16xf32>
    tpu.vector_store_idx %arg22[%add3A_1243], %div3A_1251 : memref<2048xf32, #tpu.memory_space<vmem>>[vector<16xi32>], vector<16xf32>,
    %sub3A_1252 = arith.subf %gather3A_1247, %get3A_907 : vector<16xf32>
    %div3A_1253 = arith.divf %sub3A_1252, %get3A_909 : vector<16xf32>
    tpu.vector_store_idx %arg23[%add3A_1243], %div3A_1253 : memref<2048xf32, #tpu.memory_space<vmem>>[vector<16xi32>], vector<16xf32>,
    %add3A_1254 = arith.constant 26 : i32
    %add3A_1255 = vector.broadcast %add3A_1254 : i32 to vector<16xi32>
    %add3A_1256 = arith.addi %mul3A_915, %add3A_1255 : vector<16xi32>
    %gather3A_1257 = tpu.vector_load_idx %arg16[%add3A_1256] : memref<2048xi32, #tpu.memory_space<vmem>>[vector<16xi32>], vector<16xi32>,
    %gather3A_1258 = tpu.vector_load_idx %arg13[%gather3A_1257] : memref<8192xf32, #tpu.memory_space<vmem>>[vector<16xi32>], vector<16xf32>,
    %gather3A_1259 = tpu.vector_load_idx %arg14[%gather3A_1257] : memref<8192xf32, #tpu.memory_space<vmem>>[vector<16xi32>], vector<16xf32>,
    %gather3A_1260 = tpu.vector_load_idx %arg15[%gather3A_1257] : memref<8192xf32, #tpu.memory_space<vmem>>[vector<16xi32>], vector<16xf32>,
    %sub3A_1261 = arith.subf %gather3A_1258, %get3A_903 : vector<16xf32>
    %div3A_1262 = arith.divf %sub3A_1261, %get3A_909 : vector<16xf32>
    tpu.vector_store_idx %arg21[%add3A_1256], %div3A_1262 : memref<2048xf32, #tpu.memory_space<vmem>>[vector<16xi32>], vector<16xf32>,
    %sub3A_1263 = arith.subf %gather3A_1259, %get3A_905 : vector<16xf32>
    %div3A_1264 = arith.divf %sub3A_1263, %get3A_909 : vector<16xf32>
    tpu.vector_store_idx %arg22[%add3A_1256], %div3A_1264 : memref<2048xf32, #tpu.memory_space<vmem>>[vector<16xi32>], vector<16xf32>,
    %sub3A_1265 = arith.subf %gather3A_1260, %get3A_907 : vector<16xf32>
    %div3A_1266 = arith.divf %sub3A_1265, %get3A_909 : vector<16xf32>
    tpu.vector_store_idx %arg23[%add3A_1256], %div3A_1266 : memref<2048xf32, #tpu.memory_space<vmem>>[vector<16xi32>], vector<16xf32>,
    %add3A_1267 = arith.constant 27 : i32
    %add3A_1268 = vector.broadcast %add3A_1267 : i32 to vector<16xi32>
    %add3A_1269 = arith.addi %mul3A_915, %add3A_1268 : vector<16xi32>
    %gather3A_1270 = tpu.vector_load_idx %arg16[%add3A_1269] : memref<2048xi32, #tpu.memory_space<vmem>>[vector<16xi32>], vector<16xi32>,
    %gather3A_1271 = tpu.vector_load_idx %arg13[%gather3A_1270] : memref<8192xf32, #tpu.memory_space<vmem>>[vector<16xi32>], vector<16xf32>,
    %gather3A_1272 = tpu.vector_load_idx %arg14[%gather3A_1270] : memref<8192xf32, #tpu.memory_space<vmem>>[vector<16xi32>], vector<16xf32>,
    %gather3A_1273 = tpu.vector_load_idx %arg15[%gather3A_1270] : memref<8192xf32, #tpu.memory_space<vmem>>[vector<16xi32>], vector<16xf32>,
    %sub3A_1274 = arith.subf %gather3A_1271, %get3A_903 : vector<16xf32>
    %div3A_1275 = arith.divf %sub3A_1274, %get3A_909 : vector<16xf32>
    tpu.vector_store_idx %arg21[%add3A_1269], %div3A_1275 : memref<2048xf32, #tpu.memory_space<vmem>>[vector<16xi32>], vector<16xf32>,
    %sub3A_1276 = arith.subf %gather3A_1272, %get3A_905 : vector<16xf32>
    %div3A_1277 = arith.divf %sub3A_1276, %get3A_909 : vector<16xf32>
    tpu.vector_store_idx %arg22[%add3A_1269], %div3A_1277 : memref<2048xf32, #tpu.memory_space<vmem>>[vector<16xi32>], vector<16xf32>,
    %sub3A_1278 = arith.subf %gather3A_1273, %get3A_907 : vector<16xf32>
    %div3A_1279 = arith.divf %sub3A_1278, %get3A_909 : vector<16xf32>
    tpu.vector_store_idx %arg23[%add3A_1269], %div3A_1279 : memref<2048xf32, #tpu.memory_space<vmem>>[vector<16xi32>], vector<16xf32>,
    %add3A_1280 = arith.constant 28 : i32
    %add3A_1281 = vector.broadcast %add3A_1280 : i32 to vector<16xi32>
    %add3A_1282 = arith.addi %mul3A_915, %add3A_1281 : vector<16xi32>
    %gather3A_1283 = tpu.vector_load_idx %arg16[%add3A_1282] : memref<2048xi32, #tpu.memory_space<vmem>>[vector<16xi32>], vector<16xi32>,
    %gather3A_1284 = tpu.vector_load_idx %arg13[%gather3A_1283] : memref<8192xf32, #tpu.memory_space<vmem>>[vector<16xi32>], vector<16xf32>,
    %gather3A_1285 = tpu.vector_load_idx %arg14[%gather3A_1283] : memref<8192xf32, #tpu.memory_space<vmem>>[vector<16xi32>], vector<16xf32>,
    %gather3A_1286 = tpu.vector_load_idx %arg15[%gather3A_1283] : memref<8192xf32, #tpu.memory_space<vmem>>[vector<16xi32>], vector<16xf32>,
    %sub3A_1287 = arith.subf %gather3A_1284, %get3A_903 : vector<16xf32>
    %div3A_1288 = arith.divf %sub3A_1287, %get3A_909 : vector<16xf32>
    tpu.vector_store_idx %arg21[%add3A_1282], %div3A_1288 : memref<2048xf32, #tpu.memory_space<vmem>>[vector<16xi32>], vector<16xf32>,
    %sub3A_1289 = arith.subf %gather3A_1285, %get3A_905 : vector<16xf32>
    %div3A_1290 = arith.divf %sub3A_1289, %get3A_909 : vector<16xf32>
    tpu.vector_store_idx %arg22[%add3A_1282], %div3A_1290 : memref<2048xf32, #tpu.memory_space<vmem>>[vector<16xi32>], vector<16xf32>,
    %sub3A_1291 = arith.subf %gather3A_1286, %get3A_907 : vector<16xf32>
    %div3A_1292 = arith.divf %sub3A_1291, %get3A_909 : vector<16xf32>
    tpu.vector_store_idx %arg23[%add3A_1282], %div3A_1292 : memref<2048xf32, #tpu.memory_space<vmem>>[vector<16xi32>], vector<16xf32>,
    %add3A_1293 = arith.constant 29 : i32
    %add3A_1294 = vector.broadcast %add3A_1293 : i32 to vector<16xi32>
    %add3A_1295 = arith.addi %mul3A_915, %add3A_1294 : vector<16xi32>
    %gather3A_1296 = tpu.vector_load_idx %arg16[%add3A_1295] : memref<2048xi32, #tpu.memory_space<vmem>>[vector<16xi32>], vector<16xi32>,
    %gather3A_1297 = tpu.vector_load_idx %arg13[%gather3A_1296] : memref<8192xf32, #tpu.memory_space<vmem>>[vector<16xi32>], vector<16xf32>,
    %gather3A_1298 = tpu.vector_load_idx %arg14[%gather3A_1296] : memref<8192xf32, #tpu.memory_space<vmem>>[vector<16xi32>], vector<16xf32>,
    %gather3A_1299 = tpu.vector_load_idx %arg15[%gather3A_1296] : memref<8192xf32, #tpu.memory_space<vmem>>[vector<16xi32>], vector<16xf32>,
    %sub3A_1300 = arith.subf %gather3A_1297, %get3A_903 : vector<16xf32>
    %div3A_1301 = arith.divf %sub3A_1300, %get3A_909 : vector<16xf32>
    tpu.vector_store_idx %arg21[%add3A_1295], %div3A_1301 : memref<2048xf32, #tpu.memory_space<vmem>>[vector<16xi32>], vector<16xf32>,
    %sub3A_1302 = arith.subf %gather3A_1298, %get3A_905 : vector<16xf32>
    %div3A_1303 = arith.divf %sub3A_1302, %get3A_909 : vector<16xf32>
    tpu.vector_store_idx %arg22[%add3A_1295], %div3A_1303 : memref<2048xf32, #tpu.memory_space<vmem>>[vector<16xi32>], vector<16xf32>,
    %sub3A_1304 = arith.subf %gather3A_1299, %get3A_907 : vector<16xf32>
    %div3A_1305 = arith.divf %sub3A_1304, %get3A_909 : vector<16xf32>
    tpu.vector_store_idx %arg23[%add3A_1295], %div3A_1305 : memref<2048xf32, #tpu.memory_space<vmem>>[vector<16xi32>], vector<16xf32>,
    %add3A_1306 = arith.constant 30 : i32
    %add3A_1307 = vector.broadcast %add3A_1306 : i32 to vector<16xi32>
    %add3A_1308 = arith.addi %mul3A_915, %add3A_1307 : vector<16xi32>
    %gather3A_1309 = tpu.vector_load_idx %arg16[%add3A_1308] : memref<2048xi32, #tpu.memory_space<vmem>>[vector<16xi32>], vector<16xi32>,
    %gather3A_1310 = tpu.vector_load_idx %arg13[%gather3A_1309] : memref<8192xf32, #tpu.memory_space<vmem>>[vector<16xi32>], vector<16xf32>,
    %gather3A_1311 = tpu.vector_load_idx %arg14[%gather3A_1309] : memref<8192xf32, #tpu.memory_space<vmem>>[vector<16xi32>], vector<16xf32>,
    %gather3A_1312 = tpu.vector_load_idx %arg15[%gather3A_1309] : memref<8192xf32, #tpu.memory_space<vmem>>[vector<16xi32>], vector<16xf32>,
    %sub3A_1313 = arith.subf %gather3A_1310, %get3A_903 : vector<16xf32>
    %div3A_1314 = arith.divf %sub3A_1313, %get3A_909 : vector<16xf32>
    tpu.vector_store_idx %arg21[%add3A_1308], %div3A_1314 : memref<2048xf32, #tpu.memory_space<vmem>>[vector<16xi32>], vector<16xf32>,
    %sub3A_1315 = arith.subf %gather3A_1311, %get3A_905 : vector<16xf32>
    %div3A_1316 = arith.divf %sub3A_1315, %get3A_909 : vector<16xf32>
    tpu.vector_store_idx %arg22[%add3A_1308], %div3A_1316 : memref<2048xf32, #tpu.memory_space<vmem>>[vector<16xi32>], vector<16xf32>,
    %sub3A_1317 = arith.subf %gather3A_1312, %get3A_907 : vector<16xf32>
    %div3A_1318 = arith.divf %sub3A_1317, %get3A_909 : vector<16xf32>
    tpu.vector_store_idx %arg23[%add3A_1308], %div3A_1318 : memref<2048xf32, #tpu.memory_space<vmem>>[vector<16xi32>], vector<16xf32>,
    %add3A_1319 = arith.constant 31 : i32
    %add3A_1320 = vector.broadcast %add3A_1319 : i32 to vector<16xi32>
    %add3A_1321 = arith.addi %mul3A_915, %add3A_1320 : vector<16xi32>
    %gather3A_1322 = tpu.vector_load_idx %arg16[%add3A_1321] : memref<2048xi32, #tpu.memory_space<vmem>>[vector<16xi32>], vector<16xi32>,
    %gather3A_1323 = tpu.vector_load_idx %arg13[%gather3A_1322] : memref<8192xf32, #tpu.memory_space<vmem>>[vector<16xi32>], vector<16xf32>,
    %gather3A_1324 = tpu.vector_load_idx %arg14[%gather3A_1322] : memref<8192xf32, #tpu.memory_space<vmem>>[vector<16xi32>], vector<16xf32>,
    %gather3A_1325 = tpu.vector_load_idx %arg15[%gather3A_1322] : memref<8192xf32, #tpu.memory_space<vmem>>[vector<16xi32>], vector<16xf32>,
    %sub3A_1326 = arith.subf %gather3A_1323, %get3A_903 : vector<16xf32>
    %div3A_1327 = arith.divf %sub3A_1326, %get3A_909 : vector<16xf32>
    tpu.vector_store_idx %arg21[%add3A_1321], %div3A_1327 : memref<2048xf32, #tpu.memory_space<vmem>>[vector<16xi32>], vector<16xf32>,
    %sub3A_1328 = arith.subf %gather3A_1324, %get3A_905 : vector<16xf32>
    %div3A_1329 = arith.divf %sub3A_1328, %get3A_909 : vector<16xf32>
    tpu.vector_store_idx %arg22[%add3A_1321], %div3A_1329 : memref<2048xf32, #tpu.memory_space<vmem>>[vector<16xi32>], vector<16xf32>,
    %sub3A_1330 = arith.subf %gather3A_1325, %get3A_907 : vector<16xf32>
    %div3A_1331 = arith.divf %sub3A_1330, %get3A_909 : vector<16xf32>
    tpu.vector_store_idx %arg23[%add3A_1321], %div3A_1331 : memref<2048xf32, #tpu.memory_space<vmem>>[vector<16xi32>], vector<16xf32>,
    %get3A_1332 = arith.constant 48 : index
    %get3A_1333 = tpu.vector_load %arg18[%get3A_1332] {strides = array<i32>} : memref<64xf32, #tpu.memory_space<vmem>>, vector<16xf32>,
    %get3A_1334 = arith.constant 48 : index
    %get3A_1335 = tpu.vector_load %arg19[%get3A_1334] {strides = array<i32>} : memref<64xf32, #tpu.memory_space<vmem>>, vector<16xf32>,
    %get3A_1336 = arith.constant 48 : index
    %get3A_1337 = tpu.vector_load %arg20[%get3A_1336] {strides = array<i32>} : memref<64xf32, #tpu.memory_space<vmem>>, vector<16xf32>,
    %get3A_1338 = arith.constant 48 : index
    %get3A_1339 = tpu.vector_load %arg17[%get3A_1338] {strides = array<i32>} : memref<64xf32, #tpu.memory_space<vmem>>, vector<16xf32>,
    %add3A_1340 = arith.constant 48 : i32
    %add3A_1341 = vector.broadcast %add3A_1340 : i32 to vector<16xi32>
    %add3A_1342 = arith.addi %iota3A, %add3A_1341 : vector<16xi32>
    %mul3A_1343 = arith.constant 32 : i32
    %mul3A_1344 = vector.broadcast %mul3A_1343 : i32 to vector<16xi32>
    %mul3A_1345 = arith.muli %add3A_1342, %mul3A_1344 : vector<16xi32>
    %add3A_1346 = arith.constant 0 : i32
    %add3A_1347 = vector.broadcast %add3A_1346 : i32 to vector<16xi32>
    %add3A_1348 = arith.addi %mul3A_1345, %add3A_1347 : vector<16xi32>
    %gather3A_1349 = tpu.vector_load_idx %arg16[%add3A_1348] : memref<2048xi32, #tpu.memory_space<vmem>>[vector<16xi32>], vector<16xi32>,
    %gather3A_1350 = tpu.vector_load_idx %arg13[%gather3A_1349] : memref<8192xf32, #tpu.memory_space<vmem>>[vector<16xi32>], vector<16xf32>,
    %gather3A_1351 = tpu.vector_load_idx %arg14[%gather3A_1349] : memref<8192xf32, #tpu.memory_space<vmem>>[vector<16xi32>], vector<16xf32>,
    %gather3A_1352 = tpu.vector_load_idx %arg15[%gather3A_1349] : memref<8192xf32, #tpu.memory_space<vmem>>[vector<16xi32>], vector<16xf32>,
    %sub3A_1353 = arith.subf %gather3A_1350, %get3A_1333 : vector<16xf32>
    %div3A_1354 = arith.divf %sub3A_1353, %get3A_1339 : vector<16xf32>
    tpu.vector_store_idx %arg21[%add3A_1348], %div3A_1354 : memref<2048xf32, #tpu.memory_space<vmem>>[vector<16xi32>], vector<16xf32>,
    %sub3A_1355 = arith.subf %gather3A_1351, %get3A_1335 : vector<16xf32>
    %div3A_1356 = arith.divf %sub3A_1355, %get3A_1339 : vector<16xf32>
    tpu.vector_store_idx %arg22[%add3A_1348], %div3A_1356 : memref<2048xf32, #tpu.memory_space<vmem>>[vector<16xi32>], vector<16xf32>,
    %sub3A_1357 = arith.subf %gather3A_1352, %get3A_1337 : vector<16xf32>
    %div3A_1358 = arith.divf %sub3A_1357, %get3A_1339 : vector<16xf32>
    tpu.vector_store_idx %arg23[%add3A_1348], %div3A_1358 : memref<2048xf32, #tpu.memory_space<vmem>>[vector<16xi32>], vector<16xf32>,
    %add3A_1359 = arith.constant 1 : i32
    %add3A_1360 = vector.broadcast %add3A_1359 : i32 to vector<16xi32>
    %add3A_1361 = arith.addi %mul3A_1345, %add3A_1360 : vector<16xi32>
    %gather3A_1362 = tpu.vector_load_idx %arg16[%add3A_1361] : memref<2048xi32, #tpu.memory_space<vmem>>[vector<16xi32>], vector<16xi32>,
    %gather3A_1363 = tpu.vector_load_idx %arg13[%gather3A_1362] : memref<8192xf32, #tpu.memory_space<vmem>>[vector<16xi32>], vector<16xf32>,
    %gather3A_1364 = tpu.vector_load_idx %arg14[%gather3A_1362] : memref<8192xf32, #tpu.memory_space<vmem>>[vector<16xi32>], vector<16xf32>,
    %gather3A_1365 = tpu.vector_load_idx %arg15[%gather3A_1362] : memref<8192xf32, #tpu.memory_space<vmem>>[vector<16xi32>], vector<16xf32>,
    %sub3A_1366 = arith.subf %gather3A_1363, %get3A_1333 : vector<16xf32>
    %div3A_1367 = arith.divf %sub3A_1366, %get3A_1339 : vector<16xf32>
    tpu.vector_store_idx %arg21[%add3A_1361], %div3A_1367 : memref<2048xf32, #tpu.memory_space<vmem>>[vector<16xi32>], vector<16xf32>,
    %sub3A_1368 = arith.subf %gather3A_1364, %get3A_1335 : vector<16xf32>
    %div3A_1369 = arith.divf %sub3A_1368, %get3A_1339 : vector<16xf32>
    tpu.vector_store_idx %arg22[%add3A_1361], %div3A_1369 : memref<2048xf32, #tpu.memory_space<vmem>>[vector<16xi32>], vector<16xf32>,
    %sub3A_1370 = arith.subf %gather3A_1365, %get3A_1337 : vector<16xf32>
    %div3A_1371 = arith.divf %sub3A_1370, %get3A_1339 : vector<16xf32>
    tpu.vector_store_idx %arg23[%add3A_1361], %div3A_1371 : memref<2048xf32, #tpu.memory_space<vmem>>[vector<16xi32>], vector<16xf32>,
    %add3A_1372 = arith.constant 2 : i32
    %add3A_1373 = vector.broadcast %add3A_1372 : i32 to vector<16xi32>
    %add3A_1374 = arith.addi %mul3A_1345, %add3A_1373 : vector<16xi32>
    %gather3A_1375 = tpu.vector_load_idx %arg16[%add3A_1374] : memref<2048xi32, #tpu.memory_space<vmem>>[vector<16xi32>], vector<16xi32>,
    %gather3A_1376 = tpu.vector_load_idx %arg13[%gather3A_1375] : memref<8192xf32, #tpu.memory_space<vmem>>[vector<16xi32>], vector<16xf32>,
    %gather3A_1377 = tpu.vector_load_idx %arg14[%gather3A_1375] : memref<8192xf32, #tpu.memory_space<vmem>>[vector<16xi32>], vector<16xf32>,
    %gather3A_1378 = tpu.vector_load_idx %arg15[%gather3A_1375] : memref<8192xf32, #tpu.memory_space<vmem>>[vector<16xi32>], vector<16xf32>,
    %sub3A_1379 = arith.subf %gather3A_1376, %get3A_1333 : vector<16xf32>
    %div3A_1380 = arith.divf %sub3A_1379, %get3A_1339 : vector<16xf32>
    tpu.vector_store_idx %arg21[%add3A_1374], %div3A_1380 : memref<2048xf32, #tpu.memory_space<vmem>>[vector<16xi32>], vector<16xf32>,
    %sub3A_1381 = arith.subf %gather3A_1377, %get3A_1335 : vector<16xf32>
    %div3A_1382 = arith.divf %sub3A_1381, %get3A_1339 : vector<16xf32>
    tpu.vector_store_idx %arg22[%add3A_1374], %div3A_1382 : memref<2048xf32, #tpu.memory_space<vmem>>[vector<16xi32>], vector<16xf32>,
    %sub3A_1383 = arith.subf %gather3A_1378, %get3A_1337 : vector<16xf32>
    %div3A_1384 = arith.divf %sub3A_1383, %get3A_1339 : vector<16xf32>
    tpu.vector_store_idx %arg23[%add3A_1374], %div3A_1384 : memref<2048xf32, #tpu.memory_space<vmem>>[vector<16xi32>], vector<16xf32>,
    %add3A_1385 = arith.constant 3 : i32
    %add3A_1386 = vector.broadcast %add3A_1385 : i32 to vector<16xi32>
    %add3A_1387 = arith.addi %mul3A_1345, %add3A_1386 : vector<16xi32>
    %gather3A_1388 = tpu.vector_load_idx %arg16[%add3A_1387] : memref<2048xi32, #tpu.memory_space<vmem>>[vector<16xi32>], vector<16xi32>,
    %gather3A_1389 = tpu.vector_load_idx %arg13[%gather3A_1388] : memref<8192xf32, #tpu.memory_space<vmem>>[vector<16xi32>], vector<16xf32>,
    %gather3A_1390 = tpu.vector_load_idx %arg14[%gather3A_1388] : memref<8192xf32, #tpu.memory_space<vmem>>[vector<16xi32>], vector<16xf32>,
    %gather3A_1391 = tpu.vector_load_idx %arg15[%gather3A_1388] : memref<8192xf32, #tpu.memory_space<vmem>>[vector<16xi32>], vector<16xf32>,
    %sub3A_1392 = arith.subf %gather3A_1389, %get3A_1333 : vector<16xf32>
    %div3A_1393 = arith.divf %sub3A_1392, %get3A_1339 : vector<16xf32>
    tpu.vector_store_idx %arg21[%add3A_1387], %div3A_1393 : memref<2048xf32, #tpu.memory_space<vmem>>[vector<16xi32>], vector<16xf32>,
    %sub3A_1394 = arith.subf %gather3A_1390, %get3A_1335 : vector<16xf32>
    %div3A_1395 = arith.divf %sub3A_1394, %get3A_1339 : vector<16xf32>
    tpu.vector_store_idx %arg22[%add3A_1387], %div3A_1395 : memref<2048xf32, #tpu.memory_space<vmem>>[vector<16xi32>], vector<16xf32>,
    %sub3A_1396 = arith.subf %gather3A_1391, %get3A_1337 : vector<16xf32>
    %div3A_1397 = arith.divf %sub3A_1396, %get3A_1339 : vector<16xf32>
    tpu.vector_store_idx %arg23[%add3A_1387], %div3A_1397 : memref<2048xf32, #tpu.memory_space<vmem>>[vector<16xi32>], vector<16xf32>,
    %add3A_1398 = arith.constant 4 : i32
    %add3A_1399 = vector.broadcast %add3A_1398 : i32 to vector<16xi32>
    %add3A_1400 = arith.addi %mul3A_1345, %add3A_1399 : vector<16xi32>
    %gather3A_1401 = tpu.vector_load_idx %arg16[%add3A_1400] : memref<2048xi32, #tpu.memory_space<vmem>>[vector<16xi32>], vector<16xi32>,
    %gather3A_1402 = tpu.vector_load_idx %arg13[%gather3A_1401] : memref<8192xf32, #tpu.memory_space<vmem>>[vector<16xi32>], vector<16xf32>,
    %gather3A_1403 = tpu.vector_load_idx %arg14[%gather3A_1401] : memref<8192xf32, #tpu.memory_space<vmem>>[vector<16xi32>], vector<16xf32>,
    %gather3A_1404 = tpu.vector_load_idx %arg15[%gather3A_1401] : memref<8192xf32, #tpu.memory_space<vmem>>[vector<16xi32>], vector<16xf32>,
    %sub3A_1405 = arith.subf %gather3A_1402, %get3A_1333 : vector<16xf32>
    %div3A_1406 = arith.divf %sub3A_1405, %get3A_1339 : vector<16xf32>
    tpu.vector_store_idx %arg21[%add3A_1400], %div3A_1406 : memref<2048xf32, #tpu.memory_space<vmem>>[vector<16xi32>], vector<16xf32>,
    %sub3A_1407 = arith.subf %gather3A_1403, %get3A_1335 : vector<16xf32>
    %div3A_1408 = arith.divf %sub3A_1407, %get3A_1339 : vector<16xf32>
    tpu.vector_store_idx %arg22[%add3A_1400], %div3A_1408 : memref<2048xf32, #tpu.memory_space<vmem>>[vector<16xi32>], vector<16xf32>,
    %sub3A_1409 = arith.subf %gather3A_1404, %get3A_1337 : vector<16xf32>
    %div3A_1410 = arith.divf %sub3A_1409, %get3A_1339 : vector<16xf32>
    tpu.vector_store_idx %arg23[%add3A_1400], %div3A_1410 : memref<2048xf32, #tpu.memory_space<vmem>>[vector<16xi32>], vector<16xf32>,
    %add3A_1411 = arith.constant 5 : i32
    %add3A_1412 = vector.broadcast %add3A_1411 : i32 to vector<16xi32>
    %add3A_1413 = arith.addi %mul3A_1345, %add3A_1412 : vector<16xi32>
    %gather3A_1414 = tpu.vector_load_idx %arg16[%add3A_1413] : memref<2048xi32, #tpu.memory_space<vmem>>[vector<16xi32>], vector<16xi32>,
    %gather3A_1415 = tpu.vector_load_idx %arg13[%gather3A_1414] : memref<8192xf32, #tpu.memory_space<vmem>>[vector<16xi32>], vector<16xf32>,
    %gather3A_1416 = tpu.vector_load_idx %arg14[%gather3A_1414] : memref<8192xf32, #tpu.memory_space<vmem>>[vector<16xi32>], vector<16xf32>,
    %gather3A_1417 = tpu.vector_load_idx %arg15[%gather3A_1414] : memref<8192xf32, #tpu.memory_space<vmem>>[vector<16xi32>], vector<16xf32>,
    %sub3A_1418 = arith.subf %gather3A_1415, %get3A_1333 : vector<16xf32>
    %div3A_1419 = arith.divf %sub3A_1418, %get3A_1339 : vector<16xf32>
    tpu.vector_store_idx %arg21[%add3A_1413], %div3A_1419 : memref<2048xf32, #tpu.memory_space<vmem>>[vector<16xi32>], vector<16xf32>,
    %sub3A_1420 = arith.subf %gather3A_1416, %get3A_1335 : vector<16xf32>
    %div3A_1421 = arith.divf %sub3A_1420, %get3A_1339 : vector<16xf32>
    tpu.vector_store_idx %arg22[%add3A_1413], %div3A_1421 : memref<2048xf32, #tpu.memory_space<vmem>>[vector<16xi32>], vector<16xf32>,
    %sub3A_1422 = arith.subf %gather3A_1417, %get3A_1337 : vector<16xf32>
    %div3A_1423 = arith.divf %sub3A_1422, %get3A_1339 : vector<16xf32>
    tpu.vector_store_idx %arg23[%add3A_1413], %div3A_1423 : memref<2048xf32, #tpu.memory_space<vmem>>[vector<16xi32>], vector<16xf32>,
    %add3A_1424 = arith.constant 6 : i32
    %add3A_1425 = vector.broadcast %add3A_1424 : i32 to vector<16xi32>
    %add3A_1426 = arith.addi %mul3A_1345, %add3A_1425 : vector<16xi32>
    %gather3A_1427 = tpu.vector_load_idx %arg16[%add3A_1426] : memref<2048xi32, #tpu.memory_space<vmem>>[vector<16xi32>], vector<16xi32>,
    %gather3A_1428 = tpu.vector_load_idx %arg13[%gather3A_1427] : memref<8192xf32, #tpu.memory_space<vmem>>[vector<16xi32>], vector<16xf32>,
    %gather3A_1429 = tpu.vector_load_idx %arg14[%gather3A_1427] : memref<8192xf32, #tpu.memory_space<vmem>>[vector<16xi32>], vector<16xf32>,
    %gather3A_1430 = tpu.vector_load_idx %arg15[%gather3A_1427] : memref<8192xf32, #tpu.memory_space<vmem>>[vector<16xi32>], vector<16xf32>,
    %sub3A_1431 = arith.subf %gather3A_1428, %get3A_1333 : vector<16xf32>
    %div3A_1432 = arith.divf %sub3A_1431, %get3A_1339 : vector<16xf32>
    tpu.vector_store_idx %arg21[%add3A_1426], %div3A_1432 : memref<2048xf32, #tpu.memory_space<vmem>>[vector<16xi32>], vector<16xf32>,
    %sub3A_1433 = arith.subf %gather3A_1429, %get3A_1335 : vector<16xf32>
    %div3A_1434 = arith.divf %sub3A_1433, %get3A_1339 : vector<16xf32>
    tpu.vector_store_idx %arg22[%add3A_1426], %div3A_1434 : memref<2048xf32, #tpu.memory_space<vmem>>[vector<16xi32>], vector<16xf32>,
    %sub3A_1435 = arith.subf %gather3A_1430, %get3A_1337 : vector<16xf32>
    %div3A_1436 = arith.divf %sub3A_1435, %get3A_1339 : vector<16xf32>
    tpu.vector_store_idx %arg23[%add3A_1426], %div3A_1436 : memref<2048xf32, #tpu.memory_space<vmem>>[vector<16xi32>], vector<16xf32>,
    %add3A_1437 = arith.constant 7 : i32
    %add3A_1438 = vector.broadcast %add3A_1437 : i32 to vector<16xi32>
    %add3A_1439 = arith.addi %mul3A_1345, %add3A_1438 : vector<16xi32>
    %gather3A_1440 = tpu.vector_load_idx %arg16[%add3A_1439] : memref<2048xi32, #tpu.memory_space<vmem>>[vector<16xi32>], vector<16xi32>,
    %gather3A_1441 = tpu.vector_load_idx %arg13[%gather3A_1440] : memref<8192xf32, #tpu.memory_space<vmem>>[vector<16xi32>], vector<16xf32>,
    %gather3A_1442 = tpu.vector_load_idx %arg14[%gather3A_1440] : memref<8192xf32, #tpu.memory_space<vmem>>[vector<16xi32>], vector<16xf32>,
    %gather3A_1443 = tpu.vector_load_idx %arg15[%gather3A_1440] : memref<8192xf32, #tpu.memory_space<vmem>>[vector<16xi32>], vector<16xf32>,
    %sub3A_1444 = arith.subf %gather3A_1441, %get3A_1333 : vector<16xf32>
    %div3A_1445 = arith.divf %sub3A_1444, %get3A_1339 : vector<16xf32>
    tpu.vector_store_idx %arg21[%add3A_1439], %div3A_1445 : memref<2048xf32, #tpu.memory_space<vmem>>[vector<16xi32>], vector<16xf32>,
    %sub3A_1446 = arith.subf %gather3A_1442, %get3A_1335 : vector<16xf32>
    %div3A_1447 = arith.divf %sub3A_1446, %get3A_1339 : vector<16xf32>
    tpu.vector_store_idx %arg22[%add3A_1439], %div3A_1447 : memref<2048xf32, #tpu.memory_space<vmem>>[vector<16xi32>], vector<16xf32>,
    %sub3A_1448 = arith.subf %gather3A_1443, %get3A_1337 : vector<16xf32>
    %div3A_1449 = arith.divf %sub3A_1448, %get3A_1339 : vector<16xf32>
    tpu.vector_store_idx %arg23[%add3A_1439], %div3A_1449 : memref<2048xf32, #tpu.memory_space<vmem>>[vector<16xi32>], vector<16xf32>,
    %add3A_1450 = arith.constant 8 : i32
    %add3A_1451 = vector.broadcast %add3A_1450 : i32 to vector<16xi32>
    %add3A_1452 = arith.addi %mul3A_1345, %add3A_1451 : vector<16xi32>
    %gather3A_1453 = tpu.vector_load_idx %arg16[%add3A_1452] : memref<2048xi32, #tpu.memory_space<vmem>>[vector<16xi32>], vector<16xi32>,
    %gather3A_1454 = tpu.vector_load_idx %arg13[%gather3A_1453] : memref<8192xf32, #tpu.memory_space<vmem>>[vector<16xi32>], vector<16xf32>,
    %gather3A_1455 = tpu.vector_load_idx %arg14[%gather3A_1453] : memref<8192xf32, #tpu.memory_space<vmem>>[vector<16xi32>], vector<16xf32>,
    %gather3A_1456 = tpu.vector_load_idx %arg15[%gather3A_1453] : memref<8192xf32, #tpu.memory_space<vmem>>[vector<16xi32>], vector<16xf32>,
    %sub3A_1457 = arith.subf %gather3A_1454, %get3A_1333 : vector<16xf32>
    %div3A_1458 = arith.divf %sub3A_1457, %get3A_1339 : vector<16xf32>
    tpu.vector_store_idx %arg21[%add3A_1452], %div3A_1458 : memref<2048xf32, #tpu.memory_space<vmem>>[vector<16xi32>], vector<16xf32>,
    %sub3A_1459 = arith.subf %gather3A_1455, %get3A_1335 : vector<16xf32>
    %div3A_1460 = arith.divf %sub3A_1459, %get3A_1339 : vector<16xf32>
    tpu.vector_store_idx %arg22[%add3A_1452], %div3A_1460 : memref<2048xf32, #tpu.memory_space<vmem>>[vector<16xi32>], vector<16xf32>,
    %sub3A_1461 = arith.subf %gather3A_1456, %get3A_1337 : vector<16xf32>
    %div3A_1462 = arith.divf %sub3A_1461, %get3A_1339 : vector<16xf32>
    tpu.vector_store_idx %arg23[%add3A_1452], %div3A_1462 : memref<2048xf32, #tpu.memory_space<vmem>>[vector<16xi32>], vector<16xf32>,
    %add3A_1463 = arith.constant 9 : i32
    %add3A_1464 = vector.broadcast %add3A_1463 : i32 to vector<16xi32>
    %add3A_1465 = arith.addi %mul3A_1345, %add3A_1464 : vector<16xi32>
    %gather3A_1466 = tpu.vector_load_idx %arg16[%add3A_1465] : memref<2048xi32, #tpu.memory_space<vmem>>[vector<16xi32>], vector<16xi32>,
    %gather3A_1467 = tpu.vector_load_idx %arg13[%gather3A_1466] : memref<8192xf32, #tpu.memory_space<vmem>>[vector<16xi32>], vector<16xf32>,
    %gather3A_1468 = tpu.vector_load_idx %arg14[%gather3A_1466] : memref<8192xf32, #tpu.memory_space<vmem>>[vector<16xi32>], vector<16xf32>,
    %gather3A_1469 = tpu.vector_load_idx %arg15[%gather3A_1466] : memref<8192xf32, #tpu.memory_space<vmem>>[vector<16xi32>], vector<16xf32>,
    %sub3A_1470 = arith.subf %gather3A_1467, %get3A_1333 : vector<16xf32>
    %div3A_1471 = arith.divf %sub3A_1470, %get3A_1339 : vector<16xf32>
    tpu.vector_store_idx %arg21[%add3A_1465], %div3A_1471 : memref<2048xf32, #tpu.memory_space<vmem>>[vector<16xi32>], vector<16xf32>,
    %sub3A_1472 = arith.subf %gather3A_1468, %get3A_1335 : vector<16xf32>
    %div3A_1473 = arith.divf %sub3A_1472, %get3A_1339 : vector<16xf32>
    tpu.vector_store_idx %arg22[%add3A_1465], %div3A_1473 : memref<2048xf32, #tpu.memory_space<vmem>>[vector<16xi32>], vector<16xf32>,
    %sub3A_1474 = arith.subf %gather3A_1469, %get3A_1337 : vector<16xf32>
    %div3A_1475 = arith.divf %sub3A_1474, %get3A_1339 : vector<16xf32>
    tpu.vector_store_idx %arg23[%add3A_1465], %div3A_1475 : memref<2048xf32, #tpu.memory_space<vmem>>[vector<16xi32>], vector<16xf32>,
    %add3A_1476 = arith.constant 10 : i32
    %add3A_1477 = vector.broadcast %add3A_1476 : i32 to vector<16xi32>
    %add3A_1478 = arith.addi %mul3A_1345, %add3A_1477 : vector<16xi32>
    %gather3A_1479 = tpu.vector_load_idx %arg16[%add3A_1478] : memref<2048xi32, #tpu.memory_space<vmem>>[vector<16xi32>], vector<16xi32>,
    %gather3A_1480 = tpu.vector_load_idx %arg13[%gather3A_1479] : memref<8192xf32, #tpu.memory_space<vmem>>[vector<16xi32>], vector<16xf32>,
    %gather3A_1481 = tpu.vector_load_idx %arg14[%gather3A_1479] : memref<8192xf32, #tpu.memory_space<vmem>>[vector<16xi32>], vector<16xf32>,
    %gather3A_1482 = tpu.vector_load_idx %arg15[%gather3A_1479] : memref<8192xf32, #tpu.memory_space<vmem>>[vector<16xi32>], vector<16xf32>,
    %sub3A_1483 = arith.subf %gather3A_1480, %get3A_1333 : vector<16xf32>
    %div3A_1484 = arith.divf %sub3A_1483, %get3A_1339 : vector<16xf32>
    tpu.vector_store_idx %arg21[%add3A_1478], %div3A_1484 : memref<2048xf32, #tpu.memory_space<vmem>>[vector<16xi32>], vector<16xf32>,
    %sub3A_1485 = arith.subf %gather3A_1481, %get3A_1335 : vector<16xf32>
    %div3A_1486 = arith.divf %sub3A_1485, %get3A_1339 : vector<16xf32>
    tpu.vector_store_idx %arg22[%add3A_1478], %div3A_1486 : memref<2048xf32, #tpu.memory_space<vmem>>[vector<16xi32>], vector<16xf32>,
    %sub3A_1487 = arith.subf %gather3A_1482, %get3A_1337 : vector<16xf32>
    %div3A_1488 = arith.divf %sub3A_1487, %get3A_1339 : vector<16xf32>
    tpu.vector_store_idx %arg23[%add3A_1478], %div3A_1488 : memref<2048xf32, #tpu.memory_space<vmem>>[vector<16xi32>], vector<16xf32>,
    %add3A_1489 = arith.constant 11 : i32
    %add3A_1490 = vector.broadcast %add3A_1489 : i32 to vector<16xi32>
    %add3A_1491 = arith.addi %mul3A_1345, %add3A_1490 : vector<16xi32>
    %gather3A_1492 = tpu.vector_load_idx %arg16[%add3A_1491] : memref<2048xi32, #tpu.memory_space<vmem>>[vector<16xi32>], vector<16xi32>,
    %gather3A_1493 = tpu.vector_load_idx %arg13[%gather3A_1492] : memref<8192xf32, #tpu.memory_space<vmem>>[vector<16xi32>], vector<16xf32>,
    %gather3A_1494 = tpu.vector_load_idx %arg14[%gather3A_1492] : memref<8192xf32, #tpu.memory_space<vmem>>[vector<16xi32>], vector<16xf32>,
    %gather3A_1495 = tpu.vector_load_idx %arg15[%gather3A_1492] : memref<8192xf32, #tpu.memory_space<vmem>>[vector<16xi32>], vector<16xf32>,
    %sub3A_1496 = arith.subf %gather3A_1493, %get3A_1333 : vector<16xf32>
    %div3A_1497 = arith.divf %sub3A_1496, %get3A_1339 : vector<16xf32>
    tpu.vector_store_idx %arg21[%add3A_1491], %div3A_1497 : memref<2048xf32, #tpu.memory_space<vmem>>[vector<16xi32>], vector<16xf32>,
    %sub3A_1498 = arith.subf %gather3A_1494, %get3A_1335 : vector<16xf32>
    %div3A_1499 = arith.divf %sub3A_1498, %get3A_1339 : vector<16xf32>
    tpu.vector_store_idx %arg22[%add3A_1491], %div3A_1499 : memref<2048xf32, #tpu.memory_space<vmem>>[vector<16xi32>], vector<16xf32>,
    %sub3A_1500 = arith.subf %gather3A_1495, %get3A_1337 : vector<16xf32>
    %div3A_1501 = arith.divf %sub3A_1500, %get3A_1339 : vector<16xf32>
    tpu.vector_store_idx %arg23[%add3A_1491], %div3A_1501 : memref<2048xf32, #tpu.memory_space<vmem>>[vector<16xi32>], vector<16xf32>,
    %add3A_1502 = arith.constant 12 : i32
    %add3A_1503 = vector.broadcast %add3A_1502 : i32 to vector<16xi32>
    %add3A_1504 = arith.addi %mul3A_1345, %add3A_1503 : vector<16xi32>
    %gather3A_1505 = tpu.vector_load_idx %arg16[%add3A_1504] : memref<2048xi32, #tpu.memory_space<vmem>>[vector<16xi32>], vector<16xi32>,
    %gather3A_1506 = tpu.vector_load_idx %arg13[%gather3A_1505] : memref<8192xf32, #tpu.memory_space<vmem>>[vector<16xi32>], vector<16xf32>,
    %gather3A_1507 = tpu.vector_load_idx %arg14[%gather3A_1505] : memref<8192xf32, #tpu.memory_space<vmem>>[vector<16xi32>], vector<16xf32>,
    %gather3A_1508 = tpu.vector_load_idx %arg15[%gather3A_1505] : memref<8192xf32, #tpu.memory_space<vmem>>[vector<16xi32>], vector<16xf32>,
    %sub3A_1509 = arith.subf %gather3A_1506, %get3A_1333 : vector<16xf32>
    %div3A_1510 = arith.divf %sub3A_1509, %get3A_1339 : vector<16xf32>
    tpu.vector_store_idx %arg21[%add3A_1504], %div3A_1510 : memref<2048xf32, #tpu.memory_space<vmem>>[vector<16xi32>], vector<16xf32>,
    %sub3A_1511 = arith.subf %gather3A_1507, %get3A_1335 : vector<16xf32>
    %div3A_1512 = arith.divf %sub3A_1511, %get3A_1339 : vector<16xf32>
    tpu.vector_store_idx %arg22[%add3A_1504], %div3A_1512 : memref<2048xf32, #tpu.memory_space<vmem>>[vector<16xi32>], vector<16xf32>,
    %sub3A_1513 = arith.subf %gather3A_1508, %get3A_1337 : vector<16xf32>
    %div3A_1514 = arith.divf %sub3A_1513, %get3A_1339 : vector<16xf32>
    tpu.vector_store_idx %arg23[%add3A_1504], %div3A_1514 : memref<2048xf32, #tpu.memory_space<vmem>>[vector<16xi32>], vector<16xf32>,
    %add3A_1515 = arith.constant 13 : i32
    %add3A_1516 = vector.broadcast %add3A_1515 : i32 to vector<16xi32>
    %add3A_1517 = arith.addi %mul3A_1345, %add3A_1516 : vector<16xi32>
    %gather3A_1518 = tpu.vector_load_idx %arg16[%add3A_1517] : memref<2048xi32, #tpu.memory_space<vmem>>[vector<16xi32>], vector<16xi32>,
    %gather3A_1519 = tpu.vector_load_idx %arg13[%gather3A_1518] : memref<8192xf32, #tpu.memory_space<vmem>>[vector<16xi32>], vector<16xf32>,
    %gather3A_1520 = tpu.vector_load_idx %arg14[%gather3A_1518] : memref<8192xf32, #tpu.memory_space<vmem>>[vector<16xi32>], vector<16xf32>,
    %gather3A_1521 = tpu.vector_load_idx %arg15[%gather3A_1518] : memref<8192xf32, #tpu.memory_space<vmem>>[vector<16xi32>], vector<16xf32>,
    %sub3A_1522 = arith.subf %gather3A_1519, %get3A_1333 : vector<16xf32>
    %div3A_1523 = arith.divf %sub3A_1522, %get3A_1339 : vector<16xf32>
    tpu.vector_store_idx %arg21[%add3A_1517], %div3A_1523 : memref<2048xf32, #tpu.memory_space<vmem>>[vector<16xi32>], vector<16xf32>,
    %sub3A_1524 = arith.subf %gather3A_1520, %get3A_1335 : vector<16xf32>
    %div3A_1525 = arith.divf %sub3A_1524, %get3A_1339 : vector<16xf32>
    tpu.vector_store_idx %arg22[%add3A_1517], %div3A_1525 : memref<2048xf32, #tpu.memory_space<vmem>>[vector<16xi32>], vector<16xf32>,
    %sub3A_1526 = arith.subf %gather3A_1521, %get3A_1337 : vector<16xf32>
    %div3A_1527 = arith.divf %sub3A_1526, %get3A_1339 : vector<16xf32>
    tpu.vector_store_idx %arg23[%add3A_1517], %div3A_1527 : memref<2048xf32, #tpu.memory_space<vmem>>[vector<16xi32>], vector<16xf32>,
    %add3A_1528 = arith.constant 14 : i32
    %add3A_1529 = vector.broadcast %add3A_1528 : i32 to vector<16xi32>
    %add3A_1530 = arith.addi %mul3A_1345, %add3A_1529 : vector<16xi32>
    %gather3A_1531 = tpu.vector_load_idx %arg16[%add3A_1530] : memref<2048xi32, #tpu.memory_space<vmem>>[vector<16xi32>], vector<16xi32>,
    %gather3A_1532 = tpu.vector_load_idx %arg13[%gather3A_1531] : memref<8192xf32, #tpu.memory_space<vmem>>[vector<16xi32>], vector<16xf32>,
    %gather3A_1533 = tpu.vector_load_idx %arg14[%gather3A_1531] : memref<8192xf32, #tpu.memory_space<vmem>>[vector<16xi32>], vector<16xf32>,
    %gather3A_1534 = tpu.vector_load_idx %arg15[%gather3A_1531] : memref<8192xf32, #tpu.memory_space<vmem>>[vector<16xi32>], vector<16xf32>,
    %sub3A_1535 = arith.subf %gather3A_1532, %get3A_1333 : vector<16xf32>
    %div3A_1536 = arith.divf %sub3A_1535, %get3A_1339 : vector<16xf32>
    tpu.vector_store_idx %arg21[%add3A_1530], %div3A_1536 : memref<2048xf32, #tpu.memory_space<vmem>>[vector<16xi32>], vector<16xf32>,
    %sub3A_1537 = arith.subf %gather3A_1533, %get3A_1335 : vector<16xf32>
    %div3A_1538 = arith.divf %sub3A_1537, %get3A_1339 : vector<16xf32>
    tpu.vector_store_idx %arg22[%add3A_1530], %div3A_1538 : memref<2048xf32, #tpu.memory_space<vmem>>[vector<16xi32>], vector<16xf32>,
    %sub3A_1539 = arith.subf %gather3A_1534, %get3A_1337 : vector<16xf32>
    %div3A_1540 = arith.divf %sub3A_1539, %get3A_1339 : vector<16xf32>
    tpu.vector_store_idx %arg23[%add3A_1530], %div3A_1540 : memref<2048xf32, #tpu.memory_space<vmem>>[vector<16xi32>], vector<16xf32>,
    %add3A_1541 = arith.constant 15 : i32
    %add3A_1542 = vector.broadcast %add3A_1541 : i32 to vector<16xi32>
    %add3A_1543 = arith.addi %mul3A_1345, %add3A_1542 : vector<16xi32>
    %gather3A_1544 = tpu.vector_load_idx %arg16[%add3A_1543] : memref<2048xi32, #tpu.memory_space<vmem>>[vector<16xi32>], vector<16xi32>,
    %gather3A_1545 = tpu.vector_load_idx %arg13[%gather3A_1544] : memref<8192xf32, #tpu.memory_space<vmem>>[vector<16xi32>], vector<16xf32>,
    %gather3A_1546 = tpu.vector_load_idx %arg14[%gather3A_1544] : memref<8192xf32, #tpu.memory_space<vmem>>[vector<16xi32>], vector<16xf32>,
    %gather3A_1547 = tpu.vector_load_idx %arg15[%gather3A_1544] : memref<8192xf32, #tpu.memory_space<vmem>>[vector<16xi32>], vector<16xf32>,
    %sub3A_1548 = arith.subf %gather3A_1545, %get3A_1333 : vector<16xf32>
    %div3A_1549 = arith.divf %sub3A_1548, %get3A_1339 : vector<16xf32>
    tpu.vector_store_idx %arg21[%add3A_1543], %div3A_1549 : memref<2048xf32, #tpu.memory_space<vmem>>[vector<16xi32>], vector<16xf32>,
    %sub3A_1550 = arith.subf %gather3A_1546, %get3A_1335 : vector<16xf32>
    %div3A_1551 = arith.divf %sub3A_1550, %get3A_1339 : vector<16xf32>
    tpu.vector_store_idx %arg22[%add3A_1543], %div3A_1551 : memref<2048xf32, #tpu.memory_space<vmem>>[vector<16xi32>], vector<16xf32>,
    %sub3A_1552 = arith.subf %gather3A_1547, %get3A_1337 : vector<16xf32>
    %div3A_1553 = arith.divf %sub3A_1552, %get3A_1339 : vector<16xf32>
    tpu.vector_store_idx %arg23[%add3A_1543], %div3A_1553 : memref<2048xf32, #tpu.memory_space<vmem>>[vector<16xi32>], vector<16xf32>,
    %add3A_1554 = arith.constant 16 : i32
    %add3A_1555 = vector.broadcast %add3A_1554 : i32 to vector<16xi32>
    %add3A_1556 = arith.addi %mul3A_1345, %add3A_1555 : vector<16xi32>
    %gather3A_1557 = tpu.vector_load_idx %arg16[%add3A_1556] : memref<2048xi32, #tpu.memory_space<vmem>>[vector<16xi32>], vector<16xi32>,
    %gather3A_1558 = tpu.vector_load_idx %arg13[%gather3A_1557] : memref<8192xf32, #tpu.memory_space<vmem>>[vector<16xi32>], vector<16xf32>,
    %gather3A_1559 = tpu.vector_load_idx %arg14[%gather3A_1557] : memref<8192xf32, #tpu.memory_space<vmem>>[vector<16xi32>], vector<16xf32>,
    %gather3A_1560 = tpu.vector_load_idx %arg15[%gather3A_1557] : memref<8192xf32, #tpu.memory_space<vmem>>[vector<16xi32>], vector<16xf32>,
    %sub3A_1561 = arith.subf %gather3A_1558, %get3A_1333 : vector<16xf32>
    %div3A_1562 = arith.divf %sub3A_1561, %get3A_1339 : vector<16xf32>
    tpu.vector_store_idx %arg21[%add3A_1556], %div3A_1562 : memref<2048xf32, #tpu.memory_space<vmem>>[vector<16xi32>], vector<16xf32>,
    %sub3A_1563 = arith.subf %gather3A_1559, %get3A_1335 : vector<16xf32>
    %div3A_1564 = arith.divf %sub3A_1563, %get3A_1339 : vector<16xf32>
    tpu.vector_store_idx %arg22[%add3A_1556], %div3A_1564 : memref<2048xf32, #tpu.memory_space<vmem>>[vector<16xi32>], vector<16xf32>,
    %sub3A_1565 = arith.subf %gather3A_1560, %get3A_1337 : vector<16xf32>
    %div3A_1566 = arith.divf %sub3A_1565, %get3A_1339 : vector<16xf32>
    tpu.vector_store_idx %arg23[%add3A_1556], %div3A_1566 : memref<2048xf32, #tpu.memory_space<vmem>>[vector<16xi32>], vector<16xf32>,
    %add3A_1567 = arith.constant 17 : i32
    %add3A_1568 = vector.broadcast %add3A_1567 : i32 to vector<16xi32>
    %add3A_1569 = arith.addi %mul3A_1345, %add3A_1568 : vector<16xi32>
    %gather3A_1570 = tpu.vector_load_idx %arg16[%add3A_1569] : memref<2048xi32, #tpu.memory_space<vmem>>[vector<16xi32>], vector<16xi32>,
    %gather3A_1571 = tpu.vector_load_idx %arg13[%gather3A_1570] : memref<8192xf32, #tpu.memory_space<vmem>>[vector<16xi32>], vector<16xf32>,
    %gather3A_1572 = tpu.vector_load_idx %arg14[%gather3A_1570] : memref<8192xf32, #tpu.memory_space<vmem>>[vector<16xi32>], vector<16xf32>,
    %gather3A_1573 = tpu.vector_load_idx %arg15[%gather3A_1570] : memref<8192xf32, #tpu.memory_space<vmem>>[vector<16xi32>], vector<16xf32>,
    %sub3A_1574 = arith.subf %gather3A_1571, %get3A_1333 : vector<16xf32>
    %div3A_1575 = arith.divf %sub3A_1574, %get3A_1339 : vector<16xf32>
    tpu.vector_store_idx %arg21[%add3A_1569], %div3A_1575 : memref<2048xf32, #tpu.memory_space<vmem>>[vector<16xi32>], vector<16xf32>,
    %sub3A_1576 = arith.subf %gather3A_1572, %get3A_1335 : vector<16xf32>
    %div3A_1577 = arith.divf %sub3A_1576, %get3A_1339 : vector<16xf32>
    tpu.vector_store_idx %arg22[%add3A_1569], %div3A_1577 : memref<2048xf32, #tpu.memory_space<vmem>>[vector<16xi32>], vector<16xf32>,
    %sub3A_1578 = arith.subf %gather3A_1573, %get3A_1337 : vector<16xf32>
    %div3A_1579 = arith.divf %sub3A_1578, %get3A_1339 : vector<16xf32>
    tpu.vector_store_idx %arg23[%add3A_1569], %div3A_1579 : memref<2048xf32, #tpu.memory_space<vmem>>[vector<16xi32>], vector<16xf32>,
    %add3A_1580 = arith.constant 18 : i32
    %add3A_1581 = vector.broadcast %add3A_1580 : i32 to vector<16xi32>
    %add3A_1582 = arith.addi %mul3A_1345, %add3A_1581 : vector<16xi32>
    %gather3A_1583 = tpu.vector_load_idx %arg16[%add3A_1582] : memref<2048xi32, #tpu.memory_space<vmem>>[vector<16xi32>], vector<16xi32>,
    %gather3A_1584 = tpu.vector_load_idx %arg13[%gather3A_1583] : memref<8192xf32, #tpu.memory_space<vmem>>[vector<16xi32>], vector<16xf32>,
    %gather3A_1585 = tpu.vector_load_idx %arg14[%gather3A_1583] : memref<8192xf32, #tpu.memory_space<vmem>>[vector<16xi32>], vector<16xf32>,
    %gather3A_1586 = tpu.vector_load_idx %arg15[%gather3A_1583] : memref<8192xf32, #tpu.memory_space<vmem>>[vector<16xi32>], vector<16xf32>,
    %sub3A_1587 = arith.subf %gather3A_1584, %get3A_1333 : vector<16xf32>
    %div3A_1588 = arith.divf %sub3A_1587, %get3A_1339 : vector<16xf32>
    tpu.vector_store_idx %arg21[%add3A_1582], %div3A_1588 : memref<2048xf32, #tpu.memory_space<vmem>>[vector<16xi32>], vector<16xf32>,
    %sub3A_1589 = arith.subf %gather3A_1585, %get3A_1335 : vector<16xf32>
    %div3A_1590 = arith.divf %sub3A_1589, %get3A_1339 : vector<16xf32>
    tpu.vector_store_idx %arg22[%add3A_1582], %div3A_1590 : memref<2048xf32, #tpu.memory_space<vmem>>[vector<16xi32>], vector<16xf32>,
    %sub3A_1591 = arith.subf %gather3A_1586, %get3A_1337 : vector<16xf32>
    %div3A_1592 = arith.divf %sub3A_1591, %get3A_1339 : vector<16xf32>
    tpu.vector_store_idx %arg23[%add3A_1582], %div3A_1592 : memref<2048xf32, #tpu.memory_space<vmem>>[vector<16xi32>], vector<16xf32>,
    %add3A_1593 = arith.constant 19 : i32
    %add3A_1594 = vector.broadcast %add3A_1593 : i32 to vector<16xi32>
    %add3A_1595 = arith.addi %mul3A_1345, %add3A_1594 : vector<16xi32>
    %gather3A_1596 = tpu.vector_load_idx %arg16[%add3A_1595] : memref<2048xi32, #tpu.memory_space<vmem>>[vector<16xi32>], vector<16xi32>,
    %gather3A_1597 = tpu.vector_load_idx %arg13[%gather3A_1596] : memref<8192xf32, #tpu.memory_space<vmem>>[vector<16xi32>], vector<16xf32>,
    %gather3A_1598 = tpu.vector_load_idx %arg14[%gather3A_1596] : memref<8192xf32, #tpu.memory_space<vmem>>[vector<16xi32>], vector<16xf32>,
    %gather3A_1599 = tpu.vector_load_idx %arg15[%gather3A_1596] : memref<8192xf32, #tpu.memory_space<vmem>>[vector<16xi32>], vector<16xf32>,
    %sub3A_1600 = arith.subf %gather3A_1597, %get3A_1333 : vector<16xf32>
    %div3A_1601 = arith.divf %sub3A_1600, %get3A_1339 : vector<16xf32>
    tpu.vector_store_idx %arg21[%add3A_1595], %div3A_1601 : memref<2048xf32, #tpu.memory_space<vmem>>[vector<16xi32>], vector<16xf32>,
    %sub3A_1602 = arith.subf %gather3A_1598, %get3A_1335 : vector<16xf32>
    %div3A_1603 = arith.divf %sub3A_1602, %get3A_1339 : vector<16xf32>
    tpu.vector_store_idx %arg22[%add3A_1595], %div3A_1603 : memref<2048xf32, #tpu.memory_space<vmem>>[vector<16xi32>], vector<16xf32>,
    %sub3A_1604 = arith.subf %gather3A_1599, %get3A_1337 : vector<16xf32>
    %div3A_1605 = arith.divf %sub3A_1604, %get3A_1339 : vector<16xf32>
    tpu.vector_store_idx %arg23[%add3A_1595], %div3A_1605 : memref<2048xf32, #tpu.memory_space<vmem>>[vector<16xi32>], vector<16xf32>,
    %add3A_1606 = arith.constant 20 : i32
    %add3A_1607 = vector.broadcast %add3A_1606 : i32 to vector<16xi32>
    %add3A_1608 = arith.addi %mul3A_1345, %add3A_1607 : vector<16xi32>
    %gather3A_1609 = tpu.vector_load_idx %arg16[%add3A_1608] : memref<2048xi32, #tpu.memory_space<vmem>>[vector<16xi32>], vector<16xi32>,
    %gather3A_1610 = tpu.vector_load_idx %arg13[%gather3A_1609] : memref<8192xf32, #tpu.memory_space<vmem>>[vector<16xi32>], vector<16xf32>,
    %gather3A_1611 = tpu.vector_load_idx %arg14[%gather3A_1609] : memref<8192xf32, #tpu.memory_space<vmem>>[vector<16xi32>], vector<16xf32>,
    %gather3A_1612 = tpu.vector_load_idx %arg15[%gather3A_1609] : memref<8192xf32, #tpu.memory_space<vmem>>[vector<16xi32>], vector<16xf32>,
    %sub3A_1613 = arith.subf %gather3A_1610, %get3A_1333 : vector<16xf32>
    %div3A_1614 = arith.divf %sub3A_1613, %get3A_1339 : vector<16xf32>
    tpu.vector_store_idx %arg21[%add3A_1608], %div3A_1614 : memref<2048xf32, #tpu.memory_space<vmem>>[vector<16xi32>], vector<16xf32>,
    %sub3A_1615 = arith.subf %gather3A_1611, %get3A_1335 : vector<16xf32>
    %div3A_1616 = arith.divf %sub3A_1615, %get3A_1339 : vector<16xf32>
    tpu.vector_store_idx %arg22[%add3A_1608], %div3A_1616 : memref<2048xf32, #tpu.memory_space<vmem>>[vector<16xi32>], vector<16xf32>,
    %sub3A_1617 = arith.subf %gather3A_1612, %get3A_1337 : vector<16xf32>
    %div3A_1618 = arith.divf %sub3A_1617, %get3A_1339 : vector<16xf32>
    tpu.vector_store_idx %arg23[%add3A_1608], %div3A_1618 : memref<2048xf32, #tpu.memory_space<vmem>>[vector<16xi32>], vector<16xf32>,
    %add3A_1619 = arith.constant 21 : i32
    %add3A_1620 = vector.broadcast %add3A_1619 : i32 to vector<16xi32>
    %add3A_1621 = arith.addi %mul3A_1345, %add3A_1620 : vector<16xi32>
    %gather3A_1622 = tpu.vector_load_idx %arg16[%add3A_1621] : memref<2048xi32, #tpu.memory_space<vmem>>[vector<16xi32>], vector<16xi32>,
    %gather3A_1623 = tpu.vector_load_idx %arg13[%gather3A_1622] : memref<8192xf32, #tpu.memory_space<vmem>>[vector<16xi32>], vector<16xf32>,
    %gather3A_1624 = tpu.vector_load_idx %arg14[%gather3A_1622] : memref<8192xf32, #tpu.memory_space<vmem>>[vector<16xi32>], vector<16xf32>,
    %gather3A_1625 = tpu.vector_load_idx %arg15[%gather3A_1622] : memref<8192xf32, #tpu.memory_space<vmem>>[vector<16xi32>], vector<16xf32>,
    %sub3A_1626 = arith.subf %gather3A_1623, %get3A_1333 : vector<16xf32>
    %div3A_1627 = arith.divf %sub3A_1626, %get3A_1339 : vector<16xf32>
    tpu.vector_store_idx %arg21[%add3A_1621], %div3A_1627 : memref<2048xf32, #tpu.memory_space<vmem>>[vector<16xi32>], vector<16xf32>,
    %sub3A_1628 = arith.subf %gather3A_1624, %get3A_1335 : vector<16xf32>
    %div3A_1629 = arith.divf %sub3A_1628, %get3A_1339 : vector<16xf32>
    tpu.vector_store_idx %arg22[%add3A_1621], %div3A_1629 : memref<2048xf32, #tpu.memory_space<vmem>>[vector<16xi32>], vector<16xf32>,
    %sub3A_1630 = arith.subf %gather3A_1625, %get3A_1337 : vector<16xf32>
    %div3A_1631 = arith.divf %sub3A_1630, %get3A_1339 : vector<16xf32>
    tpu.vector_store_idx %arg23[%add3A_1621], %div3A_1631 : memref<2048xf32, #tpu.memory_space<vmem>>[vector<16xi32>], vector<16xf32>,
    %add3A_1632 = arith.constant 22 : i32
    %add3A_1633 = vector.broadcast %add3A_1632 : i32 to vector<16xi32>
    %add3A_1634 = arith.addi %mul3A_1345, %add3A_1633 : vector<16xi32>
    %gather3A_1635 = tpu.vector_load_idx %arg16[%add3A_1634] : memref<2048xi32, #tpu.memory_space<vmem>>[vector<16xi32>], vector<16xi32>,
    %gather3A_1636 = tpu.vector_load_idx %arg13[%gather3A_1635] : memref<8192xf32, #tpu.memory_space<vmem>>[vector<16xi32>], vector<16xf32>,
    %gather3A_1637 = tpu.vector_load_idx %arg14[%gather3A_1635] : memref<8192xf32, #tpu.memory_space<vmem>>[vector<16xi32>], vector<16xf32>,
    %gather3A_1638 = tpu.vector_load_idx %arg15[%gather3A_1635] : memref<8192xf32, #tpu.memory_space<vmem>>[vector<16xi32>], vector<16xf32>,
    %sub3A_1639 = arith.subf %gather3A_1636, %get3A_1333 : vector<16xf32>
    %div3A_1640 = arith.divf %sub3A_1639, %get3A_1339 : vector<16xf32>
    tpu.vector_store_idx %arg21[%add3A_1634], %div3A_1640 : memref<2048xf32, #tpu.memory_space<vmem>>[vector<16xi32>], vector<16xf32>,
    %sub3A_1641 = arith.subf %gather3A_1637, %get3A_1335 : vector<16xf32>
    %div3A_1642 = arith.divf %sub3A_1641, %get3A_1339 : vector<16xf32>
    tpu.vector_store_idx %arg22[%add3A_1634], %div3A_1642 : memref<2048xf32, #tpu.memory_space<vmem>>[vector<16xi32>], vector<16xf32>,
    %sub3A_1643 = arith.subf %gather3A_1638, %get3A_1337 : vector<16xf32>
    %div3A_1644 = arith.divf %sub3A_1643, %get3A_1339 : vector<16xf32>
    tpu.vector_store_idx %arg23[%add3A_1634], %div3A_1644 : memref<2048xf32, #tpu.memory_space<vmem>>[vector<16xi32>], vector<16xf32>,
    %add3A_1645 = arith.constant 23 : i32
    %add3A_1646 = vector.broadcast %add3A_1645 : i32 to vector<16xi32>
    %add3A_1647 = arith.addi %mul3A_1345, %add3A_1646 : vector<16xi32>
    %gather3A_1648 = tpu.vector_load_idx %arg16[%add3A_1647] : memref<2048xi32, #tpu.memory_space<vmem>>[vector<16xi32>], vector<16xi32>,
    %gather3A_1649 = tpu.vector_load_idx %arg13[%gather3A_1648] : memref<8192xf32, #tpu.memory_space<vmem>>[vector<16xi32>], vector<16xf32>,
    %gather3A_1650 = tpu.vector_load_idx %arg14[%gather3A_1648] : memref<8192xf32, #tpu.memory_space<vmem>>[vector<16xi32>], vector<16xf32>,
    %gather3A_1651 = tpu.vector_load_idx %arg15[%gather3A_1648] : memref<8192xf32, #tpu.memory_space<vmem>>[vector<16xi32>], vector<16xf32>,
    %sub3A_1652 = arith.subf %gather3A_1649, %get3A_1333 : vector<16xf32>
    %div3A_1653 = arith.divf %sub3A_1652, %get3A_1339 : vector<16xf32>
    tpu.vector_store_idx %arg21[%add3A_1647], %div3A_1653 : memref<2048xf32, #tpu.memory_space<vmem>>[vector<16xi32>], vector<16xf32>,
    %sub3A_1654 = arith.subf %gather3A_1650, %get3A_1335 : vector<16xf32>
    %div3A_1655 = arith.divf %sub3A_1654, %get3A_1339 : vector<16xf32>
    tpu.vector_store_idx %arg22[%add3A_1647], %div3A_1655 : memref<2048xf32, #tpu.memory_space<vmem>>[vector<16xi32>], vector<16xf32>,
    %sub3A_1656 = arith.subf %gather3A_1651, %get3A_1337 : vector<16xf32>
    %div3A_1657 = arith.divf %sub3A_1656, %get3A_1339 : vector<16xf32>
    tpu.vector_store_idx %arg23[%add3A_1647], %div3A_1657 : memref<2048xf32, #tpu.memory_space<vmem>>[vector<16xi32>], vector<16xf32>,
    %add3A_1658 = arith.constant 24 : i32
    %add3A_1659 = vector.broadcast %add3A_1658 : i32 to vector<16xi32>
    %add3A_1660 = arith.addi %mul3A_1345, %add3A_1659 : vector<16xi32>
    %gather3A_1661 = tpu.vector_load_idx %arg16[%add3A_1660] : memref<2048xi32, #tpu.memory_space<vmem>>[vector<16xi32>], vector<16xi32>,
    %gather3A_1662 = tpu.vector_load_idx %arg13[%gather3A_1661] : memref<8192xf32, #tpu.memory_space<vmem>>[vector<16xi32>], vector<16xf32>,
    %gather3A_1663 = tpu.vector_load_idx %arg14[%gather3A_1661] : memref<8192xf32, #tpu.memory_space<vmem>>[vector<16xi32>], vector<16xf32>,
    %gather3A_1664 = tpu.vector_load_idx %arg15[%gather3A_1661] : memref<8192xf32, #tpu.memory_space<vmem>>[vector<16xi32>], vector<16xf32>,
    %sub3A_1665 = arith.subf %gather3A_1662, %get3A_1333 : vector<16xf32>
    %div3A_1666 = arith.divf %sub3A_1665, %get3A_1339 : vector<16xf32>
    tpu.vector_store_idx %arg21[%add3A_1660], %div3A_1666 : memref<2048xf32, #tpu.memory_space<vmem>>[vector<16xi32>], vector<16xf32>,
    %sub3A_1667 = arith.subf %gather3A_1663, %get3A_1335 : vector<16xf32>
    %div3A_1668 = arith.divf %sub3A_1667, %get3A_1339 : vector<16xf32>
    tpu.vector_store_idx %arg22[%add3A_1660], %div3A_1668 : memref<2048xf32, #tpu.memory_space<vmem>>[vector<16xi32>], vector<16xf32>,
    %sub3A_1669 = arith.subf %gather3A_1664, %get3A_1337 : vector<16xf32>
    %div3A_1670 = arith.divf %sub3A_1669, %get3A_1339 : vector<16xf32>
    tpu.vector_store_idx %arg23[%add3A_1660], %div3A_1670 : memref<2048xf32, #tpu.memory_space<vmem>>[vector<16xi32>], vector<16xf32>,
    %add3A_1671 = arith.constant 25 : i32
    %add3A_1672 = vector.broadcast %add3A_1671 : i32 to vector<16xi32>
    %add3A_1673 = arith.addi %mul3A_1345, %add3A_1672 : vector<16xi32>
    %gather3A_1674 = tpu.vector_load_idx %arg16[%add3A_1673] : memref<2048xi32, #tpu.memory_space<vmem>>[vector<16xi32>], vector<16xi32>,
    %gather3A_1675 = tpu.vector_load_idx %arg13[%gather3A_1674] : memref<8192xf32, #tpu.memory_space<vmem>>[vector<16xi32>], vector<16xf32>,
    %gather3A_1676 = tpu.vector_load_idx %arg14[%gather3A_1674] : memref<8192xf32, #tpu.memory_space<vmem>>[vector<16xi32>], vector<16xf32>,
    %gather3A_1677 = tpu.vector_load_idx %arg15[%gather3A_1674] : memref<8192xf32, #tpu.memory_space<vmem>>[vector<16xi32>], vector<16xf32>,
    %sub3A_1678 = arith.subf %gather3A_1675, %get3A_1333 : vector<16xf32>
    %div3A_1679 = arith.divf %sub3A_1678, %get3A_1339 : vector<16xf32>
    tpu.vector_store_idx %arg21[%add3A_1673], %div3A_1679 : memref<2048xf32, #tpu.memory_space<vmem>>[vector<16xi32>], vector<16xf32>,
    %sub3A_1680 = arith.subf %gather3A_1676, %get3A_1335 : vector<16xf32>
    %div3A_1681 = arith.divf %sub3A_1680, %get3A_1339 : vector<16xf32>
    tpu.vector_store_idx %arg22[%add3A_1673], %div3A_1681 : memref<2048xf32, #tpu.memory_space<vmem>>[vector<16xi32>], vector<16xf32>,
    %sub3A_1682 = arith.subf %gather3A_1677, %get3A_1337 : vector<16xf32>
    %div3A_1683 = arith.divf %sub3A_1682, %get3A_1339 : vector<16xf32>
    tpu.vector_store_idx %arg23[%add3A_1673], %div3A_1683 : memref<2048xf32, #tpu.memory_space<vmem>>[vector<16xi32>], vector<16xf32>,
    %add3A_1684 = arith.constant 26 : i32
    %add3A_1685 = vector.broadcast %add3A_1684 : i32 to vector<16xi32>
    %add3A_1686 = arith.addi %mul3A_1345, %add3A_1685 : vector<16xi32>
    %gather3A_1687 = tpu.vector_load_idx %arg16[%add3A_1686] : memref<2048xi32, #tpu.memory_space<vmem>>[vector<16xi32>], vector<16xi32>,
    %gather3A_1688 = tpu.vector_load_idx %arg13[%gather3A_1687] : memref<8192xf32, #tpu.memory_space<vmem>>[vector<16xi32>], vector<16xf32>,
    %gather3A_1689 = tpu.vector_load_idx %arg14[%gather3A_1687] : memref<8192xf32, #tpu.memory_space<vmem>>[vector<16xi32>], vector<16xf32>,
    %gather3A_1690 = tpu.vector_load_idx %arg15[%gather3A_1687] : memref<8192xf32, #tpu.memory_space<vmem>>[vector<16xi32>], vector<16xf32>,
    %sub3A_1691 = arith.subf %gather3A_1688, %get3A_1333 : vector<16xf32>
    %div3A_1692 = arith.divf %sub3A_1691, %get3A_1339 : vector<16xf32>
    tpu.vector_store_idx %arg21[%add3A_1686], %div3A_1692 : memref<2048xf32, #tpu.memory_space<vmem>>[vector<16xi32>], vector<16xf32>,
    %sub3A_1693 = arith.subf %gather3A_1689, %get3A_1335 : vector<16xf32>
    %div3A_1694 = arith.divf %sub3A_1693, %get3A_1339 : vector<16xf32>
    tpu.vector_store_idx %arg22[%add3A_1686], %div3A_1694 : memref<2048xf32, #tpu.memory_space<vmem>>[vector<16xi32>], vector<16xf32>,
    %sub3A_1695 = arith.subf %gather3A_1690, %get3A_1337 : vector<16xf32>
    %div3A_1696 = arith.divf %sub3A_1695, %get3A_1339 : vector<16xf32>
    tpu.vector_store_idx %arg23[%add3A_1686], %div3A_1696 : memref<2048xf32, #tpu.memory_space<vmem>>[vector<16xi32>], vector<16xf32>,
    %add3A_1697 = arith.constant 27 : i32
    %add3A_1698 = vector.broadcast %add3A_1697 : i32 to vector<16xi32>
    %add3A_1699 = arith.addi %mul3A_1345, %add3A_1698 : vector<16xi32>
    %gather3A_1700 = tpu.vector_load_idx %arg16[%add3A_1699] : memref<2048xi32, #tpu.memory_space<vmem>>[vector<16xi32>], vector<16xi32>,
    %gather3A_1701 = tpu.vector_load_idx %arg13[%gather3A_1700] : memref<8192xf32, #tpu.memory_space<vmem>>[vector<16xi32>], vector<16xf32>,
    %gather3A_1702 = tpu.vector_load_idx %arg14[%gather3A_1700] : memref<8192xf32, #tpu.memory_space<vmem>>[vector<16xi32>], vector<16xf32>,
    %gather3A_1703 = tpu.vector_load_idx %arg15[%gather3A_1700] : memref<8192xf32, #tpu.memory_space<vmem>>[vector<16xi32>], vector<16xf32>,
    %sub3A_1704 = arith.subf %gather3A_1701, %get3A_1333 : vector<16xf32>
    %div3A_1705 = arith.divf %sub3A_1704, %get3A_1339 : vector<16xf32>
    tpu.vector_store_idx %arg21[%add3A_1699], %div3A_1705 : memref<2048xf32, #tpu.memory_space<vmem>>[vector<16xi32>], vector<16xf32>,
    %sub3A_1706 = arith.subf %gather3A_1702, %get3A_1335 : vector<16xf32>
    %div3A_1707 = arith.divf %sub3A_1706, %get3A_1339 : vector<16xf32>
    tpu.vector_store_idx %arg22[%add3A_1699], %div3A_1707 : memref<2048xf32, #tpu.memory_space<vmem>>[vector<16xi32>], vector<16xf32>,
    %sub3A_1708 = arith.subf %gather3A_1703, %get3A_1337 : vector<16xf32>
    %div3A_1709 = arith.divf %sub3A_1708, %get3A_1339 : vector<16xf32>
    tpu.vector_store_idx %arg23[%add3A_1699], %div3A_1709 : memref<2048xf32, #tpu.memory_space<vmem>>[vector<16xi32>], vector<16xf32>,
    %add3A_1710 = arith.constant 28 : i32
    %add3A_1711 = vector.broadcast %add3A_1710 : i32 to vector<16xi32>
    %add3A_1712 = arith.addi %mul3A_1345, %add3A_1711 : vector<16xi32>
    %gather3A_1713 = tpu.vector_load_idx %arg16[%add3A_1712] : memref<2048xi32, #tpu.memory_space<vmem>>[vector<16xi32>], vector<16xi32>,
    %gather3A_1714 = tpu.vector_load_idx %arg13[%gather3A_1713] : memref<8192xf32, #tpu.memory_space<vmem>>[vector<16xi32>], vector<16xf32>,
    %gather3A_1715 = tpu.vector_load_idx %arg14[%gather3A_1713] : memref<8192xf32, #tpu.memory_space<vmem>>[vector<16xi32>], vector<16xf32>,
    %gather3A_1716 = tpu.vector_load_idx %arg15[%gather3A_1713] : memref<8192xf32, #tpu.memory_space<vmem>>[vector<16xi32>], vector<16xf32>,
    %sub3A_1717 = arith.subf %gather3A_1714, %get3A_1333 : vector<16xf32>
    %div3A_1718 = arith.divf %sub3A_1717, %get3A_1339 : vector<16xf32>
    tpu.vector_store_idx %arg21[%add3A_1712], %div3A_1718 : memref<2048xf32, #tpu.memory_space<vmem>>[vector<16xi32>], vector<16xf32>,
    %sub3A_1719 = arith.subf %gather3A_1715, %get3A_1335 : vector<16xf32>
    %div3A_1720 = arith.divf %sub3A_1719, %get3A_1339 : vector<16xf32>
    tpu.vector_store_idx %arg22[%add3A_1712], %div3A_1720 : memref<2048xf32, #tpu.memory_space<vmem>>[vector<16xi32>], vector<16xf32>,
    %sub3A_1721 = arith.subf %gather3A_1716, %get3A_1337 : vector<16xf32>
    %div3A_1722 = arith.divf %sub3A_1721, %get3A_1339 : vector<16xf32>
    tpu.vector_store_idx %arg23[%add3A_1712], %div3A_1722 : memref<2048xf32, #tpu.memory_space<vmem>>[vector<16xi32>], vector<16xf32>,
    %add3A_1723 = arith.constant 29 : i32
    %add3A_1724 = vector.broadcast %add3A_1723 : i32 to vector<16xi32>
    %add3A_1725 = arith.addi %mul3A_1345, %add3A_1724 : vector<16xi32>
    %gather3A_1726 = tpu.vector_load_idx %arg16[%add3A_1725] : memref<2048xi32, #tpu.memory_space<vmem>>[vector<16xi32>], vector<16xi32>,
    %gather3A_1727 = tpu.vector_load_idx %arg13[%gather3A_1726] : memref<8192xf32, #tpu.memory_space<vmem>>[vector<16xi32>], vector<16xf32>,
    %gather3A_1728 = tpu.vector_load_idx %arg14[%gather3A_1726] : memref<8192xf32, #tpu.memory_space<vmem>>[vector<16xi32>], vector<16xf32>,
    %gather3A_1729 = tpu.vector_load_idx %arg15[%gather3A_1726] : memref<8192xf32, #tpu.memory_space<vmem>>[vector<16xi32>], vector<16xf32>,
    %sub3A_1730 = arith.subf %gather3A_1727, %get3A_1333 : vector<16xf32>
    %div3A_1731 = arith.divf %sub3A_1730, %get3A_1339 : vector<16xf32>
    tpu.vector_store_idx %arg21[%add3A_1725], %div3A_1731 : memref<2048xf32, #tpu.memory_space<vmem>>[vector<16xi32>], vector<16xf32>,
    %sub3A_1732 = arith.subf %gather3A_1728, %get3A_1335 : vector<16xf32>
    %div3A_1733 = arith.divf %sub3A_1732, %get3A_1339 : vector<16xf32>
    tpu.vector_store_idx %arg22[%add3A_1725], %div3A_1733 : memref<2048xf32, #tpu.memory_space<vmem>>[vector<16xi32>], vector<16xf32>,
    %sub3A_1734 = arith.subf %gather3A_1729, %get3A_1337 : vector<16xf32>
    %div3A_1735 = arith.divf %sub3A_1734, %get3A_1339 : vector<16xf32>
    tpu.vector_store_idx %arg23[%add3A_1725], %div3A_1735 : memref<2048xf32, #tpu.memory_space<vmem>>[vector<16xi32>], vector<16xf32>,
    %add3A_1736 = arith.constant 30 : i32
    %add3A_1737 = vector.broadcast %add3A_1736 : i32 to vector<16xi32>
    %add3A_1738 = arith.addi %mul3A_1345, %add3A_1737 : vector<16xi32>
    %gather3A_1739 = tpu.vector_load_idx %arg16[%add3A_1738] : memref<2048xi32, #tpu.memory_space<vmem>>[vector<16xi32>], vector<16xi32>,
    %gather3A_1740 = tpu.vector_load_idx %arg13[%gather3A_1739] : memref<8192xf32, #tpu.memory_space<vmem>>[vector<16xi32>], vector<16xf32>,
    %gather3A_1741 = tpu.vector_load_idx %arg14[%gather3A_1739] : memref<8192xf32, #tpu.memory_space<vmem>>[vector<16xi32>], vector<16xf32>,
    %gather3A_1742 = tpu.vector_load_idx %arg15[%gather3A_1739] : memref<8192xf32, #tpu.memory_space<vmem>>[vector<16xi32>], vector<16xf32>,
    %sub3A_1743 = arith.subf %gather3A_1740, %get3A_1333 : vector<16xf32>
    %div3A_1744 = arith.divf %sub3A_1743, %get3A_1339 : vector<16xf32>
    tpu.vector_store_idx %arg21[%add3A_1738], %div3A_1744 : memref<2048xf32, #tpu.memory_space<vmem>>[vector<16xi32>], vector<16xf32>,
    %sub3A_1745 = arith.subf %gather3A_1741, %get3A_1335 : vector<16xf32>
    %div3A_1746 = arith.divf %sub3A_1745, %get3A_1339 : vector<16xf32>
    tpu.vector_store_idx %arg22[%add3A_1738], %div3A_1746 : memref<2048xf32, #tpu.memory_space<vmem>>[vector<16xi32>], vector<16xf32>,
    %sub3A_1747 = arith.subf %gather3A_1742, %get3A_1337 : vector<16xf32>
    %div3A_1748 = arith.divf %sub3A_1747, %get3A_1339 : vector<16xf32>
    tpu.vector_store_idx %arg23[%add3A_1738], %div3A_1748 : memref<2048xf32, #tpu.memory_space<vmem>>[vector<16xi32>], vector<16xf32>,
    %add3A_1749 = arith.constant 31 : i32
    %add3A_1750 = vector.broadcast %add3A_1749 : i32 to vector<16xi32>
    %add3A_1751 = arith.addi %mul3A_1345, %add3A_1750 : vector<16xi32>
    %gather3A_1752 = tpu.vector_load_idx %arg16[%add3A_1751] : memref<2048xi32, #tpu.memory_space<vmem>>[vector<16xi32>], vector<16xi32>,
    %gather3A_1753 = tpu.vector_load_idx %arg13[%gather3A_1752] : memref<8192xf32, #tpu.memory_space<vmem>>[vector<16xi32>], vector<16xf32>,
    %gather3A_1754 = tpu.vector_load_idx %arg14[%gather3A_1752] : memref<8192xf32, #tpu.memory_space<vmem>>[vector<16xi32>], vector<16xf32>,
    %gather3A_1755 = tpu.vector_load_idx %arg15[%gather3A_1752] : memref<8192xf32, #tpu.memory_space<vmem>>[vector<16xi32>], vector<16xf32>,
    %sub3A_1756 = arith.subf %gather3A_1753, %get3A_1333 : vector<16xf32>
    %div3A_1757 = arith.divf %sub3A_1756, %get3A_1339 : vector<16xf32>
    tpu.vector_store_idx %arg21[%add3A_1751], %div3A_1757 : memref<2048xf32, #tpu.memory_space<vmem>>[vector<16xi32>], vector<16xf32>,
    %sub3A_1758 = arith.subf %gather3A_1754, %get3A_1335 : vector<16xf32>
    %div3A_1759 = arith.divf %sub3A_1758, %get3A_1339 : vector<16xf32>
    tpu.vector_store_idx %arg22[%add3A_1751], %div3A_1759 : memref<2048xf32, #tpu.memory_space<vmem>>[vector<16xi32>], vector<16xf32>,
    %sub3A_1760 = arith.subf %gather3A_1755, %get3A_1337 : vector<16xf32>
    %div3A_1761 = arith.divf %sub3A_1760, %get3A_1339 : vector<16xf32>
    tpu.vector_store_idx %arg23[%add3A_1751], %div3A_1761 : memref<2048xf32, #tpu.memory_space<vmem>>[vector<16xi32>], vector<16xf32>,
    "tpu.region"() ({
      %run_scoped3A = tpu.sem_alloc : memref<!tpu.dma_semaphore, #tpu.memory_space<semaphore_mem>>
      %dma_start3A = tpu.memref_slice %arg10[%mul3A_37] : memref<65536xf32, #tpu.memory_space<hbm>> -> memref<2048xf32, #tpu.memory_space<hbm>>
      %dma_start3A_1762 = tpu.memref_slice %arg10[%mul3A_37] : memref<65536xf32, #tpu.memory_space<hbm>> -> memref<2048xf32, #tpu.memory_space<hbm>>
      tpu.enqueue_dma source(%arg21 : memref<2048xf32, #tpu.memory_space<vmem>>) target(%dma_start3A_1762 : memref<2048xf32, #tpu.memory_space<hbm>>) target_semaphore(%run_scoped3A : memref<!tpu.dma_semaphore, #tpu.memory_space<semaphore_mem>>)
      %dma_wait3A = tpu.memref_slice %arg10[%mul3A_37] : memref<65536xf32, #tpu.memory_space<hbm>> -> memref<2048xf32, #tpu.memory_space<hbm>>
      %dma_wait3A_1763 = tpu.memref_slice %arg10[%mul3A_37] : memref<65536xf32, #tpu.memory_space<hbm>> -> memref<2048xf32, #tpu.memory_space<hbm>>
      tpu.wait_dma2 semaphore(%run_scoped3A : memref<!tpu.dma_semaphore, #tpu.memory_space<semaphore_mem>>) src(%arg21 : memref<2048xf32, #tpu.memory_space<vmem>>) dst(%dma_wait3A_1763 : memref<2048xf32, #tpu.memory_space<hbm>>)
      tpu.yield
    }) : () -> ()
    "tpu.region"() ({
      %run_scoped3A = tpu.sem_alloc : memref<!tpu.dma_semaphore, #tpu.memory_space<semaphore_mem>>
      %dma_start3A = tpu.memref_slice %arg11[%mul3A_37] : memref<65536xf32, #tpu.memory_space<hbm>> -> memref<2048xf32, #tpu.memory_space<hbm>>
      %dma_start3A_1762 = tpu.memref_slice %arg11[%mul3A_37] : memref<65536xf32, #tpu.memory_space<hbm>> -> memref<2048xf32, #tpu.memory_space<hbm>>
      tpu.enqueue_dma source(%arg22 : memref<2048xf32, #tpu.memory_space<vmem>>) target(%dma_start3A_1762 : memref<2048xf32, #tpu.memory_space<hbm>>) target_semaphore(%run_scoped3A : memref<!tpu.dma_semaphore, #tpu.memory_space<semaphore_mem>>)
      %dma_wait3A = tpu.memref_slice %arg11[%mul3A_37] : memref<65536xf32, #tpu.memory_space<hbm>> -> memref<2048xf32, #tpu.memory_space<hbm>>
      %dma_wait3A_1763 = tpu.memref_slice %arg11[%mul3A_37] : memref<65536xf32, #tpu.memory_space<hbm>> -> memref<2048xf32, #tpu.memory_space<hbm>>
      tpu.wait_dma2 semaphore(%run_scoped3A : memref<!tpu.dma_semaphore, #tpu.memory_space<semaphore_mem>>) src(%arg22 : memref<2048xf32, #tpu.memory_space<vmem>>) dst(%dma_wait3A_1763 : memref<2048xf32, #tpu.memory_space<hbm>>)
      tpu.yield
    }) : () -> ()
    "tpu.region"() ({
      %run_scoped3A = tpu.sem_alloc : memref<!tpu.dma_semaphore, #tpu.memory_space<semaphore_mem>>
      %dma_start3A = tpu.memref_slice %arg12[%mul3A_37] : memref<65536xf32, #tpu.memory_space<hbm>> -> memref<2048xf32, #tpu.memory_space<hbm>>
      %dma_start3A_1762 = tpu.memref_slice %arg12[%mul3A_37] : memref<65536xf32, #tpu.memory_space<hbm>> -> memref<2048xf32, #tpu.memory_space<hbm>>
      tpu.enqueue_dma source(%arg23 : memref<2048xf32, #tpu.memory_space<vmem>>) target(%dma_start3A_1762 : memref<2048xf32, #tpu.memory_space<hbm>>) target_semaphore(%run_scoped3A : memref<!tpu.dma_semaphore, #tpu.memory_space<semaphore_mem>>)
      %dma_wait3A = tpu.memref_slice %arg12[%mul3A_37] : memref<65536xf32, #tpu.memory_space<hbm>> -> memref<2048xf32, #tpu.memory_space<hbm>>
      %dma_wait3A_1763 = tpu.memref_slice %arg12[%mul3A_37] : memref<65536xf32, #tpu.memory_space<hbm>> -> memref<2048xf32, #tpu.memory_space<hbm>>
      tpu.wait_dma2 semaphore(%run_scoped3A : memref<!tpu.dma_semaphore, #tpu.memory_space<semaphore_mem>>) src(%arg23 : memref<2048xf32, #tpu.memory_space<vmem>>) dst(%dma_wait3A_1763 : memref<2048xf32, #tpu.memory_space<hbm>>)
      tpu.yield
    }) : () -> ()
    return
  }
}

module attributes {stable_mosaic.version = 14 : i64} {
  func.func @_fps_body(%arg0: memref<8x8192xf32, #tpu.memory_space<vmem>>, %arg1: memref<8x8192xf32, #tpu.memory_space<vmem>>, %arg2: memref<8x8192xf32, #tpu.memory_space<vmem>>, %arg3: memref<8x256xf32, #tpu.memory_space<vmem>>, %arg4: memref<8x256xf32, #tpu.memory_space<vmem>>, %arg5: memref<8x256xf32, #tpu.memory_space<vmem>>) attributes {dimension_semantics = [], scalar_prefetch = 0 : i64, scratch_operands = 0 : i64, tpu.core_type = #tpu.core_type<tc>} {
    %get3A = arith.constant 0 : index
    %get3A_0 = arith.constant 0 : index
    %get3A_1 = vector.load %arg0[%get3A, %get3A_0] : memref<8x8192xf32, #tpu.memory_space<vmem>>, vector<8x8192xf32>
    %get3A_2 = arith.constant 0 : index
    %get3A_3 = arith.constant 0 : index
    %get3A_4 = vector.load %arg1[%get3A_2, %get3A_3] : memref<8x8192xf32, #tpu.memory_space<vmem>>, vector<8x8192xf32>
    %get3A_5 = arith.constant 0 : index
    %get3A_6 = arith.constant 0 : index
    %get3A_7 = vector.load %arg2[%get3A_5, %get3A_6] : memref<8x8192xf32, #tpu.memory_space<vmem>>, vector<8x8192xf32>
    %iota3A = tpu.iota {dimensions = array<i32: 1>} : vector<8x8192xi32>
    %convert_element_type3A = arith.sitofp %iota3A : vector<8x8192xi32> to vector<8x8192xf32>
    %iota3A_8 = tpu.iota {dimensions = array<i32: 1>} : vector<8x256xi32>
    %slice3A = vector.extract_strided_slice %get3A_1 {offsets = [0, 0], sizes = [8, 1], strides = [1, 1]} : vector<8x8192xf32> to vector<8x1xf32>
    %slice3A_9 = vector.extract_strided_slice %get3A_4 {offsets = [0, 0], sizes = [8, 1], strides = [1, 1]} : vector<8x8192xf32> to vector<8x1xf32>
    %slice3A_10 = vector.extract_strided_slice %get3A_7 {offsets = [0, 0], sizes = [8, 1], strides = [1, 1]} : vector<8x8192xf32> to vector<8x1xf32>
    %broadcast_in_dim3A = arith.constant 0.000000e+00 : f32
    %broadcast_in_dim3A_11 = vector.broadcast %broadcast_in_dim3A : f32 to vector<8x256xf32>
    %eq3A = arith.constant 0 : i32
    %eq3A_12 = vector.broadcast %eq3A : i32 to vector<8x256xi32>
    %eq3A_13 = arith.cmpi eq, %iota3A_8, %eq3A_12 : vector<8x256xi32>
    %broadcast_in_dim3A_14 = vector.shape_cast %slice3A : vector<8x1xf32> to vector<8x1xf32>
    %broadcast_in_dim3A_15 = vector.broadcast %broadcast_in_dim3A_14 : vector<8x1xf32> to vector<8x256xf32>
    %select_n3A = arith.select %eq3A_13, %broadcast_in_dim3A_15, %broadcast_in_dim3A_11 : vector<8x256xi1>, vector<8x256xf32>
    %eq3A_16 = arith.constant 0 : i32
    %eq3A_17 = vector.broadcast %eq3A_16 : i32 to vector<8x256xi32>
    %eq3A_18 = arith.cmpi eq, %iota3A_8, %eq3A_17 : vector<8x256xi32>
    %broadcast_in_dim3A_19 = vector.shape_cast %slice3A_9 : vector<8x1xf32> to vector<8x1xf32>
    %broadcast_in_dim3A_20 = vector.broadcast %broadcast_in_dim3A_19 : vector<8x1xf32> to vector<8x256xf32>
    %select_n3A_21 = arith.select %eq3A_18, %broadcast_in_dim3A_20, %broadcast_in_dim3A_11 : vector<8x256xi1>, vector<8x256xf32>
    %eq3A_22 = arith.constant 0 : i32
    %eq3A_23 = vector.broadcast %eq3A_22 : i32 to vector<8x256xi32>
    %eq3A_24 = arith.cmpi eq, %iota3A_8, %eq3A_23 : vector<8x256xi32>
    %broadcast_in_dim3A_25 = vector.shape_cast %slice3A_10 : vector<8x1xf32> to vector<8x1xf32>
    %broadcast_in_dim3A_26 = vector.broadcast %broadcast_in_dim3A_25 : vector<8x1xf32> to vector<8x256xf32>
    %select_n3A_27 = arith.select %eq3A_24, %broadcast_in_dim3A_26, %broadcast_in_dim3A_11 : vector<8x256xi1>, vector<8x256xf32>
    %broadcast_in_dim3A_28 = arith.constant 1.000000e+10 : f32
    %broadcast_in_dim3A_29 = vector.broadcast %broadcast_in_dim3A_28 : f32 to vector<8x8192xf32>
    %scan3A = arith.constant 8.192000e+03 : f32
    %scan3A_30 = arith.constant 1 : i32
    %scan3A_31 = arith.constant 255 : i32
    %scan3A_32 = arith.addi %scan3A_30, %scan3A_31 : i32
    %scan3A_33 = arith.constant 1 : i32
    %scan3A_34:7 = scf.for %scan3A_44 = %scan3A_30 to %scan3A_32 step %scan3A_33 iter_args(%scan3A_45 = %broadcast_in_dim3A_29, %scan3A_46 = %slice3A, %scan3A_47 = %slice3A_9, %scan3A_48 = %slice3A_10, %scan3A_49 = %select_n3A, %scan3A_50 = %select_n3A_21, %scan3A_51 = %select_n3A_27) -> (vector<8x8192xf32>, vector<8x1xf32>, vector<8x1xf32>, vector<8x1xf32>, vector<8x256xf32>, vector<8x256xf32>, vector<8x256xf32>)  : i32 {
      %sub3A = vector.broadcast %scan3A_46 : vector<8x1xf32> to vector<8x8192xf32>
      %sub3A_52 = arith.subf %get3A_1, %sub3A : vector<8x8192xf32>
      %sub3A_53 = vector.broadcast %scan3A_47 : vector<8x1xf32> to vector<8x8192xf32>
      %sub3A_54 = arith.subf %get3A_4, %sub3A_53 : vector<8x8192xf32>
      %sub3A_55 = vector.broadcast %scan3A_48 : vector<8x1xf32> to vector<8x8192xf32>
      %sub3A_56 = arith.subf %get3A_7, %sub3A_55 : vector<8x8192xf32>
      %mul3A = arith.mulf %sub3A_52, %sub3A_52 : vector<8x8192xf32>
      %mul3A_57 = arith.mulf %sub3A_54, %sub3A_54 : vector<8x8192xf32>
      %add3A = arith.addf %mul3A, %mul3A_57 : vector<8x8192xf32>
      %mul3A_58 = arith.mulf %sub3A_56, %sub3A_56 : vector<8x8192xf32>
      %add3A_59 = arith.addf %add3A, %mul3A_58 : vector<8x8192xf32>
      %min3A = arith.minimumf %scan3A_45, %add3A_59 : vector<8x8192xf32>
      %reduce_max3A = arith.constant dense<0xFF800000> : vector<8xf32>
      %reduce_max3A_60 = vector.multi_reduction <maximumf>, %min3A, %reduce_max3A [1] : vector<8x8192xf32> to vector<8xf32>
      %broadcast_in_dim3A_61 = vector.shape_cast %reduce_max3A_60 : vector<8xf32> to vector<8x1xf32>
      %eq3A_62 = vector.broadcast %broadcast_in_dim3A_61 : vector<8x1xf32> to vector<8x8192xf32>
      %eq3A_63 = arith.cmpf oeq, %min3A, %eq3A_62 : vector<8x8192xf32>
      %broadcast_in_dim3A_64 = vector.broadcast %scan3A : f32 to vector<8x8192xf32>
      %select_n3A_65 = arith.select %eq3A_63, %convert_element_type3A, %broadcast_in_dim3A_64 : vector<8x8192xi1>, vector<8x8192xf32>
      %reduce_min3A = arith.constant dense<0x7F800000> : vector<8xf32>
      %reduce_min3A_66 = vector.multi_reduction <minimumf>, %select_n3A_65, %reduce_min3A [1] : vector<8x8192xf32> to vector<8xf32>
      %broadcast_in_dim3A_67 = vector.shape_cast %reduce_min3A_66 : vector<8xf32> to vector<8x1xf32>
      %eq3A_68 = vector.broadcast %broadcast_in_dim3A_67 : vector<8x1xf32> to vector<8x8192xf32>
      %eq3A_69 = arith.cmpf oeq, %select_n3A_65, %eq3A_68 : vector<8x8192xf32>
      %broadcast_in_dim3A_70 = arith.constant 0.000000e+00 : f32
      %broadcast_in_dim3A_71 = vector.broadcast %broadcast_in_dim3A_70 : f32 to vector<8x8192xf32>
      %select_n3A_72 = arith.select %eq3A_69, %get3A_1, %broadcast_in_dim3A_71 : vector<8x8192xi1>, vector<8x8192xf32>
      %reduce_sum3A = arith.constant dense<0.000000e+00> : vector<8xf32>
      %reduce_sum3A_73 = vector.multi_reduction <add>, %select_n3A_72, %reduce_sum3A [1] : vector<8x8192xf32> to vector<8xf32>
      %broadcast_in_dim3A_74 = vector.shape_cast %reduce_sum3A_73 : vector<8xf32> to vector<8x1xf32>
      %select_n3A_75 = arith.select %eq3A_69, %get3A_4, %broadcast_in_dim3A_71 : vector<8x8192xi1>, vector<8x8192xf32>
      %reduce_sum3A_76 = arith.constant dense<0.000000e+00> : vector<8xf32>
      %reduce_sum3A_77 = vector.multi_reduction <add>, %select_n3A_75, %reduce_sum3A_76 [1] : vector<8x8192xf32> to vector<8xf32>
      %broadcast_in_dim3A_78 = vector.shape_cast %reduce_sum3A_77 : vector<8xf32> to vector<8x1xf32>
      %select_n3A_79 = arith.select %eq3A_69, %get3A_7, %broadcast_in_dim3A_71 : vector<8x8192xi1>, vector<8x8192xf32>
      %reduce_sum3A_80 = arith.constant dense<0.000000e+00> : vector<8xf32>
      %reduce_sum3A_81 = vector.multi_reduction <add>, %select_n3A_79, %reduce_sum3A_80 [1] : vector<8x8192xf32> to vector<8xf32>
      %broadcast_in_dim3A_82 = vector.shape_cast %reduce_sum3A_81 : vector<8xf32> to vector<8x1xf32>
      %eq3A_83 = vector.broadcast %scan3A_44 : i32 to vector<8x256xi32>
      %eq3A_84 = arith.cmpi eq, %iota3A_8, %eq3A_83 : vector<8x256xi32>
      %broadcast_in_dim3A_85 = vector.shape_cast %broadcast_in_dim3A_74 : vector<8x1xf32> to vector<8x1xf32>
      %broadcast_in_dim3A_86 = vector.broadcast %broadcast_in_dim3A_85 : vector<8x1xf32> to vector<8x256xf32>
      %select_n3A_87 = arith.select %eq3A_84, %broadcast_in_dim3A_86, %scan3A_49 : vector<8x256xi1>, vector<8x256xf32>
      %broadcast_in_dim3A_88 = vector.shape_cast %broadcast_in_dim3A_78 : vector<8x1xf32> to vector<8x1xf32>
      %broadcast_in_dim3A_89 = vector.broadcast %broadcast_in_dim3A_88 : vector<8x1xf32> to vector<8x256xf32>
      %select_n3A_90 = arith.select %eq3A_84, %broadcast_in_dim3A_89, %scan3A_50 : vector<8x256xi1>, vector<8x256xf32>
      %broadcast_in_dim3A_91 = vector.shape_cast %broadcast_in_dim3A_82 : vector<8x1xf32> to vector<8x1xf32>
      %broadcast_in_dim3A_92 = vector.broadcast %broadcast_in_dim3A_91 : vector<8x1xf32> to vector<8x256xf32>
      %select_n3A_93 = arith.select %eq3A_84, %broadcast_in_dim3A_92, %scan3A_51 : vector<8x256xi1>, vector<8x256xf32>
      scf.yield %min3A, %broadcast_in_dim3A_74, %broadcast_in_dim3A_78, %broadcast_in_dim3A_82, %select_n3A_87, %select_n3A_90, %select_n3A_93 : vector<8x8192xf32>, vector<8x1xf32>, vector<8x1xf32>, vector<8x1xf32>, vector<8x256xf32>, vector<8x256xf32>, vector<8x256xf32>
    }
    %scan3A_35 = arith.constant 255 : i32
    %swap3A = arith.constant 0 : index
    %swap3A_36 = arith.constant 0 : index
    %swap3A_37 = vector.load %arg3[%swap3A, %swap3A_36] : memref<8x256xf32, #tpu.memory_space<vmem>>, vector<8x256xf32>
    tpu.vector_store %arg3[%swap3A, %swap3A_36], %scan3A_34#4 {strides = array<i32>} : memref<8x256xf32, #tpu.memory_space<vmem>>, vector<8x256xf32>,
    %swap3A_38 = arith.constant 0 : index
    %swap3A_39 = arith.constant 0 : index
    %swap3A_40 = vector.load %arg4[%swap3A_38, %swap3A_39] : memref<8x256xf32, #tpu.memory_space<vmem>>, vector<8x256xf32>
    tpu.vector_store %arg4[%swap3A_38, %swap3A_39], %scan3A_34#5 {strides = array<i32>} : memref<8x256xf32, #tpu.memory_space<vmem>>, vector<8x256xf32>,
    %swap3A_41 = arith.constant 0 : index
    %swap3A_42 = arith.constant 0 : index
    %swap3A_43 = vector.load %arg5[%swap3A_41, %swap3A_42] : memref<8x256xf32, #tpu.memory_space<vmem>>, vector<8x256xf32>
    tpu.vector_store %arg5[%swap3A_41, %swap3A_42], %scan3A_34#6 {strides = array<i32>} : memref<8x256xf32, #tpu.memory_space<vmem>>, vector<8x256xf32>,
    return
  }
}

module attributes {stable_mosaic.version = 14 : i64} {
  func.func @_knn_body(%arg0: i32, %arg1: memref<1x2x8192xf32, #tpu.memory_space<vmem>>, %arg2: memref<1x2x8192xf32, #tpu.memory_space<vmem>>, %arg3: memref<1x2x8192xf32, #tpu.memory_space<vmem>>, %arg4: memref<1x512x1xf32, #tpu.memory_space<vmem>>, %arg5: memref<1x512x1xf32, #tpu.memory_space<vmem>>, %arg6: memref<1x512x1xf32, #tpu.memory_space<vmem>>, %arg7: memref<1x512x32xi32, #tpu.memory_space<vmem>>, %arg8: memref<1x512x1xf32, #tpu.memory_space<vmem>>, %arg9: memref<512x8192xf32, #tpu.memory_space<vmem>>) attributes {dimension_semantics = [#tpu.dimension_semantics<arbitrary>], iteration_bounds = array<i64: 4>, scalar_prefetch = 0 : i64, scratch_operands = 1 : i64, tpu.core_type = #tpu.core_type<tc>, window_params = [{transform_indices = @transform_0, window_bounds = array<i64: 1, 2, 8192>}, {transform_indices = @transform_1, window_bounds = array<i64: 1, 2, 8192>}, {transform_indices = @transform_2, window_bounds = array<i64: 1, 2, 8192>}, {transform_indices = @transform_3, window_bounds = array<i64: 1, 512, 1>}, {transform_indices = @transform_4, window_bounds = array<i64: 1, 512, 1>}, {transform_indices = @transform_5, window_bounds = array<i64: 1, 512, 1>}, {transform_indices = @transform_6, window_bounds = array<i64: 1, 512, 32>}, {transform_indices = @transform_7, window_bounds = array<i64: 1, 512, 1>}]} {
    %get3A = arith.constant 0 : index
    %get3A_0 = arith.constant 0 : index
    %get3A_1 = arith.constant 0 : index
    %get3A_2 = vector.load %arg1[%get3A, %get3A_0, %get3A_1] : memref<1x2x8192xf32, #tpu.memory_space<vmem>>, vector<1x1x8192xf32>
    %get3A_3 = vector.shape_cast %get3A_2 : vector<1x1x8192xf32> to vector<1x8192xf32>
    %get3A_4 = arith.constant 0 : index
    %get3A_5 = arith.constant 0 : index
    %get3A_6 = arith.constant 0 : index
    %get3A_7 = vector.load %arg2[%get3A_4, %get3A_5, %get3A_6] : memref<1x2x8192xf32, #tpu.memory_space<vmem>>, vector<1x1x8192xf32>
    %get3A_8 = vector.shape_cast %get3A_7 : vector<1x1x8192xf32> to vector<1x8192xf32>
    %get3A_9 = arith.constant 0 : index
    %get3A_10 = arith.constant 0 : index
    %get3A_11 = arith.constant 0 : index
    %get3A_12 = vector.load %arg3[%get3A_9, %get3A_10, %get3A_11] : memref<1x2x8192xf32, #tpu.memory_space<vmem>>, vector<1x1x8192xf32>
    %get3A_13 = vector.shape_cast %get3A_12 : vector<1x1x8192xf32> to vector<1x8192xf32>
    %get3A_14 = arith.constant 0 : index
    %get3A_15 = arith.constant 1 : index
    %get3A_16 = arith.constant 0 : index
    %get3A_17 = vector.load %arg1[%get3A_14, %get3A_15, %get3A_16] : memref<1x2x8192xf32, #tpu.memory_space<vmem>>, vector<1x1x8192xf32>
    %get3A_18 = vector.shape_cast %get3A_17 : vector<1x1x8192xf32> to vector<1x8192xf32>
    %get3A_19 = arith.constant 0 : index
    %get3A_20 = arith.constant 1 : index
    %get3A_21 = arith.constant 0 : index
    %get3A_22 = vector.load %arg2[%get3A_19, %get3A_20, %get3A_21] : memref<1x2x8192xf32, #tpu.memory_space<vmem>>, vector<1x1x8192xf32>
    %get3A_23 = vector.shape_cast %get3A_22 : vector<1x1x8192xf32> to vector<1x8192xf32>
    %get3A_24 = arith.constant 0 : index
    %get3A_25 = arith.constant 1 : index
    %get3A_26 = arith.constant 0 : index
    %get3A_27 = vector.load %arg3[%get3A_24, %get3A_25, %get3A_26] : memref<1x2x8192xf32, #tpu.memory_space<vmem>>, vector<1x1x8192xf32>
    %get3A_28 = vector.shape_cast %get3A_27 : vector<1x1x8192xf32> to vector<1x8192xf32>
    %get3A_29 = arith.constant 0 : index
    %get3A_30 = arith.constant 0 : index
    %get3A_31 = arith.constant 0 : index
    %get3A_32 = vector.load %arg4[%get3A_29, %get3A_30, %get3A_31] : memref<1x512x1xf32, #tpu.memory_space<vmem>>, vector<1x512x1xf32>
    %get3A_33 = vector.shape_cast %get3A_32 : vector<1x512x1xf32> to vector<512x1xf32>
    %get3A_34 = arith.constant 0 : index
    %get3A_35 = arith.constant 0 : index
    %get3A_36 = arith.constant 0 : index
    %get3A_37 = vector.load %arg5[%get3A_34, %get3A_35, %get3A_36] : memref<1x512x1xf32, #tpu.memory_space<vmem>>, vector<1x512x1xf32>
    %get3A_38 = vector.shape_cast %get3A_37 : vector<1x512x1xf32> to vector<512x1xf32>
    %get3A_39 = arith.constant 0 : index
    %get3A_40 = arith.constant 0 : index
    %get3A_41 = arith.constant 0 : index
    %get3A_42 = vector.load %arg6[%get3A_39, %get3A_40, %get3A_41] : memref<1x512x1xf32, #tpu.memory_space<vmem>>, vector<1x512x1xf32>
    %get3A_43 = vector.shape_cast %get3A_42 : vector<1x512x1xf32> to vector<512x1xf32>
    %slice3A = vector.extract_strided_slice %get3A_33 {offsets = [0, 0], sizes = [256, 1], strides = [1, 1]} : vector<512x1xf32> to vector<256x1xf32>
    %slice3A_44 = vector.extract_strided_slice %get3A_33 {offsets = [256, 0], sizes = [256, 1], strides = [1, 1]} : vector<512x1xf32> to vector<256x1xf32>
    %slice3A_45 = vector.extract_strided_slice %get3A_38 {offsets = [0, 0], sizes = [256, 1], strides = [1, 1]} : vector<512x1xf32> to vector<256x1xf32>
    %slice3A_46 = vector.extract_strided_slice %get3A_38 {offsets = [256, 0], sizes = [256, 1], strides = [1, 1]} : vector<512x1xf32> to vector<256x1xf32>
    %slice3A_47 = vector.extract_strided_slice %get3A_43 {offsets = [0, 0], sizes = [256, 1], strides = [1, 1]} : vector<512x1xf32> to vector<256x1xf32>
    %slice3A_48 = vector.extract_strided_slice %get3A_43 {offsets = [256, 0], sizes = [256, 1], strides = [1, 1]} : vector<512x1xf32> to vector<256x1xf32>
    %sub3A = vector.broadcast %slice3A : vector<256x1xf32> to vector<256x8192xf32>
    %sub3A_49 = vector.broadcast %get3A_3 : vector<1x8192xf32> to vector<256x8192xf32>
    %sub3A_50 = arith.subf %sub3A, %sub3A_49 : vector<256x8192xf32>
    %sub3A_51 = vector.broadcast %slice3A_45 : vector<256x1xf32> to vector<256x8192xf32>
    %sub3A_52 = vector.broadcast %get3A_8 : vector<1x8192xf32> to vector<256x8192xf32>
    %sub3A_53 = arith.subf %sub3A_51, %sub3A_52 : vector<256x8192xf32>
    %sub3A_54 = vector.broadcast %slice3A_47 : vector<256x1xf32> to vector<256x8192xf32>
    %sub3A_55 = vector.broadcast %get3A_13 : vector<1x8192xf32> to vector<256x8192xf32>
    %sub3A_56 = arith.subf %sub3A_54, %sub3A_55 : vector<256x8192xf32>
    %mul3A = arith.mulf %sub3A_50, %sub3A_50 : vector<256x8192xf32>
    %mul3A_57 = arith.mulf %sub3A_53, %sub3A_53 : vector<256x8192xf32>
    %add3A = arith.addf %mul3A, %mul3A_57 : vector<256x8192xf32>
    %mul3A_58 = arith.mulf %sub3A_56, %sub3A_56 : vector<256x8192xf32>
    %add3A_59 = arith.addf %add3A, %mul3A_58 : vector<256x8192xf32>
    %swap3A = arith.constant 0 : index
    %swap3A_60 = arith.constant 0 : index
    %swap3A_61 = vector.load %arg9[%swap3A, %swap3A_60] : memref<512x8192xf32, #tpu.memory_space<vmem>>, vector<256x8192xf32>
    tpu.vector_store %arg9[%swap3A, %swap3A_60], %add3A_59 {strides = array<i32>} : memref<512x8192xf32, #tpu.memory_space<vmem>>, vector<256x8192xf32>,
    %sub3A_62 = vector.broadcast %slice3A_44 : vector<256x1xf32> to vector<256x8192xf32>
    %sub3A_63 = vector.broadcast %get3A_18 : vector<1x8192xf32> to vector<256x8192xf32>
    %sub3A_64 = arith.subf %sub3A_62, %sub3A_63 : vector<256x8192xf32>
    %sub3A_65 = vector.broadcast %slice3A_46 : vector<256x1xf32> to vector<256x8192xf32>
    %sub3A_66 = vector.broadcast %get3A_23 : vector<1x8192xf32> to vector<256x8192xf32>
    %sub3A_67 = arith.subf %sub3A_65, %sub3A_66 : vector<256x8192xf32>
    %sub3A_68 = vector.broadcast %slice3A_48 : vector<256x1xf32> to vector<256x8192xf32>
    %sub3A_69 = vector.broadcast %get3A_28 : vector<1x8192xf32> to vector<256x8192xf32>
    %sub3A_70 = arith.subf %sub3A_68, %sub3A_69 : vector<256x8192xf32>
    %mul3A_71 = arith.mulf %sub3A_64, %sub3A_64 : vector<256x8192xf32>
    %mul3A_72 = arith.mulf %sub3A_67, %sub3A_67 : vector<256x8192xf32>
    %add3A_73 = arith.addf %mul3A_71, %mul3A_72 : vector<256x8192xf32>
    %mul3A_74 = arith.mulf %sub3A_70, %sub3A_70 : vector<256x8192xf32>
    %add3A_75 = arith.addf %add3A_73, %mul3A_74 : vector<256x8192xf32>
    %swap3A_76 = arith.constant 256 : index
    %swap3A_77 = arith.constant 0 : index
    %swap3A_78 = vector.load %arg9[%swap3A_76, %swap3A_77] : memref<512x8192xf32, #tpu.memory_space<vmem>>, vector<256x8192xf32>
    tpu.vector_store %arg9[%swap3A_76, %swap3A_77], %add3A_75 {strides = array<i32>} : memref<512x8192xf32, #tpu.memory_space<vmem>>, vector<256x8192xf32>,
    %iota3A = tpu.iota {dimensions = array<i32: 1>} : vector<1x8192xi32>
    %convert_element_type3A = arith.sitofp %iota3A : vector<1x8192xi32> to vector<1x8192xf32>
    %broadcast_in_dim3A = vector.shape_cast %convert_element_type3A : vector<1x8192xf32> to vector<1x8192xf32>
    %broadcast_in_dim3A_79 = vector.broadcast %broadcast_in_dim3A : vector<1x8192xf32> to vector<512x8192xf32>
    %iota3A_80 = tpu.iota {dimensions = array<i32: 1>} : vector<512x32xi32>
    %broadcast_in_dim3A_81 = arith.constant 0.000000e+00 : f32
    %broadcast_in_dim3A_82 = vector.broadcast %broadcast_in_dim3A_81 : f32 to vector<512x32xf32>
    %broadcast_in_dim3A_83 = arith.constant 0 : i32
    %broadcast_in_dim3A_84 = vector.broadcast %broadcast_in_dim3A_83 : i32 to vector<512x32xi32>
    %scan3A = arith.constant 8.192000e+03 : f32
    %scan3A_85 = arith.constant 0x7F800000 : f32
    %scan3A_86 = arith.constant 0 : i32
    %scan3A_87 = arith.constant 32 : i32
    %scan3A_88 = arith.addi %scan3A_86, %scan3A_87 : i32
    %scan3A_89 = arith.constant 1 : i32
    %scan3A_90:2 = scf.for %scan3A_111 = %scan3A_86 to %scan3A_88 step %scan3A_89 iter_args(%scan3A_112 = %broadcast_in_dim3A_84, %scan3A_113 = %broadcast_in_dim3A_82) -> (vector<512x32xi32>, vector<512x32xf32>)  : i32 {
      %get3A_114 = arith.constant 0 : index
      %get3A_115 = arith.constant 0 : index
      %get3A_116 = vector.load %arg9[%get3A_114, %get3A_115] : memref<512x8192xf32, #tpu.memory_space<vmem>>, vector<512x8192xf32>
      %reduce_min3A = arith.constant dense<0x7F800000> : vector<512xf32>
      %reduce_min3A_117 = vector.multi_reduction <minimumf>, %get3A_116, %reduce_min3A [1] : vector<512x8192xf32> to vector<512xf32>
      %broadcast_in_dim3A_118 = vector.shape_cast %reduce_min3A_117 : vector<512xf32> to vector<512x1xf32>
      %eq3A = vector.broadcast %broadcast_in_dim3A_118 : vector<512x1xf32> to vector<512x8192xf32>
      %eq3A_119 = arith.cmpf oeq, %get3A_116, %eq3A : vector<512x8192xf32>
      %broadcast_in_dim3A_120 = vector.broadcast %scan3A : f32 to vector<512x8192xf32>
      %select_n3A = arith.select %eq3A_119, %broadcast_in_dim3A_79, %broadcast_in_dim3A_120 : vector<512x8192xi1>, vector<512x8192xf32>
      %reduce_min3A_121 = arith.constant dense<0x7F800000> : vector<512xf32>
      %reduce_min3A_122 = vector.multi_reduction <minimumf>, %select_n3A, %reduce_min3A_121 [1] : vector<512x8192xf32> to vector<512xf32>
      %broadcast_in_dim3A_123 = vector.shape_cast %reduce_min3A_122 : vector<512xf32> to vector<512x1xf32>
      %eq3A_124 = vector.broadcast %broadcast_in_dim3A_123 : vector<512x1xf32> to vector<512x8192xf32>
      %eq3A_125 = arith.cmpf oeq, %select_n3A, %eq3A_124 : vector<512x8192xf32>
      %broadcast_in_dim3A_126 = vector.broadcast %scan3A_85 : f32 to vector<512x8192xf32>
      %select_n3A_127 = arith.select %eq3A_125, %broadcast_in_dim3A_126, %get3A_116 : vector<512x8192xi1>, vector<512x8192xf32>
      %swap3A_128 = arith.constant 0 : index
      %swap3A_129 = arith.constant 0 : index
      %swap3A_130 = vector.load %arg9[%swap3A_128, %swap3A_129] : memref<512x8192xf32, #tpu.memory_space<vmem>>, vector<512x8192xf32>
      tpu.vector_store %arg9[%swap3A_128, %swap3A_129], %select_n3A_127 {strides = array<i32>} : memref<512x8192xf32, #tpu.memory_space<vmem>>, vector<512x8192xf32>,
      %eq3A_131 = vector.broadcast %scan3A_111 : i32 to vector<512x32xi32>
      %eq3A_132 = arith.cmpi eq, %iota3A_80, %eq3A_131 : vector<512x32xi32>
      %convert_element_type3A_133 = arith.fptosi %broadcast_in_dim3A_123 : vector<512x1xf32> to vector<512x1xi32>
      %broadcast_in_dim3A_134 = vector.shape_cast %convert_element_type3A_133 : vector<512x1xi32> to vector<512x1xi32>
      %broadcast_in_dim3A_135 = vector.broadcast %broadcast_in_dim3A_134 : vector<512x1xi32> to vector<512x32xi32>
      %select_n3A_136 = arith.select %eq3A_132, %broadcast_in_dim3A_135, %scan3A_112 : vector<512x32xi1>, vector<512x32xi32>
      %broadcast_in_dim3A_137 = vector.shape_cast %broadcast_in_dim3A_118 : vector<512x1xf32> to vector<512x1xf32>
      %broadcast_in_dim3A_138 = vector.broadcast %broadcast_in_dim3A_137 : vector<512x1xf32> to vector<512x32xf32>
      %select_n3A_139 = arith.select %eq3A_132, %broadcast_in_dim3A_138, %scan3A_113 : vector<512x32xi1>, vector<512x32xf32>
      scf.yield %select_n3A_136, %select_n3A_139 : vector<512x32xi32>, vector<512x32xf32>
    }
    %scan3A_91 = arith.constant 32 : i32
    %add3A_92 = arith.constant 9.99999996E-13 : f32
    %add3A_93 = vector.broadcast %add3A_92 : f32 to vector<512x32xf32>
    %add3A_94 = arith.addf %scan3A_90#1, %add3A_93 : vector<512x32xf32>
    %sqrt3A = math.sqrt %add3A_94 : vector<512x32xf32>
    %reduce_max3A = arith.constant dense<0xFF800000> : vector<512xf32>
    %reduce_max3A_95 = vector.multi_reduction <maximumf>, %sqrt3A, %reduce_max3A [1] : vector<512x32xf32> to vector<512xf32>
    %broadcast_in_dim3A_96 = vector.shape_cast %reduce_max3A_95 : vector<512xf32> to vector<512x1xf32>
    %max3A = arith.constant 9.99999993E-9 : f32
    %max3A_97 = vector.broadcast %max3A : f32 to vector<512x1xf32>
    %max3A_98 = arith.maximumf %broadcast_in_dim3A_96, %max3A_97 : vector<512x1xf32>
    %swap3A_99 = arith.constant 0 : index
    %swap3A_100 = arith.constant 0 : index
    %swap3A_101 = arith.constant 0 : index
    %swap3A_102 = vector.load %arg7[%swap3A_99, %swap3A_100, %swap3A_101] : memref<1x512x32xi32, #tpu.memory_space<vmem>>, vector<1x512x32xi32>
    %swap3A_103 = vector.shape_cast %swap3A_102 : vector<1x512x32xi32> to vector<512x32xi32>
    %swap3A_104 = vector.shape_cast %scan3A_90#0 : vector<512x32xi32> to vector<1x512x32xi32>
    tpu.vector_store %arg7[%swap3A_99, %swap3A_100, %swap3A_101], %swap3A_104 {strides = array<i32>} : memref<1x512x32xi32, #tpu.memory_space<vmem>>, vector<1x512x32xi32>,
    %swap3A_105 = arith.constant 0 : index
    %swap3A_106 = arith.constant 0 : index
    %swap3A_107 = arith.constant 0 : index
    %swap3A_108 = vector.load %arg8[%swap3A_105, %swap3A_106, %swap3A_107] : memref<1x512x1xf32, #tpu.memory_space<vmem>>, vector<1x512x1xf32>
    %swap3A_109 = vector.shape_cast %swap3A_108 : vector<1x512x1xf32> to vector<512x1xf32>
    %swap3A_110 = vector.shape_cast %max3A_98 : vector<512x1xf32> to vector<1x512x1xf32>
    tpu.vector_store %arg8[%swap3A_105, %swap3A_106, %swap3A_107], %swap3A_110 {strides = array<i32>} : memref<1x512x1xf32, #tpu.memory_space<vmem>>, vector<1x512x1xf32>,
    return
  }
  func.func @transform_0(%arg0: i32) -> (i32, i32, i32) {
    %c0_i32 = arith.constant 0 : i32
    %c0_i32_0 = arith.constant 0 : i32
    %c0_i32_1 = arith.constant 0 : i32
    return %arg0, %c0_i32, %c0_i32_0 : i32, i32, i32
  }
  func.func @transform_1(%arg0: i32) -> (i32, i32, i32) {
    %c0_i32 = arith.constant 0 : i32
    %c0_i32_0 = arith.constant 0 : i32
    %c0_i32_1 = arith.constant 0 : i32
    return %arg0, %c0_i32, %c0_i32_0 : i32, i32, i32
  }
  func.func @transform_2(%arg0: i32) -> (i32, i32, i32) {
    %c0_i32 = arith.constant 0 : i32
    %c0_i32_0 = arith.constant 0 : i32
    %c0_i32_1 = arith.constant 0 : i32
    return %arg0, %c0_i32, %c0_i32_0 : i32, i32, i32
  }
  func.func @transform_3(%arg0: i32) -> (i32, i32, i32) {
    %c0_i32 = arith.constant 0 : i32
    %c0_i32_0 = arith.constant 0 : i32
    %c0_i32_1 = arith.constant 0 : i32
    return %arg0, %c0_i32, %c0_i32_0 : i32, i32, i32
  }
  func.func @transform_4(%arg0: i32) -> (i32, i32, i32) {
    %c0_i32 = arith.constant 0 : i32
    %c0_i32_0 = arith.constant 0 : i32
    %c0_i32_1 = arith.constant 0 : i32
    return %arg0, %c0_i32, %c0_i32_0 : i32, i32, i32
  }
  func.func @transform_5(%arg0: i32) -> (i32, i32, i32) {
    %c0_i32 = arith.constant 0 : i32
    %c0_i32_0 = arith.constant 0 : i32
    %c0_i32_1 = arith.constant 0 : i32
    return %arg0, %c0_i32, %c0_i32_0 : i32, i32, i32
  }
  func.func @transform_6(%arg0: i32) -> (i32, i32, i32) {
    %c0_i32 = arith.constant 0 : i32
    %c0_i32_0 = arith.constant 0 : i32
    %c0_i32_1 = arith.constant 0 : i32
    return %arg0, %c0_i32, %c0_i32_0 : i32, i32, i32
  }
  func.func @transform_7(%arg0: i32) -> (i32, i32, i32) {
    %c0_i32 = arith.constant 0 : i32
    %c0_i32_0 = arith.constant 0 : i32
    %c0_i32_1 = arith.constant 0 : i32
    return %arg0, %c0_i32, %c0_i32_0 : i32, i32, i32
  }
}

</mosaic_0001>

<sc_bundles>
// kernel: kernel.5.cloned.1.call-start
scs
__scs_entry_jumppad:
0x0: {  	(pc) =	sbr.rel $0x88, $3  }
0x1: {  	(tag) =	ssettag $0x0;
	lr =	simm.s32 $0x1  }
0x2: {  	[smem:$0x3FA0] =	sst lr;
	_ =	strace $0xD0000000  }
0x3: {  	_ = 	snop  }
0x4: {  	_ = 	snop  }
0x5: {  	_ = 	snop  }
0x6: {  	_ = 	snop  }
0x7: {  	_ = 	snop  }
__scs_overlays_trampoline_lowered:
0x8: {  	[smem:$0x3FAF] =	sst s0  }
0x9: {  	[smem:$0x3FB0] =	sst s1  }
0xa: {  	[smem:$0x3FB1] =	sst s2  }
0xb: {  	[smem:$0x3FB2] =	sst s3  }
0xc: {  	[smem:$0x3FB3] =	sst s4  }
0xd: {  	[smem:$0x3FB4] =	sst s5  }
0xe: {  	[smem:$0x3FB5] =	sst s6  }
0xf: {  	[smem:$0x3FB6] =	sst s7  }
0x10: {  	[smem:$0x3FB7] =	sst s8  }
0x11: {  	[smem:$0x3FB8] =	sst s9;
	s0 =	simm.s32 @!p0 $0x0  }
0x12: {  	s1 =	sld [smem:$0x3F9E];
	s0 =	simm.s32 @p0 $0x1  }
0x13: {  	[smem:$0x3FB9] =	sst s0;
	s0 =	simm.s32 @!p1 $0x0  }
0x14: {  	s2 =	sld [smem:$0x3F9D];
	s0 =	simm.s32 @p1 $0x1  }
0x15: {  	[smem:$0x3FBA] =	sst s0;
	s0 =	simm.s32 @!p2 $0x0  }
0x16: {  	s3 =	sld [smem:$0x3FDB];
	s0 =	simm.s32 @p2 $0x1  }
0x17: {  	s4 =	simm.s32 $0x1BF5;
	[smem:$0x3FBC] =	sst s0  }
0x18: {  	s0 =	sld [smem:$0x3F9F];
	_ =	swait.ge [sflag:s4], $0x0  }
0x19: {  	s7 =	sld [smem:$0x3FA0]  }
0x1a: {  	s8 =	sadd.s32 $0xFFFFE003, lr  }
0x1b: {  	s9 =	sadd.s32 $0xFFFFFEF7, lr;
	s5 =	simm.s32 $0xFFFFFFFF;
	p2 =	slt.u32 s8, $0xFFFFF086  }
0x1c: {  	p1 =	slt.u32 s9, $0xF7A;
	s5 =	simm.s32 @!p2 $0x0  }
0x1d: {  	s5 =	simm.s32 @p1 $0x1;
	p0 =	seq.s32 s7, s2  }
0x1e: {  	s7 =	smul.u32 @!p0 $0xF7A, s2;
	p2 =	seq.s32 @!p0 s5, $0x0  }
0x1f: {  	s9 =	smul.u32 $0xF7A, s1;
	s8 =	simm.s32 @!p0 $0x1BF5;
	p2 =	por !p2, p0  }
0x20: {  	[sflag:s8] =	ssyncset.s32 @!p0 $0xFFFFF086;
	s6 =	sadd.s32 @!p0 s3, s7;
	s7 =	simm.s32 @!p0 $0x108  }
0x21: {  	s3 =	sadd.s32 s3, s9;
	s6 =	sadd.s32 @!p0 $0x88, s6;
	s7 =	simm.s32 @p2 $0x1082  }
0x22: {  	[simem:s7], [sflag:s8] =	dma.local @!p0 [hbm:s6], $0xF7A  }
0x23: {  	s9 =	sor.u32 $0xD0000000, s2;
	s6 =	simm.s32 $0x108;
	_ =	swait.ge @!p0 [sflag:s8], $0x0  }
0x24: {  	s3 =	sadd.s32 $0x88, s3;
	s6 =	simm.s32 @!p1 $0x1082;
	[sflag:s4] =	ssyncset.s32 $0xFFFFF086  }
0x25: {  	[simem:s6], [sflag:s4] =	dma.local [hbm:s3], $0xF7A  }
0x26: {  	[smem:$0x3FA0] =	sst s1;
	(tag) =	ssettag s2;
	_ =	strace s9  }
0x27: {  	s1 =	sld [smem:$0x3FB0]  }
0x28: {  	s2 =	sld [smem:$0x3FB1]  }
0x29: {  	s4 =	sld [smem:$0x3FB3]  }
0x2a: {  	p0 =	seq.s32 s5, $0x0;
	s5 =	sld [smem:$0x3FB4]  }
0x2b: {  	s6 =	sld [smem:$0x3FB5]  }
0x2c: {  	s7 =	sld [smem:$0x3FB6]  }
0x2d: {  	s3 =	simm.s32 $0x108;
	s8 =	sld [smem:$0x3FB7]  }
0x2e: {  	s3 =	simm.s32 @!p0 $0x1082;
	s9 =	sld [smem:$0x3FB8]  }
0x2f: {  	lr =	sadd.s32 s0, s3;
	s0 =	sld [smem:$0x3FAF]  }
0x30: {  	s3 =	sld [smem:$0x3FB2]  }
0x31: {  	[smem:$0x3FBB] =	sst s10  }
0x32: {  	s10 =	sld [smem:$0x3FB9];
	_ =	sdelay $0x3  }
0x33: {  	p0 =	seq.s32 s10, $0x1;
	s10 =	sld [smem:$0x3FBB];
	_ =	sdelay $0x3  }
0x34: {  	[smem:$0x3FBB] =	sst s10  }
0x35: {  	s10 =	sld [smem:$0x3FBA];
	_ =	sdelay $0x3  }
0x36: {  	p1 =	seq.s32 s10, $0x1;
	s10 =	sld [smem:$0x3FBB];
	_ =	sdelay $0x3  }
0x37: {  	[smem:$0x3FBB] =	sst s10  }
0x38: {  	s10 =	sld [smem:$0x3FBC]  }
0x39: {  	_ = 	snop;
	(pc) =	sbr.ind lr, $3  }
0x3a: {  	_ = 	snop  }
0x3b: {  	_ = 	snop  }
0x3c: {  	p2 =	seq.s32 s10, $0x1;
	s10 =	sld [smem:$0x3FBB]  }
0x3d: {  	_ =	shalt  }
0x3e: {  	_ =	shalt  }
0x3f: {  	_ =	shalt  }
0x40: {  	_ =	shalt  }
0x41: {  	_ =	shalt  }
0x42: {  	_ =	shalt  }
0x43: {  	_ =	shalt  }
0x44: {  	_ =	shalt  }
0x45: {  	_ =	shalt  }
0x46: {  	_ =	shalt  }
0x47: {  	_ =	shalt  }
0x48: {  	_ =	shalt  }
0x49: {  	_ =	shalt  }
0x4a: {  	_ =	shalt  }
0x4b: {  	_ =	shalt  }
0x4c: {  	_ =	shalt  }
0x4d: {  	_ =	shalt  }
0x4e: {  	_ =	shalt  }
0x4f: {  	_ =	shalt  }
0x50: {  	_ =	shalt  }
0x51: {  	_ =	shalt  }
0x52: {  	_ =	shalt  }
0x53: {  	_ =	shalt  }
0x54: {  	_ =	shalt  }
0x55: {  	_ =	shalt  }
0x56: {  	_ =	shalt  }
0x57: {  	_ =	shalt  }
0x58: {  	_ =	shalt  }
0x59: {  	_ =	shalt  }
0x5a: {  	_ =	shalt  }
0x5b: {  	_ =	shalt  }
0x5c: {  	_ =	shalt  }
0x5d: {  	_ =	shalt  }
0x5e: {  	_ =	shalt  }
0x5f: {  	_ =	shalt  }
0x60: {  	_ =	shalt  }
0x61: {  	_ =	shalt  }
0x62: {  	_ =	shalt  }
0x63: {  	_ =	shalt  }
0x64: {  	_ =	shalt  }
0x65: {  	_ =	shalt  }
0x66: {  	_ =	shalt  }
0x67: {  	_ =	shalt  }
0x68: {  	_ =	shalt  }
0x69: {  	_ =	shalt  }
0x6a: {  	_ =	shalt  }
0x6b: {  	_ =	shalt  }
0x6c: {  	_ =	shalt  }
0x6d: {  	_ =	shalt  }
0x6e: {  	_ =	shalt  }
0x6f: {  	_ =	shalt  }
0x70: {  	_ =	shalt  }
0x71: {  	_ =	shalt  }
0x72: {  	_ =	shalt  }
0x73: {  	_ =	shalt  }
0x74: {  	_ =	shalt  }
0x75: {  	_ =	shalt  }
0x76: {  	_ =	shalt  }
0x77: {  	_ =	shalt  }
0x78: {  	_ =	shalt  }
0x79: {  	_ =	shalt  }
0x7a: {  	_ =	shalt  }
0x7b: {  	_ =	shalt  }
0x7c: {  	_ =	shalt  }
0x7d: {  	_ =	shalt  }
0x7e: {  	_ =	shalt  }
0x7f: {  	_ =	shalt  }
0x80: {  	_ =	shalt  }
0x81: {  	_ =	shalt  }
0x82: {  	_ =	shalt  }
0x83: {  	_ =	shalt  }
0x84: {  	_ =	shalt  }
0x85: {  	_ =	shalt  }
0x86: {  	_ =	shalt  }
0x87: {  	_ =	shalt  }
.Lfunc_end0:
.L_simem_size_0:
called_computation_lowered:
.L_overlay_start_0:
0x88: {  	s2 =	sld [smem:$0x3FD9]  }
0x89: {  	s3 =	sld [smem:$0x3FFE];
	_ =	sdelay $0x1  }
0x8a: {  	s1 =	srdreg.scid  }
0x8b: {  	s0 =	sand.u32 $0x1, s1  }
0x8c: {  	s14 =	sshll.u32 s0, $0xA;
	s2 =	sadd.s32 s3, s2  }
0x8d: {  	s2 =	sadd.s32 s2, s14  }
0x8e: {  	[smem:$0x3FC7] =	sst s2  }
0x8f: {  	_ = 	snop  }
0x90: {  	s2 =	sld [smem:$0x3FD0];
	_ =	sdelay $0x2  }
0x91: {  	s15 =	simm.s32 $0xA;
	s4 =	simm.s32 $0x10  }
0x92: {  	[smem:s4], [sflag:s15] =	dma.local [hbm:s2], $0x1  }
0x93: {  	_ =	swait.eq [sflag:s15], $0x1  }
0x94: {  	[sflag:s15] =	ssyncset.done $0x0  }
0x95: {  	[sflag:s15] =	ssyncadd.s32 $0xFFFFFFFF  }
0x96: {  	s16 =	sld [smem:$0x10];
	(tm) =	ssettm $0x1  }
0x97: {  	s17 =	sld [smem:$0x3FFB];
	_ =	sdelay $0x3  }
0x98: {  	_ =	strace s17  }
0x99: {  	s3 =	sld [smem:$0x3FFC];
	_ =	sdelay $0x3  }
0x9a: {  	_ =	strace s3  }
0x9b: {  	s3 =	sld [smem:$0x3FFD];
	_ =	sdelay $0x3  }
0x9c: {  	_ =	strace s3  }
0x9d: {  	_ =	strace $0x8FFFFFFF  }
0x9e: {  	s18 =	sld [smem:$0x3FDB];
	_ =	sdelay $0x1  }
0x9f: {  	s19 =	simm.s32 $_scs_section_size  }
0xa0: {  	s5 =	simm.s32 $_size__tile_overlayer_lowered;
	s6 =	simm.s32 $_tile_overlayer_lowered  }
0xa1: {  	s22 =	simm.s32 $0x1BFF;
	s21 =	sshll.u32 s6, $0x1;
	s3 =	sadd.s32 s19, s18  }
0xa2: {  	s7 =	simm.s32 $0x0;
	s20 =	sshll.u32 s5, $0x1;
	s5 =	sadd.s32 s21, s3  }
0xa3: {  	[timem:s7], [sflag:s22] =	dma.local [hbm:s5], s20  }
0xa4: {  	_ =	swait.ge [sflag:s22], s20  }
0xa5: {  	s4 =	ssub.s32 $0x0, s20;
	[sflag:s22] =	ssyncset.done $0x0  }
0xa6: {  	[sflag:s22] =	ssyncadd.s32 s4;
	_ =	sdelay $0x1  }
0xa7: {  	s23 =	simm.s32 $0x1B8B  }
0xa8: {  	_ =	swait.ge [sflag:s23], $0x1  }
0xa9: {  	[sflag:s23] =	ssyncset.done $0x0  }
0xaa: {  	s25 =	simm.s32 $0x1B8E;
	s24 =	sld [smem:$0x3FFE];
	[sflag:s23] =	ssyncadd.s32 $0xFFFFFFFF  }
0xab: {  	s26 =	simm.s32 $execute0_lowered;
	[smem:$0x3FD2] =	sst s25  }
0xac: {  	s5 =	sshll.u32 s26, $0x1;
	_ =	strace $0x80000046;
	[dreg:$0x1] =	wrdreg $0xFFFFFFFF  }
0xad: {  	s28 =	simm.s32 $_size_execute0_lowered;
	s3 =	sadd.s32 s3, s5;
	[dreg:$0x0] =	wrdreg $0x0  }
0xae: {  	s5 =	sshll.u32 s28, $0x1;
	[dreg:$0x2] =	wrdreg s3  }
0xaf: {  	[dreg:$0x3] =	wrdreg s5  }
0xb0: {  	[dreg:$0x4] =	wrdreg $0xC0  }
0xb1: {  	_ =	task [dreg:s7], $0x5FFFF  }
0xb2: {  	[dreg:$0x1] =	wrdreg $0xFFFFFFFF  }
0xb3: {  	[dreg:$0x0] =	wrdreg $0x60  }
0xb4: {  	[dreg:$0x2] =	wrdreg s16  }
0xb5: {  	[dreg:$0x3] =	wrdreg s24  }
0xb6: {  	[dreg:$0x4] =	wrdreg $0x9  }
0xb7: {  	_ =	task.clear_ibuf [dreg:s7], $0x5FFFF;
	_ =	strace $0x90000046  }
0xb8: {  	s29 =	simm.s32 $0x9;
	_ =	strace $0x80000048  }
0xb9: {  	_ =	swait.ge [sflag:s29], $0x1  }
0xba: {  	[sflag:s29] =	ssyncadd.s32 $0xFFFFFFFF  }
0xbb: {  	_ =	strace $0x90000048  }
0xbc: {  	_ =	sfence  }
0xbd: {  	s30 =	sld [smem:$0x0];
	_ =	sdelay $0x2  }
0xbe: {  	s31 =	sshll.u32 s1, $0xD;
	s1 =	sshrl.u32 s1, $0x2  }
0xbf: {  	s3 =	sand.u32 $0x4000, s31;
	s1 =	sadd.s32 s1, s30  }
0xc0: {  	s0 =	sor.u32 s3, s0;
	s1 =	sshll.u32 s1, $0x11  }
0xc1: {  	s0 =	sor.u32 s1, s0  }
0xc2: {  	s0 =	sadd.s32 $0x8F2B, s0  }
0xc3: {  	[sflag:s0] =	ssyncadd.remote.s32 $0x1  }
0xc4: {  	_ =	sfence.sel $0xFFFF  }
0xc5: {  	[dreg:$0x0] =	wrdreg $0xFFFFFFFF;
	(pc) =	sbr.abs _section_cstart, $3  }
0xc6: {  	[dreg:$0x1] =	wrdreg $0xFFFFFFFF  }
0xc7: {  	_ =	task.clear_ibuf [dreg:s7], $0x2FFFF;
	_ =	strace $0x9FFFFFFF  }
0xc8: {  	(tm) =	ssettm $0x7FFFFFFF  }
0xc9: {  	_ =	shalt  }
tec
execute0_lowered:
.L_overlay_start_1:
0x0: {  	(tag) =	ssettag $0x1  }
0x1: {  	v0 =	vlaneseq.u32  }
0x2: {  	v0 =	vmul.u32 $0x20, v0;
	_ =	sdelay $0x1  }
0x3: {  	v1 =	vor.u32 $0x1, v0;
	v10 =	vor.u32 $0xA, v0;
	v11 =	vor.u32 $0xB, v0  }
0x4: {  	v12 =	vor.u32 $0xC, v0;
	v13 =	vor.u32 $0xD, v0;
	v14 =	vor.u32 $0xE, v0  }
0x5: {  	v15 =	vor.u32 $0xF, v0;
	v16 =	vor.u32 $0x10, v0;
	v17 =	vor.u32 $0x11, v0  }
0x6: {  	v18 =	vor.u32 $0x12, v0;
	v19 =	vor.u32 $0x13, v0;
	v20 =	vor.u32 $0x14, v0  }
0x7: {  	v21 =	vor.u32 $0x15, v0;
	v22 =	vor.u32 $0x16, v0;
	v23 =	vor.u32 $0x17, v0  }
0x8: {  	s3 =	rddreg [dreg:$0x0];
	v24 =	vor.u32 $0x18, v0;
	v25 =	vor.u32 $0x19, v0;
	v26 =	vor.u32 $0x1A, v0  }
0x9: {  	s4 =	rddreg [dreg:$0x1];
	s0 =	stileid.u32;
	v27 =	vor.u32 $0x1B, v0;
	v28 =	vor.u32 $0x1C, v0;
	v29 =	vor.u32 $0x1D, v0  }
0xa: {  	s1 =	rddreg [dreg:$0x2];
	s5 =	srdreg.scid;
	s2 =	simm.s32 $0x0;
	v30 =	vor.u32 $0x1E, v0;
	v31 =	vor.u32 $0x1F, v0;
	v32 =	vor.u32 $0x200, v0  }
0xb: {  	s15 =	simm.s32 $0x1;
	s16 =	simm.s32 $0x2000;
	s17 =	simm.s32 $0x4000;
	v33 =	vor.u32 $0x201, v0;
	v34 =	vor.u32 $0x202, v0;
	v35 =	vor.u32 $0x203, v0  }
0xc: {  	s18 =	simm.s32 $0x6000;
	s19 =	simm.s32 $0x6800;
	s20 =	simm.s32 $0x6880;
	v36 =	vor.u32 $0x204, v0;
	v37 =	vor.u32 $0x205, v0;
	v38 =	vor.u32 $0x206, v0  }
0xd: {  	s21 =	simm.s32 $0x6900;
	s22 =	simm.s32 $0x6980;
	s23 =	simm.s32 $0x6A00;
	v39 =	vor.u32 $0x207, v0;
	v40 =	vor.u32 $0x208, v0;
	v41 =	vor.u32 $0x209, v0  }
0xe: {  	s24 =	simm.s32 $0x7200;
	s25 =	simm.s32 $0x7A00;
	s6 =	sshll.u32 s0, $0x1;
	v42 =	vor.u32 $0x20A, v0;
	v43 =	vor.u32 $0x20B, v0;
	v44 =	vor.u32 $0x20C, v0  }
0xf: {  	s5 =	sand.u32 $0x1, s5;
	[smem:$0x7FF] =	sst s2;
	s7 =	sshrl.u32 s0, $0x1;
	v45 =	vor.u32 $0x20D, v0;
	v46 =	vor.u32 $0x20E, v0;
	[tilespmem:$0x1FF70] =	vst v1;
	v1 =	vor.u32 $0x2, v0  }
0x10: {  	s6 =	sand.u32 $0x2, s6;
	s8 =	sshll.u32 s7, $0xA;
	s7 =	sshll.u32 s7, $0x8;
	v47 =	vor.u32 $0x20F, v0;
	v48 =	vor.u32 $0x210, v0;
	[tilespmem:$0x1FF80] =	vst v1;
	v1 =	vor.u32 $0x3, v0  }
0x11: {  	s6 =	sor.u32 s5, s6;
	s9 =	sadd.s32 s8, s4;
	s5 =	ssub.s32 $0x2, s5;
	v49 =	vor.u32 $0x211, v0;
	v50 =	vor.u32 $0x212, v0;
	[tilespmem:$0x1FF90] =	vst v1;
	v1 =	vor.u32 $0x4, v0  }
0x12: {  	s3 =	sadd.s32 s3, s8;
	v51 =	vor.u32 $0x213, v0;
	v52 =	vor.u32 $0x214, v0;
	s6 =	sshll.u32 s6, $0x6;
	s31 =	sshrl.u32 s5, $0x1;
	[tilespmem:$0x1FFA0] =	vst v1;
	v1 =	vor.u32 $0x5, v0  }
0x13: {  	v53 =	vor.u32 $0x215, v0;
	v54 =	vor.u32 $0x216, v0;
	s6 =	sor.u32 s7, s6;
	s14 =	ssub.s32 s5, s31;
	s5 =	sadd.s32 $0x3C00, s9;
	[tilespmem:$0x1FFB0] =	vst v1;
	v1 =	vor.u32 $0x6, v0  }
0x14: {  	v55 =	vor.u32 $0x217, v0;
	v56 =	vor.u32 $0x218, v0;
	s7 =	sshrl.u32 s6, $0x3;
	s6 =	sshll.u32 s6, $0x2;
	s14 =	smax.u32 s14, $0x1;
	[tilespmem:$0x1FFC0] =	vst v1;
	v1 =	vor.u32 $0x7, v0  }
0x15: {  	v57 =	vor.u32 $0x219, v0;
	v58 =	vor.u32 $0x21A, v0;
	s10 =	sadd.s32 s7, s4;
	s13 =	sadd.s32 s6, s4;
	s4 =	sadd.s32 $0x1C00, s9;
	[tilespmem:$0x1FFD0] =	vst v1;
	v1 =	vor.u32 $0x8, v0  }
0x16: {  	v59 =	vor.u32 $0x21B, v0;
	s6 =	sadd.s32 $0x5C00, s13;
	s7 =	sadd.s32 $0x7C00, s10;
	s8 =	sadd.s32 $0x7E00, s10;
	[tilespmem:$0x1FFE0] =	vst v1;
	v1 =	vor.u32 $0x9, v0  }
0x17: {  	v60 =	vor.u32 $0x21C, v0;
	v61 =	vor.u32 $0x21D, v0;
	s9 =	sadd.s32 $0x8000, s10;
	s10 =	sadd.s32 $0x8200, s10;
	s11 =	sadd.s32 $0xC400, s13;
	[tilespmem:$0x1FFF0] =	vst v1  }
0x18: {  	v62 =	vor.u32 $0x21E, v0;
	v63 =	vor.u32 $0x21F, v0;
	s12 =	sadd.s32 $0xA400, s13;
	s13 =	sadd.s32 $0x8400, s13;
	_ =	strace $0x80000047  }
.LBB2_1:
0x19: {  	[tilespmem:s2], [sflag:$0x1] =	stream.linear.gather [hbm4b:s3+s2], $0x2000, $0x38;
	[tilespmem:$0x8200] =	vst v63  }
0x1a: {  	_ =	swait.ge [sflag:s15], $0x2000  }
0x1b: {  	[sflag:s15] =	ssyncset.done $0x0  }
0x1c: {  	[sflag:s15] =	ssyncadd.s32 $0xFFFFE000  }
0x1d: {  	[tilespmem:s16], [sflag:$0x1] =	stream.linear.gather [hbm4b:s4+s2], $0x2000, $0x38;
	[tilespmem:$0x8200] =	vst v63  }
0x1e: {  	_ =	swait.ge [sflag:s15], $0x2000  }
0x1f: {  	[sflag:s15] =	ssyncset.done $0x0  }
0x20: {  	[sflag:s15] =	ssyncadd.s32 $0xFFFFE000  }
0x21: {  	[tilespmem:s17], [sflag:$0x1] =	stream.linear.gather [hbm4b:s5+s2], $0x2000, $0x38;
	[tilespmem:$0x8200] =	vst v63  }
0x22: {  	_ =	swait.ge [sflag:s15], $0x2000  }
0x23: {  	[sflag:s15] =	ssyncset.done $0x0  }
0x24: {  	[sflag:s15] =	ssyncadd.s32 $0xFFFFE000  }
0x25: {  	[tilespmem:s18], [sflag:$0x1] =	stream.linear.gather [hbm4b:s6+s2], $0x800, $0x38;
	[tilespmem:$0x8200] =	vst v63  }
0x26: {  	_ =	swait.ge [sflag:s15], $0x800  }
0x27: {  	[sflag:s15] =	ssyncset.done $0x0  }
0x28: {  	[sflag:s15] =	ssyncadd.s32 $0xFFFFF800  }
0x29: {  	[tilespmem:s19], [sflag:$0x1] =	stream.linear.gather [hbm4b:s7+s2], $0x40, $0x38;
	[tilespmem:$0x8200] =	vst v63  }
0x2a: {  	_ =	swait.ge [sflag:s15], $0x40  }
0x2b: {  	[sflag:s15] =	ssyncset.done $0x0  }
0x2c: {  	[sflag:s15] =	ssyncadd.s32 $0xFFFFFFC0  }
0x2d: {  	[tilespmem:s20], [sflag:$0x1] =	stream.linear.gather [hbm4b:s8+s2], $0x40, $0x38;
	[tilespmem:$0x8200] =	vst v63  }
0x2e: {  	_ =	swait.ge [sflag:s15], $0x40  }
0x2f: {  	[sflag:s15] =	ssyncset.done $0x0  }
0x30: {  	[sflag:s15] =	ssyncadd.s32 $0xFFFFFFC0  }
0x31: {  	[tilespmem:s21], [sflag:$0x1] =	stream.linear.gather [hbm4b:s9+s2], $0x40, $0x38;
	[tilespmem:$0x8200] =	vst v63  }
0x32: {  	_ =	swait.ge [sflag:s15], $0x40  }
0x33: {  	[sflag:s15] =	ssyncset.done $0x0  }
0x34: {  	[sflag:s15] =	ssyncadd.s32 $0xFFFFFFC0  }
0x35: {  	[tilespmem:s22], [sflag:$0x1] =	stream.linear.gather [hbm4b:s10+s2], $0x40, $0x38;
	[tilespmem:$0x8200] =	vst v63  }
0x36: {  	_ =	swait.ge [sflag:s15], $0x40  }
0x37: {  	[sflag:s15] =	ssyncset.done $0x0  }
0x38: {  	[sflag:s15] =	ssyncadd.s32 $0xFFFFFFC0  }
0x39: {  	v2 =	vld [tilespmem:$0x6800]  }
0x3a: {  	v4 =	vld.idx.msk [tilespmem:v0+s18+$0x0], $0xffff;
	_ =	sdelay $0x4  }
0x3b: {  	v1 =	vld [tilespmem:$0x6880];
	(erf) = vrcp.f32 v2  }
0x3c: {  	v3 =	vld [tilespmem:$0x6900]  }
0x3d: {  	v2 =	vld [tilespmem:$0x6980]  }
0x3e: {  	v5 =	vld.idx.msk [tilespmem:v4+s2+$0x0], $0xffff  }
0x3f: {  	v6 =	vld.idx.msk [tilespmem:v4+s16+$0x0], $0xffff  }
0x40: {  	v7 =	vld.idx.msk [tilespmem:v4+s17+$0x0], $0xffff;
	_ =	sdelay $0x1  }
0x41: {  	v8 =	vld [tilespmem:$0x1FF70]  }
0x42: {  	v5 =	vsub.f32 v5, v1  }
0x43: {  	v6 =	vsub.f32 v6, v3;
	v4 =	vpop (erf)  }
0x44: {  	v7 =	vsub.f32 v7, v2;
	v5 =	vmul.f32 v5, v4  }
0x45: {  	v6 =	vmul.f32 v6, v4  }
0x46: {  	[tilespmem:v0+s23+$0x0] =	vst.idx.msk $0xffff, v5;
	v5 =	vmul.f32 v7, v4  }
0x47: {  	[tilespmem:v0+s24+$0x0] =	vst.idx.msk $0xffff, v6  }
0x48: {  	[tilespmem:v0+s25+$0x0] =	vst.idx.msk $0xffff, v5  }
0x49: {  	v5 =	vld.idx.msk [tilespmem:v8+s18+$0x0], $0xffff;
	_ =	sdelay $0x7  }
0x4a: {  	v6 =	vld.idx.msk [tilespmem:v5+s2+$0x0], $0xffff  }
0x4b: {  	v7 =	vld.idx.msk [tilespmem:v5+s16+$0x0], $0xffff  }
0x4c: {  	v5 =	vld.idx.msk [tilespmem:v5+s17+$0x0], $0xffff;
	_ =	sdelay $0x2  }
0x4d: {  	v6 =	vsub.f32 v6, v1  }
0x4e: {  	v7 =	vsub.f32 v7, v3  }
0x4f: {  	v5 =	vsub.f32 v5, v2;
	v6 =	vmul.f32 v6, v4  }
0x50: {  	v7 =	vmul.f32 v7, v4  }
0x51: {  	v5 =	vmul.f32 v5, v4;
	[tilespmem:v8+s23+$0x0] =	vst.idx.msk $0xffff, v6  }
0x52: {  	[tilespmem:v8+s24+$0x0] =	vst.idx.msk $0xffff, v7  }
0x53: {  	[tilespmem:v8+s25+$0x0] =	vst.idx.msk $0xffff, v5;
	v8 =	vld [tilespmem:$0x1FF80];
	_ =	sdelay $0x7  }
0x54: {  	v5 =	vld.idx.msk [tilespmem:v8+s18+$0x0], $0xffff;
	_ =	sdelay $0x7  }
0x55: {  	v6 =	vld.idx.msk [tilespmem:v5+s2+$0x0], $0xffff  }
0x56: {  	v7 =	vld.idx.msk [tilespmem:v5+s16+$0x0], $0xffff  }
0x57: {  	v5 =	vld.idx.msk [tilespmem:v5+s17+$0x0], $0xffff;
	_ =	sdelay $0x2  }
0x58: {  	v6 =	vsub.f32 v6, v1  }
0x59: {  	v7 =	vsub.f32 v7, v3  }
0x5a: {  	v5 =	vsub.f32 v5, v2;
	v6 =	vmul.f32 v6, v4  }
0x5b: {  	v7 =	vmul.f32 v7, v4  }
0x5c: {  	v5 =	vmul.f32 v5, v4;
	[tilespmem:v8+s23+$0x0] =	vst.idx.msk $0xffff, v6  }
0x5d: {  	[tilespmem:v8+s24+$0x0] =	vst.idx.msk $0xffff, v7  }
0x5e: {  	[tilespmem:v8+s25+$0x0] =	vst.idx.msk $0xffff, v5;
	v8 =	vld [tilespmem:$0x1FF90];
	_ =	sdelay $0x7  }
0x5f: {  	v5 =	vld.idx.msk [tilespmem:v8+s18+$0x0], $0xffff;
	_ =	sdelay $0x7  }
0x60: {  	v6 =	vld.idx.msk [tilespmem:v5+s2+$0x0], $0xffff  }
0x61: {  	v7 =	vld.idx.msk [tilespmem:v5+s16+$0x0], $0xffff  }
0x62: {  	v5 =	vld.idx.msk [tilespmem:v5+s17+$0x0], $0xffff;
	_ =	sdelay $0x2  }
0x63: {  	v6 =	vsub.f32 v6, v1  }
0x64: {  	v7 =	vsub.f32 v7, v3  }
0x65: {  	v5 =	vsub.f32 v5, v2;
	v6 =	vmul.f32 v6, v4  }
0x66: {  	v7 =	vmul.f32 v7, v4  }
0x67: {  	v5 =	vmul.f32 v5, v4;
	[tilespmem:v8+s23+$0x0] =	vst.idx.msk $0xffff, v6  }
0x68: {  	[tilespmem:v8+s24+$0x0] =	vst.idx.msk $0xffff, v7  }
0x69: {  	[tilespmem:v8+s25+$0x0] =	vst.idx.msk $0xffff, v5;
	v8 =	vld [tilespmem:$0x1FFA0];
	_ =	sdelay $0x7  }
0x6a: {  	v5 =	vld.idx.msk [tilespmem:v8+s18+$0x0], $0xffff;
	_ =	sdelay $0x7  }
0x6b: {  	v6 =	vld.idx.msk [tilespmem:v5+s2+$0x0], $0xffff  }
0x6c: {  	v7 =	vld.idx.msk [tilespmem:v5+s16+$0x0], $0xffff  }
0x6d: {  	v5 =	vld.idx.msk [tilespmem:v5+s17+$0x0], $0xffff;
	_ =	sdelay $0x2  }
0x6e: {  	v6 =	vsub.f32 v6, v1  }
0x6f: {  	v7 =	vsub.f32 v7, v3  }
0x70: {  	v5 =	vsub.f32 v5, v2;
	v6 =	vmul.f32 v6, v4  }
0x71: {  	v7 =	vmul.f32 v7, v4  }
0x72: {  	v5 =	vmul.f32 v5, v4;
	[tilespmem:v8+s23+$0x0] =	vst.idx.msk $0xffff, v6  }
0x73: {  	[tilespmem:v8+s24+$0x0] =	vst.idx.msk $0xffff, v7  }
0x74: {  	[tilespmem:v8+s25+$0x0] =	vst.idx.msk $0xffff, v5;
	v8 =	vld [tilespmem:$0x1FFB0];
	_ =	sdelay $0x7  }
0x75: {  	v5 =	vld.idx.msk [tilespmem:v8+s18+$0x0], $0xffff;
	_ =	sdelay $0x7  }
0x76: {  	v6 =	vld.idx.msk [tilespmem:v5+s2+$0x0], $0xffff  }
0x77: {  	v7 =	vld.idx.msk [tilespmem:v5+s16+$0x0], $0xffff  }
0x78: {  	v5 =	vld.idx.msk [tilespmem:v5+s17+$0x0], $0xffff;
	_ =	sdelay $0x2  }
0x79: {  	v6 =	vsub.f32 v6, v1  }
0x7a: {  	v7 =	vsub.f32 v7, v3  }
0x7b: {  	v5 =	vsub.f32 v5, v2;
	v6 =	vmul.f32 v6, v4  }
0x7c: {  	v7 =	vmul.f32 v7, v4  }
0x7d: {  	v5 =	vmul.f32 v5, v4;
	[tilespmem:v8+s23+$0x0] =	vst.idx.msk $0xffff, v6  }
0x7e: {  	[tilespmem:v8+s24+$0x0] =	vst.idx.msk $0xffff, v7  }
0x7f: {  	[tilespmem:v8+s25+$0x0] =	vst.idx.msk $0xffff, v5;
	v8 =	vld [tilespmem:$0x1FFC0];
	_ =	sdelay $0x7  }
0x80: {  	v5 =	vld.idx.msk [tilespmem:v8+s18+$0x0], $0xffff;
	_ =	sdelay $0x7  }
0x81: {  	v6 =	vld.idx.msk [tilespmem:v5+s2+$0x0], $0xffff  }
0x82: {  	v7 =	vld.idx.msk [tilespmem:v5+s16+$0x0], $0xffff  }
0x83: {  	v5 =	vld.idx.msk [tilespmem:v5+s17+$0x0], $0xffff;
	_ =	sdelay $0x2  }
0x84: {  	v6 =	vsub.f32 v6, v1  }
0x85: {  	v7 =	vsub.f32 v7, v3  }
0x86: {  	v5 =	vsub.f32 v5, v2;
	v6 =	vmul.f32 v6, v4  }
0x87: {  	v7 =	vmul.f32 v7, v4  }
0x88: {  	v5 =	vmul.f32 v5, v4;
	[tilespmem:v8+s23+$0x0] =	vst.idx.msk $0xffff, v6  }
0x89: {  	[tilespmem:v8+s24+$0x0] =	vst.idx.msk $0xffff, v7  }
0x8a: {  	[tilespmem:v8+s25+$0x0] =	vst.idx.msk $0xffff, v5;
	v8 =	vld [tilespmem:$0x1FFD0];
	_ =	sdelay $0x7  }
0x8b: {  	v5 =	vld.idx.msk [tilespmem:v8+s18+$0x0], $0xffff;
	_ =	sdelay $0x7  }
0x8c: {  	v6 =	vld.idx.msk [tilespmem:v5+s2+$0x0], $0xffff  }
0x8d: {  	v7 =	vld.idx.msk [tilespmem:v5+s16+$0x0], $0xffff  }
0x8e: {  	v5 =	vld.idx.msk [tilespmem:v5+s17+$0x0], $0xffff;
	_ =	sdelay $0x2  }
0x8f: {  	v6 =	vsub.f32 v6, v1  }
0x90: {  	v7 =	vsub.f32 v7, v3  }
0x91: {  	v5 =	vsub.f32 v5, v2;
	v6 =	vmul.f32 v6, v4  }
0x92: {  	v7 =	vmul.f32 v7, v4  }
0x93: {  	v5 =	vmul.f32 v5, v4;
	[tilespmem:v8+s23+$0x0] =	vst.idx.msk $0xffff, v6  }
0x94: {  	[tilespmem:v8+s24+$0x0] =	vst.idx.msk $0xffff, v7  }
0x95: {  	[tilespmem:v8+s25+$0x0] =	vst.idx.msk $0xffff, v5;
	v8 =	vld [tilespmem:$0x1FFE0];
	_ =	sdelay $0x7  }
0x96: {  	v5 =	vld.idx.msk [tilespmem:v8+s18+$0x0], $0xffff;
	_ =	sdelay $0x7  }
0x97: {  	v6 =	vld.idx.msk [tilespmem:v5+s2+$0x0], $0xffff  }
0x98: {  	v7 =	vld.idx.msk [tilespmem:v5+s16+$0x0], $0xffff  }
0x99: {  	v5 =	vld.idx.msk [tilespmem:v5+s17+$0x0], $0xffff;
	_ =	sdelay $0x2  }
0x9a: {  	v6 =	vsub.f32 v6, v1  }
0x9b: {  	v7 =	vsub.f32 v7, v3  }
0x9c: {  	v5 =	vsub.f32 v5, v2;
	v6 =	vmul.f32 v6, v4  }
0x9d: {  	v7 =	vmul.f32 v7, v4  }
0x9e: {  	v5 =	vmul.f32 v5, v4;
	[tilespmem:v8+s23+$0x0] =	vst.idx.msk $0xffff, v6  }
0x9f: {  	[tilespmem:v8+s24+$0x0] =	vst.idx.msk $0xffff, v7  }
0xa0: {  	[tilespmem:v8+s25+$0x0] =	vst.idx.msk $0xffff, v5;
	v8 =	vld [tilespmem:$0x1FFF0];
	_ =	sdelay $0x7  }
0xa1: {  	v5 =	vld.idx.msk [tilespmem:v8+s18+$0x0], $0xffff;
	_ =	sdelay $0x7  }
0xa2: {  	v6 =	vld.idx.msk [tilespmem:v5+s2+$0x0], $0xffff  }
0xa3: {  	v7 =	vld.idx.msk [tilespmem:v5+s16+$0x0], $0xffff  }
0xa4: {  	v5 =	vld.idx.msk [tilespmem:v5+s17+$0x0], $0xffff;
	_ =	sdelay $0x2  }
0xa5: {  	v6 =	vsub.f32 v6, v1  }
0xa6: {  	v7 =	vsub.f32 v7, v3  }
0xa7: {  	v5 =	vsub.f32 v5, v2;
	v6 =	vmul.f32 v6, v4  }
0xa8: {  	v7 =	vmul.f32 v7, v4  }
0xa9: {  	v5 =	vmul.f32 v5, v4;
	[tilespmem:v8+s23+$0x0] =	vst.idx.msk $0xffff, v6  }
0xaa: {  	[tilespmem:v8+s24+$0x0] =	vst.idx.msk $0xffff, v7  }
0xab: {  	[tilespmem:v8+s25+$0x0] =	vst.idx.msk $0xffff, v5  }
0xac: {  	v5 =	vld.idx.msk [tilespmem:v10+s18+$0x0], $0xffff;
	_ =	sdelay $0x7  }
0xad: {  	v6 =	vld.idx.msk [tilespmem:v5+s2+$0x0], $0xffff  }
0xae: {  	v7 =	vld.idx.msk [tilespmem:v5+s16+$0x0], $0xffff  }
0xaf: {  	v5 =	vld.idx.msk [tilespmem:v5+s17+$0x0], $0xffff;
	_ =	sdelay $0x2  }
0xb0: {  	v6 =	vsub.f32 v6, v1  }
0xb1: {  	v7 =	vsub.f32 v7, v3  }
0xb2: {  	v5 =	vsub.f32 v5, v2;
	v6 =	vmul.f32 v6, v4  }
0xb3: {  	v7 =	vmul.f32 v7, v4  }
0xb4: {  	v5 =	vmul.f32 v5, v4;
	[tilespmem:v10+s23+$0x0] =	vst.idx.msk $0xffff, v6  }
0xb5: {  	[tilespmem:v10+s24+$0x0] =	vst.idx.msk $0xffff, v7  }
0xb6: {  	[tilespmem:v10+s25+$0x0] =	vst.idx.msk $0xffff, v5  }
0xb7: {  	v5 =	vld.idx.msk [tilespmem:v11+s18+$0x0], $0xffff;
	_ =	sdelay $0x7  }
0xb8: {  	v6 =	vld.idx.msk [tilespmem:v5+s2+$0x0], $0xffff  }
0xb9: {  	v7 =	vld.idx.msk [tilespmem:v5+s16+$0x0], $0xffff  }
0xba: {  	v5 =	vld.idx.msk [tilespmem:v5+s17+$0x0], $0xffff;
	_ =	sdelay $0x2  }
0xbb: {  	v6 =	vsub.f32 v6, v1  }
0xbc: {  	v7 =	vsub.f32 v7, v3  }
0xbd: {  	v5 =	vsub.f32 v5, v2;
	v6 =	vmul.f32 v6, v4  }
0xbe: {  	v7 =	vmul.f32 v7, v4  }
0xbf: {  	v5 =	vmul.f32 v5, v4;
	[tilespmem:v11+s23+$0x0] =	vst.idx.msk $0xffff, v6  }
0xc0: {  	[tilespmem:v11+s24+$0x0] =	vst.idx.msk $0xffff, v7  }
0xc1: {  	[tilespmem:v11+s25+$0x0] =	vst.idx.msk $0xffff, v5  }
0xc2: {  	v5 =	vld.idx.msk [tilespmem:v12+s18+$0x0], $0xffff;
	_ =	sdelay $0x7  }
0xc3: {  	v6 =	vld.idx.msk [tilespmem:v5+s2+$0x0], $0xffff  }
0xc4: {  	v7 =	vld.idx.msk [tilespmem:v5+s16+$0x0], $0xffff  }
0xc5: {  	v5 =	vld.idx.msk [tilespmem:v5+s17+$0x0], $0xffff;
	_ =	sdelay $0x2  }
0xc6: {  	v6 =	vsub.f32 v6, v1  }
0xc7: {  	v7 =	vsub.f32 v7, v3  }
0xc8: {  	v5 =	vsub.f32 v5, v2;
	v6 =	vmul.f32 v6, v4  }
0xc9: {  	v7 =	vmul.f32 v7, v4  }
0xca: {  	v5 =	vmul.f32 v5, v4;
	[tilespmem:v12+s23+$0x0] =	vst.idx.msk $0xffff, v6  }
0xcb: {  	[tilespmem:v12+s24+$0x0] =	vst.idx.msk $0xffff, v7  }
0xcc: {  	[tilespmem:v12+s25+$0x0] =	vst.idx.msk $0xffff, v5  }
0xcd: {  	v5 =	vld.idx.msk [tilespmem:v13+s18+$0x0], $0xffff;
	_ =	sdelay $0x7  }
0xce: {  	v6 =	vld.idx.msk [tilespmem:v5+s2+$0x0], $0xffff  }
0xcf: {  	v7 =	vld.idx.msk [tilespmem:v5+s16+$0x0], $0xffff  }
0xd0: {  	v5 =	vld.idx.msk [tilespmem:v5+s17+$0x0], $0xffff;
	_ =	sdelay $0x2  }
0xd1: {  	v6 =	vsub.f32 v6, v1  }
0xd2: {  	v7 =	vsub.f32 v7, v3  }
0xd3: {  	v5 =	vsub.f32 v5, v2;
	v6 =	vmul.f32 v6, v4  }
0xd4: {  	v7 =	vmul.f32 v7, v4  }
0xd5: {  	v5 =	vmul.f32 v5, v4;
	[tilespmem:v13+s23+$0x0] =	vst.idx.msk $0xffff, v6  }
0xd6: {  	[tilespmem:v13+s24+$0x0] =	vst.idx.msk $0xffff, v7  }
0xd7: {  	[tilespmem:v13+s25+$0x0] =	vst.idx.msk $0xffff, v5  }
0xd8: {  	v5 =	vld.idx.msk [tilespmem:v14+s18+$0x0], $0xffff;
	_ =	sdelay $0x7  }
0xd9: {  	v6 =	vld.idx.msk [tilespmem:v5+s2+$0x0], $0xffff  }
0xda: {  	v7 =	vld.idx.msk [tilespmem:v5+s16+$0x0], $0xffff  }
0xdb: {  	v5 =	vld.idx.msk [tilespmem:v5+s17+$0x0], $0xffff;
	_ =	sdelay $0x2  }
0xdc: {  	v6 =	vsub.f32 v6, v1  }
0xdd: {  	v7 =	vsub.f32 v7, v3  }
0xde: {  	v5 =	vsub.f32 v5, v2;
	v6 =	vmul.f32 v6, v4  }
0xdf: {  	v7 =	vmul.f32 v7, v4  }
0xe0: {  	v5 =	vmul.f32 v5, v4;
	[tilespmem:v14+s23+$0x0] =	vst.idx.msk $0xffff, v6  }
0xe1: {  	[tilespmem:v14+s24+$0x0] =	vst.idx.msk $0xffff, v7  }
0xe2: {  	[tilespmem:v14+s25+$0x0] =	vst.idx.msk $0xffff, v5  }
0xe3: {  	v5 =	vld.idx.msk [tilespmem:v15+s18+$0x0], $0xffff;
	_ =	sdelay $0x7  }
0xe4: {  	v6 =	vld.idx.msk [tilespmem:v5+s2+$0x0], $0xffff  }
0xe5: {  	v7 =	vld.idx.msk [tilespmem:v5+s16+$0x0], $0xffff  }
0xe6: {  	v5 =	vld.idx.msk [tilespmem:v5+s17+$0x0], $0xffff;
	_ =	sdelay $0x2  }
0xe7: {  	v6 =	vsub.f32 v6, v1  }
0xe8: {  	v7 =	vsub.f32 v7, v3  }
0xe9: {  	v5 =	vsub.f32 v5, v2;
	v6 =	vmul.f32 v6, v4  }
0xea: {  	v7 =	vmul.f32 v7, v4  }
0xeb: {  	v5 =	vmul.f32 v5, v4;
	[tilespmem:v15+s23+$0x0] =	vst.idx.msk $0xffff, v6  }
0xec: {  	[tilespmem:v15+s24+$0x0] =	vst.idx.msk $0xffff, v7  }
0xed: {  	[tilespmem:v15+s25+$0x0] =	vst.idx.msk $0xffff, v5  }
0xee: {  	v5 =	vld.idx.msk [tilespmem:v16+s18+$0x0], $0xffff;
	_ =	sdelay $0x7  }
0xef: {  	v6 =	vld.idx.msk [tilespmem:v5+s2+$0x0], $0xffff  }
0xf0: {  	v7 =	vld.idx.msk [tilespmem:v5+s16+$0x0], $0xffff  }
0xf1: {  	v5 =	vld.idx.msk [tilespmem:v5+s17+$0x0], $0xffff;
	_ =	sdelay $0x2  }
0xf2: {  	v6 =	vsub.f32 v6, v1  }
0xf3: {  	v7 =	vsub.f32 v7, v3  }
0xf4: {  	v5 =	vsub.f32 v5, v2;
	v6 =	vmul.f32 v6, v4  }
0xf5: {  	v7 =	vmul.f32 v7, v4  }
0xf6: {  	v5 =	vmul.f32 v5, v4;
	[tilespmem:v16+s23+$0x0] =	vst.idx.msk $0xffff, v6  }
0xf7: {  	[tilespmem:v16+s24+$0x0] =	vst.idx.msk $0xffff, v7  }
0xf8: {  	[tilespmem:v16+s25+$0x0] =	vst.idx.msk $0xffff, v5  }
0xf9: {  	v5 =	vld.idx.msk [tilespmem:v17+s18+$0x0], $0xffff;
	_ =	sdelay $0x7  }
0xfa: {  	v6 =	vld.idx.msk [tilespmem:v5+s2+$0x0], $0xffff  }
0xfb: {  	v7 =	vld.idx.msk [tilespmem:v5+s16+$0x0], $0xffff  }
0xfc: {  	v5 =	vld.idx.msk [tilespmem:v5+s17+$0x0], $0xffff;
	_ =	sdelay $0x2  }
0xfd: {  	v6 =	vsub.f32 v6, v1  }
0xfe: {  	v7 =	vsub.f32 v7, v3  }
0xff: {  	v5 =	vsub.f32 v5, v2;
	v6 =	vmul.f32 v6, v4  }
0x100: {  	v7 =	vmul.f32 v7, v4  }
0x101: {  	v5 =	vmul.f32 v5, v4;
	[tilespmem:v17+s23+$0x0] =	vst.idx.msk $0xffff, v6  }
0x102: {  	[tilespmem:v17+s24+$0x0] =	vst.idx.msk $0xffff, v7  }
0x103: {  	[tilespmem:v17+s25+$0x0] =	vst.idx.msk $0xffff, v5  }
0x104: {  	v5 =	vld.idx.msk [tilespmem:v18+s18+$0x0], $0xffff;
	_ =	sdelay $0x7  }
0x105: {  	v6 =	vld.idx.msk [tilespmem:v5+s2+$0x0], $0xffff  }
0x106: {  	v7 =	vld.idx.msk [tilespmem:v5+s16+$0x0], $0xffff  }
0x107: {  	v5 =	vld.idx.msk [tilespmem:v5+s17+$0x0], $0xffff;
	_ =	sdelay $0x2  }
0x108: {  	v6 =	vsub.f32 v6, v1  }
0x109: {  	v7 =	vsub.f32 v7, v3  }
0x10a: {  	v5 =	vsub.f32 v5, v2;
	v6 =	vmul.f32 v6, v4  }
0x10b: {  	v7 =	vmul.f32 v7, v4  }
0x10c: {  	v5 =	vmul.f32 v5, v4;
	[tilespmem:v18+s23+$0x0] =	vst.idx.msk $0xffff, v6  }
0x10d: {  	[tilespmem:v18+s24+$0x0] =	vst.idx.msk $0xffff, v7  }
0x10e: {  	[tilespmem:v18+s25+$0x0] =	vst.idx.msk $0xffff, v5  }
0x10f: {  	v5 =	vld.idx.msk [tilespmem:v19+s18+$0x0], $0xffff;
	_ =	sdelay $0x7  }
0x110: {  	v6 =	vld.idx.msk [tilespmem:v5+s2+$0x0], $0xffff  }
0x111: {  	v7 =	vld.idx.msk [tilespmem:v5+s16+$0x0], $0xffff  }
0x112: {  	v5 =	vld.idx.msk [tilespmem:v5+s17+$0x0], $0xffff;
	_ =	sdelay $0x2  }
0x113: {  	v6 =	vsub.f32 v6, v1  }
0x114: {  	v7 =	vsub.f32 v7, v3  }
0x115: {  	v5 =	vsub.f32 v5, v2;
	v6 =	vmul.f32 v6, v4  }
0x116: {  	v7 =	vmul.f32 v7, v4  }
0x117: {  	v5 =	vmul.f32 v5, v4;
	[tilespmem:v19+s23+$0x0] =	vst.idx.msk $0xffff, v6  }
0x118: {  	[tilespmem:v19+s24+$0x0] =	vst.idx.msk $0xffff, v7  }
0x119: {  	[tilespmem:v19+s25+$0x0] =	vst.idx.msk $0xffff, v5  }
0x11a: {  	v5 =	vld.idx.msk [tilespmem:v20+s18+$0x0], $0xffff;
	_ =	sdelay $0x7  }
0x11b: {  	v6 =	vld.idx.msk [tilespmem:v5+s2+$0x0], $0xffff  }
0x11c: {  	v7 =	vld.idx.msk [tilespmem:v5+s16+$0x0], $0xffff  }
0x11d: {  	v5 =	vld.idx.msk [tilespmem:v5+s17+$0x0], $0xffff;
	_ =	sdelay $0x2  }
0x11e: {  	v6 =	vsub.f32 v6, v1  }
0x11f: {  	v7 =	vsub.f32 v7, v3  }
0x120: {  	v5 =	vsub.f32 v5, v2;
	v6 =	vmul.f32 v6, v4  }
0x121: {  	v7 =	vmul.f32 v7, v4  }
0x122: {  	v5 =	vmul.f32 v5, v4;
	[tilespmem:v20+s23+$0x0] =	vst.idx.msk $0xffff, v6  }
0x123: {  	[tilespmem:v20+s24+$0x0] =	vst.idx.msk $0xffff, v7  }
0x124: {  	[tilespmem:v20+s25+$0x0] =	vst.idx.msk $0xffff, v5  }
0x125: {  	v5 =	vld.idx.msk [tilespmem:v21+s18+$0x0], $0xffff;
	_ =	sdelay $0x7  }
0x126: {  	v6 =	vld.idx.msk [tilespmem:v5+s2+$0x0], $0xffff  }
0x127: {  	v7 =	vld.idx.msk [tilespmem:v5+s16+$0x0], $0xffff  }
0x128: {  	v5 =	vld.idx.msk [tilespmem:v5+s17+$0x0], $0xffff;
	_ =	sdelay $0x2  }
0x129: {  	v6 =	vsub.f32 v6, v1  }
0x12a: {  	v7 =	vsub.f32 v7, v3  }
0x12b: {  	v5 =	vsub.f32 v5, v2;
	v6 =	vmul.f32 v6, v4  }
0x12c: {  	v7 =	vmul.f32 v7, v4  }
0x12d: {  	v5 =	vmul.f32 v5, v4;
	[tilespmem:v21+s23+$0x0] =	vst.idx.msk $0xffff, v6  }
0x12e: {  	[tilespmem:v21+s24+$0x0] =	vst.idx.msk $0xffff, v7  }
0x12f: {  	[tilespmem:v21+s25+$0x0] =	vst.idx.msk $0xffff, v5  }
0x130: {  	v5 =	vld.idx.msk [tilespmem:v22+s18+$0x0], $0xffff;
	_ =	sdelay $0x7  }
0x131: {  	v6 =	vld.idx.msk [tilespmem:v5+s2+$0x0], $0xffff  }
0x132: {  	v7 =	vld.idx.msk [tilespmem:v5+s16+$0x0], $0xffff  }
0x133: {  	v5 =	vld.idx.msk [tilespmem:v5+s17+$0x0], $0xffff;
	_ =	sdelay $0x2  }
0x134: {  	v6 =	vsub.f32 v6, v1  }
0x135: {  	v7 =	vsub.f32 v7, v3  }
0x136: {  	v5 =	vsub.f32 v5, v2;
	v6 =	vmul.f32 v6, v4  }
0x137: {  	v7 =	vmul.f32 v7, v4  }
0x138: {  	v5 =	vmul.f32 v5, v4;
	[tilespmem:v22+s23+$0x0] =	vst.idx.msk $0xffff, v6  }
0x139: {  	[tilespmem:v22+s24+$0x0] =	vst.idx.msk $0xffff, v7  }
0x13a: {  	[tilespmem:v22+s25+$0x0] =	vst.idx.msk $0xffff, v5  }
0x13b: {  	v5 =	vld.idx.msk [tilespmem:v23+s18+$0x0], $0xffff;
	_ =	sdelay $0x7  }
0x13c: {  	v6 =	vld.idx.msk [tilespmem:v5+s2+$0x0], $0xffff  }
0x13d: {  	v7 =	vld.idx.msk [tilespmem:v5+s16+$0x0], $0xffff  }
0x13e: {  	v5 =	vld.idx.msk [tilespmem:v5+s17+$0x0], $0xffff;
	_ =	sdelay $0x2  }
0x13f: {  	v6 =	vsub.f32 v6, v1  }
0x140: {  	v7 =	vsub.f32 v7, v3  }
0x141: {  	v5 =	vsub.f32 v5, v2;
	v6 =	vmul.f32 v6, v4  }
0x142: {  	v7 =	vmul.f32 v7, v4  }
0x143: {  	v5 =	vmul.f32 v5, v4;
	[tilespmem:v23+s23+$0x0] =	vst.idx.msk $0xffff, v6  }
0x144: {  	[tilespmem:v23+s24+$0x0] =	vst.idx.msk $0xffff, v7  }
0x145: {  	[tilespmem:v23+s25+$0x0] =	vst.idx.msk $0xffff, v5  }
0x146: {  	v5 =	vld.idx.msk [tilespmem:v24+s18+$0x0], $0xffff;
	_ =	sdelay $0x7  }
0x147: {  	v6 =	vld.idx.msk [tilespmem:v5+s2+$0x0], $0xffff  }
0x148: {  	v7 =	vld.idx.msk [tilespmem:v5+s16+$0x0], $0xffff  }
0x149: {  	v5 =	vld.idx.msk [tilespmem:v5+s17+$0x0], $0xffff;
	_ =	sdelay $0x2  }
0x14a: {  	v6 =	vsub.f32 v6, v1  }
0x14b: {  	v7 =	vsub.f32 v7, v3  }
0x14c: {  	v5 =	vsub.f32 v5, v2;
	v6 =	vmul.f32 v6, v4  }
0x14d: {  	v7 =	vmul.f32 v7, v4  }
0x14e: {  	v5 =	vmul.f32 v5, v4;
	[tilespmem:v24+s23+$0x0] =	vst.idx.msk $0xffff, v6  }
0x14f: {  	[tilespmem:v24+s24+$0x0] =	vst.idx.msk $0xffff, v7  }
0x150: {  	[tilespmem:v24+s25+$0x0] =	vst.idx.msk $0xffff, v5  }
0x151: {  	v5 =	vld.idx.msk [tilespmem:v25+s18+$0x0], $0xffff;
	_ =	sdelay $0x7  }
0x152: {  	v6 =	vld.idx.msk [tilespmem:v5+s2+$0x0], $0xffff  }
0x153: {  	v7 =	vld.idx.msk [tilespmem:v5+s16+$0x0], $0xffff  }
0x154: {  	v5 =	vld.idx.msk [tilespmem:v5+s17+$0x0], $0xffff;
	_ =	sdelay $0x2  }
0x155: {  	v6 =	vsub.f32 v6, v1  }
0x156: {  	v7 =	vsub.f32 v7, v3  }
0x157: {  	v5 =	vsub.f32 v5, v2;
	v6 =	vmul.f32 v6, v4  }
0x158: {  	v7 =	vmul.f32 v7, v4  }
0x159: {  	v5 =	vmul.f32 v5, v4;
	[tilespmem:v25+s23+$0x0] =	vst.idx.msk $0xffff, v6  }
0x15a: {  	[tilespmem:v25+s24+$0x0] =	vst.idx.msk $0xffff, v7  }
0x15b: {  	[tilespmem:v25+s25+$0x0] =	vst.idx.msk $0xffff, v5  }
0x15c: {  	v5 =	vld.idx.msk [tilespmem:v26+s18+$0x0], $0xffff;
	_ =	sdelay $0x7  }
0x15d: {  	v6 =	vld.idx.msk [tilespmem:v5+s2+$0x0], $0xffff  }
0x15e: {  	v7 =	vld.idx.msk [tilespmem:v5+s16+$0x0], $0xffff  }
0x15f: {  	v5 =	vld.idx.msk [tilespmem:v5+s17+$0x0], $0xffff;
	_ =	sdelay $0x2  }
0x160: {  	v6 =	vsub.f32 v6, v1  }
0x161: {  	v7 =	vsub.f32 v7, v3  }
0x162: {  	v5 =	vsub.f32 v5, v2;
	v6 =	vmul.f32 v6, v4  }
0x163: {  	v7 =	vmul.f32 v7, v4  }
0x164: {  	v5 =	vmul.f32 v5, v4;
	[tilespmem:v26+s23+$0x0] =	vst.idx.msk $0xffff, v6  }
0x165: {  	[tilespmem:v26+s24+$0x0] =	vst.idx.msk $0xffff, v7  }
0x166: {  	[tilespmem:v26+s25+$0x0] =	vst.idx.msk $0xffff, v5  }
0x167: {  	v5 =	vld.idx.msk [tilespmem:v27+s18+$0x0], $0xffff;
	_ =	sdelay $0x7  }
0x168: {  	v6 =	vld.idx.msk [tilespmem:v5+s2+$0x0], $0xffff  }
0x169: {  	v7 =	vld.idx.msk [tilespmem:v5+s16+$0x0], $0xffff  }
0x16a: {  	v5 =	vld.idx.msk [tilespmem:v5+s17+$0x0], $0xffff;
	_ =	sdelay $0x2  }
0x16b: {  	v6 =	vsub.f32 v6, v1  }
0x16c: {  	v7 =	vsub.f32 v7, v3  }
0x16d: {  	v5 =	vsub.f32 v5, v2;
	v6 =	vmul.f32 v6, v4  }
0x16e: {  	v7 =	vmul.f32 v7, v4  }
0x16f: {  	v5 =	vmul.f32 v5, v4;
	[tilespmem:v27+s23+$0x0] =	vst.idx.msk $0xffff, v6  }
0x170: {  	[tilespmem:v27+s24+$0x0] =	vst.idx.msk $0xffff, v7  }
0x171: {  	[tilespmem:v27+s25+$0x0] =	vst.idx.msk $0xffff, v5  }
0x172: {  	v5 =	vld.idx.msk [tilespmem:v28+s18+$0x0], $0xffff;
	_ =	sdelay $0x7  }
0x173: {  	v6 =	vld.idx.msk [tilespmem:v5+s2+$0x0], $0xffff  }
0x174: {  	v7 =	vld.idx.msk [tilespmem:v5+s16+$0x0], $0xffff  }
0x175: {  	v5 =	vld.idx.msk [tilespmem:v5+s17+$0x0], $0xffff;
	_ =	sdelay $0x2  }
0x176: {  	v6 =	vsub.f32 v6, v1  }
0x177: {  	v7 =	vsub.f32 v7, v3  }
0x178: {  	v5 =	vsub.f32 v5, v2;
	v6 =	vmul.f32 v6, v4  }
0x179: {  	v7 =	vmul.f32 v7, v4  }
0x17a: {  	v5 =	vmul.f32 v5, v4;
	[tilespmem:v28+s23+$0x0] =	vst.idx.msk $0xffff, v6  }
0x17b: {  	[tilespmem:v28+s24+$0x0] =	vst.idx.msk $0xffff, v7  }
0x17c: {  	[tilespmem:v28+s25+$0x0] =	vst.idx.msk $0xffff, v5  }
0x17d: {  	v5 =	vld.idx.msk [tilespmem:v29+s18+$0x0], $0xffff;
	_ =	sdelay $0x7  }
0x17e: {  	v6 =	vld.idx.msk [tilespmem:v5+s2+$0x0], $0xffff  }
0x17f: {  	v7 =	vld.idx.msk [tilespmem:v5+s16+$0x0], $0xffff  }
0x180: {  	v5 =	vld.idx.msk [tilespmem:v5+s17+$0x0], $0xffff;
	_ =	sdelay $0x2  }
0x181: {  	v6 =	vsub.f32 v6, v1  }
0x182: {  	v7 =	vsub.f32 v7, v3  }
0x183: {  	v5 =	vsub.f32 v5, v2;
	v6 =	vmul.f32 v6, v4  }
0x184: {  	v7 =	vmul.f32 v7, v4  }
0x185: {  	v5 =	vmul.f32 v5, v4;
	[tilespmem:v29+s23+$0x0] =	vst.idx.msk $0xffff, v6  }
0x186: {  	[tilespmem:v29+s24+$0x0] =	vst.idx.msk $0xffff, v7  }
0x187: {  	[tilespmem:v29+s25+$0x0] =	vst.idx.msk $0xffff, v5  }
0x188: {  	v5 =	vld.idx.msk [tilespmem:v30+s18+$0x0], $0xffff;
	_ =	sdelay $0x7  }
0x189: {  	v6 =	vld.idx.msk [tilespmem:v5+s2+$0x0], $0xffff  }
0x18a: {  	v7 =	vld.idx.msk [tilespmem:v5+s16+$0x0], $0xffff  }
0x18b: {  	v5 =	vld.idx.msk [tilespmem:v5+s17+$0x0], $0xffff;
	_ =	sdelay $0x2  }
0x18c: {  	v6 =	vsub.f32 v6, v1  }
0x18d: {  	v7 =	vsub.f32 v7, v3  }
0x18e: {  	v5 =	vsub.f32 v5, v2;
	v6 =	vmul.f32 v6, v4  }
0x18f: {  	v7 =	vmul.f32 v7, v4  }
0x190: {  	v5 =	vmul.f32 v5, v4;
	[tilespmem:v30+s23+$0x0] =	vst.idx.msk $0xffff, v6  }
0x191: {  	[tilespmem:v30+s24+$0x0] =	vst.idx.msk $0xffff, v7  }
0x192: {  	[tilespmem:v30+s25+$0x0] =	vst.idx.msk $0xffff, v5  }
0x193: {  	v5 =	vld.idx.msk [tilespmem:v31+s18+$0x0], $0xffff;
	_ =	sdelay $0x7  }
0x194: {  	v6 =	vld.idx.msk [tilespmem:v5+s2+$0x0], $0xffff  }
0x195: {  	v7 =	vld.idx.msk [tilespmem:v5+s16+$0x0], $0xffff  }
0x196: {  	v5 =	vld.idx.msk [tilespmem:v5+s17+$0x0], $0xffff;
	_ =	sdelay $0x2  }
0x197: {  	v1 =	vsub.f32 v6, v1  }
0x198: {  	v3 =	vsub.f32 v7, v3  }
0x199: {  	v2 =	vsub.f32 v5, v2;
	v1 =	vmul.f32 v1, v4  }
0x19a: {  	v3 =	vmul.f32 v3, v4  }
0x19b: {  	[tilespmem:v31+s23+$0x0] =	vst.idx.msk $0xffff, v1;
	v1 =	vmul.f32 v2, v4  }
0x19c: {  	[tilespmem:v31+s24+$0x0] =	vst.idx.msk $0xffff, v3  }
0x19d: {  	[tilespmem:v31+s25+$0x0] =	vst.idx.msk $0xffff, v1  }
0x19e: {  	v2 =	vld [tilespmem:$0x6810]  }
0x19f: {  	v4 =	vld.idx.msk [tilespmem:v32+s18+$0x0], $0xffff;
	_ =	sdelay $0x4  }
0x1a0: {  	v1 =	vld [tilespmem:$0x6890];
	(erf) = vrcp.f32 v2  }
0x1a1: {  	v3 =	vld [tilespmem:$0x6910]  }
0x1a2: {  	v2 =	vld [tilespmem:$0x6990]  }
0x1a3: {  	v5 =	vld.idx.msk [tilespmem:v4+s2+$0x0], $0xffff  }
0x1a4: {  	v6 =	vld.idx.msk [tilespmem:v4+s16+$0x0], $0xffff  }
0x1a5: {  	v7 =	vld.idx.msk [tilespmem:v4+s17+$0x0], $0xffff;
	_ =	sdelay $0x2  }
0x1a6: {  	v5 =	vsub.f32 v5, v1  }
0x1a7: {  	v6 =	vsub.f32 v6, v3;
	v4 =	vpop (erf)  }
0x1a8: {  	v7 =	vsub.f32 v7, v2;
	v5 =	vmul.f32 v5, v4  }
0x1a9: {  	v6 =	vmul.f32 v6, v4  }
0x1aa: {  	[tilespmem:v32+s23+$0x0] =	vst.idx.msk $0xffff, v5;
	v5 =	vmul.f32 v7, v4  }
0x1ab: {  	[tilespmem:v32+s24+$0x0] =	vst.idx.msk $0xffff, v6  }
0x1ac: {  	[tilespmem:v32+s25+$0x0] =	vst.idx.msk $0xffff, v5  }
0x1ad: {  	v5 =	vld.idx.msk [tilespmem:v33+s18+$0x0], $0xffff;
	_ =	sdelay $0x7  }
0x1ae: {  	v6 =	vld.idx.msk [tilespmem:v5+s2+$0x0], $0xffff  }
0x1af: {  	v7 =	vld.idx.msk [tilespmem:v5+s16+$0x0], $0xffff  }
0x1b0: {  	v5 =	vld.idx.msk [tilespmem:v5+s17+$0x0], $0xffff;
	_ =	sdelay $0x2  }
0x1b1: {  	v6 =	vsub.f32 v6, v1  }
0x1b2: {  	v7 =	vsub.f32 v7, v3  }
0x1b3: {  	v5 =	vsub.f32 v5, v2;
	v6 =	vmul.f32 v6, v4  }
0x1b4: {  	v7 =	vmul.f32 v7, v4  }
0x1b5: {  	v5 =	vmul.f32 v5, v4;
	[tilespmem:v33+s23+$0x0] =	vst.idx.msk $0xffff, v6  }
0x1b6: {  	[tilespmem:v33+s24+$0x0] =	vst.idx.msk $0xffff, v7  }
0x1b7: {  	[tilespmem:v33+s25+$0x0] =	vst.idx.msk $0xffff, v5  }
0x1b8: {  	v5 =	vld.idx.msk [tilespmem:v34+s18+$0x0], $0xffff;
	_ =	sdelay $0x7  }
0x1b9: {  	v6 =	vld.idx.msk [tilespmem:v5+s2+$0x0], $0xffff  }
0x1ba: {  	v7 =	vld.idx.msk [tilespmem:v5+s16+$0x0], $0xffff  }
0x1bb: {  	v5 =	vld.idx.msk [tilespmem:v5+s17+$0x0], $0xffff;
	_ =	sdelay $0x2  }
0x1bc: {  	v6 =	vsub.f32 v6, v1  }
0x1bd: {  	v7 =	vsub.f32 v7, v3  }
0x1be: {  	v5 =	vsub.f32 v5, v2;
	v6 =	vmul.f32 v6, v4  }
0x1bf: {  	v7 =	vmul.f32 v7, v4  }
0x1c0: {  	v5 =	vmul.f32 v5, v4;
	[tilespmem:v34+s23+$0x0] =	vst.idx.msk $0xffff, v6  }
0x1c1: {  	[tilespmem:v34+s24+$0x0] =	vst.idx.msk $0xffff, v7  }
0x1c2: {  	[tilespmem:v34+s25+$0x0] =	vst.idx.msk $0xffff, v5  }
0x1c3: {  	v5 =	vld.idx.msk [tilespmem:v35+s18+$0x0], $0xffff;
	_ =	sdelay $0x7  }
0x1c4: {  	v6 =	vld.idx.msk [tilespmem:v5+s2+$0x0], $0xffff  }
0x1c5: {  	v7 =	vld.idx.msk [tilespmem:v5+s16+$0x0], $0xffff  }
0x1c6: {  	v5 =	vld.idx.msk [tilespmem:v5+s17+$0x0], $0xffff;
	_ =	sdelay $0x2  }
0x1c7: {  	v6 =	vsub.f32 v6, v1  }
0x1c8: {  	v7 =	vsub.f32 v7, v3  }
0x1c9: {  	v5 =	vsub.f32 v5, v2;
	v6 =	vmul.f32 v6, v4  }
0x1ca: {  	v7 =	vmul.f32 v7, v4  }
0x1cb: {  	v5 =	vmul.f32 v5, v4;
	[tilespmem:v35+s23+$0x0] =	vst.idx.msk $0xffff, v6  }
0x1cc: {  	[tilespmem:v35+s24+$0x0] =	vst.idx.msk $0xffff, v7  }
0x1cd: {  	[tilespmem:v35+s25+$0x0] =	vst.idx.msk $0xffff, v5  }
0x1ce: {  	v5 =	vld.idx.msk [tilespmem:v36+s18+$0x0], $0xffff;
	_ =	sdelay $0x7  }
0x1cf: {  	v6 =	vld.idx.msk [tilespmem:v5+s2+$0x0], $0xffff  }
0x1d0: {  	v7 =	vld.idx.msk [tilespmem:v5+s16+$0x0], $0xffff  }
0x1d1: {  	v5 =	vld.idx.msk [tilespmem:v5+s17+$0x0], $0xffff;
	_ =	sdelay $0x2  }
0x1d2: {  	v6 =	vsub.f32 v6, v1  }
0x1d3: {  	v7 =	vsub.f32 v7, v3  }
0x1d4: {  	v5 =	vsub.f32 v5, v2;
	v6 =	vmul.f32 v6, v4  }
0x1d5: {  	v7 =	vmul.f32 v7, v4  }
0x1d6: {  	v5 =	vmul.f32 v5, v4;
	[tilespmem:v36+s23+$0x0] =	vst.idx.msk $0xffff, v6  }
0x1d7: {  	[tilespmem:v36+s24+$0x0] =	vst.idx.msk $0xffff, v7  }
0x1d8: {  	[tilespmem:v36+s25+$0x0] =	vst.idx.msk $0xffff, v5  }
0x1d9: {  	v5 =	vld.idx.msk [tilespmem:v37+s18+$0x0], $0xffff;
	_ =	sdelay $0x7  }
0x1da: {  	v6 =	vld.idx.msk [tilespmem:v5+s2+$0x0], $0xffff  }
0x1db: {  	v7 =	vld.idx.msk [tilespmem:v5+s16+$0x0], $0xffff  }
0x1dc: {  	v5 =	vld.idx.msk [tilespmem:v5+s17+$0x0], $0xffff;
	_ =	sdelay $0x2  }
0x1dd: {  	v6 =	vsub.f32 v6, v1  }
0x1de: {  	v7 =	vsub.f32 v7, v3  }
0x1df: {  	v5 =	vsub.f32 v5, v2;
	v6 =	vmul.f32 v6, v4  }
0x1e0: {  	v7 =	vmul.f32 v7, v4  }
0x1e1: {  	v5 =	vmul.f32 v5, v4;
	[tilespmem:v37+s23+$0x0] =	vst.idx.msk $0xffff, v6  }
0x1e2: {  	[tilespmem:v37+s24+$0x0] =	vst.idx.msk $0xffff, v7  }
0x1e3: {  	[tilespmem:v37+s25+$0x0] =	vst.idx.msk $0xffff, v5  }
0x1e4: {  	v5 =	vld.idx.msk [tilespmem:v38+s18+$0x0], $0xffff;
	_ =	sdelay $0x7  }
0x1e5: {  	v6 =	vld.idx.msk [tilespmem:v5+s2+$0x0], $0xffff  }
0x1e6: {  	v7 =	vld.idx.msk [tilespmem:v5+s16+$0x0], $0xffff  }
0x1e7: {  	v5 =	vld.idx.msk [tilespmem:v5+s17+$0x0], $0xffff;
	_ =	sdelay $0x2  }
0x1e8: {  	v6 =	vsub.f32 v6, v1  }
0x1e9: {  	v7 =	vsub.f32 v7, v3  }
0x1ea: {  	v5 =	vsub.f32 v5, v2;
	v6 =	vmul.f32 v6, v4  }
0x1eb: {  	v7 =	vmul.f32 v7, v4  }
0x1ec: {  	v5 =	vmul.f32 v5, v4;
	[tilespmem:v38+s23+$0x0] =	vst.idx.msk $0xffff, v6  }
0x1ed: {  	[tilespmem:v38+s24+$0x0] =	vst.idx.msk $0xffff, v7  }
0x1ee: {  	[tilespmem:v38+s25+$0x0] =	vst.idx.msk $0xffff, v5  }
0x1ef: {  	v5 =	vld.idx.msk [tilespmem:v39+s18+$0x0], $0xffff;
	_ =	sdelay $0x7  }
0x1f0: {  	v6 =	vld.idx.msk [tilespmem:v5+s2+$0x0], $0xffff  }
0x1f1: {  	v7 =	vld.idx.msk [tilespmem:v5+s16+$0x0], $0xffff  }
0x1f2: {  	v5 =	vld.idx.msk [tilespmem:v5+s17+$0x0], $0xffff;
	_ =	sdelay $0x2  }
0x1f3: {  	v6 =	vsub.f32 v6, v1  }
0x1f4: {  	v7 =	vsub.f32 v7, v3  }
0x1f5: {  	v5 =	vsub.f32 v5, v2;
	v6 =	vmul.f32 v6, v4  }
0x1f6: {  	v7 =	vmul.f32 v7, v4  }
0x1f7: {  	v5 =	vmul.f32 v5, v4;
	[tilespmem:v39+s23+$0x0] =	vst.idx.msk $0xffff, v6  }
0x1f8: {  	[tilespmem:v39+s24+$0x0] =	vst.idx.msk $0xffff, v7  }
0x1f9: {  	[tilespmem:v39+s25+$0x0] =	vst.idx.msk $0xffff, v5  }
0x1fa: {  	v5 =	vld.idx.msk [tilespmem:v40+s18+$0x0], $0xffff;
	_ =	sdelay $0x7  }
0x1fb: {  	v6 =	vld.idx.msk [tilespmem:v5+s2+$0x0], $0xffff  }
0x1fc: {  	v7 =	vld.idx.msk [tilespmem:v5+s16+$0x0], $0xffff  }
0x1fd: {  	v5 =	vld.idx.msk [tilespmem:v5+s17+$0x0], $0xffff;
	_ =	sdelay $0x2  }
0x1fe: {  	v6 =	vsub.f32 v6, v1  }
0x1ff: {  	v7 =	vsub.f32 v7, v3  }
0x200: {  	v5 =	vsub.f32 v5, v2;
	v6 =	vmul.f32 v6, v4  }
0x201: {  	v7 =	vmul.f32 v7, v4  }
0x202: {  	v5 =	vmul.f32 v5, v4;
	[tilespmem:v40+s23+$0x0] =	vst.idx.msk $0xffff, v6  }
0x203: {  	[tilespmem:v40+s24+$0x0] =	vst.idx.msk $0xffff, v7  }
0x204: {  	[tilespmem:v40+s25+$0x0] =	vst.idx.msk $0xffff, v5  }
0x205: {  	v5 =	vld.idx.msk [tilespmem:v41+s18+$0x0], $0xffff;
	_ =	sdelay $0x7  }
0x206: {  	v6 =	vld.idx.msk [tilespmem:v5+s2+$0x0], $0xffff  }
0x207: {  	v7 =	vld.idx.msk [tilespmem:v5+s16+$0x0], $0xffff  }
0x208: {  	v5 =	vld.idx.msk [tilespmem:v5+s17+$0x0], $0xffff;
	_ =	sdelay $0x2  }
0x209: {  	v6 =	vsub.f32 v6, v1  }
0x20a: {  	v7 =	vsub.f32 v7, v3  }
0x20b: {  	v5 =	vsub.f32 v5, v2;
	v6 =	vmul.f32 v6, v4  }
0x20c: {  	v7 =	vmul.f32 v7, v4  }
0x20d: {  	v5 =	vmul.f32 v5, v4;
	[tilespmem:v41+s23+$0x0] =	vst.idx.msk $0xffff, v6  }
0x20e: {  	[tilespmem:v41+s24+$0x0] =	vst.idx.msk $0xffff, v7  }
0x20f: {  	[tilespmem:v41+s25+$0x0] =	vst.idx.msk $0xffff, v5  }
0x210: {  	v5 =	vld.idx.msk [tilespmem:v42+s18+$0x0], $0xffff;
	_ =	sdelay $0x7  }
0x211: {  	v6 =	vld.idx.msk [tilespmem:v5+s2+$0x0], $0xffff  }
0x212: {  	v7 =	vld.idx.msk [tilespmem:v5+s16+$0x0], $0xffff  }
0x213: {  	v5 =	vld.idx.msk [tilespmem:v5+s17+$0x0], $0xffff;
	_ =	sdelay $0x2  }
0x214: {  	v6 =	vsub.f32 v6, v1  }
0x215: {  	v7 =	vsub.f32 v7, v3  }
0x216: {  	v5 =	vsub.f32 v5, v2;
	v6 =	vmul.f32 v6, v4  }
0x217: {  	v7 =	vmul.f32 v7, v4  }
0x218: {  	v5 =	vmul.f32 v5, v4;
	[tilespmem:v42+s23+$0x0] =	vst.idx.msk $0xffff, v6  }
0x219: {  	[tilespmem:v42+s24+$0x0] =	vst.idx.msk $0xffff, v7  }
0x21a: {  	[tilespmem:v42+s25+$0x0] =	vst.idx.msk $0xffff, v5  }
0x21b: {  	v5 =	vld.idx.msk [tilespmem:v43+s18+$0x0], $0xffff;
	_ =	sdelay $0x7  }
0x21c: {  	v6 =	vld.idx.msk [tilespmem:v5+s2+$0x0], $0xffff  }
0x21d: {  	v7 =	vld.idx.msk [tilespmem:v5+s16+$0x0], $0xffff  }
0x21e: {  	v5 =	vld.idx.msk [tilespmem:v5+s17+$0x0], $0xffff;
	_ =	sdelay $0x2  }
0x21f: {  	v6 =	vsub.f32 v6, v1  }
0x220: {  	v7 =	vsub.f32 v7, v3  }
0x221: {  	v5 =	vsub.f32 v5, v2;
	v6 =	vmul.f32 v6, v4  }
0x222: {  	v7 =	vmul.f32 v7, v4  }
0x223: {  	v5 =	vmul.f32 v5, v4;
	[tilespmem:v43+s23+$0x0] =	vst.idx.msk $0xffff, v6  }
0x224: {  	[tilespmem:v43+s24+$0x0] =	vst.idx.msk $0xffff, v7  }
0x225: {  	[tilespmem:v43+s25+$0x0] =	vst.idx.msk $0xffff, v5  }
0x226: {  	v5 =	vld.idx.msk [tilespmem:v44+s18+$0x0], $0xffff;
	_ =	sdelay $0x7  }
0x227: {  	v6 =	vld.idx.msk [tilespmem:v5+s2+$0x0], $0xffff  }
0x228: {  	v7 =	vld.idx.msk [tilespmem:v5+s16+$0x0], $0xffff  }
0x229: {  	v5 =	vld.idx.msk [tilespmem:v5+s17+$0x0], $0xffff;
	_ =	sdelay $0x2  }
0x22a: {  	v6 =	vsub.f32 v6, v1  }
0x22b: {  	v7 =	vsub.f32 v7, v3  }
0x22c: {  	v5 =	vsub.f32 v5, v2;
	v6 =	vmul.f32 v6, v4  }
0x22d: {  	v7 =	vmul.f32 v7, v4  }
0x22e: {  	v5 =	vmul.f32 v5, v4;
	[tilespmem:v44+s23+$0x0] =	vst.idx.msk $0xffff, v6  }
0x22f: {  	[tilespmem:v44+s24+$0x0] =	vst.idx.msk $0xffff, v7  }
0x230: {  	[tilespmem:v44+s25+$0x0] =	vst.idx.msk $0xffff, v5  }
0x231: {  	v5 =	vld.idx.msk [tilespmem:v45+s18+$0x0], $0xffff;
	_ =	sdelay $0x7  }
0x232: {  	v6 =	vld.idx.msk [tilespmem:v5+s2+$0x0], $0xffff  }
0x233: {  	v7 =	vld.idx.msk [tilespmem:v5+s16+$0x0], $0xffff  }
0x234: {  	v5 =	vld.idx.msk [tilespmem:v5+s17+$0x0], $0xffff;
	_ =	sdelay $0x2  }
0x235: {  	v6 =	vsub.f32 v6, v1  }
0x236: {  	v7 =	vsub.f32 v7, v3  }
0x237: {  	v5 =	vsub.f32 v5, v2;
	v6 =	vmul.f32 v6, v4  }
0x238: {  	v7 =	vmul.f32 v7, v4  }
0x239: {  	v5 =	vmul.f32 v5, v4;
	[tilespmem:v45+s23+$0x0] =	vst.idx.msk $0xffff, v6  }
0x23a: {  	[tilespmem:v45+s24+$0x0] =	vst.idx.msk $0xffff, v7  }
0x23b: {  	[tilespmem:v45+s25+$0x0] =	vst.idx.msk $0xffff, v5  }
0x23c: {  	v5 =	vld.idx.msk [tilespmem:v46+s18+$0x0], $0xffff;
	_ =	sdelay $0x7  }
0x23d: {  	v6 =	vld.idx.msk [tilespmem:v5+s2+$0x0], $0xffff  }
0x23e: {  	v7 =	vld.idx.msk [tilespmem:v5+s16+$0x0], $0xffff  }
0x23f: {  	v5 =	vld.idx.msk [tilespmem:v5+s17+$0x0], $0xffff;
	_ =	sdelay $0x2  }
0x240: {  	v6 =	vsub.f32 v6, v1  }
0x241: {  	v7 =	vsub.f32 v7, v3  }
0x242: {  	v5 =	vsub.f32 v5, v2;
	v6 =	vmul.f32 v6, v4  }
0x243: {  	v7 =	vmul.f32 v7, v4  }
0x244: {  	v5 =	vmul.f32 v5, v4;
	[tilespmem:v46+s23+$0x0] =	vst.idx.msk $0xffff, v6  }
0x245: {  	[tilespmem:v46+s24+$0x0] =	vst.idx.msk $0xffff, v7  }
0x246: {  	[tilespmem:v46+s25+$0x0] =	vst.idx.msk $0xffff, v5  }
0x247: {  	v5 =	vld.idx.msk [tilespmem:v47+s18+$0x0], $0xffff;
	_ =	sdelay $0x7  }
0x248: {  	v6 =	vld.idx.msk [tilespmem:v5+s2+$0x0], $0xffff  }
0x249: {  	v7 =	vld.idx.msk [tilespmem:v5+s16+$0x0], $0xffff  }
0x24a: {  	v5 =	vld.idx.msk [tilespmem:v5+s17+$0x0], $0xffff;
	_ =	sdelay $0x2  }
0x24b: {  	v6 =	vsub.f32 v6, v1  }
0x24c: {  	v7 =	vsub.f32 v7, v3  }
0x24d: {  	v5 =	vsub.f32 v5, v2;
	v6 =	vmul.f32 v6, v4  }
0x24e: {  	v7 =	vmul.f32 v7, v4  }
0x24f: {  	v5 =	vmul.f32 v5, v4;
	[tilespmem:v47+s23+$0x0] =	vst.idx.msk $0xffff, v6  }
0x250: {  	[tilespmem:v47+s24+$0x0] =	vst.idx.msk $0xffff, v7  }
0x251: {  	[tilespmem:v47+s25+$0x0] =	vst.idx.msk $0xffff, v5  }
0x252: {  	v5 =	vld.idx.msk [tilespmem:v48+s18+$0x0], $0xffff;
	_ =	sdelay $0x7  }
0x253: {  	v6 =	vld.idx.msk [tilespmem:v5+s2+$0x0], $0xffff  }
0x254: {  	v7 =	vld.idx.msk [tilespmem:v5+s16+$0x0], $0xffff  }
0x255: {  	v5 =	vld.idx.msk [tilespmem:v5+s17+$0x0], $0xffff;
	_ =	sdelay $0x2  }
0x256: {  	v6 =	vsub.f32 v6, v1  }
0x257: {  	v7 =	vsub.f32 v7, v3  }
0x258: {  	v5 =	vsub.f32 v5, v2;
	v6 =	vmul.f32 v6, v4  }
0x259: {  	v7 =	vmul.f32 v7, v4  }
0x25a: {  	v5 =	vmul.f32 v5, v4;
	[tilespmem:v48+s23+$0x0] =	vst.idx.msk $0xffff, v6  }
0x25b: {  	[tilespmem:v48+s24+$0x0] =	vst.idx.msk $0xffff, v7  }
0x25c: {  	[tilespmem:v48+s25+$0x0] =	vst.idx.msk $0xffff, v5  }
0x25d: {  	v5 =	vld.idx.msk [tilespmem:v49+s18+$0x0], $0xffff;
	_ =	sdelay $0x7  }
0x25e: {  	v6 =	vld.idx.msk [tilespmem:v5+s2+$0x0], $0xffff  }
0x25f: {  	v7 =	vld.idx.msk [tilespmem:v5+s16+$0x0], $0xffff  }
0x260: {  	v5 =	vld.idx.msk [tilespmem:v5+s17+$0x0], $0xffff;
	_ =	sdelay $0x2  }
0x261: {  	v6 =	vsub.f32 v6, v1  }
0x262: {  	v7 =	vsub.f32 v7, v3  }
0x263: {  	v5 =	vsub.f32 v5, v2;
	v6 =	vmul.f32 v6, v4  }
0x264: {  	v7 =	vmul.f32 v7, v4  }
0x265: {  	v5 =	vmul.f32 v5, v4;
	[tilespmem:v49+s23+$0x0] =	vst.idx.msk $0xffff, v6  }
0x266: {  	[tilespmem:v49+s24+$0x0] =	vst.idx.msk $0xffff, v7  }
0x267: {  	[tilespmem:v49+s25+$0x0] =	vst.idx.msk $0xffff, v5  }
0x268: {  	v5 =	vld.idx.msk [tilespmem:v50+s18+$0x0], $0xffff;
	_ =	sdelay $0x7  }
0x269: {  	v6 =	vld.idx.msk [tilespmem:v5+s2+$0x0], $0xffff  }
0x26a: {  	v7 =	vld.idx.msk [tilespmem:v5+s16+$0x0], $0xffff  }
0x26b: {  	v5 =	vld.idx.msk [tilespmem:v5+s17+$0x0], $0xffff;
	_ =	sdelay $0x2  }
0x26c: {  	v6 =	vsub.f32 v6, v1  }
0x26d: {  	v7 =	vsub.f32 v7, v3  }
0x26e: {  	v5 =	vsub.f32 v5, v2;
	v6 =	vmul.f32 v6, v4  }
0x26f: {  	v7 =	vmul.f32 v7, v4  }
0x270: {  	v5 =	vmul.f32 v5, v4;
	[tilespmem:v50+s23+$0x0] =	vst.idx.msk $0xffff, v6  }
0x271: {  	[tilespmem:v50+s24+$0x0] =	vst.idx.msk $0xffff, v7  }
0x272: {  	[tilespmem:v50+s25+$0x0] =	vst.idx.msk $0xffff, v5  }
0x273: {  	v5 =	vld.idx.msk [tilespmem:v51+s18+$0x0], $0xffff;
	_ =	sdelay $0x7  }
0x274: {  	v6 =	vld.idx.msk [tilespmem:v5+s2+$0x0], $0xffff  }
0x275: {  	v7 =	vld.idx.msk [tilespmem:v5+s16+$0x0], $0xffff  }
0x276: {  	v5 =	vld.idx.msk [tilespmem:v5+s17+$0x0], $0xffff;
	_ =	sdelay $0x2  }
0x277: {  	v6 =	vsub.f32 v6, v1  }
0x278: {  	v7 =	vsub.f32 v7, v3  }
0x279: {  	v5 =	vsub.f32 v5, v2;
	v6 =	vmul.f32 v6, v4  }
0x27a: {  	v7 =	vmul.f32 v7, v4  }
0x27b: {  	v5 =	vmul.f32 v5, v4;
	[tilespmem:v51+s23+$0x0] =	vst.idx.msk $0xffff, v6  }
0x27c: {  	[tilespmem:v51+s24+$0x0] =	vst.idx.msk $0xffff, v7  }
0x27d: {  	[tilespmem:v51+s25+$0x0] =	vst.idx.msk $0xffff, v5  }
0x27e: {  	v5 =	vld.idx.msk [tilespmem:v52+s18+$0x0], $0xffff;
	_ =	sdelay $0x7  }
0x27f: {  	v6 =	vld.idx.msk [tilespmem:v5+s2+$0x0], $0xffff  }
0x280: {  	v7 =	vld.idx.msk [tilespmem:v5+s16+$0x0], $0xffff  }
0x281: {  	v5 =	vld.idx.msk [tilespmem:v5+s17+$0x0], $0xffff;
	_ =	sdelay $0x2  }
0x282: {  	v6 =	vsub.f32 v6, v1  }
0x283: {  	v7 =	vsub.f32 v7, v3  }
0x284: {  	v5 =	vsub.f32 v5, v2;
	v6 =	vmul.f32 v6, v4  }
0x285: {  	v7 =	vmul.f32 v7, v4  }
0x286: {  	v5 =	vmul.f32 v5, v4;
	[tilespmem:v52+s23+$0x0] =	vst.idx.msk $0xffff, v6  }
0x287: {  	[tilespmem:v52+s24+$0x0] =	vst.idx.msk $0xffff, v7  }
0x288: {  	[tilespmem:v52+s25+$0x0] =	vst.idx.msk $0xffff, v5  }
0x289: {  	v5 =	vld.idx.msk [tilespmem:v53+s18+$0x0], $0xffff;
	_ =	sdelay $0x7  }
0x28a: {  	v6 =	vld.idx.msk [tilespmem:v5+s2+$0x0], $0xffff  }
0x28b: {  	v7 =	vld.idx.msk [tilespmem:v5+s16+$0x0], $0xffff  }
0x28c: {  	v5 =	vld.idx.msk [tilespmem:v5+s17+$0x0], $0xffff;
	_ =	sdelay $0x2  }
0x28d: {  	v6 =	vsub.f32 v6, v1  }
0x28e: {  	v7 =	vsub.f32 v7, v3  }
0x28f: {  	v5 =	vsub.f32 v5, v2;
	v6 =	vmul.f32 v6, v4  }
0x290: {  	v7 =	vmul.f32 v7, v4  }
0x291: {  	v5 =	vmul.f32 v5, v4;
	[tilespmem:v53+s23+$0x0] =	vst.idx.msk $0xffff, v6  }
0x292: {  	[tilespmem:v53+s24+$0x0] =	vst.idx.msk $0xffff, v7  }
0x293: {  	[tilespmem:v53+s25+$0x0] =	vst.idx.msk $0xffff, v5  }
0x294: {  	v5 =	vld.idx.msk [tilespmem:v54+s18+$0x0], $0xffff;
	_ =	sdelay $0x7  }
0x295: {  	v6 =	vld.idx.msk [tilespmem:v5+s2+$0x0], $0xffff  }
0x296: {  	v7 =	vld.idx.msk [tilespmem:v5+s16+$0x0], $0xffff  }
0x297: {  	v5 =	vld.idx.msk [tilespmem:v5+s17+$0x0], $0xffff;
	_ =	sdelay $0x2  }
0x298: {  	v6 =	vsub.f32 v6, v1  }
0x299: {  	v7 =	vsub.f32 v7, v3  }
0x29a: {  	v5 =	vsub.f32 v5, v2;
	v6 =	vmul.f32 v6, v4  }
0x29b: {  	v7 =	vmul.f32 v7, v4  }
0x29c: {  	v5 =	vmul.f32 v5, v4;
	[tilespmem:v54+s23+$0x0] =	vst.idx.msk $0xffff, v6  }
0x29d: {  	[tilespmem:v54+s24+$0x0] =	vst.idx.msk $0xffff, v7  }
0x29e: {  	[tilespmem:v54+s25+$0x0] =	vst.idx.msk $0xffff, v5  }
0x29f: {  	v5 =	vld.idx.msk [tilespmem:v55+s18+$0x0], $0xffff;
	_ =	sdelay $0x7  }
0x2a0: {  	v6 =	vld.idx.msk [tilespmem:v5+s2+$0x0], $0xffff  }
0x2a1: {  	v7 =	vld.idx.msk [tilespmem:v5+s16+$0x0], $0xffff  }
0x2a2: {  	v5 =	vld.idx.msk [tilespmem:v5+s17+$0x0], $0xffff;
	_ =	sdelay $0x2  }
0x2a3: {  	v6 =	vsub.f32 v6, v1  }
0x2a4: {  	v7 =	vsub.f32 v7, v3  }
0x2a5: {  	v5 =	vsub.f32 v5, v2;
	v6 =	vmul.f32 v6, v4  }
0x2a6: {  	v7 =	vmul.f32 v7, v4  }
0x2a7: {  	v5 =	vmul.f32 v5, v4;
	[tilespmem:v55+s23+$0x0] =	vst.idx.msk $0xffff, v6  }
0x2a8: {  	[tilespmem:v55+s24+$0x0] =	vst.idx.msk $0xffff, v7  }
0x2a9: {  	[tilespmem:v55+s25+$0x0] =	vst.idx.msk $0xffff, v5  }
0x2aa: {  	v5 =	vld.idx.msk [tilespmem:v56+s18+$0x0], $0xffff;
	_ =	sdelay $0x7  }
0x2ab: {  	v6 =	vld.idx.msk [tilespmem:v5+s2+$0x0], $0xffff  }
0x2ac: {  	v7 =	vld.idx.msk [tilespmem:v5+s16+$0x0], $0xffff  }
0x2ad: {  	v5 =	vld.idx.msk [tilespmem:v5+s17+$0x0], $0xffff;
	_ =	sdelay $0x2  }
0x2ae: {  	v6 =	vsub.f32 v6, v1  }
0x2af: {  	v7 =	vsub.f32 v7, v3  }
0x2b0: {  	v5 =	vsub.f32 v5, v2;
	v6 =	vmul.f32 v6, v4  }
0x2b1: {  	v7 =	vmul.f32 v7, v4  }
0x2b2: {  	v5 =	vmul.f32 v5, v4;
	[tilespmem:v56+s23+$0x0] =	vst.idx.msk $0xffff, v6  }
0x2b3: {  	[tilespmem:v56+s24+$0x0] =	vst.idx.msk $0xffff, v7  }
0x2b4: {  	[tilespmem:v56+s25+$0x0] =	vst.idx.msk $0xffff, v5  }
0x2b5: {  	v5 =	vld.idx.msk [tilespmem:v57+s18+$0x0], $0xffff;
	_ =	sdelay $0x7  }
0x2b6: {  	v6 =	vld.idx.msk [tilespmem:v5+s2+$0x0], $0xffff  }
0x2b7: {  	v7 =	vld.idx.msk [tilespmem:v5+s16+$0x0], $0xffff  }
0x2b8: {  	v5 =	vld.idx.msk [tilespmem:v5+s17+$0x0], $0xffff;
	_ =	sdelay $0x2  }
0x2b9: {  	v6 =	vsub.f32 v6, v1  }
0x2ba: {  	v7 =	vsub.f32 v7, v3  }
0x2bb: {  	v5 =	vsub.f32 v5, v2;
	v6 =	vmul.f32 v6, v4  }
0x2bc: {  	v7 =	vmul.f32 v7, v4  }
0x2bd: {  	v5 =	vmul.f32 v5, v4;
	[tilespmem:v57+s23+$0x0] =	vst.idx.msk $0xffff, v6  }
0x2be: {  	[tilespmem:v57+s24+$0x0] =	vst.idx.msk $0xffff, v7  }
0x2bf: {  	[tilespmem:v57+s25+$0x0] =	vst.idx.msk $0xffff, v5  }
0x2c0: {  	v5 =	vld.idx.msk [tilespmem:v58+s18+$0x0], $0xffff;
	_ =	sdelay $0x7  }
0x2c1: {  	v6 =	vld.idx.msk [tilespmem:v5+s2+$0x0], $0xffff  }
0x2c2: {  	v7 =	vld.idx.msk [tilespmem:v5+s16+$0x0], $0xffff  }
0x2c3: {  	v5 =	vld.idx.msk [tilespmem:v5+s17+$0x0], $0xffff;
	_ =	sdelay $0x2  }
0x2c4: {  	v6 =	vsub.f32 v6, v1  }
0x2c5: {  	v7 =	vsub.f32 v7, v3  }
0x2c6: {  	v5 =	vsub.f32 v5, v2;
	v6 =	vmul.f32 v6, v4  }
0x2c7: {  	v7 =	vmul.f32 v7, v4  }
0x2c8: {  	v5 =	vmul.f32 v5, v4;
	[tilespmem:v58+s23+$0x0] =	vst.idx.msk $0xffff, v6  }
0x2c9: {  	[tilespmem:v58+s24+$0x0] =	vst.idx.msk $0xffff, v7  }
0x2ca: {  	[tilespmem:v58+s25+$0x0] =	vst.idx.msk $0xffff, v5  }
0x2cb: {  	v5 =	vld.idx.msk [tilespmem:v59+s18+$0x0], $0xffff;
	_ =	sdelay $0x7  }
0x2cc: {  	v6 =	vld.idx.msk [tilespmem:v5+s2+$0x0], $0xffff  }
0x2cd: {  	v7 =	vld.idx.msk [tilespmem:v5+s16+$0x0], $0xffff  }
0x2ce: {  	v5 =	vld.idx.msk [tilespmem:v5+s17+$0x0], $0xffff;
	_ =	sdelay $0x2  }
0x2cf: {  	v6 =	vsub.f32 v6, v1  }
0x2d0: {  	v7 =	vsub.f32 v7, v3  }
0x2d1: {  	v5 =	vsub.f32 v5, v2;
	v6 =	vmul.f32 v6, v4  }
0x2d2: {  	v7 =	vmul.f32 v7, v4  }
0x2d3: {  	v5 =	vmul.f32 v5, v4;
	[tilespmem:v59+s23+$0x0] =	vst.idx.msk $0xffff, v6  }
0x2d4: {  	[tilespmem:v59+s24+$0x0] =	vst.idx.msk $0xffff, v7  }
0x2d5: {  	[tilespmem:v59+s25+$0x0] =	vst.idx.msk $0xffff, v5  }
0x2d6: {  	v5 =	vld.idx.msk [tilespmem:v60+s18+$0x0], $0xffff;
	_ =	sdelay $0x7  }
0x2d7: {  	v6 =	vld.idx.msk [tilespmem:v5+s2+$0x0], $0xffff  }
0x2d8: {  	v7 =	vld.idx.msk [tilespmem:v5+s16+$0x0], $0xffff  }
0x2d9: {  	v5 =	vld.idx.msk [tilespmem:v5+s17+$0x0], $0xffff;
	_ =	sdelay $0x2  }
0x2da: {  	v6 =	vsub.f32 v6, v1  }
0x2db: {  	v7 =	vsub.f32 v7, v3  }
0x2dc: {  	v5 =	vsub.f32 v5, v2;
	v6 =	vmul.f32 v6, v4  }
0x2dd: {  	v7 =	vmul.f32 v7, v4  }
0x2de: {  	v5 =	vmul.f32 v5, v4;
	[tilespmem:v60+s23+$0x0] =	vst.idx.msk $0xffff, v6  }
0x2df: {  	[tilespmem:v60+s24+$0x0] =	vst.idx.msk $0xffff, v7  }
0x2e0: {  	[tilespmem:v60+s25+$0x0] =	vst.idx.msk $0xffff, v5  }
0x2e1: {  	v5 =	vld.idx.msk [tilespmem:v61+s18+$0x0], $0xffff;
	_ =	sdelay $0x7  }
0x2e2: {  	v6 =	vld.idx.msk [tilespmem:v5+s2+$0x0], $0xffff  }
0x2e3: {  	v7 =	vld.idx.msk [tilespmem:v5+s16+$0x0], $0xffff  }
0x2e4: {  	v5 =	vld.idx.msk [tilespmem:v5+s17+$0x0], $0xffff;
	_ =	sdelay $0x2  }
0x2e5: {  	v6 =	vsub.f32 v6, v1  }
0x2e6: {  	v7 =	vsub.f32 v7, v3  }
0x2e7: {  	v5 =	vsub.f32 v5, v2;
	v6 =	vmul.f32 v6, v4  }
0x2e8: {  	v7 =	vmul.f32 v7, v4  }
0x2e9: {  	v5 =	vmul.f32 v5, v4;
	[tilespmem:v61+s23+$0x0] =	vst.idx.msk $0xffff, v6  }
0x2ea: {  	[tilespmem:v61+s24+$0x0] =	vst.idx.msk $0xffff, v7  }
0x2eb: {  	[tilespmem:v61+s25+$0x0] =	vst.idx.msk $0xffff, v5  }
0x2ec: {  	v5 =	vld.idx.msk [tilespmem:v62+s18+$0x0], $0xffff;
	_ =	sdelay $0x7  }
0x2ed: {  	v6 =	vld.idx.msk [tilespmem:v5+s2+$0x0], $0xffff  }
0x2ee: {  	v7 =	vld.idx.msk [tilespmem:v5+s16+$0x0], $0xffff  }
0x2ef: {  	v5 =	vld.idx.msk [tilespmem:v5+s17+$0x0], $0xffff;
	_ =	sdelay $0x2  }
0x2f0: {  	v6 =	vsub.f32 v6, v1  }
0x2f1: {  	v7 =	vsub.f32 v7, v3  }
0x2f2: {  	v5 =	vsub.f32 v5, v2;
	v6 =	vmul.f32 v6, v4  }
0x2f3: {  	v7 =	vmul.f32 v7, v4  }
0x2f4: {  	v5 =	vmul.f32 v5, v4;
	[tilespmem:v62+s23+$0x0] =	vst.idx.msk $0xffff, v6  }
0x2f5: {  	[tilespmem:v62+s24+$0x0] =	vst.idx.msk $0xffff, v7  }
0x2f6: {  	[tilespmem:v62+s25+$0x0] =	vst.idx.msk $0xffff, v5  }
0x2f7: {  	v5 =	vld.idx.msk [tilespmem:v63+s18+$0x0], $0xffff;
	_ =	sdelay $0x7  }
0x2f8: {  	v6 =	vld.idx.msk [tilespmem:v5+s2+$0x0], $0xffff  }
0x2f9: {  	v7 =	vld.idx.msk [tilespmem:v5+s16+$0x0], $0xffff  }
0x2fa: {  	v5 =	vld.idx.msk [tilespmem:v5+s17+$0x0], $0xffff;
	_ =	sdelay $0x2  }
0x2fb: {  	v1 =	vsub.f32 v6, v1  }
0x2fc: {  	v3 =	vsub.f32 v7, v3  }
0x2fd: {  	v2 =	vsub.f32 v5, v2;
	v1 =	vmul.f32 v1, v4  }
0x2fe: {  	v5 =	vor.u32 $0x400, v0;
	v3 =	vmul.f32 v3, v4  }
0x2ff: {  	[tilespmem:v63+s23+$0x0] =	vst.idx.msk $0xffff, v1;
	v1 =	vmul.f32 v2, v4  }
0x300: {  	[tilespmem:v63+s24+$0x0] =	vst.idx.msk $0xffff, v3  }
0x301: {  	[tilespmem:v63+s25+$0x0] =	vst.idx.msk $0xffff, v1  }
0x302: {  	v2 =	vld [tilespmem:$0x6820]  }
0x303: {  	v4 =	vld.idx.msk [tilespmem:v5+s18+$0x0], $0xffff;
	_ =	sdelay $0x4  }
0x304: {  	v1 =	vld [tilespmem:$0x68A0];
	(erf) = vrcp.f32 v2  }
0x305: {  	v3 =	vld [tilespmem:$0x6920]  }
0x306: {  	v2 =	vld [tilespmem:$0x69A0]  }
0x307: {  	v6 =	vld.idx.msk [tilespmem:v4+s2+$0x0], $0xffff  }
0x308: {  	v7 =	vld.idx.msk [tilespmem:v4+s16+$0x0], $0xffff  }
0x309: {  	v8 =	vld.idx.msk [tilespmem:v4+s17+$0x0], $0xffff;
	_ =	sdelay $0x2  }
0x30a: {  	v6 =	vsub.f32 v6, v1  }
0x30b: {  	v7 =	vsub.f32 v7, v3;
	v4 =	vpop (erf)  }
0x30c: {  	v9 =	vor.u32 $0x401, v0;
	v8 =	vsub.f32 v8, v2;
	v6 =	vmul.f32 v6, v4  }
0x30d: {  	v7 =	vmul.f32 v7, v4  }
0x30e: {  	[tilespmem:v5+s23+$0x0] =	vst.idx.msk $0xffff, v6;
	v6 =	vmul.f32 v8, v4  }
0x30f: {  	[tilespmem:v5+s24+$0x0] =	vst.idx.msk $0xffff, v7  }
0x310: {  	[tilespmem:v5+s25+$0x0] =	vst.idx.msk $0xffff, v6  }
0x311: {  	v5 =	vld.idx.msk [tilespmem:v9+s18+$0x0], $0xffff;
	_ =	sdelay $0x7  }
0x312: {  	v6 =	vld.idx.msk [tilespmem:v5+s2+$0x0], $0xffff  }
0x313: {  	v7 =	vld.idx.msk [tilespmem:v5+s16+$0x0], $0xffff  }
0x314: {  	v5 =	vld.idx.msk [tilespmem:v5+s17+$0x0], $0xffff;
	_ =	sdelay $0x2  }
0x315: {  	v6 =	vsub.f32 v6, v1  }
0x316: {  	v7 =	vsub.f32 v7, v3  }
0x317: {  	v8 =	vor.u32 $0x402, v0;
	v5 =	vsub.f32 v5, v2;
	v6 =	vmul.f32 v6, v4  }
0x318: {  	v7 =	vmul.f32 v7, v4  }
0x319: {  	v5 =	vmul.f32 v5, v4;
	[tilespmem:v9+s23+$0x0] =	vst.idx.msk $0xffff, v6  }
0x31a: {  	[tilespmem:v9+s24+$0x0] =	vst.idx.msk $0xffff, v7  }
0x31b: {  	[tilespmem:v9+s25+$0x0] =	vst.idx.msk $0xffff, v5  }
0x31c: {  	v5 =	vld.idx.msk [tilespmem:v8+s18+$0x0], $0xffff;
	_ =	sdelay $0x7  }
0x31d: {  	v6 =	vld.idx.msk [tilespmem:v5+s2+$0x0], $0xffff  }
0x31e: {  	v7 =	vld.idx.msk [tilespmem:v5+s16+$0x0], $0xffff  }
0x31f: {  	v5 =	vld.idx.msk [tilespmem:v5+s17+$0x0], $0xffff;
	_ =	sdelay $0x2  }
0x320: {  	v6 =	vsub.f32 v6, v1  }
0x321: {  	v7 =	vsub.f32 v7, v3  }
0x322: {  	v9 =	vor.u32 $0x403, v0;
	v5 =	vsub.f32 v5, v2;
	v6 =	vmul.f32 v6, v4  }
0x323: {  	v7 =	vmul.f32 v7, v4  }
0x324: {  	v5 =	vmul.f32 v5, v4;
	[tilespmem:v8+s23+$0x0] =	vst.idx.msk $0xffff, v6  }
0x325: {  	[tilespmem:v8+s24+$0x0] =	vst.idx.msk $0xffff, v7  }
0x326: {  	[tilespmem:v8+s25+$0x0] =	vst.idx.msk $0xffff, v5  }
0x327: {  	v5 =	vld.idx.msk [tilespmem:v9+s18+$0x0], $0xffff;
	_ =	sdelay $0x7  }
0x328: {  	v6 =	vld.idx.msk [tilespmem:v5+s2+$0x0], $0xffff  }
0x329: {  	v7 =	vld.idx.msk [tilespmem:v5+s16+$0x0], $0xffff  }
0x32a: {  	v5 =	vld.idx.msk [tilespmem:v5+s17+$0x0], $0xffff;
	_ =	sdelay $0x2  }
0x32b: {  	v6 =	vsub.f32 v6, v1  }
0x32c: {  	v7 =	vsub.f32 v7, v3  }
0x32d: {  	v8 =	vor.u32 $0x404, v0;
	v5 =	vsub.f32 v5, v2;
	v6 =	vmul.f32 v6, v4  }
0x32e: {  	v7 =	vmul.f32 v7, v4  }
0x32f: {  	v5 =	vmul.f32 v5, v4;
	[tilespmem:v9+s23+$0x0] =	vst.idx.msk $0xffff, v6  }
0x330: {  	[tilespmem:v9+s24+$0x0] =	vst.idx.msk $0xffff, v7  }
0x331: {  	[tilespmem:v9+s25+$0x0] =	vst.idx.msk $0xffff, v5  }
0x332: {  	v5 =	vld.idx.msk [tilespmem:v8+s18+$0x0], $0xffff;
	_ =	sdelay $0x7  }
0x333: {  	v6 =	vld.idx.msk [tilespmem:v5+s2+$0x0], $0xffff  }
0x334: {  	v7 =	vld.idx.msk [tilespmem:v5+s16+$0x0], $0xffff  }
0x335: {  	v5 =	vld.idx.msk [tilespmem:v5+s17+$0x0], $0xffff;
	_ =	sdelay $0x2  }
0x336: {  	v6 =	vsub.f32 v6, v1  }
0x337: {  	v7 =	vsub.f32 v7, v3  }
0x338: {  	v9 =	vor.u32 $0x405, v0;
	v5 =	vsub.f32 v5, v2;
	v6 =	vmul.f32 v6, v4  }
0x339: {  	v7 =	vmul.f32 v7, v4  }
0x33a: {  	v5 =	vmul.f32 v5, v4;
	[tilespmem:v8+s23+$0x0] =	vst.idx.msk $0xffff, v6  }
0x33b: {  	[tilespmem:v8+s24+$0x0] =	vst.idx.msk $0xffff, v7  }
0x33c: {  	[tilespmem:v8+s25+$0x0] =	vst.idx.msk $0xffff, v5  }
0x33d: {  	v5 =	vld.idx.msk [tilespmem:v9+s18+$0x0], $0xffff;
	_ =	sdelay $0x7  }
0x33e: {  	v6 =	vld.idx.msk [tilespmem:v5+s2+$0x0], $0xffff  }
0x33f: {  	v7 =	vld.idx.msk [tilespmem:v5+s16+$0x0], $0xffff  }
0x340: {  	v5 =	vld.idx.msk [tilespmem:v5+s17+$0x0], $0xffff;
	_ =	sdelay $0x2  }
0x341: {  	v6 =	vsub.f32 v6, v1  }
0x342: {  	v7 =	vsub.f32 v7, v3  }
0x343: {  	v8 =	vor.u32 $0x406, v0;
	v5 =	vsub.f32 v5, v2;
	v6 =	vmul.f32 v6, v4  }
0x344: {  	v7 =	vmul.f32 v7, v4  }
0x345: {  	v5 =	vmul.f32 v5, v4;
	[tilespmem:v9+s23+$0x0] =	vst.idx.msk $0xffff, v6  }
0x346: {  	[tilespmem:v9+s24+$0x0] =	vst.idx.msk $0xffff, v7  }
0x347: {  	[tilespmem:v9+s25+$0x0] =	vst.idx.msk $0xffff, v5  }
0x348: {  	v5 =	vld.idx.msk [tilespmem:v8+s18+$0x0], $0xffff;
	_ =	sdelay $0x7  }
0x349: {  	v6 =	vld.idx.msk [tilespmem:v5+s2+$0x0], $0xffff  }
0x34a: {  	v7 =	vld.idx.msk [tilespmem:v5+s16+$0x0], $0xffff  }
0x34b: {  	v5 =	vld.idx.msk [tilespmem:v5+s17+$0x0], $0xffff;
	_ =	sdelay $0x2  }
0x34c: {  	v6 =	vsub.f32 v6, v1  }
0x34d: {  	v7 =	vsub.f32 v7, v3  }
0x34e: {  	v9 =	vor.u32 $0x407, v0;
	v5 =	vsub.f32 v5, v2;
	v6 =	vmul.f32 v6, v4  }
0x34f: {  	v7 =	vmul.f32 v7, v4  }
0x350: {  	v5 =	vmul.f32 v5, v4;
	[tilespmem:v8+s23+$0x0] =	vst.idx.msk $0xffff, v6  }
0x351: {  	[tilespmem:v8+s24+$0x0] =	vst.idx.msk $0xffff, v7  }
0x352: {  	[tilespmem:v8+s25+$0x0] =	vst.idx.msk $0xffff, v5  }
0x353: {  	v5 =	vld.idx.msk [tilespmem:v9+s18+$0x0], $0xffff;
	_ =	sdelay $0x7  }
0x354: {  	v6 =	vld.idx.msk [tilespmem:v5+s2+$0x0], $0xffff  }
0x355: {  	v7 =	vld.idx.msk [tilespmem:v5+s16+$0x0], $0xffff  }
0x356: {  	v5 =	vld.idx.msk [tilespmem:v5+s17+$0x0], $0xffff;
	_ =	sdelay $0x2  }
0x357: {  	v6 =	vsub.f32 v6, v1  }
0x358: {  	v7 =	vsub.f32 v7, v3  }
0x359: {  	v8 =	vor.u32 $0x408, v0;
	v5 =	vsub.f32 v5, v2;
	v6 =	vmul.f32 v6, v4  }
0x35a: {  	v7 =	vmul.f32 v7, v4  }
0x35b: {  	v5 =	vmul.f32 v5, v4;
	[tilespmem:v9+s23+$0x0] =	vst.idx.msk $0xffff, v6  }
0x35c: {  	[tilespmem:v9+s24+$0x0] =	vst.idx.msk $0xffff, v7  }
0x35d: {  	[tilespmem:v9+s25+$0x0] =	vst.idx.msk $0xffff, v5  }
0x35e: {  	v5 =	vld.idx.msk [tilespmem:v8+s18+$0x0], $0xffff;
	_ =	sdelay $0x7  }
0x35f: {  	v6 =	vld.idx.msk [tilespmem:v5+s2+$0x0], $0xffff  }
0x360: {  	v7 =	vld.idx.msk [tilespmem:v5+s16+$0x0], $0xffff  }
0x361: {  	v5 =	vld.idx.msk [tilespmem:v5+s17+$0x0], $0xffff;
	_ =	sdelay $0x2  }
0x362: {  	v6 =	vsub.f32 v6, v1  }
0x363: {  	v7 =	vsub.f32 v7, v3  }
0x364: {  	v9 =	vor.u32 $0x409, v0;
	v5 =	vsub.f32 v5, v2;
	v6 =	vmul.f32 v6, v4  }
0x365: {  	v7 =	vmul.f32 v7, v4  }
0x366: {  	v5 =	vmul.f32 v5, v4;
	[tilespmem:v8+s23+$0x0] =	vst.idx.msk $0xffff, v6  }
0x367: {  	[tilespmem:v8+s24+$0x0] =	vst.idx.msk $0xffff, v7  }
0x368: {  	[tilespmem:v8+s25+$0x0] =	vst.idx.msk $0xffff, v5  }
0x369: {  	v5 =	vld.idx.msk [tilespmem:v9+s18+$0x0], $0xffff;
	_ =	sdelay $0x7  }
0x36a: {  	v6 =	vld.idx.msk [tilespmem:v5+s2+$0x0], $0xffff  }
0x36b: {  	v7 =	vld.idx.msk [tilespmem:v5+s16+$0x0], $0xffff  }
0x36c: {  	v5 =	vld.idx.msk [tilespmem:v5+s17+$0x0], $0xffff;
	_ =	sdelay $0x2  }
0x36d: {  	v6 =	vsub.f32 v6, v1  }
0x36e: {  	v7 =	vsub.f32 v7, v3  }
0x36f: {  	v8 =	vor.u32 $0x40A, v0;
	v5 =	vsub.f32 v5, v2;
	v6 =	vmul.f32 v6, v4  }
0x370: {  	v7 =	vmul.f32 v7, v4  }
0x371: {  	v5 =	vmul.f32 v5, v4;
	[tilespmem:v9+s23+$0x0] =	vst.idx.msk $0xffff, v6  }
0x372: {  	[tilespmem:v9+s24+$0x0] =	vst.idx.msk $0xffff, v7  }
0x373: {  	[tilespmem:v9+s25+$0x0] =	vst.idx.msk $0xffff, v5  }
0x374: {  	v5 =	vld.idx.msk [tilespmem:v8+s18+$0x0], $0xffff;
	_ =	sdelay $0x7  }
0x375: {  	v6 =	vld.idx.msk [tilespmem:v5+s2+$0x0], $0xffff  }
0x376: {  	v7 =	vld.idx.msk [tilespmem:v5+s16+$0x0], $0xffff  }
0x377: {  	v5 =	vld.idx.msk [tilespmem:v5+s17+$0x0], $0xffff;
	_ =	sdelay $0x2  }
0x378: {  	v6 =	vsub.f32 v6, v1  }
0x379: {  	v7 =	vsub.f32 v7, v3  }
0x37a: {  	v9 =	vor.u32 $0x40B, v0;
	v5 =	vsub.f32 v5, v2;
	v6 =	vmul.f32 v6, v4  }
0x37b: {  	v7 =	vmul.f32 v7, v4  }
0x37c: {  	v5 =	vmul.f32 v5, v4;
	[tilespmem:v8+s23+$0x0] =	vst.idx.msk $0xffff, v6  }
0x37d: {  	[tilespmem:v8+s24+$0x0] =	vst.idx.msk $0xffff, v7  }
0x37e: {  	[tilespmem:v8+s25+$0x0] =	vst.idx.msk $0xffff, v5  }
0x37f: {  	v5 =	vld.idx.msk [tilespmem:v9+s18+$0x0], $0xffff;
	_ =	sdelay $0x7  }
0x380: {  	v6 =	vld.idx.msk [tilespmem:v5+s2+$0x0], $0xffff  }
0x381: {  	v7 =	vld.idx.msk [tilespmem:v5+s16+$0x0], $0xffff  }
0x382: {  	v5 =	vld.idx.msk [tilespmem:v5+s17+$0x0], $0xffff;
	_ =	sdelay $0x2  }
0x383: {  	v6 =	vsub.f32 v6, v1  }
0x384: {  	v7 =	vsub.f32 v7, v3  }
0x385: {  	v8 =	vor.u32 $0x40C, v0;
	v5 =	vsub.f32 v5, v2;
	v6 =	vmul.f32 v6, v4  }
0x386: {  	v7 =	vmul.f32 v7, v4  }
0x387: {  	v5 =	vmul.f32 v5, v4;
	[tilespmem:v9+s23+$0x0] =	vst.idx.msk $0xffff, v6  }
0x388: {  	[tilespmem:v9+s24+$0x0] =	vst.idx.msk $0xffff, v7  }
0x389: {  	[tilespmem:v9+s25+$0x0] =	vst.idx.msk $0xffff, v5  }
0x38a: {  	v5 =	vld.idx.msk [tilespmem:v8+s18+$0x0], $0xffff;
	_ =	sdelay $0x7  }
0x38b: {  	v6 =	vld.idx.msk [tilespmem:v5+s2+$0x0], $0xffff  }
0x38c: {  	v7 =	vld.idx.msk [tilespmem:v5+s16+$0x0], $0xffff  }
0x38d: {  	v5 =	vld.idx.msk [tilespmem:v5+s17+$0x0], $0xffff;
	_ =	sdelay $0x2  }
0x38e: {  	v6 =	vsub.f32 v6, v1  }
0x38f: {  	v7 =	vsub.f32 v7, v3  }
0x390: {  	v9 =	vor.u32 $0x40D, v0;
	v5 =	vsub.f32 v5, v2;
	v6 =	vmul.f32 v6, v4  }
0x391: {  	v7 =	vmul.f32 v7, v4  }
0x392: {  	v5 =	vmul.f32 v5, v4;
	[tilespmem:v8+s23+$0x0] =	vst.idx.msk $0xffff, v6  }
0x393: {  	[tilespmem:v8+s24+$0x0] =	vst.idx.msk $0xffff, v7  }
0x394: {  	[tilespmem:v8+s25+$0x0] =	vst.idx.msk $0xffff, v5  }
0x395: {  	v5 =	vld.idx.msk [tilespmem:v9+s18+$0x0], $0xffff;
	_ =	sdelay $0x7  }
0x396: {  	v6 =	vld.idx.msk [tilespmem:v5+s2+$0x0], $0xffff  }
0x397: {  	v7 =	vld.idx.msk [tilespmem:v5+s16+$0x0], $0xffff  }
0x398: {  	v5 =	vld.idx.msk [tilespmem:v5+s17+$0x0], $0xffff;
	_ =	sdelay $0x2  }
0x399: {  	v6 =	vsub.f32 v6, v1  }
0x39a: {  	v7 =	vsub.f32 v7, v3  }
0x39b: {  	v8 =	vor.u32 $0x40E, v0;
	v5 =	vsub.f32 v5, v2;
	v6 =	vmul.f32 v6, v4  }
0x39c: {  	v7 =	vmul.f32 v7, v4  }
0x39d: {  	v5 =	vmul.f32 v5, v4;
	[tilespmem:v9+s23+$0x0] =	vst.idx.msk $0xffff, v6  }
0x39e: {  	[tilespmem:v9+s24+$0x0] =	vst.idx.msk $0xffff, v7  }
0x39f: {  	[tilespmem:v9+s25+$0x0] =	vst.idx.msk $0xffff, v5  }
0x3a0: {  	v5 =	vld.idx.msk [tilespmem:v8+s18+$0x0], $0xffff;
	_ =	sdelay $0x7  }
0x3a1: {  	v6 =	vld.idx.msk [tilespmem:v5+s2+$0x0], $0xffff  }
0x3a2: {  	v7 =	vld.idx.msk [tilespmem:v5+s16+$0x0], $0xffff  }
0x3a3: {  	v5 =	vld.idx.msk [tilespmem:v5+s17+$0x0], $0xffff;
	_ =	sdelay $0x2  }
0x3a4: {  	v6 =	vsub.f32 v6, v1  }
0x3a5: {  	v7 =	vsub.f32 v7, v3  }
0x3a6: {  	v9 =	vor.u32 $0x40F, v0;
	v5 =	vsub.f32 v5, v2;
	v6 =	vmul.f32 v6, v4  }
0x3a7: {  	v7 =	vmul.f32 v7, v4  }
0x3a8: {  	v5 =	vmul.f32 v5, v4;
	[tilespmem:v8+s23+$0x0] =	vst.idx.msk $0xffff, v6  }
0x3a9: {  	[tilespmem:v8+s24+$0x0] =	vst.idx.msk $0xffff, v7  }
0x3aa: {  	[tilespmem:v8+s25+$0x0] =	vst.idx.msk $0xffff, v5  }
0x3ab: {  	v5 =	vld.idx.msk [tilespmem:v9+s18+$0x0], $0xffff;
	_ =	sdelay $0x7  }
0x3ac: {  	v6 =	vld.idx.msk [tilespmem:v5+s2+$0x0], $0xffff  }
0x3ad: {  	v7 =	vld.idx.msk [tilespmem:v5+s16+$0x0], $0xffff  }
0x3ae: {  	v5 =	vld.idx.msk [tilespmem:v5+s17+$0x0], $0xffff;
	_ =	sdelay $0x2  }
0x3af: {  	v6 =	vsub.f32 v6, v1  }
0x3b0: {  	v7 =	vsub.f32 v7, v3  }
0x3b1: {  	v8 =	vor.u32 $0x410, v0;
	v5 =	vsub.f32 v5, v2;
	v6 =	vmul.f32 v6, v4  }
0x3b2: {  	v7 =	vmul.f32 v7, v4  }
0x3b3: {  	v5 =	vmul.f32 v5, v4;
	[tilespmem:v9+s23+$0x0] =	vst.idx.msk $0xffff, v6  }
0x3b4: {  	[tilespmem:v9+s24+$0x0] =	vst.idx.msk $0xffff, v7  }
0x3b5: {  	[tilespmem:v9+s25+$0x0] =	vst.idx.msk $0xffff, v5  }
0x3b6: {  	v5 =	vld.idx.msk [tilespmem:v8+s18+$0x0], $0xffff;
	_ =	sdelay $0x7  }
0x3b7: {  	v6 =	vld.idx.msk [tilespmem:v5+s2+$0x0], $0xffff  }
0x3b8: {  	v7 =	vld.idx.msk [tilespmem:v5+s16+$0x0], $0xffff  }
0x3b9: {  	v5 =	vld.idx.msk [tilespmem:v5+s17+$0x0], $0xffff;
	_ =	sdelay $0x2  }
0x3ba: {  	v6 =	vsub.f32 v6, v1  }
0x3bb: {  	v7 =	vsub.f32 v7, v3  }
0x3bc: {  	v9 =	vor.u32 $0x411, v0;
	v5 =	vsub.f32 v5, v2;
	v6 =	vmul.f32 v6, v4  }
0x3bd: {  	v7 =	vmul.f32 v7, v4  }
0x3be: {  	v5 =	vmul.f32 v5, v4;
	[tilespmem:v8+s23+$0x0] =	vst.idx.msk $0xffff, v6  }
0x3bf: {  	[tilespmem:v8+s24+$0x0] =	vst.idx.msk $0xffff, v7  }
0x3c0: {  	[tilespmem:v8+s25+$0x0] =	vst.idx.msk $0xffff, v5  }
0x3c1: {  	v5 =	vld.idx.msk [tilespmem:v9+s18+$0x0], $0xffff;
	_ =	sdelay $0x7  }
0x3c2: {  	v6 =	vld.idx.msk [tilespmem:v5+s2+$0x0], $0xffff  }
0x3c3: {  	v7 =	vld.idx.msk [tilespmem:v5+s16+$0x0], $0xffff  }
0x3c4: {  	v5 =	vld.idx.msk [tilespmem:v5+s17+$0x0], $0xffff;
	_ =	sdelay $0x2  }
0x3c5: {  	v6 =	vsub.f32 v6, v1  }
0x3c6: {  	v7 =	vsub.f32 v7, v3  }
0x3c7: {  	v8 =	vor.u32 $0x412, v0;
	v5 =	vsub.f32 v5, v2;
	v6 =	vmul.f32 v6, v4  }
0x3c8: {  	v7 =	vmul.f32 v7, v4  }
0x3c9: {  	v5 =	vmul.f32 v5, v4;
	[tilespmem:v9+s23+$0x0] =	vst.idx.msk $0xffff, v6  }
0x3ca: {  	[tilespmem:v9+s24+$0x0] =	vst.idx.msk $0xffff, v7  }
0x3cb: {  	[tilespmem:v9+s25+$0x0] =	vst.idx.msk $0xffff, v5  }
0x3cc: {  	v5 =	vld.idx.msk [tilespmem:v8+s18+$0x0], $0xffff;
	_ =	sdelay $0x7  }
0x3cd: {  	v6 =	vld.idx.msk [tilespmem:v5+s2+$0x0], $0xffff  }
0x3ce: {  	v7 =	vld.idx.msk [tilespmem:v5+s16+$0x0], $0xffff  }
0x3cf: {  	v5 =	vld.idx.msk [tilespmem:v5+s17+$0x0], $0xffff;
	_ =	sdelay $0x2  }
0x3d0: {  	v6 =	vsub.f32 v6, v1  }
0x3d1: {  	v7 =	vsub.f32 v7, v3  }
0x3d2: {  	v9 =	vor.u32 $0x413, v0;
	v5 =	vsub.f32 v5, v2;
	v6 =	vmul.f32 v6, v4  }
0x3d3: {  	v7 =	vmul.f32 v7, v4  }
0x3d4: {  	v5 =	vmul.f32 v5, v4;
	[tilespmem:v8+s23+$0x0] =	vst.idx.msk $0xffff, v6  }
0x3d5: {  	[tilespmem:v8+s24+$0x0] =	vst.idx.msk $0xffff, v7  }
0x3d6: {  	[tilespmem:v8+s25+$0x0] =	vst.idx.msk $0xffff, v5  }
0x3d7: {  	v5 =	vld.idx.msk [tilespmem:v9+s18+$0x0], $0xffff;
	_ =	sdelay $0x7  }
0x3d8: {  	v6 =	vld.idx.msk [tilespmem:v5+s2+$0x0], $0xffff  }
0x3d9: {  	v7 =	vld.idx.msk [tilespmem:v5+s16+$0x0], $0xffff  }
0x3da: {  	v5 =	vld.idx.msk [tilespmem:v5+s17+$0x0], $0xffff;
	_ =	sdelay $0x2  }
0x3db: {  	v6 =	vsub.f32 v6, v1  }
0x3dc: {  	v7 =	vsub.f32 v7, v3  }
0x3dd: {  	v8 =	vor.u32 $0x414, v0;
	v5 =	vsub.f32 v5, v2;
	v6 =	vmul.f32 v6, v4  }
0x3de: {  	v7 =	vmul.f32 v7, v4  }
0x3df: {  	v5 =	vmul.f32 v5, v4;
	[tilespmem:v9+s23+$0x0] =	vst.idx.msk $0xffff, v6  }
0x3e0: {  	[tilespmem:v9+s24+$0x0] =	vst.idx.msk $0xffff, v7  }
0x3e1: {  	[tilespmem:v9+s25+$0x0] =	vst.idx.msk $0xffff, v5  }
0x3e2: {  	v5 =	vld.idx.msk [tilespmem:v8+s18+$0x0], $0xffff;
	_ =	sdelay $0x7  }
0x3e3: {  	v6 =	vld.idx.msk [tilespmem:v5+s2+$0x0], $0xffff  }
0x3e4: {  	v7 =	vld.idx.msk [tilespmem:v5+s16+$0x0], $0xffff  }
0x3e5: {  	v5 =	vld.idx.msk [tilespmem:v5+s17+$0x0], $0xffff;
	_ =	sdelay $0x2  }
0x3e6: {  	v6 =	vsub.f32 v6, v1  }
0x3e7: {  	v7 =	vsub.f32 v7, v3  }
0x3e8: {  	v9 =	vor.u32 $0x415, v0;
	v5 =	vsub.f32 v5, v2;
	v6 =	vmul.f32 v6, v4  }
0x3e9: {  	v7 =	vmul.f32 v7, v4  }
0x3ea: {  	v5 =	vmul.f32 v5, v4;
	[tilespmem:v8+s23+$0x0] =	vst.idx.msk $0xffff, v6  }
0x3eb: {  	[tilespmem:v8+s24+$0x0] =	vst.idx.msk $0xffff, v7  }
0x3ec: {  	[tilespmem:v8+s25+$0x0] =	vst.idx.msk $0xffff, v5  }
0x3ed: {  	v5 =	vld.idx.msk [tilespmem:v9+s18+$0x0], $0xffff;
	_ =	sdelay $0x7  }
0x3ee: {  	v6 =	vld.idx.msk [tilespmem:v5+s2+$0x0], $0xffff  }
0x3ef: {  	v7 =	vld.idx.msk [tilespmem:v5+s16+$0x0], $0xffff  }
0x3f0: {  	v5 =	vld.idx.msk [tilespmem:v5+s17+$0x0], $0xffff;
	_ =	sdelay $0x2  }
0x3f1: {  	v6 =	vsub.f32 v6, v1  }
0x3f2: {  	v7 =	vsub.f32 v7, v3  }
0x3f3: {  	v8 =	vor.u32 $0x416, v0;
	v5 =	vsub.f32 v5, v2;
	v6 =	vmul.f32 v6, v4  }
0x3f4: {  	v7 =	vmul.f32 v7, v4  }
0x3f5: {  	v5 =	vmul.f32 v5, v4;
	[tilespmem:v9+s23+$0x0] =	vst.idx.msk $0xffff, v6  }
0x3f6: {  	[tilespmem:v9+s24+$0x0] =	vst.idx.msk $0xffff, v7  }
0x3f7: {  	[tilespmem:v9+s25+$0x0] =	vst.idx.msk $0xffff, v5  }
0x3f8: {  	v5 =	vld.idx.msk [tilespmem:v8+s18+$0x0], $0xffff;
	_ =	sdelay $0x7  }
0x3f9: {  	v6 =	vld.idx.msk [tilespmem:v5+s2+$0x0], $0xffff  }
0x3fa: {  	v7 =	vld.idx.msk [tilespmem:v5+s16+$0x0], $0xffff  }
0x3fb: {  	v5 =	vld.idx.msk [tilespmem:v5+s17+$0x0], $0xffff;
	_ =	sdelay $0x2  }
0x3fc: {  	v6 =	vsub.f32 v6, v1  }
0x3fd: {  	v7 =	vsub.f32 v7, v3  }
0x3fe: {  	v9 =	vor.u32 $0x417, v0;
	v5 =	vsub.f32 v5, v2;
	v6 =	vmul.f32 v6, v4  }
0x3ff: {  	v7 =	vmul.f32 v7, v4  }
0x400: {  	v5 =	vmul.f32 v5, v4;
	[tilespmem:v8+s23+$0x0] =	vst.idx.msk $0xffff, v6  }
0x401: {  	[tilespmem:v8+s24+$0x0] =	vst.idx.msk $0xffff, v7  }
0x402: {  	[tilespmem:v8+s25+$0x0] =	vst.idx.msk $0xffff, v5  }
0x403: {  	v5 =	vld.idx.msk [tilespmem:v9+s18+$0x0], $0xffff;
	_ =	sdelay $0x7  }
0x404: {  	v6 =	vld.idx.msk [tilespmem:v5+s2+$0x0], $0xffff  }
0x405: {  	v7 =	vld.idx.msk [tilespmem:v5+s16+$0x0], $0xffff  }
0x406: {  	v5 =	vld.idx.msk [tilespmem:v5+s17+$0x0], $0xffff;
	_ =	sdelay $0x2  }
0x407: {  	v6 =	vsub.f32 v6, v1  }
0x408: {  	v7 =	vsub.f32 v7, v3  }
0x409: {  	v8 =	vor.u32 $0x418, v0;
	v5 =	vsub.f32 v5, v2;
	v6 =	vmul.f32 v6, v4  }
0x40a: {  	v7 =	vmul.f32 v7, v4  }
0x40b: {  	v5 =	vmul.f32 v5, v4;
	[tilespmem:v9+s23+$0x0] =	vst.idx.msk $0xffff, v6  }
0x40c: {  	[tilespmem:v9+s24+$0x0] =	vst.idx.msk $0xffff, v7  }
0x40d: {  	[tilespmem:v9+s25+$0x0] =	vst.idx.msk $0xffff, v5  }
0x40e: {  	v5 =	vld.idx.msk [tilespmem:v8+s18+$0x0], $0xffff;
	_ =	sdelay $0x7  }
0x40f: {  	v6 =	vld.idx.msk [tilespmem:v5+s2+$0x0], $0xffff  }
0x410: {  	v7 =	vld.idx.msk [tilespmem:v5+s16+$0x0], $0xffff  }
0x411: {  	v5 =	vld.idx.msk [tilespmem:v5+s17+$0x0], $0xffff;
	_ =	sdelay $0x2  }
0x412: {  	v6 =	vsub.f32 v6, v1  }
0x413: {  	v7 =	vsub.f32 v7, v3  }
0x414: {  	v9 =	vor.u32 $0x419, v0;
	v5 =	vsub.f32 v5, v2;
	v6 =	vmul.f32 v6, v4  }
0x415: {  	v7 =	vmul.f32 v7, v4  }
0x416: {  	v5 =	vmul.f32 v5, v4;
	[tilespmem:v8+s23+$0x0] =	vst.idx.msk $0xffff, v6  }
0x417: {  	[tilespmem:v8+s24+$0x0] =	vst.idx.msk $0xffff, v7  }
0x418: {  	[tilespmem:v8+s25+$0x0] =	vst.idx.msk $0xffff, v5  }
0x419: {  	v5 =	vld.idx.msk [tilespmem:v9+s18+$0x0], $0xffff;
	_ =	sdelay $0x7  }
0x41a: {  	v6 =	vld.idx.msk [tilespmem:v5+s2+$0x0], $0xffff  }
0x41b: {  	v7 =	vld.idx.msk [tilespmem:v5+s16+$0x0], $0xffff  }
0x41c: {  	v5 =	vld.idx.msk [tilespmem:v5+s17+$0x0], $0xffff;
	_ =	sdelay $0x2  }
0x41d: {  	v6 =	vsub.f32 v6, v1  }
0x41e: {  	v7 =	vsub.f32 v7, v3  }
0x41f: {  	v8 =	vor.u32 $0x41A, v0;
	v5 =	vsub.f32 v5, v2;
	v6 =	vmul.f32 v6, v4  }
0x420: {  	v7 =	vmul.f32 v7, v4  }
0x421: {  	v5 =	vmul.f32 v5, v4;
	[tilespmem:v9+s23+$0x0] =	vst.idx.msk $0xffff, v6  }
0x422: {  	[tilespmem:v9+s24+$0x0] =	vst.idx.msk $0xffff, v7  }
0x423: {  	[tilespmem:v9+s25+$0x0] =	vst.idx.msk $0xffff, v5  }
0x424: {  	v5 =	vld.idx.msk [tilespmem:v8+s18+$0x0], $0xffff;
	_ =	sdelay $0x7  }
0x425: {  	v6 =	vld.idx.msk [tilespmem:v5+s2+$0x0], $0xffff  }
0x426: {  	v7 =	vld.idx.msk [tilespmem:v5+s16+$0x0], $0xffff  }
0x427: {  	v5 =	vld.idx.msk [tilespmem:v5+s17+$0x0], $0xffff;
	_ =	sdelay $0x2  }
0x428: {  	v6 =	vsub.f32 v6, v1  }
0x429: {  	v7 =	vsub.f32 v7, v3  }
0x42a: {  	v9 =	vor.u32 $0x41B, v0;
	v5 =	vsub.f32 v5, v2;
	v6 =	vmul.f32 v6, v4  }
0x42b: {  	v7 =	vmul.f32 v7, v4  }
0x42c: {  	v5 =	vmul.f32 v5, v4;
	[tilespmem:v8+s23+$0x0] =	vst.idx.msk $0xffff, v6  }
0x42d: {  	[tilespmem:v8+s24+$0x0] =	vst.idx.msk $0xffff, v7  }
0x42e: {  	[tilespmem:v8+s25+$0x0] =	vst.idx.msk $0xffff, v5  }
0x42f: {  	v5 =	vld.idx.msk [tilespmem:v9+s18+$0x0], $0xffff;
	_ =	sdelay $0x7  }
0x430: {  	v6 =	vld.idx.msk [tilespmem:v5+s2+$0x0], $0xffff  }
0x431: {  	v7 =	vld.idx.msk [tilespmem:v5+s16+$0x0], $0xffff  }
0x432: {  	v5 =	vld.idx.msk [tilespmem:v5+s17+$0x0], $0xffff;
	_ =	sdelay $0x2  }
0x433: {  	v6 =	vsub.f32 v6, v1  }
0x434: {  	v7 =	vsub.f32 v7, v3  }
0x435: {  	v8 =	vor.u32 $0x41C, v0;
	v5 =	vsub.f32 v5, v2;
	v6 =	vmul.f32 v6, v4  }
0x436: {  	v7 =	vmul.f32 v7, v4  }
0x437: {  	v5 =	vmul.f32 v5, v4;
	[tilespmem:v9+s23+$0x0] =	vst.idx.msk $0xffff, v6  }
0x438: {  	[tilespmem:v9+s24+$0x0] =	vst.idx.msk $0xffff, v7  }
0x439: {  	[tilespmem:v9+s25+$0x0] =	vst.idx.msk $0xffff, v5  }
0x43a: {  	v5 =	vld.idx.msk [tilespmem:v8+s18+$0x0], $0xffff;
	_ =	sdelay $0x7  }
0x43b: {  	v6 =	vld.idx.msk [tilespmem:v5+s2+$0x0], $0xffff  }
0x43c: {  	v7 =	vld.idx.msk [tilespmem:v5+s16+$0x0], $0xffff  }
0x43d: {  	v5 =	vld.idx.msk [tilespmem:v5+s17+$0x0], $0xffff;
	_ =	sdelay $0x2  }
0x43e: {  	v6 =	vsub.f32 v6, v1  }
0x43f: {  	v7 =	vsub.f32 v7, v3  }
0x440: {  	v9 =	vor.u32 $0x41D, v0;
	v5 =	vsub.f32 v5, v2;
	v6 =	vmul.f32 v6, v4  }
0x441: {  	v7 =	vmul.f32 v7, v4  }
0x442: {  	v5 =	vmul.f32 v5, v4;
	[tilespmem:v8+s23+$0x0] =	vst.idx.msk $0xffff, v6  }
0x443: {  	[tilespmem:v8+s24+$0x0] =	vst.idx.msk $0xffff, v7  }
0x444: {  	[tilespmem:v8+s25+$0x0] =	vst.idx.msk $0xffff, v5  }
0x445: {  	v5 =	vld.idx.msk [tilespmem:v9+s18+$0x0], $0xffff;
	_ =	sdelay $0x7  }
0x446: {  	v6 =	vld.idx.msk [tilespmem:v5+s2+$0x0], $0xffff  }
0x447: {  	v7 =	vld.idx.msk [tilespmem:v5+s16+$0x0], $0xffff  }
0x448: {  	v5 =	vld.idx.msk [tilespmem:v5+s17+$0x0], $0xffff;
	_ =	sdelay $0x2  }
0x449: {  	v6 =	vsub.f32 v6, v1  }
0x44a: {  	v7 =	vsub.f32 v7, v3  }
0x44b: {  	v8 =	vor.u32 $0x41E, v0;
	v5 =	vsub.f32 v5, v2;
	v6 =	vmul.f32 v6, v4  }
0x44c: {  	v7 =	vmul.f32 v7, v4  }
0x44d: {  	v5 =	vmul.f32 v5, v4;
	[tilespmem:v9+s23+$0x0] =	vst.idx.msk $0xffff, v6  }
0x44e: {  	[tilespmem:v9+s24+$0x0] =	vst.idx.msk $0xffff, v7  }
0x44f: {  	[tilespmem:v9+s25+$0x0] =	vst.idx.msk $0xffff, v5  }
0x450: {  	v5 =	vld.idx.msk [tilespmem:v8+s18+$0x0], $0xffff;
	_ =	sdelay $0x7  }
0x451: {  	v6 =	vld.idx.msk [tilespmem:v5+s2+$0x0], $0xffff  }
0x452: {  	v7 =	vld.idx.msk [tilespmem:v5+s16+$0x0], $0xffff  }
0x453: {  	v5 =	vld.idx.msk [tilespmem:v5+s17+$0x0], $0xffff;
	_ =	sdelay $0x2  }
0x454: {  	v6 =	vsub.f32 v6, v1  }
0x455: {  	v7 =	vsub.f32 v7, v3  }
0x456: {  	v9 =	vor.u32 $0x41F, v0;
	v5 =	vsub.f32 v5, v2;
	v6 =	vmul.f32 v6, v4  }
0x457: {  	v7 =	vmul.f32 v7, v4  }
0x458: {  	v5 =	vmul.f32 v5, v4;
	[tilespmem:v8+s23+$0x0] =	vst.idx.msk $0xffff, v6  }
0x459: {  	[tilespmem:v8+s24+$0x0] =	vst.idx.msk $0xffff, v7  }
0x45a: {  	[tilespmem:v8+s25+$0x0] =	vst.idx.msk $0xffff, v5  }
0x45b: {  	v5 =	vld.idx.msk [tilespmem:v9+s18+$0x0], $0xffff;
	_ =	sdelay $0x7  }
0x45c: {  	v6 =	vld.idx.msk [tilespmem:v5+s2+$0x0], $0xffff  }
0x45d: {  	v7 =	vld.idx.msk [tilespmem:v5+s16+$0x0], $0xffff  }
0x45e: {  	v5 =	vld.idx.msk [tilespmem:v5+s17+$0x0], $0xffff;
	_ =	sdelay $0x2  }
0x45f: {  	v1 =	vsub.f32 v6, v1  }
0x460: {  	v3 =	vsub.f32 v7, v3  }
0x461: {  	v2 =	vsub.f32 v5, v2;
	v1 =	vmul.f32 v1, v4  }
0x462: {  	v5 =	vor.u32 $0x600, v0;
	v3 =	vmul.f32 v3, v4  }
0x463: {  	[tilespmem:v9+s23+$0x0] =	vst.idx.msk $0xffff, v1;
	v1 =	vmul.f32 v2, v4  }
0x464: {  	[tilespmem:v9+s24+$0x0] =	vst.idx.msk $0xffff, v3  }
0x465: {  	[tilespmem:v9+s25+$0x0] =	vst.idx.msk $0xffff, v1  }
0x466: {  	v2 =	vld [tilespmem:$0x6830]  }
0x467: {  	v4 =	vld.idx.msk [tilespmem:v5+s18+$0x0], $0xffff;
	_ =	sdelay $0x4  }
0x468: {  	v1 =	vld [tilespmem:$0x68B0];
	(erf) = vrcp.f32 v2  }
0x469: {  	v3 =	vld [tilespmem:$0x69B0]  }
0x46a: {  	v2 =	vld [tilespmem:$0x6930]  }
0x46b: {  	v6 =	vld.idx.msk [tilespmem:v4+s2+$0x0], $0xffff  }
0x46c: {  	v7 =	vld.idx.msk [tilespmem:v4+s16+$0x0], $0xffff  }
0x46d: {  	v8 =	vld.idx.msk [tilespmem:v4+s17+$0x0], $0xffff;
	_ =	sdelay $0x2  }
0x46e: {  	v6 =	vsub.f32 v6, v1  }
0x46f: {  	v7 =	vsub.f32 v7, v2;
	v4 =	vpop (erf)  }
0x470: {  	v9 =	vor.u32 $0x601, v0;
	v8 =	vsub.f32 v8, v3;
	v6 =	vmul.f32 v6, v4  }
0x471: {  	v7 =	vmul.f32 v7, v4  }
0x472: {  	[tilespmem:v5+s23+$0x0] =	vst.idx.msk $0xffff, v6;
	v6 =	vmul.f32 v8, v4  }
0x473: {  	[tilespmem:v5+s24+$0x0] =	vst.idx.msk $0xffff, v7  }
0x474: {  	[tilespmem:v5+s25+$0x0] =	vst.idx.msk $0xffff, v6  }
0x475: {  	v5 =	vld.idx.msk [tilespmem:v9+s18+$0x0], $0xffff;
	_ =	sdelay $0x7  }
0x476: {  	v6 =	vld.idx.msk [tilespmem:v5+s2+$0x0], $0xffff  }
0x477: {  	v7 =	vld.idx.msk [tilespmem:v5+s16+$0x0], $0xffff  }
0x478: {  	v5 =	vld.idx.msk [tilespmem:v5+s17+$0x0], $0xffff;
	_ =	sdelay $0x2  }
0x479: {  	v6 =	vsub.f32 v6, v1  }
0x47a: {  	v7 =	vsub.f32 v7, v2  }
0x47b: {  	v8 =	vor.u32 $0x602, v0;
	v5 =	vsub.f32 v5, v3;
	v6 =	vmul.f32 v6, v4  }
0x47c: {  	v7 =	vmul.f32 v7, v4  }
0x47d: {  	v5 =	vmul.f32 v5, v4;
	[tilespmem:v9+s23+$0x0] =	vst.idx.msk $0xffff, v6  }
0x47e: {  	[tilespmem:v9+s24+$0x0] =	vst.idx.msk $0xffff, v7  }
0x47f: {  	[tilespmem:v9+s25+$0x0] =	vst.idx.msk $0xffff, v5  }
0x480: {  	v5 =	vld.idx.msk [tilespmem:v8+s18+$0x0], $0xffff;
	_ =	sdelay $0x7  }
0x481: {  	v6 =	vld.idx.msk [tilespmem:v5+s2+$0x0], $0xffff  }
0x482: {  	v7 =	vld.idx.msk [tilespmem:v5+s16+$0x0], $0xffff  }
0x483: {  	v5 =	vld.idx.msk [tilespmem:v5+s17+$0x0], $0xffff;
	_ =	sdelay $0x2  }
0x484: {  	v6 =	vsub.f32 v6, v1  }
0x485: {  	v7 =	vsub.f32 v7, v2  }
0x486: {  	v9 =	vor.u32 $0x603, v0;
	v5 =	vsub.f32 v5, v3;
	v6 =	vmul.f32 v6, v4  }
0x487: {  	v7 =	vmul.f32 v7, v4  }
0x488: {  	v5 =	vmul.f32 v5, v4;
	[tilespmem:v8+s23+$0x0] =	vst.idx.msk $0xffff, v6  }
0x489: {  	[tilespmem:v8+s24+$0x0] =	vst.idx.msk $0xffff, v7  }
0x48a: {  	[tilespmem:v8+s25+$0x0] =	vst.idx.msk $0xffff, v5  }
0x48b: {  	v5 =	vld.idx.msk [tilespmem:v9+s18+$0x0], $0xffff;
	_ =	sdelay $0x7  }
0x48c: {  	v6 =	vld.idx.msk [tilespmem:v5+s2+$0x0], $0xffff  }
0x48d: {  	v7 =	vld.idx.msk [tilespmem:v5+s16+$0x0], $0xffff  }
0x48e: {  	v5 =	vld.idx.msk [tilespmem:v5+s17+$0x0], $0xffff;
	_ =	sdelay $0x2  }
0x48f: {  	v6 =	vsub.f32 v6, v1  }
0x490: {  	v7 =	vsub.f32 v7, v2  }
0x491: {  	v8 =	vor.u32 $0x604, v0;
	v5 =	vsub.f32 v5, v3;
	v6 =	vmul.f32 v6, v4  }
0x492: {  	v7 =	vmul.f32 v7, v4  }
0x493: {  	v5 =	vmul.f32 v5, v4;
	[tilespmem:v9+s23+$0x0] =	vst.idx.msk $0xffff, v6  }
0x494: {  	[tilespmem:v9+s24+$0x0] =	vst.idx.msk $0xffff, v7  }
0x495: {  	[tilespmem:v9+s25+$0x0] =	vst.idx.msk $0xffff, v5  }
0x496: {  	v5 =	vld.idx.msk [tilespmem:v8+s18+$0x0], $0xffff;
	_ =	sdelay $0x7  }
0x497: {  	v6 =	vld.idx.msk [tilespmem:v5+s2+$0x0], $0xffff  }
0x498: {  	v7 =	vld.idx.msk [tilespmem:v5+s16+$0x0], $0xffff  }
0x499: {  	v5 =	vld.idx.msk [tilespmem:v5+s17+$0x0], $0xffff;
	_ =	sdelay $0x2  }
0x49a: {  	v6 =	vsub.f32 v6, v1  }
0x49b: {  	v7 =	vsub.f32 v7, v2  }
0x49c: {  	v9 =	vor.u32 $0x605, v0;
	v5 =	vsub.f32 v5, v3;
	v6 =	vmul.f32 v6, v4  }
0x49d: {  	v7 =	vmul.f32 v7, v4  }
0x49e: {  	v5 =	vmul.f32 v5, v4;
	[tilespmem:v8+s23+$0x0] =	vst.idx.msk $0xffff, v6  }
0x49f: {  	[tilespmem:v8+s24+$0x0] =	vst.idx.msk $0xffff, v7  }
0x4a0: {  	[tilespmem:v8+s25+$0x0] =	vst.idx.msk $0xffff, v5  }
0x4a1: {  	v5 =	vld.idx.msk [tilespmem:v9+s18+$0x0], $0xffff;
	_ =	sdelay $0x7  }
0x4a2: {  	v6 =	vld.idx.msk [tilespmem:v5+s2+$0x0], $0xffff  }
0x4a3: {  	v7 =	vld.idx.msk [tilespmem:v5+s16+$0x0], $0xffff  }
0x4a4: {  	v5 =	vld.idx.msk [tilespmem:v5+s17+$0x0], $0xffff;
	_ =	sdelay $0x2  }
0x4a5: {  	v6 =	vsub.f32 v6, v1  }
0x4a6: {  	v7 =	vsub.f32 v7, v2  }
0x4a7: {  	v8 =	vor.u32 $0x606, v0;
	v5 =	vsub.f32 v5, v3;
	v6 =	vmul.f32 v6, v4  }
0x4a8: {  	v7 =	vmul.f32 v7, v4  }
0x4a9: {  	v5 =	vmul.f32 v5, v4;
	[tilespmem:v9+s23+$0x0] =	vst.idx.msk $0xffff, v6  }
0x4aa: {  	[tilespmem:v9+s24+$0x0] =	vst.idx.msk $0xffff, v7  }
0x4ab: {  	[tilespmem:v9+s25+$0x0] =	vst.idx.msk $0xffff, v5  }
0x4ac: {  	v5 =	vld.idx.msk [tilespmem:v8+s18+$0x0], $0xffff;
	_ =	sdelay $0x7  }
0x4ad: {  	v6 =	vld.idx.msk [tilespmem:v5+s2+$0x0], $0xffff  }
0x4ae: {  	v7 =	vld.idx.msk [tilespmem:v5+s16+$0x0], $0xffff  }
0x4af: {  	v5 =	vld.idx.msk [tilespmem:v5+s17+$0x0], $0xffff;
	_ =	sdelay $0x2  }
0x4b0: {  	v6 =	vsub.f32 v6, v1  }
0x4b1: {  	v7 =	vsub.f32 v7, v2  }
0x4b2: {  	v9 =	vor.u32 $0x607, v0;
	v5 =	vsub.f32 v5, v3;
	v6 =	vmul.f32 v6, v4  }
0x4b3: {  	v7 =	vmul.f32 v7, v4  }
0x4b4: {  	v5 =	vmul.f32 v5, v4;
	[tilespmem:v8+s23+$0x0] =	vst.idx.msk $0xffff, v6  }
0x4b5: {  	[tilespmem:v8+s24+$0x0] =	vst.idx.msk $0xffff, v7  }
0x4b6: {  	[tilespmem:v8+s25+$0x0] =	vst.idx.msk $0xffff, v5  }
0x4b7: {  	v5 =	vld.idx.msk [tilespmem:v9+s18+$0x0], $0xffff;
	_ =	sdelay $0x7  }
0x4b8: {  	v6 =	vld.idx.msk [tilespmem:v5+s2+$0x0], $0xffff  }
0x4b9: {  	v7 =	vld.idx.msk [tilespmem:v5+s16+$0x0], $0xffff  }
0x4ba: {  	v5 =	vld.idx.msk [tilespmem:v5+s17+$0x0], $0xffff;
	_ =	sdelay $0x2  }
0x4bb: {  	v6 =	vsub.f32 v6, v1  }
0x4bc: {  	v7 =	vsub.f32 v7, v2  }
0x4bd: {  	v8 =	vor.u32 $0x608, v0;
	v5 =	vsub.f32 v5, v3;
	v6 =	vmul.f32 v6, v4  }
0x4be: {  	v7 =	vmul.f32 v7, v4  }
0x4bf: {  	v5 =	vmul.f32 v5, v4;
	[tilespmem:v9+s23+$0x0] =	vst.idx.msk $0xffff, v6  }
0x4c0: {  	[tilespmem:v9+s24+$0x0] =	vst.idx.msk $0xffff, v7  }
0x4c1: {  	[tilespmem:v9+s25+$0x0] =	vst.idx.msk $0xffff, v5  }
0x4c2: {  	v5 =	vld.idx.msk [tilespmem:v8+s18+$0x0], $0xffff;
	_ =	sdelay $0x7  }
0x4c3: {  	v6 =	vld.idx.msk [tilespmem:v5+s2+$0x0], $0xffff  }
0x4c4: {  	v7 =	vld.idx.msk [tilespmem:v5+s16+$0x0], $0xffff  }
0x4c5: {  	v5 =	vld.idx.msk [tilespmem:v5+s17+$0x0], $0xffff;
	_ =	sdelay $0x2  }
0x4c6: {  	v6 =	vsub.f32 v6, v1  }
0x4c7: {  	v7 =	vsub.f32 v7, v2  }
0x4c8: {  	v9 =	vor.u32 $0x609, v0;
	v5 =	vsub.f32 v5, v3;
	v6 =	vmul.f32 v6, v4  }
0x4c9: {  	v7 =	vmul.f32 v7, v4  }
0x4ca: {  	v5 =	vmul.f32 v5, v4;
	[tilespmem:v8+s23+$0x0] =	vst.idx.msk $0xffff, v6  }
0x4cb: {  	[tilespmem:v8+s24+$0x0] =	vst.idx.msk $0xffff, v7  }
0x4cc: {  	[tilespmem:v8+s25+$0x0] =	vst.idx.msk $0xffff, v5  }
0x4cd: {  	v5 =	vld.idx.msk [tilespmem:v9+s18+$0x0], $0xffff;
	_ =	sdelay $0x7  }
0x4ce: {  	v6 =	vld.idx.msk [tilespmem:v5+s2+$0x0], $0xffff  }
0x4cf: {  	v7 =	vld.idx.msk [tilespmem:v5+s16+$0x0], $0xffff  }
0x4d0: {  	v5 =	vld.idx.msk [tilespmem:v5+s17+$0x0], $0xffff;
	_ =	sdelay $0x2  }
0x4d1: {  	v6 =	vsub.f32 v6, v1  }
0x4d2: {  	v7 =	vsub.f32 v7, v2  }
0x4d3: {  	v8 =	vor.u32 $0x60A, v0;
	v5 =	vsub.f32 v5, v3;
	v6 =	vmul.f32 v6, v4  }
0x4d4: {  	v7 =	vmul.f32 v7, v4  }
0x4d5: {  	v5 =	vmul.f32 v5, v4;
	[tilespmem:v9+s23+$0x0] =	vst.idx.msk $0xffff, v6  }
0x4d6: {  	[tilespmem:v9+s24+$0x0] =	vst.idx.msk $0xffff, v7  }
0x4d7: {  	[tilespmem:v9+s25+$0x0] =	vst.idx.msk $0xffff, v5  }
0x4d8: {  	v5 =	vld.idx.msk [tilespmem:v8+s18+$0x0], $0xffff;
	_ =	sdelay $0x7  }
0x4d9: {  	v6 =	vld.idx.msk [tilespmem:v5+s2+$0x0], $0xffff  }
0x4da: {  	v7 =	vld.idx.msk [tilespmem:v5+s16+$0x0], $0xffff  }
0x4db: {  	v5 =	vld.idx.msk [tilespmem:v5+s17+$0x0], $0xffff;
	_ =	sdelay $0x2  }
0x4dc: {  	v6 =	vsub.f32 v6, v1  }
0x4dd: {  	v7 =	vsub.f32 v7, v2  }
0x4de: {  	v9 =	vor.u32 $0x60B, v0;
	v5 =	vsub.f32 v5, v3;
	v6 =	vmul.f32 v6, v4  }
0x4df: {  	v7 =	vmul.f32 v7, v4  }
0x4e0: {  	v5 =	vmul.f32 v5, v4;
	[tilespmem:v8+s23+$0x0] =	vst.idx.msk $0xffff, v6  }
0x4e1: {  	[tilespmem:v8+s24+$0x0] =	vst.idx.msk $0xffff, v7  }
0x4e2: {  	[tilespmem:v8+s25+$0x0] =	vst.idx.msk $0xffff, v5  }
0x4e3: {  	v5 =	vld.idx.msk [tilespmem:v9+s18+$0x0], $0xffff;
	_ =	sdelay $0x7  }
0x4e4: {  	v6 =	vld.idx.msk [tilespmem:v5+s2+$0x0], $0xffff  }
0x4e5: {  	v7 =	vld.idx.msk [tilespmem:v5+s16+$0x0], $0xffff  }
0x4e6: {  	v5 =	vld.idx.msk [tilespmem:v5+s17+$0x0], $0xffff;
	_ =	sdelay $0x2  }
0x4e7: {  	v6 =	vsub.f32 v6, v1  }
0x4e8: {  	v7 =	vsub.f32 v7, v2  }
0x4e9: {  	v8 =	vor.u32 $0x60C, v0;
	v5 =	vsub.f32 v5, v3;
	v6 =	vmul.f32 v6, v4  }
0x4ea: {  	v7 =	vmul.f32 v7, v4  }
0x4eb: {  	v5 =	vmul.f32 v5, v4;
	[tilespmem:v9+s23+$0x0] =	vst.idx.msk $0xffff, v6  }
0x4ec: {  	[tilespmem:v9+s24+$0x0] =	vst.idx.msk $0xffff, v7  }
0x4ed: {  	[tilespmem:v9+s25+$0x0] =	vst.idx.msk $0xffff, v5  }
0x4ee: {  	v5 =	vld.idx.msk [tilespmem:v8+s18+$0x0], $0xffff;
	_ =	sdelay $0x7  }
0x4ef: {  	v6 =	vld.idx.msk [tilespmem:v5+s2+$0x0], $0xffff  }
0x4f0: {  	v7 =	vld.idx.msk [tilespmem:v5+s16+$0x0], $0xffff  }
0x4f1: {  	v5 =	vld.idx.msk [tilespmem:v5+s17+$0x0], $0xffff;
	_ =	sdelay $0x2  }
0x4f2: {  	v6 =	vsub.f32 v6, v1  }
0x4f3: {  	v7 =	vsub.f32 v7, v2  }
0x4f4: {  	v9 =	vor.u32 $0x60D, v0;
	v5 =	vsub.f32 v5, v3;
	v6 =	vmul.f32 v6, v4  }
0x4f5: {  	v7 =	vmul.f32 v7, v4  }
0x4f6: {  	v5 =	vmul.f32 v5, v4;
	[tilespmem:v8+s23+$0x0] =	vst.idx.msk $0xffff, v6  }
0x4f7: {  	[tilespmem:v8+s24+$0x0] =	vst.idx.msk $0xffff, v7  }
0x4f8: {  	[tilespmem:v8+s25+$0x0] =	vst.idx.msk $0xffff, v5  }
0x4f9: {  	v5 =	vld.idx.msk [tilespmem:v9+s18+$0x0], $0xffff;
	_ =	sdelay $0x7  }
0x4fa: {  	v6 =	vld.idx.msk [tilespmem:v5+s2+$0x0], $0xffff  }
0x4fb: {  	v7 =	vld.idx.msk [tilespmem:v5+s16+$0x0], $0xffff  }
0x4fc: {  	v5 =	vld.idx.msk [tilespmem:v5+s17+$0x0], $0xffff;
	_ =	sdelay $0x2  }
0x4fd: {  	v6 =	vsub.f32 v6, v1  }
0x4fe: {  	v7 =	vsub.f32 v7, v2  }
0x4ff: {  	v8 =	vor.u32 $0x60E, v0;
	v5 =	vsub.f32 v5, v3;
	v6 =	vmul.f32 v6, v4  }
0x500: {  	v7 =	vmul.f32 v7, v4  }
0x501: {  	v5 =	vmul.f32 v5, v4;
	[tilespmem:v9+s23+$0x0] =	vst.idx.msk $0xffff, v6  }
0x502: {  	[tilespmem:v9+s24+$0x0] =	vst.idx.msk $0xffff, v7  }
0x503: {  	[tilespmem:v9+s25+$0x0] =	vst.idx.msk $0xffff, v5  }
0x504: {  	v5 =	vld.idx.msk [tilespmem:v8+s18+$0x0], $0xffff;
	_ =	sdelay $0x7  }
0x505: {  	v6 =	vld.idx.msk [tilespmem:v5+s2+$0x0], $0xffff  }
0x506: {  	v7 =	vld.idx.msk [tilespmem:v5+s16+$0x0], $0xffff  }
0x507: {  	v5 =	vld.idx.msk [tilespmem:v5+s17+$0x0], $0xffff;
	_ =	sdelay $0x2  }
0x508: {  	v6 =	vsub.f32 v6, v1  }
0x509: {  	v7 =	vsub.f32 v7, v2  }
0x50a: {  	v9 =	vor.u32 $0x60F, v0;
	v5 =	vsub.f32 v5, v3;
	v6 =	vmul.f32 v6, v4  }
0x50b: {  	v7 =	vmul.f32 v7, v4  }
0x50c: {  	v5 =	vmul.f32 v5, v4;
	[tilespmem:v8+s23+$0x0] =	vst.idx.msk $0xffff, v6  }
0x50d: {  	[tilespmem:v8+s24+$0x0] =	vst.idx.msk $0xffff, v7  }
0x50e: {  	[tilespmem:v8+s25+$0x0] =	vst.idx.msk $0xffff, v5  }
0x50f: {  	v5 =	vld.idx.msk [tilespmem:v9+s18+$0x0], $0xffff;
	_ =	sdelay $0x7  }
0x510: {  	v6 =	vld.idx.msk [tilespmem:v5+s2+$0x0], $0xffff  }
0x511: {  	v7 =	vld.idx.msk [tilespmem:v5+s16+$0x0], $0xffff  }
0x512: {  	v5 =	vld.idx.msk [tilespmem:v5+s17+$0x0], $0xffff;
	_ =	sdelay $0x2  }
0x513: {  	v6 =	vsub.f32 v6, v1  }
0x514: {  	v7 =	vsub.f32 v7, v2  }
0x515: {  	v8 =	vor.u32 $0x610, v0;
	v5 =	vsub.f32 v5, v3;
	v6 =	vmul.f32 v6, v4  }
0x516: {  	v7 =	vmul.f32 v7, v4  }
0x517: {  	v5 =	vmul.f32 v5, v4;
	[tilespmem:v9+s23+$0x0] =	vst.idx.msk $0xffff, v6  }
0x518: {  	[tilespmem:v9+s24+$0x0] =	vst.idx.msk $0xffff, v7  }
0x519: {  	[tilespmem:v9+s25+$0x0] =	vst.idx.msk $0xffff, v5  }
0x51a: {  	v5 =	vld.idx.msk [tilespmem:v8+s18+$0x0], $0xffff;
	_ =	sdelay $0x7  }
0x51b: {  	v6 =	vld.idx.msk [tilespmem:v5+s2+$0x0], $0xffff  }
0x51c: {  	v7 =	vld.idx.msk [tilespmem:v5+s16+$0x0], $0xffff  }
0x51d: {  	v5 =	vld.idx.msk [tilespmem:v5+s17+$0x0], $0xffff;
	_ =	sdelay $0x2  }
0x51e: {  	v6 =	vsub.f32 v6, v1  }
0x51f: {  	v7 =	vsub.f32 v7, v2  }
0x520: {  	v9 =	vor.u32 $0x611, v0;
	v5 =	vsub.f32 v5, v3;
	v6 =	vmul.f32 v6, v4  }
0x521: {  	v7 =	vmul.f32 v7, v4  }
0x522: {  	v5 =	vmul.f32 v5, v4;
	[tilespmem:v8+s23+$0x0] =	vst.idx.msk $0xffff, v6  }
0x523: {  	[tilespmem:v8+s24+$0x0] =	vst.idx.msk $0xffff, v7  }
0x524: {  	[tilespmem:v8+s25+$0x0] =	vst.idx.msk $0xffff, v5  }
0x525: {  	v5 =	vld.idx.msk [tilespmem:v9+s18+$0x0], $0xffff;
	_ =	sdelay $0x7  }
0x526: {  	v6 =	vld.idx.msk [tilespmem:v5+s2+$0x0], $0xffff  }
0x527: {  	v7 =	vld.idx.msk [tilespmem:v5+s16+$0x0], $0xffff  }
0x528: {  	v5 =	vld.idx.msk [tilespmem:v5+s17+$0x0], $0xffff;
	_ =	sdelay $0x2  }
0x529: {  	v6 =	vsub.f32 v6, v1  }
0x52a: {  	v7 =	vsub.f32 v7, v2  }
0x52b: {  	v8 =	vor.u32 $0x612, v0;
	v5 =	vsub.f32 v5, v3;
	v6 =	vmul.f32 v6, v4  }
0x52c: {  	v7 =	vmul.f32 v7, v4  }
0x52d: {  	v5 =	vmul.f32 v5, v4;
	[tilespmem:v9+s23+$0x0] =	vst.idx.msk $0xffff, v6  }
0x52e: {  	[tilespmem:v9+s24+$0x0] =	vst.idx.msk $0xffff, v7  }
0x52f: {  	[tilespmem:v9+s25+$0x0] =	vst.idx.msk $0xffff, v5  }
0x530: {  	v5 =	vld.idx.msk [tilespmem:v8+s18+$0x0], $0xffff;
	_ =	sdelay $0x7  }
0x531: {  	v6 =	vld.idx.msk [tilespmem:v5+s2+$0x0], $0xffff  }
0x532: {  	v7 =	vld.idx.msk [tilespmem:v5+s16+$0x0], $0xffff  }
0x533: {  	v5 =	vld.idx.msk [tilespmem:v5+s17+$0x0], $0xffff;
	_ =	sdelay $0x2  }
0x534: {  	v6 =	vsub.f32 v6, v1  }
0x535: {  	v7 =	vsub.f32 v7, v2  }
0x536: {  	v9 =	vor.u32 $0x613, v0;
	v5 =	vsub.f32 v5, v3;
	v6 =	vmul.f32 v6, v4  }
0x537: {  	v7 =	vmul.f32 v7, v4  }
0x538: {  	v5 =	vmul.f32 v5, v4;
	[tilespmem:v8+s23+$0x0] =	vst.idx.msk $0xffff, v6  }
0x539: {  	[tilespmem:v8+s24+$0x0] =	vst.idx.msk $0xffff, v7  }
0x53a: {  	[tilespmem:v8+s25+$0x0] =	vst.idx.msk $0xffff, v5  }
0x53b: {  	v5 =	vld.idx.msk [tilespmem:v9+s18+$0x0], $0xffff;
	_ =	sdelay $0x7  }
0x53c: {  	v6 =	vld.idx.msk [tilespmem:v5+s2+$0x0], $0xffff  }
0x53d: {  	v7 =	vld.idx.msk [tilespmem:v5+s16+$0x0], $0xffff  }
0x53e: {  	v5 =	vld.idx.msk [tilespmem:v5+s17+$0x0], $0xffff;
	_ =	sdelay $0x2  }
0x53f: {  	v6 =	vsub.f32 v6, v1  }
0x540: {  	v7 =	vsub.f32 v7, v2  }
0x541: {  	v8 =	vor.u32 $0x614, v0;
	v5 =	vsub.f32 v5, v3;
	v6 =	vmul.f32 v6, v4  }
0x542: {  	v7 =	vmul.f32 v7, v4  }
0x543: {  	v5 =	vmul.f32 v5, v4;
	[tilespmem:v9+s23+$0x0] =	vst.idx.msk $0xffff, v6  }
0x544: {  	[tilespmem:v9+s24+$0x0] =	vst.idx.msk $0xffff, v7  }
0x545: {  	[tilespmem:v9+s25+$0x0] =	vst.idx.msk $0xffff, v5  }
0x546: {  	v5 =	vld.idx.msk [tilespmem:v8+s18+$0x0], $0xffff;
	_ =	sdelay $0x7  }
0x547: {  	v6 =	vld.idx.msk [tilespmem:v5+s2+$0x0], $0xffff  }
0x548: {  	v7 =	vld.idx.msk [tilespmem:v5+s16+$0x0], $0xffff  }
0x549: {  	v5 =	vld.idx.msk [tilespmem:v5+s17+$0x0], $0xffff;
	_ =	sdelay $0x2  }
0x54a: {  	v6 =	vsub.f32 v6, v1  }
0x54b: {  	v7 =	vsub.f32 v7, v2  }
0x54c: {  	v9 =	vor.u32 $0x615, v0;
	v5 =	vsub.f32 v5, v3;
	v6 =	vmul.f32 v6, v4  }
0x54d: {  	v7 =	vmul.f32 v7, v4  }
0x54e: {  	v5 =	vmul.f32 v5, v4;
	[tilespmem:v8+s23+$0x0] =	vst.idx.msk $0xffff, v6  }
0x54f: {  	[tilespmem:v8+s24+$0x0] =	vst.idx.msk $0xffff, v7  }
0x550: {  	[tilespmem:v8+s25+$0x0] =	vst.idx.msk $0xffff, v5  }
0x551: {  	v5 =	vld.idx.msk [tilespmem:v9+s18+$0x0], $0xffff;
	_ =	sdelay $0x7  }
0x552: {  	v6 =	vld.idx.msk [tilespmem:v5+s2+$0x0], $0xffff  }
0x553: {  	v7 =	vld.idx.msk [tilespmem:v5+s16+$0x0], $0xffff  }
0x554: {  	v5 =	vld.idx.msk [tilespmem:v5+s17+$0x0], $0xffff;
	_ =	sdelay $0x2  }
0x555: {  	v6 =	vsub.f32 v6, v1  }
0x556: {  	v7 =	vsub.f32 v7, v2  }
0x557: {  	v8 =	vor.u32 $0x616, v0;
	v5 =	vsub.f32 v5, v3;
	v6 =	vmul.f32 v6, v4  }
0x558: {  	v7 =	vmul.f32 v7, v4  }
0x559: {  	v5 =	vmul.f32 v5, v4;
	[tilespmem:v9+s23+$0x0] =	vst.idx.msk $0xffff, v6  }
0x55a: {  	[tilespmem:v9+s24+$0x0] =	vst.idx.msk $0xffff, v7  }
0x55b: {  	[tilespmem:v9+s25+$0x0] =	vst.idx.msk $0xffff, v5  }
0x55c: {  	v5 =	vld.idx.msk [tilespmem:v8+s18+$0x0], $0xffff;
	_ =	sdelay $0x7  }
0x55d: {  	v6 =	vld.idx.msk [tilespmem:v5+s2+$0x0], $0xffff  }
0x55e: {  	v7 =	vld.idx.msk [tilespmem:v5+s16+$0x0], $0xffff  }
0x55f: {  	v5 =	vld.idx.msk [tilespmem:v5+s17+$0x0], $0xffff;
	_ =	sdelay $0x2  }
0x560: {  	v6 =	vsub.f32 v6, v1  }
0x561: {  	v7 =	vsub.f32 v7, v2  }
0x562: {  	v9 =	vor.u32 $0x617, v0;
	v5 =	vsub.f32 v5, v3;
	v6 =	vmul.f32 v6, v4  }
0x563: {  	v7 =	vmul.f32 v7, v4  }
0x564: {  	v5 =	vmul.f32 v5, v4;
	[tilespmem:v8+s23+$0x0] =	vst.idx.msk $0xffff, v6  }
0x565: {  	[tilespmem:v8+s24+$0x0] =	vst.idx.msk $0xffff, v7  }
0x566: {  	[tilespmem:v8+s25+$0x0] =	vst.idx.msk $0xffff, v5  }
0x567: {  	v5 =	vld.idx.msk [tilespmem:v9+s18+$0x0], $0xffff;
	_ =	sdelay $0x7  }
0x568: {  	v6 =	vld.idx.msk [tilespmem:v5+s2+$0x0], $0xffff  }
0x569: {  	v7 =	vld.idx.msk [tilespmem:v5+s16+$0x0], $0xffff  }
0x56a: {  	v5 =	vld.idx.msk [tilespmem:v5+s17+$0x0], $0xffff;
	_ =	sdelay $0x2  }
0x56b: {  	v6 =	vsub.f32 v6, v1  }
0x56c: {  	v7 =	vsub.f32 v7, v2  }
0x56d: {  	v8 =	vor.u32 $0x618, v0;
	v5 =	vsub.f32 v5, v3;
	v6 =	vmul.f32 v6, v4  }
0x56e: {  	v7 =	vmul.f32 v7, v4  }
0x56f: {  	v5 =	vmul.f32 v5, v4;
	[tilespmem:v9+s23+$0x0] =	vst.idx.msk $0xffff, v6  }
0x570: {  	[tilespmem:v9+s24+$0x0] =	vst.idx.msk $0xffff, v7  }
0x571: {  	[tilespmem:v9+s25+$0x0] =	vst.idx.msk $0xffff, v5  }
0x572: {  	v5 =	vld.idx.msk [tilespmem:v8+s18+$0x0], $0xffff;
	_ =	sdelay $0x7  }
0x573: {  	v6 =	vld.idx.msk [tilespmem:v5+s2+$0x0], $0xffff  }
0x574: {  	v7 =	vld.idx.msk [tilespmem:v5+s16+$0x0], $0xffff  }
0x575: {  	v5 =	vld.idx.msk [tilespmem:v5+s17+$0x0], $0xffff;
	_ =	sdelay $0x2  }
0x576: {  	v6 =	vsub.f32 v6, v1  }
0x577: {  	v7 =	vsub.f32 v7, v2  }
0x578: {  	v9 =	vor.u32 $0x619, v0;
	v5 =	vsub.f32 v5, v3;
	v6 =	vmul.f32 v6, v4  }
0x579: {  	v7 =	vmul.f32 v7, v4  }
0x57a: {  	v5 =	vmul.f32 v5, v4;
	[tilespmem:v8+s23+$0x0] =	vst.idx.msk $0xffff, v6  }
0x57b: {  	[tilespmem:v8+s24+$0x0] =	vst.idx.msk $0xffff, v7  }
0x57c: {  	[tilespmem:v8+s25+$0x0] =	vst.idx.msk $0xffff, v5  }
0x57d: {  	v5 =	vld.idx.msk [tilespmem:v9+s18+$0x0], $0xffff;
	_ =	sdelay $0x7  }
0x57e: {  	v6 =	vld.idx.msk [tilespmem:v5+s2+$0x0], $0xffff  }
0x57f: {  	v7 =	vld.idx.msk [tilespmem:v5+s16+$0x0], $0xffff  }
0x580: {  	v5 =	vld.idx.msk [tilespmem:v5+s17+$0x0], $0xffff;
	_ =	sdelay $0x2  }
0x581: {  	v6 =	vsub.f32 v6, v1  }
0x582: {  	v7 =	vsub.f32 v7, v2  }
0x583: {  	v8 =	vor.u32 $0x61A, v0;
	v5 =	vsub.f32 v5, v3;
	v6 =	vmul.f32 v6, v4  }
0x584: {  	v7 =	vmul.f32 v7, v4  }
0x585: {  	v5 =	vmul.f32 v5, v4;
	[tilespmem:v9+s23+$0x0] =	vst.idx.msk $0xffff, v6  }
0x586: {  	[tilespmem:v9+s24+$0x0] =	vst.idx.msk $0xffff, v7  }
0x587: {  	[tilespmem:v9+s25+$0x0] =	vst.idx.msk $0xffff, v5  }
0x588: {  	v5 =	vld.idx.msk [tilespmem:v8+s18+$0x0], $0xffff;
	_ =	sdelay $0x7  }
0x589: {  	v6 =	vld.idx.msk [tilespmem:v5+s2+$0x0], $0xffff  }
0x58a: {  	v7 =	vld.idx.msk [tilespmem:v5+s16+$0x0], $0xffff  }
0x58b: {  	v5 =	vld.idx.msk [tilespmem:v5+s17+$0x0], $0xffff;
	_ =	sdelay $0x2  }
0x58c: {  	v6 =	vsub.f32 v6, v1  }
0x58d: {  	v7 =	vsub.f32 v7, v2  }
0x58e: {  	v9 =	vor.u32 $0x61B, v0;
	v5 =	vsub.f32 v5, v3;
	v6 =	vmul.f32 v6, v4  }
0x58f: {  	v7 =	vmul.f32 v7, v4  }
0x590: {  	v5 =	vmul.f32 v5, v4;
	[tilespmem:v8+s23+$0x0] =	vst.idx.msk $0xffff, v6  }
0x591: {  	[tilespmem:v8+s24+$0x0] =	vst.idx.msk $0xffff, v7  }
0x592: {  	[tilespmem:v8+s25+$0x0] =	vst.idx.msk $0xffff, v5  }
0x593: {  	v5 =	vld.idx.msk [tilespmem:v9+s18+$0x0], $0xffff;
	_ =	sdelay $0x7  }
0x594: {  	v6 =	vld.idx.msk [tilespmem:v5+s2+$0x0], $0xffff  }
0x595: {  	v7 =	vld.idx.msk [tilespmem:v5+s16+$0x0], $0xffff  }
0x596: {  	v5 =	vld.idx.msk [tilespmem:v5+s17+$0x0], $0xffff;
	_ =	sdelay $0x2  }
0x597: {  	v6 =	vsub.f32 v6, v1  }
0x598: {  	v7 =	vsub.f32 v7, v2  }
0x599: {  	v8 =	vor.u32 $0x61C, v0;
	v5 =	vsub.f32 v5, v3;
	v6 =	vmul.f32 v6, v4  }
0x59a: {  	v7 =	vmul.f32 v7, v4  }
0x59b: {  	v5 =	vmul.f32 v5, v4;
	[tilespmem:v9+s23+$0x0] =	vst.idx.msk $0xffff, v6  }
0x59c: {  	[tilespmem:v9+s24+$0x0] =	vst.idx.msk $0xffff, v7  }
0x59d: {  	[tilespmem:v9+s25+$0x0] =	vst.idx.msk $0xffff, v5  }
0x59e: {  	v5 =	vld.idx.msk [tilespmem:v8+s18+$0x0], $0xffff;
	_ =	sdelay $0x7  }
0x59f: {  	v6 =	vld.idx.msk [tilespmem:v5+s2+$0x0], $0xffff  }
0x5a0: {  	v7 =	vld.idx.msk [tilespmem:v5+s16+$0x0], $0xffff  }
0x5a1: {  	v5 =	vld.idx.msk [tilespmem:v5+s17+$0x0], $0xffff;
	_ =	sdelay $0x2  }
0x5a2: {  	v6 =	vsub.f32 v6, v1  }
0x5a3: {  	v7 =	vsub.f32 v7, v2  }
0x5a4: {  	v9 =	vor.u32 $0x61D, v0;
	v5 =	vsub.f32 v5, v3;
	v6 =	vmul.f32 v6, v4  }
0x5a5: {  	v7 =	vmul.f32 v7, v4  }
0x5a6: {  	v5 =	vmul.f32 v5, v4;
	[tilespmem:v8+s23+$0x0] =	vst.idx.msk $0xffff, v6  }
0x5a7: {  	[tilespmem:v8+s24+$0x0] =	vst.idx.msk $0xffff, v7  }
0x5a8: {  	[tilespmem:v8+s25+$0x0] =	vst.idx.msk $0xffff, v5  }
0x5a9: {  	v5 =	vld.idx.msk [tilespmem:v9+s18+$0x0], $0xffff;
	_ =	sdelay $0x7  }
0x5aa: {  	v6 =	vld.idx.msk [tilespmem:v5+s2+$0x0], $0xffff  }
0x5ab: {  	v7 =	vld.idx.msk [tilespmem:v5+s16+$0x0], $0xffff  }
0x5ac: {  	v5 =	vld.idx.msk [tilespmem:v5+s17+$0x0], $0xffff;
	_ =	sdelay $0x2  }
0x5ad: {  	v6 =	vsub.f32 v6, v1  }
0x5ae: {  	v7 =	vsub.f32 v7, v2  }
0x5af: {  	v8 =	vor.u32 $0x61E, v0;
	v5 =	vsub.f32 v5, v3;
	v6 =	vmul.f32 v6, v4  }
0x5b0: {  	v7 =	vmul.f32 v7, v4  }
0x5b1: {  	v5 =	vmul.f32 v5, v4;
	[tilespmem:v9+s23+$0x0] =	vst.idx.msk $0xffff, v6  }
0x5b2: {  	[tilespmem:v9+s24+$0x0] =	vst.idx.msk $0xffff, v7  }
0x5b3: {  	[tilespmem:v9+s25+$0x0] =	vst.idx.msk $0xffff, v5  }
0x5b4: {  	v5 =	vld.idx.msk [tilespmem:v8+s18+$0x0], $0xffff;
	_ =	sdelay $0x7  }
0x5b5: {  	v6 =	vld.idx.msk [tilespmem:v5+s2+$0x0], $0xffff  }
0x5b6: {  	v7 =	vld.idx.msk [tilespmem:v5+s16+$0x0], $0xffff  }
0x5b7: {  	v5 =	vld.idx.msk [tilespmem:v5+s17+$0x0], $0xffff;
	_ =	sdelay $0x2  }
0x5b8: {  	v6 =	vsub.f32 v6, v1  }
0x5b9: {  	v7 =	vsub.f32 v7, v2  }
0x5ba: {  	v9 =	vor.u32 $0x61F, v0;
	v5 =	vsub.f32 v5, v3;
	v6 =	vmul.f32 v6, v4  }
0x5bb: {  	v7 =	vmul.f32 v7, v4  }
0x5bc: {  	v5 =	vmul.f32 v5, v4;
	[tilespmem:v8+s23+$0x0] =	vst.idx.msk $0xffff, v6  }
0x5bd: {  	[tilespmem:v8+s24+$0x0] =	vst.idx.msk $0xffff, v7  }
0x5be: {  	[tilespmem:v8+s25+$0x0] =	vst.idx.msk $0xffff, v5  }
0x5bf: {  	v5 =	vld.idx.msk [tilespmem:v9+s18+$0x0], $0xffff;
	_ =	sdelay $0x7  }
0x5c0: {  	v6 =	vld.idx.msk [tilespmem:v5+s2+$0x0], $0xffff  }
0x5c1: {  	v7 =	vld.idx.msk [tilespmem:v5+s16+$0x0], $0xffff  }
0x5c2: {  	v5 =	vld.idx.msk [tilespmem:v5+s17+$0x0], $0xffff;
	_ =	sdelay $0x2  }
0x5c3: {  	v1 =	vsub.f32 v6, v1  }
0x5c4: {  	v2 =	vsub.f32 v7, v2  }
0x5c5: {  	v3 =	vsub.f32 v5, v3;
	v1 =	vmul.f32 v1, v4  }
0x5c6: {  	v2 =	vmul.f32 v2, v4  }
0x5c7: {  	[tilespmem:v9+s23+$0x0] =	vst.idx.msk $0xffff, v1;
	v1 =	vmul.f32 v3, v4  }
0x5c8: {  	[tilespmem:v9+s24+$0x0] =	vst.idx.msk $0xffff, v2  }
0x5c9: {  	[tilespmem:v9+s25+$0x0] =	vst.idx.msk $0xffff, v1  }
0x5ca: {  	[hbm4b:s11+s2] =	stream.linear.scatter [tilespmem:s23], [sflag:$0x1], $0x800, $0x38;
	[tilespmem:$0x8200] =	vst v63  }
0x5cb: {  	_ =	swait.ge [sflag:s15], $0x800  }
0x5cc: {  	[sflag:s15] =	ssyncset.done $0x0  }
0x5cd: {  	[sflag:s15] =	ssyncadd.s32 $0xFFFFF800  }
0x5ce: {  	[hbm4b:s12+s2] =	stream.linear.scatter [tilespmem:s24], [sflag:$0x1], $0x800, $0x38;
	[tilespmem:$0x8200] =	vst v63  }
0x5cf: {  	_ =	swait.ge [sflag:s15], $0x800  }
0x5d0: {  	p0 =	sne.s32 s14, $0x1;
	[sflag:s15] =	ssyncset.done $0x0  }
.Ltmp0:
0x5d1: {  	[sflag:s15] =	ssyncadd.s32 $0xFFFFF800;
	(pc) =	sbr.rel @p0 .LBB2_1-.Ltmp0, $4  }
0x5d2: {  	[hbm4b:s13+s2] =	stream.linear.scatter [tilespmem:s25], [sflag:$0x1], $0x800, $0x38;
	[tilespmem:$0x8200] =	vst v63  }
0x5d3: {  	_ =	swait.ge [sflag:s15], $0x800  }
0x5d4: {  	[sflag:s15] =	ssyncset.done $0x0  }
0x5d5: {  	s14 =	sadd.s32 $0xFFFFFFFF, s14;
	[sflag:s15] =	ssyncadd.s32 $0xFFFFF800  }
0x5d6: {  	_ =	sfence.sel $0x180000  }
0x5d7: {  	[bflag:$0x0] =	sbarrier.arrive $0xFFFF  }
0x5d8: {  	p0 =	sne.s32 s0, $0x0;
	_ =	strace $0x90000047  }
0x5d9: {  	s0 =	sadd.s32 @!p0 $0x100000, s1;
	[bflag:$0x2] =	sbarrier.arrive $0xFFFF  }
0x5da: {  	[sflag:s0] =	ssyncadd.tile.s32 @!p0 $0x1;
	_ =	shalt  }
.Lfunc_end2:
_tile_overlayer_lowered:
.L_overlay_start_2:
0x5db: {  	(tag) =	ssettag $0x2  }
0x5dc: {  	s0 =	rddreg [dreg:$0x0];
	s2 =	stileid.u32  }
0x5dd: {  	s1 =	rddreg [dreg:$0x1];
	p0 =	sne.s32 s2, $0x0  }
0x5de: {  	s3 =	rddreg [dreg:$0x2];
	[bflag:$0x3] =	sbarrier.arrive $0xFFFF;
	s2 =	simm.s32 @!p0 $0x1C01  }
0x5df: {  	[timem:s3], [sflag:s2] =	dma.local @!p0 [hbm:s0], s1  }
0x5e0: {  	s0 =	simm.s32 @!p0 $0x1  }
0x5e1: {  	_ =	swait.ge @!p0 [sflag:s0], s1  }
0x5e2: {  	s1 =	ssub.s32 @!p0 $0x0, s1;
	[sflag:s0] =	ssyncset.done @!p0 $0x0  }
0x5e3: {  	[sflag:s0] =	ssyncadd.s32 @!p0 s1  }
0x5e4: {  	[bflag:$0x3] =	sbarrier.arrive $0xFFFF  }
0x5e5: {  	_ =	shalt  }

</sc_bundles>
